<compile_context>
chip_gen: v7x
topology: tpu7x:2x2x1
jax: 0.10.2.dev20260603
libtpu: 0.0.44.dev20260713+nightly
codegen_flags: <defaults>
</compile_context>

<pallas_src>
import functools

import jax
import jax.numpy as jnp
from jax import lax
from jax.experimental import pallas as pl
from jax.experimental.pallas import tpu as pltpu
from jax.experimental.pallas import tpu_sc as plsc

N = 10000
EMB = 128
IN_DIM = 128
NUM_EDGE_EMB = 4
NUM_GRAPHS = 128
NUM_TASKS = 10

NC, NS = 2, 16
NW = NC * NS
CH = 64
K = 160
NB = 4
CPR = 128 // CH
EPW = CH * K
E_PAD = EPW * NW
AGG_ROWS = 10112
ZR = AGG_ROWS // NS
RR = 640


def _sc_scatter_body(idx_hbm, dst_hbm, zeros_hbm, r_hbm, out_hbm,
                     idx_v, rows_v, dstb, sem_g, sem_s, sem_d, agg_sh):
    c = lax.axis_index("c")
    s = lax.axis_index("s")
    w = c * NS + s

    pltpu.sync_copy(zeros_hbm.at[pl.ds(s * ZR, ZR)], agg_sh.at[pl.ds(s * ZR, ZR)])
    pltpu.sync_copy(idx_hbm.at[w], idx_v)
    plsc.subcore_barrier()

    def fetch(j_row, part, b):
        pltpu.async_copy(
            r_hbm.at[idx_v.at[j_row, pl.ds(part * CH, CH)]], rows_v[b], sem_g[b])

    pltpu.async_copy(dst_hbm.at[w, 0], dstb[0], sem_d[0])
    for b in range(NB - 1):
        fetch(b // CPR, b % CPR, b)

    def cycle(i, parity):
        for b in range(NB):
            pltpu.make_async_copy(r_hbm.at[pl.ds(0, CH)], rows_v[b], sem_g[b]).wait()
            if b == 0:
                pltpu.make_async_copy(dst_hbm.at[0, 0], dstb[parity],
                                      sem_d[parity]).wait()
            pltpu.async_copy(
                rows_v[b],
                agg_sh.at[dstb[parity].at[b // 2, pl.ds((b % 2) * CH, CH)]],
                sem_s[b], add=True)
            bp = (b - 1) % NB
            jn = NB * i + b + (NB - 1)

            @pl.when(jn < K)
            def _():
                @pl.when(jn >= NB)
                def _():
                    pltpu.make_async_copy(r_hbm.at[pl.ds(0, CH)], rows_v[bp],
                                          sem_s[bp]).wait()

                fetch((NB // CPR) * i + (b + NB - 1) // CPR,
                      (b + NB - 1) % CPR, bp)

            if b == 0:
                @pl.when(i + 1 < K // NB)
                def _():
                    pltpu.async_copy(dst_hbm.at[w, i + 1], dstb[1 - parity],
                                     sem_d[1 - parity])

    def body2(t, carry):
        cycle(2 * t, 0)
        cycle(2 * t + 1, 1)
        return carry

    lax.fori_loop(0, K // NB // 2, body2, 0)
    for b in range(NB):
        pltpu.make_async_copy(r_hbm.at[pl.ds(0, CH)], rows_v[b], sem_s[b]).wait()
    plsc.subcore_barrier()

    @pl.when(s < NS - 1)
    def _():
        pltpu.sync_copy(agg_sh.at[pl.ds(s * RR, RR)],
                        out_hbm.at[c, pl.ds(s * RR, RR)])

    @pl.when(s == NS - 1)
    def _():
        pltpu.sync_copy(agg_sh.at[pl.ds((NS - 1) * RR, N - (NS - 1) * RR)],
                        out_hbm.at[c, pl.ds((NS - 1) * RR, N - (NS - 1) * RR)])


@functools.cache
def _get_sc_scatter():
    return pl.kernel(
        _sc_scatter_body,
        out_type=jax.ShapeDtypeStruct((NC, N, EMB), jnp.float32),
        mesh=plsc.VectorSubcoreMesh(core_axis_name="c", subcore_axis_name="s",
                                    num_cores=NC, num_subcores=NS),
        scratch_types=[
            pltpu.VMEM((K // CPR, CPR * CH), jnp.int32),
            [pltpu.VMEM((CH, EMB), jnp.float32) for _ in range(NB)],
            [pltpu.VMEM((2, 2 * CH), jnp.int32) for _ in range(2)],
            [pltpu.SemaphoreType.DMA for _ in range(NB)],
            [pltpu.SemaphoreType.DMA for _ in range(NB)],
            [pltpu.SemaphoreType.DMA for _ in range(2)],
            pltpu.VMEM_SHARED((AGG_ROWS, EMB), jnp.float32),
        ],
    )


B = 1000
G = N // B

_full = lambda shape: pl.BlockSpec(shape, lambda i: (0,) * len(shape))
_rows = pl.BlockSpec((B, EMB), lambda i: (i, 0))


def _embed_body(x_ref, ft_ref, tbl_ref, h_ref, r_ref):
    lanes = lax.broadcasted_iota(jnp.int32, (1, IN_DIM), 1)
    onehot = (x_ref[...] == lanes).astype(jnp.float32)
    h = jnp.dot(onehot, ft_ref[...], preferred_element_type=jnp.float32)
    h_ref[...] = h
    r_ref[...] = jnp.maximum(h[None] + tbl_ref[...][:, None, :], 0.0)


_embed = pl.pallas_call(
    _embed_body,
    grid=(G,),
    in_specs=[pl.BlockSpec((B, 1), lambda i: (i, 0)),
              _full((IN_DIM, EMB)), _full((NUM_EDGE_EMB, EMB))],
    out_specs=(_rows, pl.BlockSpec((NUM_EDGE_EMB, B, EMB), lambda i: (0, i, 0))),
    out_shape=(
        jax.ShapeDtypeStruct((N, EMB), jnp.float32),
        jax.ShapeDtypeStruct((NUM_EDGE_EMB, N, EMB), jnp.float32),
    ),
)


def _bn_from_stats(u, st, gamma, beta):
    mu = st[0:1] * (1.0 / N)
    var = st[1:2] * (1.0 / N) - mu * mu
    return (u - mu) / jnp.sqrt(var + 1e-5) * gamma + beta


_full2 = lambda shape: pl.BlockSpec(shape, lambda p, i: (0,) * len(shape))
_rows_p0 = pl.BlockSpec((B, EMB), lambda p, i: (jnp.where(p == 0, i, 0), 0))
_rows_p2 = pl.BlockSpec((B, EMB), lambda p, i: (jnp.where(p == 2, i, 0), 0))


def _layer_common(p_id, g, h_ref, p_ref, eps_ref, w1_ref, b1_ref, g1_ref,
                  be1_ref, w2_ref, b2_ref, go_ref, bo_ref, u_sc, v_sc, st1,
                  st2):
    @pl.when(p_id == 0)
    def _():
        z = (1.0 + eps_ref[0, 0]) * h_ref[...] + p_ref[0] + p_ref[1]
        u = jnp.dot(z, w1_ref[...], preferred_element_type=jnp.float32) \
            + b1_ref[...]
        u_sc[pl.ds(g * B, B)] = u

        @pl.when(g == 0)
        def _():
            st1[...] = jnp.zeros_like(st1)

        st1[0:1] += jnp.sum(u, axis=0, keepdims=True)
        st1[1:2] += jnp.sum(u * u, axis=0, keepdims=True)

    @pl.when(p_id == 1)
    def _():
        t = jnp.maximum(
            _bn_from_stats(u_sc[pl.ds(g * B, B)], st1[...], g1_ref[...],
                           be1_ref[...]), 0.0)
        v = jnp.dot(t, w2_ref[...], preferred_element_type=jnp.float32) \
            + b2_ref[...]
        v_sc[pl.ds(g * B, B)] = v

        @pl.when(g == 0)
        def _():
            st2[...] = jnp.zeros_like(st2)

        st2[0:1] += jnp.sum(v, axis=0, keepdims=True)
        st2[1:2] += jnp.sum(v * v, axis=0, keepdims=True)


def _layer_body(h_ref, p_ref, eps_ref, w1_ref, b1_ref, g1_ref, be1_ref,
                w2_ref, b2_ref, go_ref, bo_ref, tbl_ref, hn_ref, r_ref,
                u_sc, v_sc, st1, st2):
    p_id, g = pl.program_id(0), pl.program_id(1)
    _layer_common(p_id, g, h_ref, p_ref, eps_ref, w1_ref, b1_ref, g1_ref,
                  be1_ref, w2_ref, b2_ref, go_ref, bo_ref, u_sc, v_sc, st1,
                  st2)

    @pl.when(p_id == 2)
    def _():
        hn = jnp.maximum(
            _bn_from_stats(v_sc[pl.ds(g * B, B)], st2[...], go_ref[...],
                           bo_ref[...]), 0.0)
        hn_ref[...] = hn
        r_ref[...] = jnp.maximum(hn[None] + tbl_ref[...][:, None, :], 0.0)


_layer = pl.pallas_call(
    _layer_body,
    grid=(3, G),
    in_specs=[_rows_p0, pl.BlockSpec((NC, B, EMB),
                                     lambda p, i: (0, jnp.where(p == 0, i, 0), 0)),
              pl.BlockSpec(memory_space=pltpu.SMEM),
              _full2((EMB, EMB)), _full2((1, EMB)), _full2((1, EMB)),
              _full2((1, EMB)), _full2((EMB, EMB)), _full2((1, EMB)),
              _full2((1, EMB)), _full2((1, EMB)), _full2((NUM_EDGE_EMB, EMB))],
    out_specs=(_rows_p2,
               pl.BlockSpec((NUM_EDGE_EMB, B, EMB),
                            lambda p, i: (0, jnp.where(p == 2, i, 0), 0))),
    out_shape=(
        jax.ShapeDtypeStruct((N, EMB), jnp.float32),
        jax.ShapeDtypeStruct((NUM_EDGE_EMB, N, EMB), jnp.float32),
    ),
    scratch_shapes=[pltpu.VMEM((N, EMB), jnp.float32),
                    pltpu.VMEM((N, EMB), jnp.float32),
                    pltpu.VMEM((2, EMB), jnp.float32),
                    pltpu.VMEM((2, EMB), jnp.float32)],
)


def _layerf_body(h_ref, p_ref, eps_ref, w1_ref, b1_ref, g1_ref, be1_ref,
                 w2_ref, b2_ref, go_ref, bo_ref, batch_ref, wf1_ref, bf1_ref,
                 wf2_ref, bf2_ref, out_ref, u_sc, v_sc, st1, st2, pool_sc):
    p_id, g = pl.program_id(0), pl.program_id(1)
    _layer_common(p_id, g, h_ref, p_ref, eps_ref, w1_ref, b1_ref, g1_ref,
                  be1_ref, w2_ref, b2_ref, go_ref, bo_ref, u_sc, v_sc, st1,
                  st2)

    @pl.when(p_id == 2)
    def _():
        hn = jnp.maximum(
            _bn_from_stats(v_sc[pl.ds(g * B, B)], st2[...], go_ref[...],
                           bo_ref[...]), 0.0)
        gl = lax.broadcasted_iota(jnp.int32, (1, NUM_GRAPHS), 1)
        onehot = (batch_ref[...] == gl).astype(jnp.float32)

        @pl.when(g == 0)
        def _():
            pool_sc[...] = jnp.zeros_like(pool_sc)

        pool_sc[...] += lax.dot_general(onehot, hn, (((0,), (0,)), ((), ())),
                                        preferred_element_type=jnp.float32)

        @pl.when(g == G - 1)
        def _():
            t = jnp.maximum(
                jnp.dot(pool_sc[...], wf1_ref[...],
                        preferred_element_type=jnp.float32) + bf1_ref[...],
                0.0)
            out_ref[...] = (jnp.dot(t, wf2_ref[...],
                                    preferred_element_type=jnp.float32)
                            + bf2_ref[...])


_layerf = pl.pallas_call(
    _layerf_body,
    grid=(3, G),
    in_specs=[_rows_p0, pl.BlockSpec((NC, B, EMB),
                                     lambda p, i: (0, jnp.where(p == 0, i, 0), 0)),
              pl.BlockSpec(memory_space=pltpu.SMEM),
              _full2((EMB, EMB)), _full2((1, EMB)), _full2((1, EMB)),
              _full2((1, EMB)), _full2((EMB, EMB)), _full2((1, EMB)),
              _full2((1, EMB)), _full2((1, EMB)),
              pl.BlockSpec((B, 1), lambda p, i: (jnp.where(p == 2, i, 0), 0)),
              _full2((EMB, 2 * EMB)), _full2((1, 2 * EMB)),
              _full2((2 * EMB, NUM_TASKS)), _full2((1, NUM_TASKS))],
    out_specs=_full2((NUM_GRAPHS, NUM_TASKS)),
    out_shape=jax.ShapeDtypeStruct((NUM_GRAPHS, NUM_TASKS), jnp.float32),
    scratch_shapes=[pltpu.VMEM((N, EMB), jnp.float32),
                    pltpu.VMEM((N, EMB), jnp.float32),
                    pltpu.VMEM((2, EMB), jnp.float32),
                    pltpu.VMEM((2, EMB), jnp.float32),
                    pltpu.VMEM((NUM_GRAPHS, EMB), jnp.float32)],
)


def kernel(x, edge_index, edge_attr, batch, feat_table, W1, b1, g1, be1, W2, b2,
           eps, edge_tables, g_out, b_out, Wf1, bf1, Wf2, bf2):
    e = edge_index.shape[1]
    src = edge_index[0].astype(jnp.int32)
    dst = edge_index[1].astype(jnp.int32)
    idx = edge_attr.astype(jnp.int32) * N + src
    pad = jnp.arange(E_PAD - e, dtype=jnp.int32)
    idx_p = jnp.concatenate(
        [idx, pad % (NUM_EDGE_EMB * N)]).reshape(NW, K // CPR, CPR * CH)
    dst_p = jnp.concatenate(
        [dst, N + pad % (AGG_ROWS - N)]).reshape(NW, K // NB, 2, 2 * CH)
    zeros = jnp.zeros((AGG_ROWS, EMB), jnp.float32)
    x2 = x.astype(jnp.int32).reshape(N, 1)
    batch2 = batch.astype(jnp.int32).reshape(N, 1)

    h, r = _embed(x2, feat_table, edge_tables[0])
    for l in range(3):
        parts = _get_sc_scatter()(idx_p, dst_p, zeros,
                                  r.reshape(NUM_EDGE_EMB * N, EMB))
        eps_l = eps[l].reshape(1, 1)
        args = (h, parts, eps_l, W1[l], b1[l].reshape(1, EMB),
                g1[l].reshape(1, EMB), be1[l].reshape(1, EMB), W2[l],
                b2[l].reshape(1, EMB), g_out[l].reshape(1, EMB),
                b_out[l].reshape(1, EMB))
        if l < 2:
            h, r = _layer(*args, edge_tables[l + 1])
        else:
            out = _layerf(*args, batch2, Wf1, bf1.reshape(1, 2 * EMB), Wf2,
                          bf2.reshape(1, NUM_TASKS))
    return out

# --- scband reference (transcript-rebuilt; emitter-appended) ---
"""Pipeline reference for scband-gnnnetwork-76209899700463 (READ-ONLY COPY).

The authoritative reference and input builder live on the scoring server;
editing this copy changes nothing except your own understanding.
"""

import jax, jax.numpy as jnp
import numpy as np

N = 10000
E = 320000
EMB = 128
L = 3
IN_DIM = 128
NUM_EDGE_EMB = 4
NUM_TASKS = 10
NUM_GRAPHS = 128


def setup_inputs(seed: int = 0) -> dict:
    key = jax.random.key(seed)
    ks = jax.random.split(key, 12)
    x = jax.random.randint(ks[0], (N,), 0, IN_DIM)
    edge_index = jax.random.randint(ks[1], (2, E), 0, N)
    edge_attr = jax.random.randint(ks[2], (E,), 0, NUM_EDGE_EMB)
    batch = jnp.sort(jax.random.randint(ks[3], (N,), 0, NUM_GRAPHS))
    feat_table = jax.random.normal(ks[4], (IN_DIM, EMB), dtype=jnp.float32) * 0.02
    W1 = jax.random.normal(ks[5], (L, EMB, EMB), dtype=jnp.float32) * 0.02
    b1 = jnp.zeros((L, EMB), dtype=jnp.float32)
    g1 = jnp.ones((L, EMB), dtype=jnp.float32)
    be1 = jnp.zeros((L, EMB), dtype=jnp.float32)
    W2 = jax.random.normal(ks[6], (L, EMB, EMB), dtype=jnp.float32) * 0.02
    b2 = jnp.zeros((L, EMB), dtype=jnp.float32)
    eps = jnp.zeros((L,), dtype=jnp.float32)
    edge_tables = jax.random.normal(ks[7], (L, NUM_EDGE_EMB, EMB), dtype=jnp.float32) * 0.02
    g_out = jnp.ones((L, EMB), dtype=jnp.float32)
    b_out = jnp.zeros((L, EMB), dtype=jnp.float32)
    Wf1 = jax.random.normal(ks[8], (EMB, 2 * EMB), dtype=jnp.float32) * 0.02
    bf1 = jnp.zeros((2 * EMB,), dtype=jnp.float32)
    Wf2 = jax.random.normal(ks[9], (2 * EMB, NUM_TASKS), dtype=jnp.float32) * 0.02
    bf2 = jnp.zeros((NUM_TASKS,), dtype=jnp.float32)
    return dict(x=x, edge_index=edge_index, edge_attr=edge_attr, batch=batch,
                feat_table=feat_table, W1=W1, b1=b1, g1=g1, be1=be1, W2=W2, b2=b2,
                eps=eps, edge_tables=edge_tables, g_out=g_out, b_out=b_out,
                Wf1=Wf1, bf1=bf1, Wf2=Wf2, bf2=bf2)


def _bn(h, gamma, beta):
    mu = jnp.mean(h, axis=0, keepdims=True)
    var = jnp.var(h, axis=0, keepdims=True)
    return (h - mu) / jnp.sqrt(var + 1e-5) * gamma + beta


def reference(x, edge_index, edge_attr, batch, feat_table, W1, b1, g1, be1, W2, b2,
              eps, edge_tables, g_out, b_out, Wf1, bf1, Wf2, bf2):
    # feature_encoder: embedding lookup on integer node features
    h = jnp.take(feat_table, x, axis=0)
    src = edge_index[0]
    dst = edge_index[1]
    for l in range(L):
        # edge embedding lookup
        e = jnp.take(edge_tables[l], edge_attr, axis=0)
        # GINEConv message: relu(x_j + edge_attr_emb), gathered from src nodes
        msg = jax.nn.relu(jnp.take(h, src, axis=0) + e)
        # scatter-add aggregation at dst nodes
        agg = jnp.zeros_like(h).at[dst].add(msg)
        z = (1.0 + eps[l]) * h + agg
        # GINE mlp: Linear -> BatchNorm (batch stats) -> ReLU -> Linear
        z = z @ W1[l] + b1[l]
        z = _bn(z, g1[l], be1[l])
        z = jax.nn.relu(z)
        z = z @ W2[l] + b2[l]
        # outer BatchNorm + ReLU (no residual: add_residual=False)
        h = jax.nn.relu(_bn(z, g_out[l], b_out[l]))
    # global_add_pool over graphs
    pooled = jax.ops.segment_sum(h, batch, num_segments=NUM_GRAPHS)
    # final MLP head
    out = jax.nn.relu(pooled @ Wf1 + bf1) @ Wf2 + bf2
    return out

if __name__ == "__main__":
    import jax
    _d = setup_inputs()
    print(jax.jit(kernel)(*tuple(_d.values())))

</pallas_src>

<mosaic_0001>
#map = affine_map<(d0, d1) -> (0, 0, 0)>
#map1 = affine_map<(d0, d1) -> (0, 0, 0, 0)>
#map2 = affine_map<(d0, d1) -> (0, 0)>
module attributes {stable_mosaic.version = 14 : i64} {
  func.func @_sc_scatter_body(%arg0: i32, %arg1: i32, %arg2: memref<32x80x128xi32, #tpu.memory_space<hbm>>, %arg3: memref<32x40x2x128xi32, #tpu.memory_space<hbm>>, %arg4: memref<10112x128xf32, #tpu.memory_space<hbm>>, %arg5: memref<40000x128xf32, #tpu.memory_space<hbm>>, %arg6: memref<2x10000x128xf32, #tpu.memory_space<hbm>>, %arg7: memref<80x128xi32, #tpu.memory_space<vmem>>, %arg8: memref<64x128xf32, #tpu.memory_space<vmem>>, %arg9: memref<64x128xf32, #tpu.memory_space<vmem>>, %arg10: memref<64x128xf32, #tpu.memory_space<vmem>>, %arg11: memref<64x128xf32, #tpu.memory_space<vmem>>, %arg12: memref<2x128xi32, #tpu.memory_space<vmem>>, %arg13: memref<2x128xi32, #tpu.memory_space<vmem>>, %arg14: memref<!tpu.dma_semaphore, #tpu.memory_space<semaphore_mem>>, %arg15: memref<!tpu.dma_semaphore, #tpu.memory_space<semaphore_mem>>, %arg16: memref<!tpu.dma_semaphore, #tpu.memory_space<semaphore_mem>>, %arg17: memref<!tpu.dma_semaphore, #tpu.memory_space<semaphore_mem>>, %arg18: memref<!tpu.dma_semaphore, #tpu.memory_space<semaphore_mem>>, %arg19: memref<!tpu.dma_semaphore, #tpu.memory_space<semaphore_mem>>, %arg20: memref<!tpu.dma_semaphore, #tpu.memory_space<semaphore_mem>>, %arg21: memref<!tpu.dma_semaphore, #tpu.memory_space<semaphore_mem>>, %arg22: memref<!tpu.dma_semaphore, #tpu.memory_space<semaphore_mem>>, %arg23: memref<!tpu.dma_semaphore, #tpu.memory_space<semaphore_mem>>, %arg24: memref<10112x128xf32, #tpu.memory_space<vmem_shared>>) attributes {dimension_semantics = [#tpu.dimension_semantics<core_parallel>, #tpu.dimension_semantics<subcore_parallel>], iteration_bounds = array<i64: 2, 16>, scalar_prefetch = 0 : i64, scratch_operands = 18 : i64, tpu.core_type = #tpu.core_type<sc_vector_subcore>, window_params = [{transform_indices = #map}, {transform_indices = #map1}, {transform_indices = #map2}, {transform_indices = #map2}, {transform_indices = #map}]} {
    %mul3A = arith.constant 16 : i32
    %mul3A_0 = arith.muli %arg0, %mul3A : i32
    %add3A = arith.addi %mul3A_0, %arg1 : i32
    %mul3A_1 = arith.constant 632 : i32
    %mul3A_2 = arith.muli %arg1, %mul3A_1 : i32
    %mul3A_3 = arith.constant 632 : i32
    %mul3A_4 = arith.muli %arg1, %mul3A_3 : i32
    "tpu.region"() ({
      %run_scoped3A = tpu.sem_alloc : memref<!tpu.dma_semaphore, #tpu.memory_space<semaphore_mem>>
      %dma_start3A_69 = arith.constant 0 : i32
      %dma_start3A_70 = tpu.memref_slice %arg24[%mul3A_4, %dma_start3A_69] : memref<10112x128xf32, #tpu.memory_space<vmem_shared>> -> memref<632x128xf32, #tpu.memory_space<vmem_shared>>
      %dma_start3A_71 = arith.constant 0 : i32
      %dma_start3A_72 = tpu.memref_slice %arg4[%mul3A_2, %dma_start3A_71] : memref<10112x128xf32, #tpu.memory_space<hbm>> -> memref<632x128xf32, #tpu.memory_space<hbm>>
      tpu.enqueue_dma source(%dma_start3A_72 : memref<632x128xf32, #tpu.memory_space<hbm>>) target(%dma_start3A_70 : memref<632x128xf32, #tpu.memory_space<vmem_shared>>) target_semaphore(%run_scoped3A : memref<!tpu.dma_semaphore, #tpu.memory_space<semaphore_mem>>)
      %dma_wait3A_73 = arith.constant 0 : i32
      %dma_wait3A_74 = tpu.memref_slice %arg24[%mul3A_4, %dma_wait3A_73] : memref<10112x128xf32, #tpu.memory_space<vmem_shared>> -> memref<632x128xf32, #tpu.memory_space<vmem_shared>>
      %dma_wait3A_75 = arith.constant 0 : i32
      %dma_wait3A_76 = tpu.memref_slice %arg4[%mul3A_2, %dma_wait3A_75] : memref<10112x128xf32, #tpu.memory_space<hbm>> -> memref<632x128xf32, #tpu.memory_space<hbm>>
      tpu.wait_dma2 semaphore(%run_scoped3A : memref<!tpu.dma_semaphore, #tpu.memory_space<semaphore_mem>>) src(%dma_wait3A_76 : memref<632x128xf32, #tpu.memory_space<hbm>>) dst(%dma_wait3A_74 : memref<632x128xf32, #tpu.memory_space<vmem_shared>>)
      tpu.yield
    }) : () -> ()
    "tpu.region"() ({
      %run_scoped3A = tpu.sem_alloc : memref<!tpu.dma_semaphore, #tpu.memory_space<semaphore_mem>>
      %dma_start3A_69 = arith.constant 0 : i32
      %dma_start3A_70 = arith.constant 0 : i32
      %dma_start3A_71 = tpu.memref_slice %arg2[%add3A, %dma_start3A_69, %dma_start3A_70] : memref<32x80x128xi32, #tpu.memory_space<hbm>> -> memref<1x80x128xi32, #tpu.memory_space<hbm>>
      %dma_start3A_72 = tpu.memref_squeeze %dma_start3A_71 : memref<1x80x128xi32, #tpu.memory_space<hbm>> -> memref<80x128xi32, #tpu.memory_space<hbm>>
      %dma_start3A_73 = arith.constant 0 : i32
      %dma_start3A_74 = arith.constant 0 : i32
      %dma_start3A_75 = tpu.memref_slice %arg2[%add3A, %dma_start3A_73, %dma_start3A_74] : memref<32x80x128xi32, #tpu.memory_space<hbm>> -> memref<1x80x128xi32, #tpu.memory_space<hbm>>
      %dma_start3A_76 = tpu.memref_squeeze %dma_start3A_75 : memref<1x80x128xi32, #tpu.memory_space<hbm>> -> memref<80x128xi32, #tpu.memory_space<hbm>>
      tpu.enqueue_dma source(%dma_start3A_76 : memref<80x128xi32, #tpu.memory_space<hbm>>) target(%arg7 : memref<80x128xi32, #tpu.memory_space<vmem>>) target_semaphore(%run_scoped3A : memref<!tpu.dma_semaphore, #tpu.memory_space<semaphore_mem>>)
      %dma_wait3A_77 = arith.constant 0 : i32
      %dma_wait3A_78 = arith.constant 0 : i32
      %dma_wait3A_79 = tpu.memref_slice %arg2[%add3A, %dma_wait3A_77, %dma_wait3A_78] : memref<32x80x128xi32, #tpu.memory_space<hbm>> -> memref<1x80x128xi32, #tpu.memory_space<hbm>>
      %dma_wait3A_80 = tpu.memref_squeeze %dma_wait3A_79 : memref<1x80x128xi32, #tpu.memory_space<hbm>> -> memref<80x128xi32, #tpu.memory_space<hbm>>
      %dma_wait3A_81 = arith.constant 0 : i32
      %dma_wait3A_82 = arith.constant 0 : i32
      %dma_wait3A_83 = tpu.memref_slice %arg2[%add3A, %dma_wait3A_81, %dma_wait3A_82] : memref<32x80x128xi32, #tpu.memory_space<hbm>> -> memref<1x80x128xi32, #tpu.memory_space<hbm>>
      %dma_wait3A_84 = tpu.memref_squeeze %dma_wait3A_83 : memref<1x80x128xi32, #tpu.memory_space<hbm>> -> memref<80x128xi32, #tpu.memory_space<hbm>>
      tpu.wait_dma2 semaphore(%run_scoped3A : memref<!tpu.dma_semaphore, #tpu.memory_space<semaphore_mem>>) src(%dma_wait3A_84 : memref<80x128xi32, #tpu.memory_space<hbm>>) dst(%arg7 : memref<80x128xi32, #tpu.memory_space<vmem>>)
      tpu.yield
    }) : () -> ()
    %barrier3A = arith.constant 0 : index
    tpu.barrier barrier_id(%barrier3A)
    %dma_start3A = arith.constant 0 : i32
    %dma_start3A_5 = arith.constant 0 : i32
    %dma_start3A_6 = arith.constant 0 : i32
    %dma_start3A_7 = tpu.memref_slice %arg3[%add3A, %dma_start3A, %dma_start3A_5, %dma_start3A_6] : memref<32x40x2x128xi32, #tpu.memory_space<hbm>> -> memref<1x1x2x128xi32, #tpu.memory_space<hbm>>
    %dma_start3A_8 = tpu.memref_squeeze %dma_start3A_7 : memref<1x1x2x128xi32, #tpu.memory_space<hbm>> -> memref<2x128xi32, #tpu.memory_space<hbm>>
    %dma_start3A_9 = arith.constant 0 : i32
    %dma_start3A_10 = arith.constant 0 : i32
    %dma_start3A_11 = tpu.memref_slice %arg3[%add3A, %dma_start3A, %dma_start3A_9, %dma_start3A_10] : memref<32x40x2x128xi32, #tpu.memory_space<hbm>> -> memref<1x1x2x128xi32, #tpu.memory_space<hbm>>
    %dma_start3A_12 = tpu.memref_squeeze %dma_start3A_11 : memref<1x1x2x128xi32, #tpu.memory_space<hbm>> -> memref<2x128xi32, #tpu.memory_space<hbm>>
    tpu.enqueue_dma source(%dma_start3A_12 : memref<2x128xi32, #tpu.memory_space<hbm>>) target(%arg12 : memref<2x128xi32, #tpu.memory_space<vmem>>) target_semaphore(%arg22 : memref<!tpu.dma_semaphore, #tpu.memory_space<semaphore_mem>>)
    %dma_start3A_13 = arith.constant 0 : i32
    %dma_start3A_14 = arith.constant 0 : i32
    %dma_start3A_15 = tpu.memref_slice %arg7[%dma_start3A_13, %dma_start3A_14] : memref<80x128xi32, #tpu.memory_space<vmem>> -> memref<1x64xi32, #tpu.memory_space<vmem>>
    %dma_start3A_16 = tpu.memref_squeeze %dma_start3A_15 : memref<1x64xi32, #tpu.memory_space<vmem>> -> memref<64xi32, #tpu.memory_space<vmem>>
    %dma_start3A_17 = arith.constant 0 : i32
    %dma_start3A_18 = arith.constant 0 : i32
    %dma_start3A_19 = tpu.memref_slice %arg5[%dma_start3A_17, %dma_start3A_18] : memref<40000x128xf32, #tpu.memory_space<hbm>> -> memref<40000x128xf32, #tpu.memory_space<hbm>>
    tpu.enqueue_indirect_dma source(%dma_start3A_19 : memref<40000x128xf32, #tpu.memory_space<hbm>>) target(%arg8 : memref<64x128xf32, #tpu.memory_space<vmem>>) offsets(%dma_start3A_16 : memref<64xi32, #tpu.memory_space<vmem>>) semaphore(%arg14 : memref<!tpu.dma_semaphore, #tpu.memory_space<semaphore_mem>>)
    %dma_start3A_20 = arith.constant 0 : i32
    %dma_start3A_21 = arith.constant 64 : i32
    %dma_start3A_22 = tpu.memref_slice %arg7[%dma_start3A_20, %dma_start3A_21] : memref<80x128xi32, #tpu.memory_space<vmem>> -> memref<1x64xi32, #tpu.memory_space<vmem>>
    %dma_start3A_23 = tpu.memref_squeeze %dma_start3A_22 : memref<1x64xi32, #tpu.memory_space<vmem>> -> memref<64xi32, #tpu.memory_space<vmem>>
    %dma_start3A_24 = arith.constant 0 : i32
    %dma_start3A_25 = arith.constant 0 : i32
    %dma_start3A_26 = tpu.memref_slice %arg5[%dma_start3A_24, %dma_start3A_25] : memref<40000x128xf32, #tpu.memory_space<hbm>> -> memref<40000x128xf32, #tpu.memory_space<hbm>>
    tpu.enqueue_indirect_dma source(%dma_start3A_26 : memref<40000x128xf32, #tpu.memory_space<hbm>>) target(%arg9 : memref<64x128xf32, #tpu.memory_space<vmem>>) offsets(%dma_start3A_23 : memref<64xi32, #tpu.memory_space<vmem>>) semaphore(%arg15 : memref<!tpu.dma_semaphore, #tpu.memory_space<semaphore_mem>>)
    %dma_start3A_27 = arith.constant 1 : i32
    %dma_start3A_28 = arith.constant 0 : i32
    %dma_start3A_29 = tpu.memref_slice %arg7[%dma_start3A_27, %dma_start3A_28] : memref<80x128xi32, #tpu.memory_space<vmem>> -> memref<1x64xi32, #tpu.memory_space<vmem>>
    %dma_start3A_30 = tpu.memref_squeeze %dma_start3A_29 : memref<1x64xi32, #tpu.memory_space<vmem>> -> memref<64xi32, #tpu.memory_space<vmem>>
    %dma_start3A_31 = arith.constant 0 : i32
    %dma_start3A_32 = arith.constant 0 : i32
    %dma_start3A_33 = tpu.memref_slice %arg5[%dma_start3A_31, %dma_start3A_32] : memref<40000x128xf32, #tpu.memory_space<hbm>> -> memref<40000x128xf32, #tpu.memory_space<hbm>>
    tpu.enqueue_indirect_dma source(%dma_start3A_33 : memref<40000x128xf32, #tpu.memory_space<hbm>>) target(%arg10 : memref<64x128xf32, #tpu.memory_space<vmem>>) offsets(%dma_start3A_30 : memref<64xi32, #tpu.memory_space<vmem>>) semaphore(%arg16 : memref<!tpu.dma_semaphore, #tpu.memory_space<semaphore_mem>>)
    %scan3A = arith.constant 0 : i32
    %scan3A_34 = arith.constant 0 : i32
    %scan3A_35 = arith.constant 20 : i32
    %scan3A_36 = arith.addi %scan3A_34, %scan3A_35 : i32
    %scan3A_37 = arith.constant 1 : i32
    scf.for %scan3A_69 = %scan3A_34 to %scan3A_36 step %scan3A_37  : i32 {
      %mul3A_70 = arith.constant 2 : i32
      %mul3A_71 = arith.muli %mul3A_70, %scan3A_69 : i32
      %dma_wait3A_72 = arith.constant 0 : i32
      %dma_wait3A_73 = arith.constant 0 : i32
      %dma_wait3A_74 = tpu.memref_slice %arg5[%dma_wait3A_72, %dma_wait3A_73] : memref<40000x128xf32, #tpu.memory_space<hbm>> -> memref<64x128xf32, #tpu.memory_space<hbm>>
      %dma_wait3A_75 = arith.constant 0 : i32
      %dma_wait3A_76 = arith.constant 0 : i32
      %dma_wait3A_77 = tpu.memref_slice %arg5[%dma_wait3A_75, %dma_wait3A_76] : memref<40000x128xf32, #tpu.memory_space<hbm>> -> memref<64x128xf32, #tpu.memory_space<hbm>>
      tpu.wait_dma2 semaphore(%arg14 : memref<!tpu.dma_semaphore, #tpu.memory_space<semaphore_mem>>) src(%dma_wait3A_77 : memref<64x128xf32, #tpu.memory_space<hbm>>) dst(%arg8 : memref<64x128xf32, #tpu.memory_space<vmem>>)
      %dma_wait3A_78 = arith.constant 0 : i32
      %dma_wait3A_79 = arith.constant 0 : i32
      %dma_wait3A_80 = arith.constant 0 : i32
      %dma_wait3A_81 = arith.constant 0 : i32
      %dma_wait3A_82 = tpu.memref_slice %arg3[%dma_wait3A_78, %dma_wait3A_79, %dma_wait3A_80, %dma_wait3A_81] : memref<32x40x2x128xi32, #tpu.memory_space<hbm>> -> memref<1x1x2x128xi32, #tpu.memory_space<hbm>>
      %dma_wait3A_83 = tpu.memref_squeeze %dma_wait3A_82 : memref<1x1x2x128xi32, #tpu.memory_space<hbm>> -> memref<2x128xi32, #tpu.memory_space<hbm>>
      %dma_wait3A_84 = arith.constant 0 : i32
      %dma_wait3A_85 = arith.constant 0 : i32
      %dma_wait3A_86 = tpu.memref_slice %arg3[%dma_wait3A_78, %dma_wait3A_79, %dma_wait3A_84, %dma_wait3A_85] : memref<32x40x2x128xi32, #tpu.memory_space<hbm>> -> memref<1x1x2x128xi32, #tpu.memory_space<hbm>>
      %dma_wait3A_87 = tpu.memref_squeeze %dma_wait3A_86 : memref<1x1x2x128xi32, #tpu.memory_space<hbm>> -> memref<2x128xi32, #tpu.memory_space<hbm>>
      tpu.wait_dma2 semaphore(%arg22 : memref<!tpu.dma_semaphore, #tpu.memory_space<semaphore_mem>>) src(%dma_wait3A_87 : memref<2x128xi32, #tpu.memory_space<hbm>>) dst(%arg12 : memref<2x128xi32, #tpu.memory_space<vmem>>)
      %dma_start3A_88 = arith.constant 0 : i32
      %dma_start3A_89 = arith.constant 0 : i32
      %dma_start3A_90 = tpu.memref_slice %arg12[%dma_start3A_88, %dma_start3A_89] : memref<2x128xi32, #tpu.memory_space<vmem>> -> memref<1x64xi32, #tpu.memory_space<vmem>>
      %dma_start3A_91 = tpu.memref_squeeze %dma_start3A_90 : memref<1x64xi32, #tpu.memory_space<vmem>> -> memref<64xi32, #tpu.memory_space<vmem>>
      %dma_start3A_92 = arith.constant 0 : i32
      %dma_start3A_93 = arith.constant 0 : i32
      %dma_start3A_94 = tpu.memref_slice %arg24[%dma_start3A_92, %dma_start3A_93] : memref<10112x128xf32, #tpu.memory_space<vmem_shared>> -> memref<10112x128xf32, #tpu.memory_space<vmem_shared>>
      tpu.enqueue_indirect_dma source(%arg8 : memref<64x128xf32, #tpu.memory_space<vmem>>) target(%dma_start3A_94 : memref<10112x128xf32, #tpu.memory_space<vmem_shared>>) offsets(%dma_start3A_91 : memref<64xi32, #tpu.memory_space<vmem>>) semaphore(%arg18 : memref<!tpu.dma_semaphore, #tpu.memory_space<semaphore_mem>>) {add = true}
      %mul3A_95 = arith.constant 4 : i32
      %mul3A_96 = arith.muli %mul3A_95, %mul3A_71 : i32
      %add3A_97 = arith.constant 0 : i32
      %add3A_98 = arith.addi %mul3A_96, %add3A_97 : i32
      %add3A_99 = arith.constant 3 : i32
      %add3A_100 = arith.addi %add3A_98, %add3A_99 : i32
      %lt3A_101 = arith.constant 160 : i32
      %lt3A_102 = arith.cmpi slt, %add3A_100, %lt3A_101 : i32
      %convert_element_type3A_103 = arith.extui %lt3A_102 : i1 to i32
      %cond3A_104 = arith.constant 0 : i32
      %cond3A_105 = arith.cmpi ne, %convert_element_type3A_103, %cond3A_104 : i32
      scf.if %cond3A_105 {
        %ge3A = arith.constant 4 : i32
        %ge3A_302 = arith.cmpi sge, %add3A_100, %ge3A : i32
        %convert_element_type3A_303 = arith.extui %ge3A_302 : i1 to i32
        %cond3A_304 = arith.constant 0 : i32
        %cond3A_305 = arith.cmpi ne, %convert_element_type3A_303, %cond3A_304 : i32
        scf.if %cond3A_305 {
          %dma_wait3A_316 = arith.constant 0 : i32
          %dma_wait3A_317 = arith.constant 0 : i32
          %dma_wait3A_318 = tpu.memref_slice %arg5[%dma_wait3A_316, %dma_wait3A_317] : memref<40000x128xf32, #tpu.memory_space<hbm>> -> memref<64x128xf32, #tpu.memory_space<hbm>>
          %dma_wait3A_319 = arith.constant 0 : i32
          %dma_wait3A_320 = arith.constant 0 : i32
          %dma_wait3A_321 = tpu.memref_slice %arg5[%dma_wait3A_319, %dma_wait3A_320] : memref<40000x128xf32, #tpu.memory_space<hbm>> -> memref<64x128xf32, #tpu.memory_space<hbm>>
          tpu.wait_dma2 semaphore(%arg21 : memref<!tpu.dma_semaphore, #tpu.memory_space<semaphore_mem>>) src(%dma_wait3A_321 : memref<64x128xf32, #tpu.memory_space<hbm>>) dst(%arg11 : memref<64x128xf32, #tpu.memory_space<vmem>>)
        } else {
        }
        %mul3A_306 = arith.constant 2 : i32
        %mul3A_307 = arith.muli %mul3A_306, %mul3A_71 : i32
        %add3A_308 = arith.constant 1 : i32
        %add3A_309 = arith.addi %mul3A_307, %add3A_308 : i32
        %dma_start3A_310 = arith.constant 64 : i32
        %dma_start3A_311 = tpu.memref_slice %arg7[%add3A_309, %dma_start3A_310] : memref<80x128xi32, #tpu.memory_space<vmem>> -> memref<1x64xi32, #tpu.memory_space<vmem>>
        %dma_start3A_312 = tpu.memref_squeeze %dma_start3A_311 : memref<1x64xi32, #tpu.memory_space<vmem>> -> memref<64xi32, #tpu.memory_space<vmem>>
        %dma_start3A_313 = arith.constant 0 : i32
        %dma_start3A_314 = arith.constant 0 : i32
        %dma_start3A_315 = tpu.memref_slice %arg5[%dma_start3A_313, %dma_start3A_314] : memref<40000x128xf32, #tpu.memory_space<hbm>> -> memref<40000x128xf32, #tpu.memory_space<hbm>>
        tpu.enqueue_indirect_dma source(%dma_start3A_315 : memref<40000x128xf32, #tpu.memory_space<hbm>>) target(%arg11 : memref<64x128xf32, #tpu.memory_space<vmem>>) offsets(%dma_start3A_312 : memref<64xi32, #tpu.memory_space<vmem>>) semaphore(%arg17 : memref<!tpu.dma_semaphore, #tpu.memory_space<semaphore_mem>>)
      } else {
      }
      %add3A_106 = arith.constant 1 : i32
      %add3A_107 = arith.addi %mul3A_71, %add3A_106 : i32
      %lt3A_108 = arith.constant 40 : i32
      %lt3A_109 = arith.cmpi slt, %add3A_107, %lt3A_108 : i32
      %convert_element_type3A_110 = arith.extui %lt3A_109 : i1 to i32
      %cond3A_111 = arith.constant 0 : i32
      %cond3A_112 = arith.cmpi ne, %convert_element_type3A_110, %cond3A_111 : i32
      scf.if %cond3A_112 {
        %add3A_302 = arith.constant 1 : i32
        %add3A_303 = arith.addi %mul3A_71, %add3A_302 : i32
        %dma_start3A_304 = arith.constant 0 : i32
        %dma_start3A_305 = arith.constant 0 : i32
        %dma_start3A_306 = tpu.memref_slice %arg3[%add3A, %add3A_303, %dma_start3A_304, %dma_start3A_305] : memref<32x40x2x128xi32, #tpu.memory_space<hbm>> -> memref<1x1x2x128xi32, #tpu.memory_space<hbm>>
        %dma_start3A_307 = tpu.memref_squeeze %dma_start3A_306 : memref<1x1x2x128xi32, #tpu.memory_space<hbm>> -> memref<2x128xi32, #tpu.memory_space<hbm>>
        %dma_start3A_308 = arith.constant 0 : i32
        %dma_start3A_309 = arith.constant 0 : i32
        %dma_start3A_310 = tpu.memref_slice %arg3[%add3A, %add3A_303, %dma_start3A_308, %dma_start3A_309] : memref<32x40x2x128xi32, #tpu.memory_space<hbm>> -> memref<1x1x2x128xi32, #tpu.memory_space<hbm>>
        %dma_start3A_311 = tpu.memref_squeeze %dma_start3A_310 : memref<1x1x2x128xi32, #tpu.memory_space<hbm>> -> memref<2x128xi32, #tpu.memory_space<hbm>>
        tpu.enqueue_dma source(%dma_start3A_311 : memref<2x128xi32, #tpu.memory_space<hbm>>) target(%arg13 : memref<2x128xi32, #tpu.memory_space<vmem>>) target_semaphore(%arg23 : memref<!tpu.dma_semaphore, #tpu.memory_space<semaphore_mem>>)
      } else {
      }
      %dma_wait3A_113 = arith.constant 0 : i32
      %dma_wait3A_114 = arith.constant 0 : i32
      %dma_wait3A_115 = tpu.memref_slice %arg5[%dma_wait3A_113, %dma_wait3A_114] : memref<40000x128xf32, #tpu.memory_space<hbm>> -> memref<64x128xf32, #tpu.memory_space<hbm>>
      %dma_wait3A_116 = arith.constant 0 : i32
      %dma_wait3A_117 = arith.constant 0 : i32
      %dma_wait3A_118 = tpu.memref_slice %arg5[%dma_wait3A_116, %dma_wait3A_117] : memref<40000x128xf32, #tpu.memory_space<hbm>> -> memref<64x128xf32, #tpu.memory_space<hbm>>
      tpu.wait_dma2 semaphore(%arg15 : memref<!tpu.dma_semaphore, #tpu.memory_space<semaphore_mem>>) src(%dma_wait3A_118 : memref<64x128xf32, #tpu.memory_space<hbm>>) dst(%arg9 : memref<64x128xf32, #tpu.memory_space<vmem>>)
      %dma_start3A_119 = arith.constant 0 : i32
      %dma_start3A_120 = arith.constant 64 : i32
      %dma_start3A_121 = tpu.memref_slice %arg12[%dma_start3A_119, %dma_start3A_120] : memref<2x128xi32, #tpu.memory_space<vmem>> -> memref<1x64xi32, #tpu.memory_space<vmem>>
      %dma_start3A_122 = tpu.memref_squeeze %dma_start3A_121 : memref<1x64xi32, #tpu.memory_space<vmem>> -> memref<64xi32, #tpu.memory_space<vmem>>
      %dma_start3A_123 = arith.constant 0 : i32
      %dma_start3A_124 = arith.constant 0 : i32
      %dma_start3A_125 = tpu.memref_slice %arg24[%dma_start3A_123, %dma_start3A_124] : memref<10112x128xf32, #tpu.memory_space<vmem_shared>> -> memref<10112x128xf32, #tpu.memory_space<vmem_shared>>
      tpu.enqueue_indirect_dma source(%arg9 : memref<64x128xf32, #tpu.memory_space<vmem>>) target(%dma_start3A_125 : memref<10112x128xf32, #tpu.memory_space<vmem_shared>>) offsets(%dma_start3A_122 : memref<64xi32, #tpu.memory_space<vmem>>) semaphore(%arg19 : memref<!tpu.dma_semaphore, #tpu.memory_space<semaphore_mem>>) {add = true}
      %mul3A_126 = arith.constant 4 : i32
      %mul3A_127 = arith.muli %mul3A_126, %mul3A_71 : i32
      %add3A_128 = arith.constant 1 : i32
      %add3A_129 = arith.addi %mul3A_127, %add3A_128 : i32
      %add3A_130 = arith.constant 3 : i32
      %add3A_131 = arith.addi %add3A_129, %add3A_130 : i32
      %lt3A_132 = arith.constant 160 : i32
      %lt3A_133 = arith.cmpi slt, %add3A_131, %lt3A_132 : i32
      %convert_element_type3A_134 = arith.extui %lt3A_133 : i1 to i32
      %cond3A_135 = arith.constant 0 : i32
      %cond3A_136 = arith.cmpi ne, %convert_element_type3A_134, %cond3A_135 : i32
      scf.if %cond3A_136 {
        %ge3A = arith.constant 4 : i32
        %ge3A_302 = arith.cmpi sge, %add3A_131, %ge3A : i32
        %convert_element_type3A_303 = arith.extui %ge3A_302 : i1 to i32
        %cond3A_304 = arith.constant 0 : i32
        %cond3A_305 = arith.cmpi ne, %convert_element_type3A_303, %cond3A_304 : i32
        scf.if %cond3A_305 {
          %dma_wait3A_316 = arith.constant 0 : i32
          %dma_wait3A_317 = arith.constant 0 : i32
          %dma_wait3A_318 = tpu.memref_slice %arg5[%dma_wait3A_316, %dma_wait3A_317] : memref<40000x128xf32, #tpu.memory_space<hbm>> -> memref<64x128xf32, #tpu.memory_space<hbm>>
          %dma_wait3A_319 = arith.constant 0 : i32
          %dma_wait3A_320 = arith.constant 0 : i32
          %dma_wait3A_321 = tpu.memref_slice %arg5[%dma_wait3A_319, %dma_wait3A_320] : memref<40000x128xf32, #tpu.memory_space<hbm>> -> memref<64x128xf32, #tpu.memory_space<hbm>>
          tpu.wait_dma2 semaphore(%arg18 : memref<!tpu.dma_semaphore, #tpu.memory_space<semaphore_mem>>) src(%dma_wait3A_321 : memref<64x128xf32, #tpu.memory_space<hbm>>) dst(%arg8 : memref<64x128xf32, #tpu.memory_space<vmem>>)
        } else {
        }
        %mul3A_306 = arith.constant 2 : i32
        %mul3A_307 = arith.muli %mul3A_306, %mul3A_71 : i32
        %add3A_308 = arith.constant 2 : i32
        %add3A_309 = arith.addi %mul3A_307, %add3A_308 : i32
        %dma_start3A_310 = arith.constant 0 : i32
        %dma_start3A_311 = tpu.memref_slice %arg7[%add3A_309, %dma_start3A_310] : memref<80x128xi32, #tpu.memory_space<vmem>> -> memref<1x64xi32, #tpu.memory_space<vmem>>
        %dma_start3A_312 = tpu.memref_squeeze %dma_start3A_311 : memref<1x64xi32, #tpu.memory_space<vmem>> -> memref<64xi32, #tpu.memory_space<vmem>>
        %dma_start3A_313 = arith.constant 0 : i32
        %dma_start3A_314 = arith.constant 0 : i32
        %dma_start3A_315 = tpu.memref_slice %arg5[%dma_start3A_313, %dma_start3A_314] : memref<40000x128xf32, #tpu.memory_space<hbm>> -> memref<40000x128xf32, #tpu.memory_space<hbm>>
        tpu.enqueue_indirect_dma source(%dma_start3A_315 : memref<40000x128xf32, #tpu.memory_space<hbm>>) target(%arg8 : memref<64x128xf32, #tpu.memory_space<vmem>>) offsets(%dma_start3A_312 : memref<64xi32, #tpu.memory_space<vmem>>) semaphore(%arg14 : memref<!tpu.dma_semaphore, #tpu.memory_space<semaphore_mem>>)
      } else {
      }
      %dma_wait3A_137 = arith.constant 0 : i32
      %dma_wait3A_138 = arith.constant 0 : i32
      %dma_wait3A_139 = tpu.memref_slice %arg5[%dma_wait3A_137, %dma_wait3A_138] : memref<40000x128xf32, #tpu.memory_space<hbm>> -> memref<64x128xf32, #tpu.memory_space<hbm>>
      %dma_wait3A_140 = arith.constant 0 : i32
      %dma_wait3A_141 = arith.constant 0 : i32
      %dma_wait3A_142 = tpu.memref_slice %arg5[%dma_wait3A_140, %dma_wait3A_141] : memref<40000x128xf32, #tpu.memory_space<hbm>> -> memref<64x128xf32, #tpu.memory_space<hbm>>
      tpu.wait_dma2 semaphore(%arg16 : memref<!tpu.dma_semaphore, #tpu.memory_space<semaphore_mem>>) src(%dma_wait3A_142 : memref<64x128xf32, #tpu.memory_space<hbm>>) dst(%arg10 : memref<64x128xf32, #tpu.memory_space<vmem>>)
      %dma_start3A_143 = arith.constant 1 : i32
      %dma_start3A_144 = arith.constant 0 : i32
      %dma_start3A_145 = tpu.memref_slice %arg12[%dma_start3A_143, %dma_start3A_144] : memref<2x128xi32, #tpu.memory_space<vmem>> -> memref<1x64xi32, #tpu.memory_space<vmem>>
      %dma_start3A_146 = tpu.memref_squeeze %dma_start3A_145 : memref<1x64xi32, #tpu.memory_space<vmem>> -> memref<64xi32, #tpu.memory_space<vmem>>
      %dma_start3A_147 = arith.constant 0 : i32
      %dma_start3A_148 = arith.constant 0 : i32
      %dma_start3A_149 = tpu.memref_slice %arg24[%dma_start3A_147, %dma_start3A_148] : memref<10112x128xf32, #tpu.memory_space<vmem_shared>> -> memref<10112x128xf32, #tpu.memory_space<vmem_shared>>
      tpu.enqueue_indirect_dma source(%arg10 : memref<64x128xf32, #tpu.memory_space<vmem>>) target(%dma_start3A_149 : memref<10112x128xf32, #tpu.memory_space<vmem_shared>>) offsets(%dma_start3A_146 : memref<64xi32, #tpu.memory_space<vmem>>) semaphore(%arg20 : memref<!tpu.dma_semaphore, #tpu.memory_space<semaphore_mem>>) {add = true}
      %mul3A_150 = arith.constant 4 : i32
      %mul3A_151 = arith.muli %mul3A_150, %mul3A_71 : i32
      %add3A_152 = arith.constant 2 : i32
      %add3A_153 = arith.addi %mul3A_151, %add3A_152 : i32
      %add3A_154 = arith.constant 3 : i32
      %add3A_155 = arith.addi %add3A_153, %add3A_154 : i32
      %lt3A_156 = arith.constant 160 : i32
      %lt3A_157 = arith.cmpi slt, %add3A_155, %lt3A_156 : i32
      %convert_element_type3A_158 = arith.extui %lt3A_157 : i1 to i32
      %cond3A_159 = arith.constant 0 : i32
      %cond3A_160 = arith.cmpi ne, %convert_element_type3A_158, %cond3A_159 : i32
      scf.if %cond3A_160 {
        %ge3A = arith.constant 4 : i32
        %ge3A_302 = arith.cmpi sge, %add3A_155, %ge3A : i32
        %convert_element_type3A_303 = arith.extui %ge3A_302 : i1 to i32
        %cond3A_304 = arith.constant 0 : i32
        %cond3A_305 = arith.cmpi ne, %convert_element_type3A_303, %cond3A_304 : i32
        scf.if %cond3A_305 {
          %dma_wait3A_316 = arith.constant 0 : i32
          %dma_wait3A_317 = arith.constant 0 : i32
          %dma_wait3A_318 = tpu.memref_slice %arg5[%dma_wait3A_316, %dma_wait3A_317] : memref<40000x128xf32, #tpu.memory_space<hbm>> -> memref<64x128xf32, #tpu.memory_space<hbm>>
          %dma_wait3A_319 = arith.constant 0 : i32
          %dma_wait3A_320 = arith.constant 0 : i32
          %dma_wait3A_321 = tpu.memref_slice %arg5[%dma_wait3A_319, %dma_wait3A_320] : memref<40000x128xf32, #tpu.memory_space<hbm>> -> memref<64x128xf32, #tpu.memory_space<hbm>>
          tpu.wait_dma2 semaphore(%arg19 : memref<!tpu.dma_semaphore, #tpu.memory_space<semaphore_mem>>) src(%dma_wait3A_321 : memref<64x128xf32, #tpu.memory_space<hbm>>) dst(%arg9 : memref<64x128xf32, #tpu.memory_space<vmem>>)
        } else {
        }
        %mul3A_306 = arith.constant 2 : i32
        %mul3A_307 = arith.muli %mul3A_306, %mul3A_71 : i32
        %add3A_308 = arith.constant 2 : i32
        %add3A_309 = arith.addi %mul3A_307, %add3A_308 : i32
        %dma_start3A_310 = arith.constant 64 : i32
        %dma_start3A_311 = tpu.memref_slice %arg7[%add3A_309, %dma_start3A_310] : memref<80x128xi32, #tpu.memory_space<vmem>> -> memref<1x64xi32, #tpu.memory_space<vmem>>
        %dma_start3A_312 = tpu.memref_squeeze %dma_start3A_311 : memref<1x64xi32, #tpu.memory_space<vmem>> -> memref<64xi32, #tpu.memory_space<vmem>>
        %dma_start3A_313 = arith.constant 0 : i32
        %dma_start3A_314 = arith.constant 0 : i32
        %dma_start3A_315 = tpu.memref_slice %arg5[%dma_start3A_313, %dma_start3A_314] : memref<40000x128xf32, #tpu.memory_space<hbm>> -> memref<40000x128xf32, #tpu.memory_space<hbm>>
        tpu.enqueue_indirect_dma source(%dma_start3A_315 : memref<40000x128xf32, #tpu.memory_space<hbm>>) target(%arg9 : memref<64x128xf32, #tpu.memory_space<vmem>>) offsets(%dma_start3A_312 : memref<64xi32, #tpu.memory_space<vmem>>) semaphore(%arg15 : memref<!tpu.dma_semaphore, #tpu.memory_space<semaphore_mem>>)
      } else {
      }
      %dma_wait3A_161 = arith.constant 0 : i32
      %dma_wait3A_162 = arith.constant 0 : i32
      %dma_wait3A_163 = tpu.memref_slice %arg5[%dma_wait3A_161, %dma_wait3A_162] : memref<40000x128xf32, #tpu.memory_space<hbm>> -> memref<64x128xf32, #tpu.memory_space<hbm>>
      %dma_wait3A_164 = arith.constant 0 : i32
      %dma_wait3A_165 = arith.constant 0 : i32
      %dma_wait3A_166 = tpu.memref_slice %arg5[%dma_wait3A_164, %dma_wait3A_165] : memref<40000x128xf32, #tpu.memory_space<hbm>> -> memref<64x128xf32, #tpu.memory_space<hbm>>
      tpu.wait_dma2 semaphore(%arg17 : memref<!tpu.dma_semaphore, #tpu.memory_space<semaphore_mem>>) src(%dma_wait3A_166 : memref<64x128xf32, #tpu.memory_space<hbm>>) dst(%arg11 : memref<64x128xf32, #tpu.memory_space<vmem>>)
      %dma_start3A_167 = arith.constant 1 : i32
      %dma_start3A_168 = arith.constant 64 : i32
      %dma_start3A_169 = tpu.memref_slice %arg12[%dma_start3A_167, %dma_start3A_168] : memref<2x128xi32, #tpu.memory_space<vmem>> -> memref<1x64xi32, #tpu.memory_space<vmem>>
      %dma_start3A_170 = tpu.memref_squeeze %dma_start3A_169 : memref<1x64xi32, #tpu.memory_space<vmem>> -> memref<64xi32, #tpu.memory_space<vmem>>
      %dma_start3A_171 = arith.constant 0 : i32
      %dma_start3A_172 = arith.constant 0 : i32
      %dma_start3A_173 = tpu.memref_slice %arg24[%dma_start3A_171, %dma_start3A_172] : memref<10112x128xf32, #tpu.memory_space<vmem_shared>> -> memref<10112x128xf32, #tpu.memory_space<vmem_shared>>
      tpu.enqueue_indirect_dma source(%arg11 : memref<64x128xf32, #tpu.memory_space<vmem>>) target(%dma_start3A_173 : memref<10112x128xf32, #tpu.memory_space<vmem_shared>>) offsets(%dma_start3A_170 : memref<64xi32, #tpu.memory_space<vmem>>) semaphore(%arg21 : memref<!tpu.dma_semaphore, #tpu.memory_space<semaphore_mem>>) {add = true}
      %mul3A_174 = arith.constant 4 : i32
      %mul3A_175 = arith.muli %mul3A_174, %mul3A_71 : i32
      %add3A_176 = arith.constant 3 : i32
      %add3A_177 = arith.addi %mul3A_175, %add3A_176 : i32
      %add3A_178 = arith.constant 3 : i32
      %add3A_179 = arith.addi %add3A_177, %add3A_178 : i32
      %lt3A_180 = arith.constant 160 : i32
      %lt3A_181 = arith.cmpi slt, %add3A_179, %lt3A_180 : i32
      %convert_element_type3A_182 = arith.extui %lt3A_181 : i1 to i32
      %cond3A_183 = arith.constant 0 : i32
      %cond3A_184 = arith.cmpi ne, %convert_element_type3A_182, %cond3A_183 : i32
      scf.if %cond3A_184 {
        %ge3A = arith.constant 4 : i32
        %ge3A_302 = arith.cmpi sge, %add3A_179, %ge3A : i32
        %convert_element_type3A_303 = arith.extui %ge3A_302 : i1 to i32
        %cond3A_304 = arith.constant 0 : i32
        %cond3A_305 = arith.cmpi ne, %convert_element_type3A_303, %cond3A_304 : i32
        scf.if %cond3A_305 {
          %dma_wait3A_316 = arith.constant 0 : i32
          %dma_wait3A_317 = arith.constant 0 : i32
          %dma_wait3A_318 = tpu.memref_slice %arg5[%dma_wait3A_316, %dma_wait3A_317] : memref<40000x128xf32, #tpu.memory_space<hbm>> -> memref<64x128xf32, #tpu.memory_space<hbm>>
          %dma_wait3A_319 = arith.constant 0 : i32
          %dma_wait3A_320 = arith.constant 0 : i32
          %dma_wait3A_321 = tpu.memref_slice %arg5[%dma_wait3A_319, %dma_wait3A_320] : memref<40000x128xf32, #tpu.memory_space<hbm>> -> memref<64x128xf32, #tpu.memory_space<hbm>>
          tpu.wait_dma2 semaphore(%arg20 : memref<!tpu.dma_semaphore, #tpu.memory_space<semaphore_mem>>) src(%dma_wait3A_321 : memref<64x128xf32, #tpu.memory_space<hbm>>) dst(%arg10 : memref<64x128xf32, #tpu.memory_space<vmem>>)
        } else {
        }
        %mul3A_306 = arith.constant 2 : i32
        %mul3A_307 = arith.muli %mul3A_306, %mul3A_71 : i32
        %add3A_308 = arith.constant 3 : i32
        %add3A_309 = arith.addi %mul3A_307, %add3A_308 : i32
        %dma_start3A_310 = arith.constant 0 : i32
        %dma_start3A_311 = tpu.memref_slice %arg7[%add3A_309, %dma_start3A_310] : memref<80x128xi32, #tpu.memory_space<vmem>> -> memref<1x64xi32, #tpu.memory_space<vmem>>
        %dma_start3A_312 = tpu.memref_squeeze %dma_start3A_311 : memref<1x64xi32, #tpu.memory_space<vmem>> -> memref<64xi32, #tpu.memory_space<vmem>>
        %dma_start3A_313 = arith.constant 0 : i32
        %dma_start3A_314 = arith.constant 0 : i32
        %dma_start3A_315 = tpu.memref_slice %arg5[%dma_start3A_313, %dma_start3A_314] : memref<40000x128xf32, #tpu.memory_space<hbm>> -> memref<40000x128xf32, #tpu.memory_space<hbm>>
        tpu.enqueue_indirect_dma source(%dma_start3A_315 : memref<40000x128xf32, #tpu.memory_space<hbm>>) target(%arg10 : memref<64x128xf32, #tpu.memory_space<vmem>>) offsets(%dma_start3A_312 : memref<64xi32, #tpu.memory_space<vmem>>) semaphore(%arg16 : memref<!tpu.dma_semaphore, #tpu.memory_space<semaphore_mem>>)
      } else {
      }
      %mul3A_185 = arith.constant 2 : i32
      %mul3A_186 = arith.muli %mul3A_185, %scan3A_69 : i32
      %add3A_187 = arith.constant 1 : i32
      %add3A_188 = arith.addi %mul3A_186, %add3A_187 : i32
      %dma_wait3A_189 = arith.constant 0 : i32
      %dma_wait3A_190 = arith.constant 0 : i32
      %dma_wait3A_191 = tpu.memref_slice %arg5[%dma_wait3A_189, %dma_wait3A_190] : memref<40000x128xf32, #tpu.memory_space<hbm>> -> memref<64x128xf32, #tpu.memory_space<hbm>>
      %dma_wait3A_192 = arith.constant 0 : i32
      %dma_wait3A_193 = arith.constant 0 : i32
      %dma_wait3A_194 = tpu.memref_slice %arg5[%dma_wait3A_192, %dma_wait3A_193] : memref<40000x128xf32, #tpu.memory_space<hbm>> -> memref<64x128xf32, #tpu.memory_space<hbm>>
      tpu.wait_dma2 semaphore(%arg14 : memref<!tpu.dma_semaphore, #tpu.memory_space<semaphore_mem>>) src(%dma_wait3A_194 : memref<64x128xf32, #tpu.memory_space<hbm>>) dst(%arg8 : memref<64x128xf32, #tpu.memory_space<vmem>>)
      %dma_wait3A_195 = arith.constant 0 : i32
      %dma_wait3A_196 = arith.constant 0 : i32
      %dma_wait3A_197 = arith.constant 0 : i32
      %dma_wait3A_198 = arith.constant 0 : i32
      %dma_wait3A_199 = tpu.memref_slice %arg3[%dma_wait3A_195, %dma_wait3A_196, %dma_wait3A_197, %dma_wait3A_198] : memref<32x40x2x128xi32, #tpu.memory_space<hbm>> -> memref<1x1x2x128xi32, #tpu.memory_space<hbm>>
      %dma_wait3A_200 = tpu.memref_squeeze %dma_wait3A_199 : memref<1x1x2x128xi32, #tpu.memory_space<hbm>> -> memref<2x128xi32, #tpu.memory_space<hbm>>
      %dma_wait3A_201 = arith.constant 0 : i32
      %dma_wait3A_202 = arith.constant 0 : i32
      %dma_wait3A_203 = tpu.memref_slice %arg3[%dma_wait3A_195, %dma_wait3A_196, %dma_wait3A_201, %dma_wait3A_202] : memref<32x40x2x128xi32, #tpu.memory_space<hbm>> -> memref<1x1x2x128xi32, #tpu.memory_space<hbm>>
      %dma_wait3A_204 = tpu.memref_squeeze %dma_wait3A_203 : memref<1x1x2x128xi32, #tpu.memory_space<hbm>> -> memref<2x128xi32, #tpu.memory_space<hbm>>
      tpu.wait_dma2 semaphore(%arg23 : memref<!tpu.dma_semaphore, #tpu.memory_space<semaphore_mem>>) src(%dma_wait3A_204 : memref<2x128xi32, #tpu.memory_space<hbm>>) dst(%arg13 : memref<2x128xi32, #tpu.memory_space<vmem>>)
      %dma_start3A_205 = arith.constant 0 : i32
      %dma_start3A_206 = arith.constant 0 : i32
      %dma_start3A_207 = tpu.memref_slice %arg13[%dma_start3A_205, %dma_start3A_206] : memref<2x128xi32, #tpu.memory_space<vmem>> -> memref<1x64xi32, #tpu.memory_space<vmem>>
      %dma_start3A_208 = tpu.memref_squeeze %dma_start3A_207 : memref<1x64xi32, #tpu.memory_space<vmem>> -> memref<64xi32, #tpu.memory_space<vmem>>
      %dma_start3A_209 = arith.constant 0 : i32
      %dma_start3A_210 = arith.constant 0 : i32
      %dma_start3A_211 = tpu.memref_slice %arg24[%dma_start3A_209, %dma_start3A_210] : memref<10112x128xf32, #tpu.memory_space<vmem_shared>> -> memref<10112x128xf32, #tpu.memory_space<vmem_shared>>
      tpu.enqueue_indirect_dma source(%arg8 : memref<64x128xf32, #tpu.memory_space<vmem>>) target(%dma_start3A_211 : memref<10112x128xf32, #tpu.memory_space<vmem_shared>>) offsets(%dma_start3A_208 : memref<64xi32, #tpu.memory_space<vmem>>) semaphore(%arg18 : memref<!tpu.dma_semaphore, #tpu.memory_space<semaphore_mem>>) {add = true}
      %mul3A_212 = arith.constant 4 : i32
      %mul3A_213 = arith.muli %mul3A_212, %add3A_188 : i32
      %add3A_214 = arith.constant 0 : i32
      %add3A_215 = arith.addi %mul3A_213, %add3A_214 : i32
      %add3A_216 = arith.constant 3 : i32
      %add3A_217 = arith.addi %add3A_215, %add3A_216 : i32
      %lt3A_218 = arith.constant 160 : i32
      %lt3A_219 = arith.cmpi slt, %add3A_217, %lt3A_218 : i32
      %convert_element_type3A_220 = arith.extui %lt3A_219 : i1 to i32
      %cond3A_221 = arith.constant 0 : i32
      %cond3A_222 = arith.cmpi ne, %convert_element_type3A_220, %cond3A_221 : i32
      scf.if %cond3A_222 {
        %ge3A = arith.constant 4 : i32
        %ge3A_302 = arith.cmpi sge, %add3A_217, %ge3A : i32
        %convert_element_type3A_303 = arith.extui %ge3A_302 : i1 to i32
        %cond3A_304 = arith.constant 0 : i32
        %cond3A_305 = arith.cmpi ne, %convert_element_type3A_303, %cond3A_304 : i32
        scf.if %cond3A_305 {
          %dma_wait3A_316 = arith.constant 0 : i32
          %dma_wait3A_317 = arith.constant 0 : i32
          %dma_wait3A_318 = tpu.memref_slice %arg5[%dma_wait3A_316, %dma_wait3A_317] : memref<40000x128xf32, #tpu.memory_space<hbm>> -> memref<64x128xf32, #tpu.memory_space<hbm>>
          %dma_wait3A_319 = arith.constant 0 : i32
          %dma_wait3A_320 = arith.constant 0 : i32
          %dma_wait3A_321 = tpu.memref_slice %arg5[%dma_wait3A_319, %dma_wait3A_320] : memref<40000x128xf32, #tpu.memory_space<hbm>> -> memref<64x128xf32, #tpu.memory_space<hbm>>
          tpu.wait_dma2 semaphore(%arg21 : memref<!tpu.dma_semaphore, #tpu.memory_space<semaphore_mem>>) src(%dma_wait3A_321 : memref<64x128xf32, #tpu.memory_space<hbm>>) dst(%arg11 : memref<64x128xf32, #tpu.memory_space<vmem>>)
        } else {
        }
        %mul3A_306 = arith.constant 2 : i32
        %mul3A_307 = arith.muli %mul3A_306, %add3A_188 : i32
        %add3A_308 = arith.constant 1 : i32
        %add3A_309 = arith.addi %mul3A_307, %add3A_308 : i32
        %dma_start3A_310 = arith.constant 64 : i32
        %dma_start3A_311 = tpu.memref_slice %arg7[%add3A_309, %dma_start3A_310] : memref<80x128xi32, #tpu.memory_space<vmem>> -> memref<1x64xi32, #tpu.memory_space<vmem>>
        %dma_start3A_312 = tpu.memref_squeeze %dma_start3A_311 : memref<1x64xi32, #tpu.memory_space<vmem>> -> memref<64xi32, #tpu.memory_space<vmem>>
        %dma_start3A_313 = arith.constant 0 : i32
        %dma_start3A_314 = arith.constant 0 : i32
        %dma_start3A_315 = tpu.memref_slice %arg5[%dma_start3A_313, %dma_start3A_314] : memref<40000x128xf32, #tpu.memory_space<hbm>> -> memref<40000x128xf32, #tpu.memory_space<hbm>>
        tpu.enqueue_indirect_dma source(%dma_start3A_315 : memref<40000x128xf32, #tpu.memory_space<hbm>>) target(%arg11 : memref<64x128xf32, #tpu.memory_space<vmem>>) offsets(%dma_start3A_312 : memref<64xi32, #tpu.memory_space<vmem>>) semaphore(%arg17 : memref<!tpu.dma_semaphore, #tpu.memory_space<semaphore_mem>>)
      } else {
      }
      %add3A_223 = arith.constant 1 : i32
      %add3A_224 = arith.addi %add3A_188, %add3A_223 : i32
      %lt3A_225 = arith.constant 40 : i32
      %lt3A_226 = arith.cmpi slt, %add3A_224, %lt3A_225 : i32
      %convert_element_type3A_227 = arith.extui %lt3A_226 : i1 to i32
      %cond3A_228 = arith.constant 0 : i32
      %cond3A_229 = arith.cmpi ne, %convert_element_type3A_227, %cond3A_228 : i32
      scf.if %cond3A_229 {
        %add3A_302 = arith.constant 1 : i32
        %add3A_303 = arith.addi %add3A_188, %add3A_302 : i32
        %dma_start3A_304 = arith.constant 0 : i32
        %dma_start3A_305 = arith.constant 0 : i32
        %dma_start3A_306 = tpu.memref_slice %arg3[%add3A, %add3A_303, %dma_start3A_304, %dma_start3A_305] : memref<32x40x2x128xi32, #tpu.memory_space<hbm>> -> memref<1x1x2x128xi32, #tpu.memory_space<hbm>>
        %dma_start3A_307 = tpu.memref_squeeze %dma_start3A_306 : memref<1x1x2x128xi32, #tpu.memory_space<hbm>> -> memref<2x128xi32, #tpu.memory_space<hbm>>
        %dma_start3A_308 = arith.constant 0 : i32
        %dma_start3A_309 = arith.constant 0 : i32
        %dma_start3A_310 = tpu.memref_slice %arg3[%add3A, %add3A_303, %dma_start3A_308, %dma_start3A_309] : memref<32x40x2x128xi32, #tpu.memory_space<hbm>> -> memref<1x1x2x128xi32, #tpu.memory_space<hbm>>
        %dma_start3A_311 = tpu.memref_squeeze %dma_start3A_310 : memref<1x1x2x128xi32, #tpu.memory_space<hbm>> -> memref<2x128xi32, #tpu.memory_space<hbm>>
        tpu.enqueue_dma source(%dma_start3A_311 : memref<2x128xi32, #tpu.memory_space<hbm>>) target(%arg12 : memref<2x128xi32, #tpu.memory_space<vmem>>) target_semaphore(%arg22 : memref<!tpu.dma_semaphore, #tpu.memory_space<semaphore_mem>>)
      } else {
      }
      %dma_wait3A_230 = arith.constant 0 : i32
      %dma_wait3A_231 = arith.constant 0 : i32
      %dma_wait3A_232 = tpu.memref_slice %arg5[%dma_wait3A_230, %dma_wait3A_231] : memref<40000x128xf32, #tpu.memory_space<hbm>> -> memref<64x128xf32, #tpu.memory_space<hbm>>
      %dma_wait3A_233 = arith.constant 0 : i32
      %dma_wait3A_234 = arith.constant 0 : i32
      %dma_wait3A_235 = tpu.memref_slice %arg5[%dma_wait3A_233, %dma_wait3A_234] : memref<40000x128xf32, #tpu.memory_space<hbm>> -> memref<64x128xf32, #tpu.memory_space<hbm>>
      tpu.wait_dma2 semaphore(%arg15 : memref<!tpu.dma_semaphore, #tpu.memory_space<semaphore_mem>>) src(%dma_wait3A_235 : memref<64x128xf32, #tpu.memory_space<hbm>>) dst(%arg9 : memref<64x128xf32, #tpu.memory_space<vmem>>)
      %dma_start3A_236 = arith.constant 0 : i32
      %dma_start3A_237 = arith.constant 64 : i32
      %dma_start3A_238 = tpu.memref_slice %arg13[%dma_start3A_236, %dma_start3A_237] : memref<2x128xi32, #tpu.memory_space<vmem>> -> memref<1x64xi32, #tpu.memory_space<vmem>>
      %dma_start3A_239 = tpu.memref_squeeze %dma_start3A_238 : memref<1x64xi32, #tpu.memory_space<vmem>> -> memref<64xi32, #tpu.memory_space<vmem>>
      %dma_start3A_240 = arith.constant 0 : i32
      %dma_start3A_241 = arith.constant 0 : i32
      %dma_start3A_242 = tpu.memref_slice %arg24[%dma_start3A_240, %dma_start3A_241] : memref<10112x128xf32, #tpu.memory_space<vmem_shared>> -> memref<10112x128xf32, #tpu.memory_space<vmem_shared>>
      tpu.enqueue_indirect_dma source(%arg9 : memref<64x128xf32, #tpu.memory_space<vmem>>) target(%dma_start3A_242 : memref<10112x128xf32, #tpu.memory_space<vmem_shared>>) offsets(%dma_start3A_239 : memref<64xi32, #tpu.memory_space<vmem>>) semaphore(%arg19 : memref<!tpu.dma_semaphore, #tpu.memory_space<semaphore_mem>>) {add = true}
      %mul3A_243 = arith.constant 4 : i32
      %mul3A_244 = arith.muli %mul3A_243, %add3A_188 : i32
      %add3A_245 = arith.constant 1 : i32
      %add3A_246 = arith.addi %mul3A_244, %add3A_245 : i32
      %add3A_247 = arith.constant 3 : i32
      %add3A_248 = arith.addi %add3A_246, %add3A_247 : i32
      %lt3A_249 = arith.constant 160 : i32
      %lt3A_250 = arith.cmpi slt, %add3A_248, %lt3A_249 : i32
      %convert_element_type3A_251 = arith.extui %lt3A_250 : i1 to i32
      %cond3A_252 = arith.constant 0 : i32
      %cond3A_253 = arith.cmpi ne, %convert_element_type3A_251, %cond3A_252 : i32
      scf.if %cond3A_253 {
        %ge3A = arith.constant 4 : i32
        %ge3A_302 = arith.cmpi sge, %add3A_248, %ge3A : i32
        %convert_element_type3A_303 = arith.extui %ge3A_302 : i1 to i32
        %cond3A_304 = arith.constant 0 : i32
        %cond3A_305 = arith.cmpi ne, %convert_element_type3A_303, %cond3A_304 : i32
        scf.if %cond3A_305 {
          %dma_wait3A_316 = arith.constant 0 : i32
          %dma_wait3A_317 = arith.constant 0 : i32
          %dma_wait3A_318 = tpu.memref_slice %arg5[%dma_wait3A_316, %dma_wait3A_317] : memref<40000x128xf32, #tpu.memory_space<hbm>> -> memref<64x128xf32, #tpu.memory_space<hbm>>
          %dma_wait3A_319 = arith.constant 0 : i32
          %dma_wait3A_320 = arith.constant 0 : i32
          %dma_wait3A_321 = tpu.memref_slice %arg5[%dma_wait3A_319, %dma_wait3A_320] : memref<40000x128xf32, #tpu.memory_space<hbm>> -> memref<64x128xf32, #tpu.memory_space<hbm>>
          tpu.wait_dma2 semaphore(%arg18 : memref<!tpu.dma_semaphore, #tpu.memory_space<semaphore_mem>>) src(%dma_wait3A_321 : memref<64x128xf32, #tpu.memory_space<hbm>>) dst(%arg8 : memref<64x128xf32, #tpu.memory_space<vmem>>)
        } else {
        }
        %mul3A_306 = arith.constant 2 : i32
        %mul3A_307 = arith.muli %mul3A_306, %add3A_188 : i32
        %add3A_308 = arith.constant 2 : i32
        %add3A_309 = arith.addi %mul3A_307, %add3A_308 : i32
        %dma_start3A_310 = arith.constant 0 : i32
        %dma_start3A_311 = tpu.memref_slice %arg7[%add3A_309, %dma_start3A_310] : memref<80x128xi32, #tpu.memory_space<vmem>> -> memref<1x64xi32, #tpu.memory_space<vmem>>
        %dma_start3A_312 = tpu.memref_squeeze %dma_start3A_311 : memref<1x64xi32, #tpu.memory_space<vmem>> -> memref<64xi32, #tpu.memory_space<vmem>>
        %dma_start3A_313 = arith.constant 0 : i32
        %dma_start3A_314 = arith.constant 0 : i32
        %dma_start3A_315 = tpu.memref_slice %arg5[%dma_start3A_313, %dma_start3A_314] : memref<40000x128xf32, #tpu.memory_space<hbm>> -> memref<40000x128xf32, #tpu.memory_space<hbm>>
        tpu.enqueue_indirect_dma source(%dma_start3A_315 : memref<40000x128xf32, #tpu.memory_space<hbm>>) target(%arg8 : memref<64x128xf32, #tpu.memory_space<vmem>>) offsets(%dma_start3A_312 : memref<64xi32, #tpu.memory_space<vmem>>) semaphore(%arg14 : memref<!tpu.dma_semaphore, #tpu.memory_space<semaphore_mem>>)
      } else {
      }
      %dma_wait3A_254 = arith.constant 0 : i32
      %dma_wait3A_255 = arith.constant 0 : i32
      %dma_wait3A_256 = tpu.memref_slice %arg5[%dma_wait3A_254, %dma_wait3A_255] : memref<40000x128xf32, #tpu.memory_space<hbm>> -> memref<64x128xf32, #tpu.memory_space<hbm>>
      %dma_wait3A_257 = arith.constant 0 : i32
      %dma_wait3A_258 = arith.constant 0 : i32
      %dma_wait3A_259 = tpu.memref_slice %arg5[%dma_wait3A_257, %dma_wait3A_258] : memref<40000x128xf32, #tpu.memory_space<hbm>> -> memref<64x128xf32, #tpu.memory_space<hbm>>
      tpu.wait_dma2 semaphore(%arg16 : memref<!tpu.dma_semaphore, #tpu.memory_space<semaphore_mem>>) src(%dma_wait3A_259 : memref<64x128xf32, #tpu.memory_space<hbm>>) dst(%arg10 : memref<64x128xf32, #tpu.memory_space<vmem>>)
      %dma_start3A_260 = arith.constant 1 : i32
      %dma_start3A_261 = arith.constant 0 : i32
      %dma_start3A_262 = tpu.memref_slice %arg13[%dma_start3A_260, %dma_start3A_261] : memref<2x128xi32, #tpu.memory_space<vmem>> -> memref<1x64xi32, #tpu.memory_space<vmem>>
      %dma_start3A_263 = tpu.memref_squeeze %dma_start3A_262 : memref<1x64xi32, #tpu.memory_space<vmem>> -> memref<64xi32, #tpu.memory_space<vmem>>
      %dma_start3A_264 = arith.constant 0 : i32
      %dma_start3A_265 = arith.constant 0 : i32
      %dma_start3A_266 = tpu.memref_slice %arg24[%dma_start3A_264, %dma_start3A_265] : memref<10112x128xf32, #tpu.memory_space<vmem_shared>> -> memref<10112x128xf32, #tpu.memory_space<vmem_shared>>
      tpu.enqueue_indirect_dma source(%arg10 : memref<64x128xf32, #tpu.memory_space<vmem>>) target(%dma_start3A_266 : memref<10112x128xf32, #tpu.memory_space<vmem_shared>>) offsets(%dma_start3A_263 : memref<64xi32, #tpu.memory_space<vmem>>) semaphore(%arg20 : memref<!tpu.dma_semaphore, #tpu.memory_space<semaphore_mem>>) {add = true}
      %mul3A_267 = arith.constant 4 : i32
      %mul3A_268 = arith.muli %mul3A_267, %add3A_188 : i32
      %add3A_269 = arith.constant 2 : i32
      %add3A_270 = arith.addi %mul3A_268, %add3A_269 : i32
      %add3A_271 = arith.constant 3 : i32
      %add3A_272 = arith.addi %add3A_270, %add3A_271 : i32
      %lt3A_273 = arith.constant 160 : i32
      %lt3A_274 = arith.cmpi slt, %add3A_272, %lt3A_273 : i32
      %convert_element_type3A_275 = arith.extui %lt3A_274 : i1 to i32
      %cond3A_276 = arith.constant 0 : i32
      %cond3A_277 = arith.cmpi ne, %convert_element_type3A_275, %cond3A_276 : i32
      scf.if %cond3A_277 {
        %ge3A = arith.constant 4 : i32
        %ge3A_302 = arith.cmpi sge, %add3A_272, %ge3A : i32
        %convert_element_type3A_303 = arith.extui %ge3A_302 : i1 to i32
        %cond3A_304 = arith.constant 0 : i32
        %cond3A_305 = arith.cmpi ne, %convert_element_type3A_303, %cond3A_304 : i32
        scf.if %cond3A_305 {
          %dma_wait3A_316 = arith.constant 0 : i32
          %dma_wait3A_317 = arith.constant 0 : i32
          %dma_wait3A_318 = tpu.memref_slice %arg5[%dma_wait3A_316, %dma_wait3A_317] : memref<40000x128xf32, #tpu.memory_space<hbm>> -> memref<64x128xf32, #tpu.memory_space<hbm>>
          %dma_wait3A_319 = arith.constant 0 : i32
          %dma_wait3A_320 = arith.constant 0 : i32
          %dma_wait3A_321 = tpu.memref_slice %arg5[%dma_wait3A_319, %dma_wait3A_320] : memref<40000x128xf32, #tpu.memory_space<hbm>> -> memref<64x128xf32, #tpu.memory_space<hbm>>
          tpu.wait_dma2 semaphore(%arg19 : memref<!tpu.dma_semaphore, #tpu.memory_space<semaphore_mem>>) src(%dma_wait3A_321 : memref<64x128xf32, #tpu.memory_space<hbm>>) dst(%arg9 : memref<64x128xf32, #tpu.memory_space<vmem>>)
        } else {
        }
        %mul3A_306 = arith.constant 2 : i32
        %mul3A_307 = arith.muli %mul3A_306, %add3A_188 : i32
        %add3A_308 = arith.constant 2 : i32
        %add3A_309 = arith.addi %mul3A_307, %add3A_308 : i32
        %dma_start3A_310 = arith.constant 64 : i32
        %dma_start3A_311 = tpu.memref_slice %arg7[%add3A_309, %dma_start3A_310] : memref<80x128xi32, #tpu.memory_space<vmem>> -> memref<1x64xi32, #tpu.memory_space<vmem>>
        %dma_start3A_312 = tpu.memref_squeeze %dma_start3A_311 : memref<1x64xi32, #tpu.memory_space<vmem>> -> memref<64xi32, #tpu.memory_space<vmem>>
        %dma_start3A_313 = arith.constant 0 : i32
        %dma_start3A_314 = arith.constant 0 : i32
        %dma_start3A_315 = tpu.memref_slice %arg5[%dma_start3A_313, %dma_start3A_314] : memref<40000x128xf32, #tpu.memory_space<hbm>> -> memref<40000x128xf32, #tpu.memory_space<hbm>>
        tpu.enqueue_indirect_dma source(%dma_start3A_315 : memref<40000x128xf32, #tpu.memory_space<hbm>>) target(%arg9 : memref<64x128xf32, #tpu.memory_space<vmem>>) offsets(%dma_start3A_312 : memref<64xi32, #tpu.memory_space<vmem>>) semaphore(%arg15 : memref<!tpu.dma_semaphore, #tpu.memory_space<semaphore_mem>>)
      } else {
      }
      %dma_wait3A_278 = arith.constant 0 : i32
      %dma_wait3A_279 = arith.constant 0 : i32
      %dma_wait3A_280 = tpu.memref_slice %arg5[%dma_wait3A_278, %dma_wait3A_279] : memref<40000x128xf32, #tpu.memory_space<hbm>> -> memref<64x128xf32, #tpu.memory_space<hbm>>
      %dma_wait3A_281 = arith.constant 0 : i32
      %dma_wait3A_282 = arith.constant 0 : i32
      %dma_wait3A_283 = tpu.memref_slice %arg5[%dma_wait3A_281, %dma_wait3A_282] : memref<40000x128xf32, #tpu.memory_space<hbm>> -> memref<64x128xf32, #tpu.memory_space<hbm>>
      tpu.wait_dma2 semaphore(%arg17 : memref<!tpu.dma_semaphore, #tpu.memory_space<semaphore_mem>>) src(%dma_wait3A_283 : memref<64x128xf32, #tpu.memory_space<hbm>>) dst(%arg11 : memref<64x128xf32, #tpu.memory_space<vmem>>)
      %dma_start3A_284 = arith.constant 1 : i32
      %dma_start3A_285 = arith.constant 64 : i32
      %dma_start3A_286 = tpu.memref_slice %arg13[%dma_start3A_284, %dma_start3A_285] : memref<2x128xi32, #tpu.memory_space<vmem>> -> memref<1x64xi32, #tpu.memory_space<vmem>>
      %dma_start3A_287 = tpu.memref_squeeze %dma_start3A_286 : memref<1x64xi32, #tpu.memory_space<vmem>> -> memref<64xi32, #tpu.memory_space<vmem>>
      %dma_start3A_288 = arith.constant 0 : i32
      %dma_start3A_289 = arith.constant 0 : i32
      %dma_start3A_290 = tpu.memref_slice %arg24[%dma_start3A_288, %dma_start3A_289] : memref<10112x128xf32, #tpu.memory_space<vmem_shared>> -> memref<10112x128xf32, #tpu.memory_space<vmem_shared>>
      tpu.enqueue_indirect_dma source(%arg11 : memref<64x128xf32, #tpu.memory_space<vmem>>) target(%dma_start3A_290 : memref<10112x128xf32, #tpu.memory_space<vmem_shared>>) offsets(%dma_start3A_287 : memref<64xi32, #tpu.memory_space<vmem>>) semaphore(%arg21 : memref<!tpu.dma_semaphore, #tpu.memory_space<semaphore_mem>>) {add = true}
      %mul3A_291 = arith.constant 4 : i32
      %mul3A_292 = arith.muli %mul3A_291, %add3A_188 : i32
      %add3A_293 = arith.constant 3 : i32
      %add3A_294 = arith.addi %mul3A_292, %add3A_293 : i32
      %add3A_295 = arith.constant 3 : i32
      %add3A_296 = arith.addi %add3A_294, %add3A_295 : i32
      %lt3A_297 = arith.constant 160 : i32
      %lt3A_298 = arith.cmpi slt, %add3A_296, %lt3A_297 : i32
      %convert_element_type3A_299 = arith.extui %lt3A_298 : i1 to i32
      %cond3A_300 = arith.constant 0 : i32
      %cond3A_301 = arith.cmpi ne, %convert_element_type3A_299, %cond3A_300 : i32
      scf.if %cond3A_301 {
        %ge3A = arith.constant 4 : i32
        %ge3A_302 = arith.cmpi sge, %add3A_296, %ge3A : i32
        %convert_element_type3A_303 = arith.extui %ge3A_302 : i1 to i32
        %cond3A_304 = arith.constant 0 : i32
        %cond3A_305 = arith.cmpi ne, %convert_element_type3A_303, %cond3A_304 : i32
        scf.if %cond3A_305 {
          %dma_wait3A_316 = arith.constant 0 : i32
          %dma_wait3A_317 = arith.constant 0 : i32
          %dma_wait3A_318 = tpu.memref_slice %arg5[%dma_wait3A_316, %dma_wait3A_317] : memref<40000x128xf32, #tpu.memory_space<hbm>> -> memref<64x128xf32, #tpu.memory_space<hbm>>
          %dma_wait3A_319 = arith.constant 0 : i32
          %dma_wait3A_320 = arith.constant 0 : i32
          %dma_wait3A_321 = tpu.memref_slice %arg5[%dma_wait3A_319, %dma_wait3A_320] : memref<40000x128xf32, #tpu.memory_space<hbm>> -> memref<64x128xf32, #tpu.memory_space<hbm>>
          tpu.wait_dma2 semaphore(%arg20 : memref<!tpu.dma_semaphore, #tpu.memory_space<semaphore_mem>>) src(%dma_wait3A_321 : memref<64x128xf32, #tpu.memory_space<hbm>>) dst(%arg10 : memref<64x128xf32, #tpu.memory_space<vmem>>)
        } else {
        }
        %mul3A_306 = arith.constant 2 : i32
        %mul3A_307 = arith.muli %mul3A_306, %add3A_188 : i32
        %add3A_308 = arith.constant 3 : i32
        %add3A_309 = arith.addi %mul3A_307, %add3A_308 : i32
        %dma_start3A_310 = arith.constant 0 : i32
        %dma_start3A_311 = tpu.memref_slice %arg7[%add3A_309, %dma_start3A_310] : memref<80x128xi32, #tpu.memory_space<vmem>> -> memref<1x64xi32, #tpu.memory_space<vmem>>
        %dma_start3A_312 = tpu.memref_squeeze %dma_start3A_311 : memref<1x64xi32, #tpu.memory_space<vmem>> -> memref<64xi32, #tpu.memory_space<vmem>>
        %dma_start3A_313 = arith.constant 0 : i32
        %dma_start3A_314 = arith.constant 0 : i32
        %dma_start3A_315 = tpu.memref_slice %arg5[%dma_start3A_313, %dma_start3A_314] : memref<40000x128xf32, #tpu.memory_space<hbm>> -> memref<40000x128xf32, #tpu.memory_space<hbm>>
        tpu.enqueue_indirect_dma source(%dma_start3A_315 : memref<40000x128xf32, #tpu.memory_space<hbm>>) target(%arg10 : memref<64x128xf32, #tpu.memory_space<vmem>>) offsets(%dma_start3A_312 : memref<64xi32, #tpu.memory_space<vmem>>) semaphore(%arg16 : memref<!tpu.dma_semaphore, #tpu.memory_space<semaphore_mem>>)
      } else {
      }
    }
    %scan3A_38 = arith.constant 20 : i32
    %dma_wait3A = arith.constant 0 : i32
    %dma_wait3A_39 = arith.constant 0 : i32
    %dma_wait3A_40 = tpu.memref_slice %arg5[%dma_wait3A, %dma_wait3A_39] : memref<40000x128xf32, #tpu.memory_space<hbm>> -> memref<64x128xf32, #tpu.memory_space<hbm>>
    %dma_wait3A_41 = arith.constant 0 : i32
    %dma_wait3A_42 = arith.constant 0 : i32
    %dma_wait3A_43 = tpu.memref_slice %arg5[%dma_wait3A_41, %dma_wait3A_42] : memref<40000x128xf32, #tpu.memory_space<hbm>> -> memref<64x128xf32, #tpu.memory_space<hbm>>
    tpu.wait_dma2 semaphore(%arg18 : memref<!tpu.dma_semaphore, #tpu.memory_space<semaphore_mem>>) src(%dma_wait3A_43 : memref<64x128xf32, #tpu.memory_space<hbm>>) dst(%arg8 : memref<64x128xf32, #tpu.memory_space<vmem>>)
    %dma_wait3A_44 = arith.constant 0 : i32
    %dma_wait3A_45 = arith.constant 0 : i32
    %dma_wait3A_46 = tpu.memref_slice %arg5[%dma_wait3A_44, %dma_wait3A_45] : memref<40000x128xf32, #tpu.memory_space<hbm>> -> memref<64x128xf32, #tpu.memory_space<hbm>>
    %dma_wait3A_47 = arith.constant 0 : i32
    %dma_wait3A_48 = arith.constant 0 : i32
    %dma_wait3A_49 = tpu.memref_slice %arg5[%dma_wait3A_47, %dma_wait3A_48] : memref<40000x128xf32, #tpu.memory_space<hbm>> -> memref<64x128xf32, #tpu.memory_space<hbm>>
    tpu.wait_dma2 semaphore(%arg19 : memref<!tpu.dma_semaphore, #tpu.memory_space<semaphore_mem>>) src(%dma_wait3A_49 : memref<64x128xf32, #tpu.memory_space<hbm>>) dst(%arg9 : memref<64x128xf32, #tpu.memory_space<vmem>>)
    %dma_wait3A_50 = arith.constant 0 : i32
    %dma_wait3A_51 = arith.constant 0 : i32
    %dma_wait3A_52 = tpu.memref_slice %arg5[%dma_wait3A_50, %dma_wait3A_51] : memref<40000x128xf32, #tpu.memory_space<hbm>> -> memref<64x128xf32, #tpu.memory_space<hbm>>
    %dma_wait3A_53 = arith.constant 0 : i32
    %dma_wait3A_54 = arith.constant 0 : i32
    %dma_wait3A_55 = tpu.memref_slice %arg5[%dma_wait3A_53, %dma_wait3A_54] : memref<40000x128xf32, #tpu.memory_space<hbm>> -> memref<64x128xf32, #tpu.memory_space<hbm>>
    tpu.wait_dma2 semaphore(%arg20 : memref<!tpu.dma_semaphore, #tpu.memory_space<semaphore_mem>>) src(%dma_wait3A_55 : memref<64x128xf32, #tpu.memory_space<hbm>>) dst(%arg10 : memref<64x128xf32, #tpu.memory_space<vmem>>)
    %dma_wait3A_56 = arith.constant 0 : i32
    %dma_wait3A_57 = arith.constant 0 : i32
    %dma_wait3A_58 = tpu.memref_slice %arg5[%dma_wait3A_56, %dma_wait3A_57] : memref<40000x128xf32, #tpu.memory_space<hbm>> -> memref<64x128xf32, #tpu.memory_space<hbm>>
    %dma_wait3A_59 = arith.constant 0 : i32
    %dma_wait3A_60 = arith.constant 0 : i32
    %dma_wait3A_61 = tpu.memref_slice %arg5[%dma_wait3A_59, %dma_wait3A_60] : memref<40000x128xf32, #tpu.memory_space<hbm>> -> memref<64x128xf32, #tpu.memory_space<hbm>>
    tpu.wait_dma2 semaphore(%arg21 : memref<!tpu.dma_semaphore, #tpu.memory_space<semaphore_mem>>) src(%dma_wait3A_61 : memref<64x128xf32, #tpu.memory_space<hbm>>) dst(%arg11 : memref<64x128xf32, #tpu.memory_space<vmem>>)
    %barrier3A_62 = arith.constant 0 : index
    tpu.barrier barrier_id(%barrier3A_62)
    %lt3A = arith.constant 15 : i32
    %lt3A_63 = arith.cmpi slt, %arg1, %lt3A : i32
    %convert_element_type3A = arith.extui %lt3A_63 : i1 to i32
    %cond3A = arith.constant 0 : i32
    %cond3A_64 = arith.cmpi ne, %convert_element_type3A, %cond3A : i32
    scf.if %cond3A_64 {
      %mul3A_69 = arith.constant 640 : i32
      %mul3A_70 = arith.muli %arg1, %mul3A_69 : i32
      %mul3A_71 = arith.constant 640 : i32
      %mul3A_72 = arith.muli %arg1, %mul3A_71 : i32
      "tpu.region"() ({
        %run_scoped3A = tpu.sem_alloc : memref<!tpu.dma_semaphore, #tpu.memory_space<semaphore_mem>>
        %dma_start3A_73 = arith.constant 0 : i32
        %dma_start3A_74 = tpu.memref_slice %arg6[%arg0, %mul3A_72, %dma_start3A_73] : memref<2x10000x128xf32, #tpu.memory_space<hbm>> -> memref<1x640x128xf32, #tpu.memory_space<hbm>>
        %dma_start3A_75 = tpu.memref_squeeze %dma_start3A_74 : memref<1x640x128xf32, #tpu.memory_space<hbm>> -> memref<640x128xf32, #tpu.memory_space<hbm>>
        %dma_start3A_76 = arith.constant 0 : i32
        %dma_start3A_77 = tpu.memref_slice %arg24[%mul3A_70, %dma_start3A_76] : memref<10112x128xf32, #tpu.memory_space<vmem_shared>> -> memref<640x128xf32, #tpu.memory_space<vmem_shared>>
        tpu.enqueue_dma source(%dma_start3A_77 : memref<640x128xf32, #tpu.memory_space<vmem_shared>>) target(%dma_start3A_75 : memref<640x128xf32, #tpu.memory_space<hbm>>) target_semaphore(%run_scoped3A : memref<!tpu.dma_semaphore, #tpu.memory_space<semaphore_mem>>)
        %dma_wait3A_78 = arith.constant 0 : i32
        %dma_wait3A_79 = tpu.memref_slice %arg6[%arg0, %mul3A_72, %dma_wait3A_78] : memref<2x10000x128xf32, #tpu.memory_space<hbm>> -> memref<1x640x128xf32, #tpu.memory_space<hbm>>
        %dma_wait3A_80 = tpu.memref_squeeze %dma_wait3A_79 : memref<1x640x128xf32, #tpu.memory_space<hbm>> -> memref<640x128xf32, #tpu.memory_space<hbm>>
        %dma_wait3A_81 = arith.constant 0 : i32
        %dma_wait3A_82 = tpu.memref_slice %arg24[%mul3A_70, %dma_wait3A_81] : memref<10112x128xf32, #tpu.memory_space<vmem_shared>> -> memref<640x128xf32, #tpu.memory_space<vmem_shared>>
        tpu.wait_dma2 semaphore(%run_scoped3A : memref<!tpu.dma_semaphore, #tpu.memory_space<semaphore_mem>>) src(%dma_wait3A_82 : memref<640x128xf32, #tpu.memory_space<vmem_shared>>) dst(%dma_wait3A_80 : memref<640x128xf32, #tpu.memory_space<hbm>>)
        tpu.yield
      }) : () -> ()
    } else {
    }
    %eq3A = arith.constant 15 : i32
    %eq3A_65 = arith.cmpi eq, %arg1, %eq3A : i32
    %convert_element_type3A_66 = arith.extui %eq3A_65 : i1 to i32
    %cond3A_67 = arith.constant 0 : i32
    %cond3A_68 = arith.cmpi ne, %convert_element_type3A_66, %cond3A_67 : i32
    scf.if %cond3A_68 {
      "tpu.region"() ({
        %run_scoped3A = tpu.sem_alloc : memref<!tpu.dma_semaphore, #tpu.memory_space<semaphore_mem>>
        %dma_start3A_69 = arith.constant 9600 : i32
        %dma_start3A_70 = arith.constant 0 : i32
        %dma_start3A_71 = tpu.memref_slice %arg6[%arg0, %dma_start3A_69, %dma_start3A_70] : memref<2x10000x128xf32, #tpu.memory_space<hbm>> -> memref<1x400x128xf32, #tpu.memory_space<hbm>>
        %dma_start3A_72 = tpu.memref_squeeze %dma_start3A_71 : memref<1x400x128xf32, #tpu.memory_space<hbm>> -> memref<400x128xf32, #tpu.memory_space<hbm>>
        %dma_start3A_73 = arith.constant 9600 : i32
        %dma_start3A_74 = arith.constant 0 : i32
        %dma_start3A_75 = tpu.memref_slice %arg24[%dma_start3A_73, %dma_start3A_74] : memref<10112x128xf32, #tpu.memory_space<vmem_shared>> -> memref<400x128xf32, #tpu.memory_space<vmem_shared>>
        tpu.enqueue_dma source(%dma_start3A_75 : memref<400x128xf32, #tpu.memory_space<vmem_shared>>) target(%dma_start3A_72 : memref<400x128xf32, #tpu.memory_space<hbm>>) target_semaphore(%run_scoped3A : memref<!tpu.dma_semaphore, #tpu.memory_space<semaphore_mem>>)
        %dma_wait3A_76 = arith.constant 9600 : i32
        %dma_wait3A_77 = arith.constant 0 : i32
        %dma_wait3A_78 = tpu.memref_slice %arg6[%arg0, %dma_wait3A_76, %dma_wait3A_77] : memref<2x10000x128xf32, #tpu.memory_space<hbm>> -> memref<1x400x128xf32, #tpu.memory_space<hbm>>
        %dma_wait3A_79 = tpu.memref_squeeze %dma_wait3A_78 : memref<1x400x128xf32, #tpu.memory_space<hbm>> -> memref<400x128xf32, #tpu.memory_space<hbm>>
        %dma_wait3A_80 = arith.constant 9600 : i32
        %dma_wait3A_81 = arith.constant 0 : i32
        %dma_wait3A_82 = tpu.memref_slice %arg24[%dma_wait3A_80, %dma_wait3A_81] : memref<10112x128xf32, #tpu.memory_space<vmem_shared>> -> memref<400x128xf32, #tpu.memory_space<vmem_shared>>
        tpu.wait_dma2 semaphore(%run_scoped3A : memref<!tpu.dma_semaphore, #tpu.memory_space<semaphore_mem>>) src(%dma_wait3A_82 : memref<400x128xf32, #tpu.memory_space<vmem_shared>>) dst(%dma_wait3A_79 : memref<400x128xf32, #tpu.memory_space<hbm>>)
        tpu.yield
      }) : () -> ()
    } else {
    }
    return
  }
}

#map = affine_map<(d0, d1) -> (0, 0, 0)>
#map1 = affine_map<(d0, d1) -> (0, 0, 0, 0)>
#map2 = affine_map<(d0, d1) -> (0, 0)>
module attributes {stable_mosaic.version = 14 : i64} {
  func.func @_sc_scatter_body(%arg0: i32, %arg1: i32, %arg2: memref<32x80x128xi32, #tpu.memory_space<hbm>>, %arg3: memref<32x40x2x128xi32, #tpu.memory_space<hbm>>, %arg4: memref<10112x128xf32, #tpu.memory_space<hbm>>, %arg5: memref<40000x128xf32, #tpu.memory_space<hbm>>, %arg6: memref<2x10000x128xf32, #tpu.memory_space<hbm>>, %arg7: memref<80x128xi32, #tpu.memory_space<vmem>>, %arg8: memref<64x128xf32, #tpu.memory_space<vmem>>, %arg9: memref<64x128xf32, #tpu.memory_space<vmem>>, %arg10: memref<64x128xf32, #tpu.memory_space<vmem>>, %arg11: memref<64x128xf32, #tpu.memory_space<vmem>>, %arg12: memref<2x128xi32, #tpu.memory_space<vmem>>, %arg13: memref<2x128xi32, #tpu.memory_space<vmem>>, %arg14: memref<!tpu.dma_semaphore, #tpu.memory_space<semaphore_mem>>, %arg15: memref<!tpu.dma_semaphore, #tpu.memory_space<semaphore_mem>>, %arg16: memref<!tpu.dma_semaphore, #tpu.memory_space<semaphore_mem>>, %arg17: memref<!tpu.dma_semaphore, #tpu.memory_space<semaphore_mem>>, %arg18: memref<!tpu.dma_semaphore, #tpu.memory_space<semaphore_mem>>, %arg19: memref<!tpu.dma_semaphore, #tpu.memory_space<semaphore_mem>>, %arg20: memref<!tpu.dma_semaphore, #tpu.memory_space<semaphore_mem>>, %arg21: memref<!tpu.dma_semaphore, #tpu.memory_space<semaphore_mem>>, %arg22: memref<!tpu.dma_semaphore, #tpu.memory_space<semaphore_mem>>, %arg23: memref<!tpu.dma_semaphore, #tpu.memory_space<semaphore_mem>>, %arg24: memref<10112x128xf32, #tpu.memory_space<vmem_shared>>) attributes {dimension_semantics = [#tpu.dimension_semantics<core_parallel>, #tpu.dimension_semantics<subcore_parallel>], iteration_bounds = array<i64: 2, 16>, scalar_prefetch = 0 : i64, scratch_operands = 18 : i64, tpu.core_type = #tpu.core_type<sc_vector_subcore>, window_params = [{transform_indices = #map}, {transform_indices = #map1}, {transform_indices = #map2}, {transform_indices = #map2}, {transform_indices = #map}]} {
    %mul3A = arith.constant 16 : i32
    %mul3A_0 = arith.muli %arg0, %mul3A : i32
    %add3A = arith.addi %mul3A_0, %arg1 : i32
    %mul3A_1 = arith.constant 632 : i32
    %mul3A_2 = arith.muli %arg1, %mul3A_1 : i32
    %mul3A_3 = arith.constant 632 : i32
    %mul3A_4 = arith.muli %arg1, %mul3A_3 : i32
    "tpu.region"() ({
      %run_scoped3A = tpu.sem_alloc : memref<!tpu.dma_semaphore, #tpu.memory_space<semaphore_mem>>
      %dma_start3A_69 = arith.constant 0 : i32
      %dma_start3A_70 = tpu.memref_slice %arg24[%mul3A_4, %dma_start3A_69] : memref<10112x128xf32, #tpu.memory_space<vmem_shared>> -> memref<632x128xf32, #tpu.memory_space<vmem_shared>>
      %dma_start3A_71 = arith.constant 0 : i32
      %dma_start3A_72 = tpu.memref_slice %arg4[%mul3A_2, %dma_start3A_71] : memref<10112x128xf32, #tpu.memory_space<hbm>> -> memref<632x128xf32, #tpu.memory_space<hbm>>
      tpu.enqueue_dma source(%dma_start3A_72 : memref<632x128xf32, #tpu.memory_space<hbm>>) target(%dma_start3A_70 : memref<632x128xf32, #tpu.memory_space<vmem_shared>>) target_semaphore(%run_scoped3A : memref<!tpu.dma_semaphore, #tpu.memory_space<semaphore_mem>>)
      %dma_wait3A_73 = arith.constant 0 : i32
      %dma_wait3A_74 = tpu.memref_slice %arg24[%mul3A_4, %dma_wait3A_73] : memref<10112x128xf32, #tpu.memory_space<vmem_shared>> -> memref<632x128xf32, #tpu.memory_space<vmem_shared>>
      %dma_wait3A_75 = arith.constant 0 : i32
      %dma_wait3A_76 = tpu.memref_slice %arg4[%mul3A_2, %dma_wait3A_75] : memref<10112x128xf32, #tpu.memory_space<hbm>> -> memref<632x128xf32, #tpu.memory_space<hbm>>
      tpu.wait_dma2 semaphore(%run_scoped3A : memref<!tpu.dma_semaphore, #tpu.memory_space<semaphore_mem>>) src(%dma_wait3A_76 : memref<632x128xf32, #tpu.memory_space<hbm>>) dst(%dma_wait3A_74 : memref<632x128xf32, #tpu.memory_space<vmem_shared>>)
      tpu.yield
    }) : () -> ()
    "tpu.region"() ({
      %run_scoped3A = tpu.sem_alloc : memref<!tpu.dma_semaphore, #tpu.memory_space<semaphore_mem>>
      %dma_start3A_69 = arith.constant 0 : i32
      %dma_start3A_70 = arith.constant 0 : i32
      %dma_start3A_71 = tpu.memref_slice %arg2[%add3A, %dma_start3A_69, %dma_start3A_70] : memref<32x80x128xi32, #tpu.memory_space<hbm>> -> memref<1x80x128xi32, #tpu.memory_space<hbm>>
      %dma_start3A_72 = tpu.memref_squeeze %dma_start3A_71 : memref<1x80x128xi32, #tpu.memory_space<hbm>> -> memref<80x128xi32, #tpu.memory_space<hbm>>
      %dma_start3A_73 = arith.constant 0 : i32
      %dma_start3A_74 = arith.constant 0 : i32
      %dma_start3A_75 = tpu.memref_slice %arg2[%add3A, %dma_start3A_73, %dma_start3A_74] : memref<32x80x128xi32, #tpu.memory_space<hbm>> -> memref<1x80x128xi32, #tpu.memory_space<hbm>>
      %dma_start3A_76 = tpu.memref_squeeze %dma_start3A_75 : memref<1x80x128xi32, #tpu.memory_space<hbm>> -> memref<80x128xi32, #tpu.memory_space<hbm>>
      tpu.enqueue_dma source(%dma_start3A_76 : memref<80x128xi32, #tpu.memory_space<hbm>>) target(%arg7 : memref<80x128xi32, #tpu.memory_space<vmem>>) target_semaphore(%run_scoped3A : memref<!tpu.dma_semaphore, #tpu.memory_space<semaphore_mem>>)
      %dma_wait3A_77 = arith.constant 0 : i32
      %dma_wait3A_78 = arith.constant 0 : i32
      %dma_wait3A_79 = tpu.memref_slice %arg2[%add3A, %dma_wait3A_77, %dma_wait3A_78] : memref<32x80x128xi32, #tpu.memory_space<hbm>> -> memref<1x80x128xi32, #tpu.memory_space<hbm>>
      %dma_wait3A_80 = tpu.memref_squeeze %dma_wait3A_79 : memref<1x80x128xi32, #tpu.memory_space<hbm>> -> memref<80x128xi32, #tpu.memory_space<hbm>>
      %dma_wait3A_81 = arith.constant 0 : i32
      %dma_wait3A_82 = arith.constant 0 : i32
      %dma_wait3A_83 = tpu.memref_slice %arg2[%add3A, %dma_wait3A_81, %dma_wait3A_82] : memref<32x80x128xi32, #tpu.memory_space<hbm>> -> memref<1x80x128xi32, #tpu.memory_space<hbm>>
      %dma_wait3A_84 = tpu.memref_squeeze %dma_wait3A_83 : memref<1x80x128xi32, #tpu.memory_space<hbm>> -> memref<80x128xi32, #tpu.memory_space<hbm>>
      tpu.wait_dma2 semaphore(%run_scoped3A : memref<!tpu.dma_semaphore, #tpu.memory_space<semaphore_mem>>) src(%dma_wait3A_84 : memref<80x128xi32, #tpu.memory_space<hbm>>) dst(%arg7 : memref<80x128xi32, #tpu.memory_space<vmem>>)
      tpu.yield
    }) : () -> ()
    %barrier3A = arith.constant 0 : index
    tpu.barrier barrier_id(%barrier3A)
    %dma_start3A = arith.constant 0 : i32
    %dma_start3A_5 = arith.constant 0 : i32
    %dma_start3A_6 = arith.constant 0 : i32
    %dma_start3A_7 = tpu.memref_slice %arg3[%add3A, %dma_start3A, %dma_start3A_5, %dma_start3A_6] : memref<32x40x2x128xi32, #tpu.memory_space<hbm>> -> memref<1x1x2x128xi32, #tpu.memory_space<hbm>>
    %dma_start3A_8 = tpu.memref_squeeze %dma_start3A_7 : memref<1x1x2x128xi32, #tpu.memory_space<hbm>> -> memref<2x128xi32, #tpu.memory_space<hbm>>
    %dma_start3A_9 = arith.constant 0 : i32
    %dma_start3A_10 = arith.constant 0 : i32
    %dma_start3A_11 = tpu.memref_slice %arg3[%add3A, %dma_start3A, %dma_start3A_9, %dma_start3A_10] : memref<32x40x2x128xi32, #tpu.memory_space<hbm>> -> memref<1x1x2x128xi32, #tpu.memory_space<hbm>>
    %dma_start3A_12 = tpu.memref_squeeze %dma_start3A_11 : memref<1x1x2x128xi32, #tpu.memory_space<hbm>> -> memref<2x128xi32, #tpu.memory_space<hbm>>
    tpu.enqueue_dma source(%dma_start3A_12 : memref<2x128xi32, #tpu.memory_space<hbm>>) target(%arg12 : memref<2x128xi32, #tpu.memory_space<vmem>>) target_semaphore(%arg22 : memref<!tpu.dma_semaphore, #tpu.memory_space<semaphore_mem>>)
    %dma_start3A_13 = arith.constant 0 : i32
    %dma_start3A_14 = arith.constant 0 : i32
    %dma_start3A_15 = tpu.memref_slice %arg7[%dma_start3A_13, %dma_start3A_14] : memref<80x128xi32, #tpu.memory_space<vmem>> -> memref<1x64xi32, #tpu.memory_space<vmem>>
    %dma_start3A_16 = tpu.memref_squeeze %dma_start3A_15 : memref<1x64xi32, #tpu.memory_space<vmem>> -> memref<64xi32, #tpu.memory_space<vmem>>
    %dma_start3A_17 = arith.constant 0 : i32
    %dma_start3A_18 = arith.constant 0 : i32
    %dma_start3A_19 = tpu.memref_slice %arg5[%dma_start3A_17, %dma_start3A_18] : memref<40000x128xf32, #tpu.memory_space<hbm>> -> memref<40000x128xf32, #tpu.memory_space<hbm>>
    tpu.enqueue_indirect_dma source(%dma_start3A_19 : memref<40000x128xf32, #tpu.memory_space<hbm>>) target(%arg8 : memref<64x128xf32, #tpu.memory_space<vmem>>) offsets(%dma_start3A_16 : memref<64xi32, #tpu.memory_space<vmem>>) semaphore(%arg14 : memref<!tpu.dma_semaphore, #tpu.memory_space<semaphore_mem>>)
    %dma_start3A_20 = arith.constant 0 : i32
    %dma_start3A_21 = arith.constant 64 : i32
    %dma_start3A_22 = tpu.memref_slice %arg7[%dma_start3A_20, %dma_start3A_21] : memref<80x128xi32, #tpu.memory_space<vmem>> -> memref<1x64xi32, #tpu.memory_space<vmem>>
    %dma_start3A_23 = tpu.memref_squeeze %dma_start3A_22 : memref<1x64xi32, #tpu.memory_space<vmem>> -> memref<64xi32, #tpu.memory_space<vmem>>
    %dma_start3A_24 = arith.constant 0 : i32
    %dma_start3A_25 = arith.constant 0 : i32
    %dma_start3A_26 = tpu.memref_slice %arg5[%dma_start3A_24, %dma_start3A_25] : memref<40000x128xf32, #tpu.memory_space<hbm>> -> memref<40000x128xf32, #tpu.memory_space<hbm>>
    tpu.enqueue_indirect_dma source(%dma_start3A_26 : memref<40000x128xf32, #tpu.memory_space<hbm>>) target(%arg9 : memref<64x128xf32, #tpu.memory_space<vmem>>) offsets(%dma_start3A_23 : memref<64xi32, #tpu.memory_space<vmem>>) semaphore(%arg15 : memref<!tpu.dma_semaphore, #tpu.memory_space<semaphore_mem>>)
    %dma_start3A_27 = arith.constant 1 : i32
    %dma_start3A_28 = arith.constant 0 : i32
    %dma_start3A_29 = tpu.memref_slice %arg7[%dma_start3A_27, %dma_start3A_28] : memref<80x128xi32, #tpu.memory_space<vmem>> -> memref<1x64xi32, #tpu.memory_space<vmem>>
    %dma_start3A_30 = tpu.memref_squeeze %dma_start3A_29 : memref<1x64xi32, #tpu.memory_space<vmem>> -> memref<64xi32, #tpu.memory_space<vmem>>
    %dma_start3A_31 = arith.constant 0 : i32
    %dma_start3A_32 = arith.constant 0 : i32
    %dma_start3A_33 = tpu.memref_slice %arg5[%dma_start3A_31, %dma_start3A_32] : memref<40000x128xf32, #tpu.memory_space<hbm>> -> memref<40000x128xf32, #tpu.memory_space<hbm>>
    tpu.enqueue_indirect_dma source(%dma_start3A_33 : memref<40000x128xf32, #tpu.memory_space<hbm>>) target(%arg10 : memref<64x128xf32, #tpu.memory_space<vmem>>) offsets(%dma_start3A_30 : memref<64xi32, #tpu.memory_space<vmem>>) semaphore(%arg16 : memref<!tpu.dma_semaphore, #tpu.memory_space<semaphore_mem>>)
    %scan3A = arith.constant 0 : i32
    %scan3A_34 = arith.constant 0 : i32
    %scan3A_35 = arith.constant 20 : i32
    %scan3A_36 = arith.addi %scan3A_34, %scan3A_35 : i32
    %scan3A_37 = arith.constant 1 : i32
    scf.for %scan3A_69 = %scan3A_34 to %scan3A_36 step %scan3A_37  : i32 {
      %mul3A_70 = arith.constant 2 : i32
      %mul3A_71 = arith.muli %mul3A_70, %scan3A_69 : i32
      %dma_wait3A_72 = arith.constant 0 : i32
      %dma_wait3A_73 = arith.constant 0 : i32
      %dma_wait3A_74 = tpu.memref_slice %arg5[%dma_wait3A_72, %dma_wait3A_73] : memref<40000x128xf32, #tpu.memory_space<hbm>> -> memref<64x128xf32, #tpu.memory_space<hbm>>
      %dma_wait3A_75 = arith.constant 0 : i32
      %dma_wait3A_76 = arith.constant 0 : i32
      %dma_wait3A_77 = tpu.memref_slice %arg5[%dma_wait3A_75, %dma_wait3A_76] : memref<40000x128xf32, #tpu.memory_space<hbm>> -> memref<64x128xf32, #tpu.memory_space<hbm>>
      tpu.wait_dma2 semaphore(%arg14 : memref<!tpu.dma_semaphore, #tpu.memory_space<semaphore_mem>>) src(%dma_wait3A_77 : memref<64x128xf32, #tpu.memory_space<hbm>>) dst(%arg8 : memref<64x128xf32, #tpu.memory_space<vmem>>)
      %dma_wait3A_78 = arith.constant 0 : i32
      %dma_wait3A_79 = arith.constant 0 : i32
      %dma_wait3A_80 = arith.constant 0 : i32
      %dma_wait3A_81 = arith.constant 0 : i32
      %dma_wait3A_82 = tpu.memref_slice %arg3[%dma_wait3A_78, %dma_wait3A_79, %dma_wait3A_80, %dma_wait3A_81] : memref<32x40x2x128xi32, #tpu.memory_space<hbm>> -> memref<1x1x2x128xi32, #tpu.memory_space<hbm>>
      %dma_wait3A_83 = tpu.memref_squeeze %dma_wait3A_82 : memref<1x1x2x128xi32, #tpu.memory_space<hbm>> -> memref<2x128xi32, #tpu.memory_space<hbm>>
      %dma_wait3A_84 = arith.constant 0 : i32
      %dma_wait3A_85 = arith.constant 0 : i32
      %dma_wait3A_86 = tpu.memref_slice %arg3[%dma_wait3A_78, %dma_wait3A_79, %dma_wait3A_84, %dma_wait3A_85] : memref<32x40x2x128xi32, #tpu.memory_space<hbm>> -> memref<1x1x2x128xi32, #tpu.memory_space<hbm>>
      %dma_wait3A_87 = tpu.memref_squeeze %dma_wait3A_86 : memref<1x1x2x128xi32, #tpu.memory_space<hbm>> -> memref<2x128xi32, #tpu.memory_space<hbm>>
      tpu.wait_dma2 semaphore(%arg22 : memref<!tpu.dma_semaphore, #tpu.memory_space<semaphore_mem>>) src(%dma_wait3A_87 : memref<2x128xi32, #tpu.memory_space<hbm>>) dst(%arg12 : memref<2x128xi32, #tpu.memory_space<vmem>>)
      %dma_start3A_88 = arith.constant 0 : i32
      %dma_start3A_89 = arith.constant 0 : i32
      %dma_start3A_90 = tpu.memref_slice %arg12[%dma_start3A_88, %dma_start3A_89] : memref<2x128xi32, #tpu.memory_space<vmem>> -> memref<1x64xi32, #tpu.memory_space<vmem>>
      %dma_start3A_91 = tpu.memref_squeeze %dma_start3A_90 : memref<1x64xi32, #tpu.memory_space<vmem>> -> memref<64xi32, #tpu.memory_space<vmem>>
      %dma_start3A_92 = arith.constant 0 : i32
      %dma_start3A_93 = arith.constant 0 : i32
      %dma_start3A_94 = tpu.memref_slice %arg24[%dma_start3A_92, %dma_start3A_93] : memref<10112x128xf32, #tpu.memory_space<vmem_shared>> -> memref<10112x128xf32, #tpu.memory_space<vmem_shared>>
      tpu.enqueue_indirect_dma source(%arg8 : memref<64x128xf32, #tpu.memory_space<vmem>>) target(%dma_start3A_94 : memref<10112x128xf32, #tpu.memory_space<vmem_shared>>) offsets(%dma_start3A_91 : memref<64xi32, #tpu.memory_space<vmem>>) semaphore(%arg18 : memref<!tpu.dma_semaphore, #tpu.memory_space<semaphore_mem>>) {add = true}
      %mul3A_95 = arith.constant 4 : i32
      %mul3A_96 = arith.muli %mul3A_95, %mul3A_71 : i32
      %add3A_97 = arith.constant 0 : i32
      %add3A_98 = arith.addi %mul3A_96, %add3A_97 : i32
      %add3A_99 = arith.constant 3 : i32
      %add3A_100 = arith.addi %add3A_98, %add3A_99 : i32
      %lt3A_101 = arith.constant 160 : i32
      %lt3A_102 = arith.cmpi slt, %add3A_100, %lt3A_101 : i32
      %convert_element_type3A_103 = arith.extui %lt3A_102 : i1 to i32
      %cond3A_104 = arith.constant 0 : i32
      %cond3A_105 = arith.cmpi ne, %convert_element_type3A_103, %cond3A_104 : i32
      scf.if %cond3A_105 {
        %ge3A = arith.constant 4 : i32
        %ge3A_302 = arith.cmpi sge, %add3A_100, %ge3A : i32
        %convert_element_type3A_303 = arith.extui %ge3A_302 : i1 to i32
        %cond3A_304 = arith.constant 0 : i32
        %cond3A_305 = arith.cmpi ne, %convert_element_type3A_303, %cond3A_304 : i32
        scf.if %cond3A_305 {
          %dma_wait3A_316 = arith.constant 0 : i32
          %dma_wait3A_317 = arith.constant 0 : i32
          %dma_wait3A_318 = tpu.memref_slice %arg5[%dma_wait3A_316, %dma_wait3A_317] : memref<40000x128xf32, #tpu.memory_space<hbm>> -> memref<64x128xf32, #tpu.memory_space<hbm>>
          %dma_wait3A_319 = arith.constant 0 : i32
          %dma_wait3A_320 = arith.constant 0 : i32
          %dma_wait3A_321 = tpu.memref_slice %arg5[%dma_wait3A_319, %dma_wait3A_320] : memref<40000x128xf32, #tpu.memory_space<hbm>> -> memref<64x128xf32, #tpu.memory_space<hbm>>
          tpu.wait_dma2 semaphore(%arg21 : memref<!tpu.dma_semaphore, #tpu.memory_space<semaphore_mem>>) src(%dma_wait3A_321 : memref<64x128xf32, #tpu.memory_space<hbm>>) dst(%arg11 : memref<64x128xf32, #tpu.memory_space<vmem>>)
        } else {
        }
        %mul3A_306 = arith.constant 2 : i32
        %mul3A_307 = arith.muli %mul3A_306, %mul3A_71 : i32
        %add3A_308 = arith.constant 1 : i32
        %add3A_309 = arith.addi %mul3A_307, %add3A_308 : i32
        %dma_start3A_310 = arith.constant 64 : i32
        %dma_start3A_311 = tpu.memref_slice %arg7[%add3A_309, %dma_start3A_310] : memref<80x128xi32, #tpu.memory_space<vmem>> -> memref<1x64xi32, #tpu.memory_space<vmem>>
        %dma_start3A_312 = tpu.memref_squeeze %dma_start3A_311 : memref<1x64xi32, #tpu.memory_space<vmem>> -> memref<64xi32, #tpu.memory_space<vmem>>
        %dma_start3A_313 = arith.constant 0 : i32
        %dma_start3A_314 = arith.constant 0 : i32
        %dma_start3A_315 = tpu.memref_slice %arg5[%dma_start3A_313, %dma_start3A_314] : memref<40000x128xf32, #tpu.memory_space<hbm>> -> memref<40000x128xf32, #tpu.memory_space<hbm>>
        tpu.enqueue_indirect_dma source(%dma_start3A_315 : memref<40000x128xf32, #tpu.memory_space<hbm>>) target(%arg11 : memref<64x128xf32, #tpu.memory_space<vmem>>) offsets(%dma_start3A_312 : memref<64xi32, #tpu.memory_space<vmem>>) semaphore(%arg17 : memref<!tpu.dma_semaphore, #tpu.memory_space<semaphore_mem>>)
      } else {
      }
      %add3A_106 = arith.constant 1 : i32
      %add3A_107 = arith.addi %mul3A_71, %add3A_106 : i32
      %lt3A_108 = arith.constant 40 : i32
      %lt3A_109 = arith.cmpi slt, %add3A_107, %lt3A_108 : i32
      %convert_element_type3A_110 = arith.extui %lt3A_109 : i1 to i32
      %cond3A_111 = arith.constant 0 : i32
      %cond3A_112 = arith.cmpi ne, %convert_element_type3A_110, %cond3A_111 : i32
      scf.if %cond3A_112 {
        %add3A_302 = arith.constant 1 : i32
        %add3A_303 = arith.addi %mul3A_71, %add3A_302 : i32
        %dma_start3A_304 = arith.constant 0 : i32
        %dma_start3A_305 = arith.constant 0 : i32
        %dma_start3A_306 = tpu.memref_slice %arg3[%add3A, %add3A_303, %dma_start3A_304, %dma_start3A_305] : memref<32x40x2x128xi32, #tpu.memory_space<hbm>> -> memref<1x1x2x128xi32, #tpu.memory_space<hbm>>
        %dma_start3A_307 = tpu.memref_squeeze %dma_start3A_306 : memref<1x1x2x128xi32, #tpu.memory_space<hbm>> -> memref<2x128xi32, #tpu.memory_space<hbm>>
        %dma_start3A_308 = arith.constant 0 : i32
        %dma_start3A_309 = arith.constant 0 : i32
        %dma_start3A_310 = tpu.memref_slice %arg3[%add3A, %add3A_303, %dma_start3A_308, %dma_start3A_309] : memref<32x40x2x128xi32, #tpu.memory_space<hbm>> -> memref<1x1x2x128xi32, #tpu.memory_space<hbm>>
        %dma_start3A_311 = tpu.memref_squeeze %dma_start3A_310 : memref<1x1x2x128xi32, #tpu.memory_space<hbm>> -> memref<2x128xi32, #tpu.memory_space<hbm>>
        tpu.enqueue_dma source(%dma_start3A_311 : memref<2x128xi32, #tpu.memory_space<hbm>>) target(%arg13 : memref<2x128xi32, #tpu.memory_space<vmem>>) target_semaphore(%arg23 : memref<!tpu.dma_semaphore, #tpu.memory_space<semaphore_mem>>)
      } else {
      }
      %dma_wait3A_113 = arith.constant 0 : i32
      %dma_wait3A_114 = arith.constant 0 : i32
      %dma_wait3A_115 = tpu.memref_slice %arg5[%dma_wait3A_113, %dma_wait3A_114] : memref<40000x128xf32, #tpu.memory_space<hbm>> -> memref<64x128xf32, #tpu.memory_space<hbm>>
      %dma_wait3A_116 = arith.constant 0 : i32
      %dma_wait3A_117 = arith.constant 0 : i32
      %dma_wait3A_118 = tpu.memref_slice %arg5[%dma_wait3A_116, %dma_wait3A_117] : memref<40000x128xf32, #tpu.memory_space<hbm>> -> memref<64x128xf32, #tpu.memory_space<hbm>>
      tpu.wait_dma2 semaphore(%arg15 : memref<!tpu.dma_semaphore, #tpu.memory_space<semaphore_mem>>) src(%dma_wait3A_118 : memref<64x128xf32, #tpu.memory_space<hbm>>) dst(%arg9 : memref<64x128xf32, #tpu.memory_space<vmem>>)
      %dma_start3A_119 = arith.constant 0 : i32
      %dma_start3A_120 = arith.constant 64 : i32
      %dma_start3A_121 = tpu.memref_slice %arg12[%dma_start3A_119, %dma_start3A_120] : memref<2x128xi32, #tpu.memory_space<vmem>> -> memref<1x64xi32, #tpu.memory_space<vmem>>
      %dma_start3A_122 = tpu.memref_squeeze %dma_start3A_121 : memref<1x64xi32, #tpu.memory_space<vmem>> -> memref<64xi32, #tpu.memory_space<vmem>>
      %dma_start3A_123 = arith.constant 0 : i32
      %dma_start3A_124 = arith.constant 0 : i32
      %dma_start3A_125 = tpu.memref_slice %arg24[%dma_start3A_123, %dma_start3A_124] : memref<10112x128xf32, #tpu.memory_space<vmem_shared>> -> memref<10112x128xf32, #tpu.memory_space<vmem_shared>>
      tpu.enqueue_indirect_dma source(%arg9 : memref<64x128xf32, #tpu.memory_space<vmem>>) target(%dma_start3A_125 : memref<10112x128xf32, #tpu.memory_space<vmem_shared>>) offsets(%dma_start3A_122 : memref<64xi32, #tpu.memory_space<vmem>>) semaphore(%arg19 : memref<!tpu.dma_semaphore, #tpu.memory_space<semaphore_mem>>) {add = true}
      %mul3A_126 = arith.constant 4 : i32
      %mul3A_127 = arith.muli %mul3A_126, %mul3A_71 : i32
      %add3A_128 = arith.constant 1 : i32
      %add3A_129 = arith.addi %mul3A_127, %add3A_128 : i32
      %add3A_130 = arith.constant 3 : i32
      %add3A_131 = arith.addi %add3A_129, %add3A_130 : i32
      %lt3A_132 = arith.constant 160 : i32
      %lt3A_133 = arith.cmpi slt, %add3A_131, %lt3A_132 : i32
      %convert_element_type3A_134 = arith.extui %lt3A_133 : i1 to i32
      %cond3A_135 = arith.constant 0 : i32
      %cond3A_136 = arith.cmpi ne, %convert_element_type3A_134, %cond3A_135 : i32
      scf.if %cond3A_136 {
        %ge3A = arith.constant 4 : i32
        %ge3A_302 = arith.cmpi sge, %add3A_131, %ge3A : i32
        %convert_element_type3A_303 = arith.extui %ge3A_302 : i1 to i32
        %cond3A_304 = arith.constant 0 : i32
        %cond3A_305 = arith.cmpi ne, %convert_element_type3A_303, %cond3A_304 : i32
        scf.if %cond3A_305 {
          %dma_wait3A_316 = arith.constant 0 : i32
          %dma_wait3A_317 = arith.constant 0 : i32
          %dma_wait3A_318 = tpu.memref_slice %arg5[%dma_wait3A_316, %dma_wait3A_317] : memref<40000x128xf32, #tpu.memory_space<hbm>> -> memref<64x128xf32, #tpu.memory_space<hbm>>
          %dma_wait3A_319 = arith.constant 0 : i32
          %dma_wait3A_320 = arith.constant 0 : i32
          %dma_wait3A_321 = tpu.memref_slice %arg5[%dma_wait3A_319, %dma_wait3A_320] : memref<40000x128xf32, #tpu.memory_space<hbm>> -> memref<64x128xf32, #tpu.memory_space<hbm>>
          tpu.wait_dma2 semaphore(%arg18 : memref<!tpu.dma_semaphore, #tpu.memory_space<semaphore_mem>>) src(%dma_wait3A_321 : memref<64x128xf32, #tpu.memory_space<hbm>>) dst(%arg8 : memref<64x128xf32, #tpu.memory_space<vmem>>)
        } else {
        }
        %mul3A_306 = arith.constant 2 : i32
        %mul3A_307 = arith.muli %mul3A_306, %mul3A_71 : i32
        %add3A_308 = arith.constant 2 : i32
        %add3A_309 = arith.addi %mul3A_307, %add3A_308 : i32
        %dma_start3A_310 = arith.constant 0 : i32
        %dma_start3A_311 = tpu.memref_slice %arg7[%add3A_309, %dma_start3A_310] : memref<80x128xi32, #tpu.memory_space<vmem>> -> memref<1x64xi32, #tpu.memory_space<vmem>>
        %dma_start3A_312 = tpu.memref_squeeze %dma_start3A_311 : memref<1x64xi32, #tpu.memory_space<vmem>> -> memref<64xi32, #tpu.memory_space<vmem>>
        %dma_start3A_313 = arith.constant 0 : i32
        %dma_start3A_314 = arith.constant 0 : i32
        %dma_start3A_315 = tpu.memref_slice %arg5[%dma_start3A_313, %dma_start3A_314] : memref<40000x128xf32, #tpu.memory_space<hbm>> -> memref<40000x128xf32, #tpu.memory_space<hbm>>
        tpu.enqueue_indirect_dma source(%dma_start3A_315 : memref<40000x128xf32, #tpu.memory_space<hbm>>) target(%arg8 : memref<64x128xf32, #tpu.memory_space<vmem>>) offsets(%dma_start3A_312 : memref<64xi32, #tpu.memory_space<vmem>>) semaphore(%arg14 : memref<!tpu.dma_semaphore, #tpu.memory_space<semaphore_mem>>)
      } else {
      }
      %dma_wait3A_137 = arith.constant 0 : i32
      %dma_wait3A_138 = arith.constant 0 : i32
      %dma_wait3A_139 = tpu.memref_slice %arg5[%dma_wait3A_137, %dma_wait3A_138] : memref<40000x128xf32, #tpu.memory_space<hbm>> -> memref<64x128xf32, #tpu.memory_space<hbm>>
      %dma_wait3A_140 = arith.constant 0 : i32
      %dma_wait3A_141 = arith.constant 0 : i32
      %dma_wait3A_142 = tpu.memref_slice %arg5[%dma_wait3A_140, %dma_wait3A_141] : memref<40000x128xf32, #tpu.memory_space<hbm>> -> memref<64x128xf32, #tpu.memory_space<hbm>>
      tpu.wait_dma2 semaphore(%arg16 : memref<!tpu.dma_semaphore, #tpu.memory_space<semaphore_mem>>) src(%dma_wait3A_142 : memref<64x128xf32, #tpu.memory_space<hbm>>) dst(%arg10 : memref<64x128xf32, #tpu.memory_space<vmem>>)
      %dma_start3A_143 = arith.constant 1 : i32
      %dma_start3A_144 = arith.constant 0 : i32
      %dma_start3A_145 = tpu.memref_slice %arg12[%dma_start3A_143, %dma_start3A_144] : memref<2x128xi32, #tpu.memory_space<vmem>> -> memref<1x64xi32, #tpu.memory_space<vmem>>
      %dma_start3A_146 = tpu.memref_squeeze %dma_start3A_145 : memref<1x64xi32, #tpu.memory_space<vmem>> -> memref<64xi32, #tpu.memory_space<vmem>>
      %dma_start3A_147 = arith.constant 0 : i32
      %dma_start3A_148 = arith.constant 0 : i32
      %dma_start3A_149 = tpu.memref_slice %arg24[%dma_start3A_147, %dma_start3A_148] : memref<10112x128xf32, #tpu.memory_space<vmem_shared>> -> memref<10112x128xf32, #tpu.memory_space<vmem_shared>>
      tpu.enqueue_indirect_dma source(%arg10 : memref<64x128xf32, #tpu.memory_space<vmem>>) target(%dma_start3A_149 : memref<10112x128xf32, #tpu.memory_space<vmem_shared>>) offsets(%dma_start3A_146 : memref<64xi32, #tpu.memory_space<vmem>>) semaphore(%arg20 : memref<!tpu.dma_semaphore, #tpu.memory_space<semaphore_mem>>) {add = true}
      %mul3A_150 = arith.constant 4 : i32
      %mul3A_151 = arith.muli %mul3A_150, %mul3A_71 : i32
      %add3A_152 = arith.constant 2 : i32
      %add3A_153 = arith.addi %mul3A_151, %add3A_152 : i32
      %add3A_154 = arith.constant 3 : i32
      %add3A_155 = arith.addi %add3A_153, %add3A_154 : i32
      %lt3A_156 = arith.constant 160 : i32
      %lt3A_157 = arith.cmpi slt, %add3A_155, %lt3A_156 : i32
      %convert_element_type3A_158 = arith.extui %lt3A_157 : i1 to i32
      %cond3A_159 = arith.constant 0 : i32
      %cond3A_160 = arith.cmpi ne, %convert_element_type3A_158, %cond3A_159 : i32
      scf.if %cond3A_160 {
        %ge3A = arith.constant 4 : i32
        %ge3A_302 = arith.cmpi sge, %add3A_155, %ge3A : i32
        %convert_element_type3A_303 = arith.extui %ge3A_302 : i1 to i32
        %cond3A_304 = arith.constant 0 : i32
        %cond3A_305 = arith.cmpi ne, %convert_element_type3A_303, %cond3A_304 : i32
        scf.if %cond3A_305 {
          %dma_wait3A_316 = arith.constant 0 : i32
          %dma_wait3A_317 = arith.constant 0 : i32
          %dma_wait3A_318 = tpu.memref_slice %arg5[%dma_wait3A_316, %dma_wait3A_317] : memref<40000x128xf32, #tpu.memory_space<hbm>> -> memref<64x128xf32, #tpu.memory_space<hbm>>
          %dma_wait3A_319 = arith.constant 0 : i32
          %dma_wait3A_320 = arith.constant 0 : i32
          %dma_wait3A_321 = tpu.memref_slice %arg5[%dma_wait3A_319, %dma_wait3A_320] : memref<40000x128xf32, #tpu.memory_space<hbm>> -> memref<64x128xf32, #tpu.memory_space<hbm>>
          tpu.wait_dma2 semaphore(%arg19 : memref<!tpu.dma_semaphore, #tpu.memory_space<semaphore_mem>>) src(%dma_wait3A_321 : memref<64x128xf32, #tpu.memory_space<hbm>>) dst(%arg9 : memref<64x128xf32, #tpu.memory_space<vmem>>)
        } else {
        }
        %mul3A_306 = arith.constant 2 : i32
        %mul3A_307 = arith.muli %mul3A_306, %mul3A_71 : i32
        %add3A_308 = arith.constant 2 : i32
        %add3A_309 = arith.addi %mul3A_307, %add3A_308 : i32
        %dma_start3A_310 = arith.constant 64 : i32
        %dma_start3A_311 = tpu.memref_slice %arg7[%add3A_309, %dma_start3A_310] : memref<80x128xi32, #tpu.memory_space<vmem>> -> memref<1x64xi32, #tpu.memory_space<vmem>>
        %dma_start3A_312 = tpu.memref_squeeze %dma_start3A_311 : memref<1x64xi32, #tpu.memory_space<vmem>> -> memref<64xi32, #tpu.memory_space<vmem>>
        %dma_start3A_313 = arith.constant 0 : i32
        %dma_start3A_314 = arith.constant 0 : i32
        %dma_start3A_315 = tpu.memref_slice %arg5[%dma_start3A_313, %dma_start3A_314] : memref<40000x128xf32, #tpu.memory_space<hbm>> -> memref<40000x128xf32, #tpu.memory_space<hbm>>
        tpu.enqueue_indirect_dma source(%dma_start3A_315 : memref<40000x128xf32, #tpu.memory_space<hbm>>) target(%arg9 : memref<64x128xf32, #tpu.memory_space<vmem>>) offsets(%dma_start3A_312 : memref<64xi32, #tpu.memory_space<vmem>>) semaphore(%arg15 : memref<!tpu.dma_semaphore, #tpu.memory_space<semaphore_mem>>)
      } else {
      }
      %dma_wait3A_161 = arith.constant 0 : i32
      %dma_wait3A_162 = arith.constant 0 : i32
      %dma_wait3A_163 = tpu.memref_slice %arg5[%dma_wait3A_161, %dma_wait3A_162] : memref<40000x128xf32, #tpu.memory_space<hbm>> -> memref<64x128xf32, #tpu.memory_space<hbm>>
      %dma_wait3A_164 = arith.constant 0 : i32
      %dma_wait3A_165 = arith.constant 0 : i32
      %dma_wait3A_166 = tpu.memref_slice %arg5[%dma_wait3A_164, %dma_wait3A_165] : memref<40000x128xf32, #tpu.memory_space<hbm>> -> memref<64x128xf32, #tpu.memory_space<hbm>>
      tpu.wait_dma2 semaphore(%arg17 : memref<!tpu.dma_semaphore, #tpu.memory_space<semaphore_mem>>) src(%dma_wait3A_166 : memref<64x128xf32, #tpu.memory_space<hbm>>) dst(%arg11 : memref<64x128xf32, #tpu.memory_space<vmem>>)
      %dma_start3A_167 = arith.constant 1 : i32
      %dma_start3A_168 = arith.constant 64 : i32
      %dma_start3A_169 = tpu.memref_slice %arg12[%dma_start3A_167, %dma_start3A_168] : memref<2x128xi32, #tpu.memory_space<vmem>> -> memref<1x64xi32, #tpu.memory_space<vmem>>
      %dma_start3A_170 = tpu.memref_squeeze %dma_start3A_169 : memref<1x64xi32, #tpu.memory_space<vmem>> -> memref<64xi32, #tpu.memory_space<vmem>>
      %dma_start3A_171 = arith.constant 0 : i32
      %dma_start3A_172 = arith.constant 0 : i32
      %dma_start3A_173 = tpu.memref_slice %arg24[%dma_start3A_171, %dma_start3A_172] : memref<10112x128xf32, #tpu.memory_space<vmem_shared>> -> memref<10112x128xf32, #tpu.memory_space<vmem_shared>>
      tpu.enqueue_indirect_dma source(%arg11 : memref<64x128xf32, #tpu.memory_space<vmem>>) target(%dma_start3A_173 : memref<10112x128xf32, #tpu.memory_space<vmem_shared>>) offsets(%dma_start3A_170 : memref<64xi32, #tpu.memory_space<vmem>>) semaphore(%arg21 : memref<!tpu.dma_semaphore, #tpu.memory_space<semaphore_mem>>) {add = true}
      %mul3A_174 = arith.constant 4 : i32
      %mul3A_175 = arith.muli %mul3A_174, %mul3A_71 : i32
      %add3A_176 = arith.constant 3 : i32
      %add3A_177 = arith.addi %mul3A_175, %add3A_176 : i32
      %add3A_178 = arith.constant 3 : i32
      %add3A_179 = arith.addi %add3A_177, %add3A_178 : i32
      %lt3A_180 = arith.constant 160 : i32
      %lt3A_181 = arith.cmpi slt, %add3A_179, %lt3A_180 : i32
      %convert_element_type3A_182 = arith.extui %lt3A_181 : i1 to i32
      %cond3A_183 = arith.constant 0 : i32
      %cond3A_184 = arith.cmpi ne, %convert_element_type3A_182, %cond3A_183 : i32
      scf.if %cond3A_184 {
        %ge3A = arith.constant 4 : i32
        %ge3A_302 = arith.cmpi sge, %add3A_179, %ge3A : i32
        %convert_element_type3A_303 = arith.extui %ge3A_302 : i1 to i32
        %cond3A_304 = arith.constant 0 : i32
        %cond3A_305 = arith.cmpi ne, %convert_element_type3A_303, %cond3A_304 : i32
        scf.if %cond3A_305 {
          %dma_wait3A_316 = arith.constant 0 : i32
          %dma_wait3A_317 = arith.constant 0 : i32
          %dma_wait3A_318 = tpu.memref_slice %arg5[%dma_wait3A_316, %dma_wait3A_317] : memref<40000x128xf32, #tpu.memory_space<hbm>> -> memref<64x128xf32, #tpu.memory_space<hbm>>
          %dma_wait3A_319 = arith.constant 0 : i32
          %dma_wait3A_320 = arith.constant 0 : i32
          %dma_wait3A_321 = tpu.memref_slice %arg5[%dma_wait3A_319, %dma_wait3A_320] : memref<40000x128xf32, #tpu.memory_space<hbm>> -> memref<64x128xf32, #tpu.memory_space<hbm>>
          tpu.wait_dma2 semaphore(%arg20 : memref<!tpu.dma_semaphore, #tpu.memory_space<semaphore_mem>>) src(%dma_wait3A_321 : memref<64x128xf32, #tpu.memory_space<hbm>>) dst(%arg10 : memref<64x128xf32, #tpu.memory_space<vmem>>)
        } else {
        }
        %mul3A_306 = arith.constant 2 : i32
        %mul3A_307 = arith.muli %mul3A_306, %mul3A_71 : i32
        %add3A_308 = arith.constant 3 : i32
        %add3A_309 = arith.addi %mul3A_307, %add3A_308 : i32
        %dma_start3A_310 = arith.constant 0 : i32
        %dma_start3A_311 = tpu.memref_slice %arg7[%add3A_309, %dma_start3A_310] : memref<80x128xi32, #tpu.memory_space<vmem>> -> memref<1x64xi32, #tpu.memory_space<vmem>>
        %dma_start3A_312 = tpu.memref_squeeze %dma_start3A_311 : memref<1x64xi32, #tpu.memory_space<vmem>> -> memref<64xi32, #tpu.memory_space<vmem>>
        %dma_start3A_313 = arith.constant 0 : i32
        %dma_start3A_314 = arith.constant 0 : i32
        %dma_start3A_315 = tpu.memref_slice %arg5[%dma_start3A_313, %dma_start3A_314] : memref<40000x128xf32, #tpu.memory_space<hbm>> -> memref<40000x128xf32, #tpu.memory_space<hbm>>
        tpu.enqueue_indirect_dma source(%dma_start3A_315 : memref<40000x128xf32, #tpu.memory_space<hbm>>) target(%arg10 : memref<64x128xf32, #tpu.memory_space<vmem>>) offsets(%dma_start3A_312 : memref<64xi32, #tpu.memory_space<vmem>>) semaphore(%arg16 : memref<!tpu.dma_semaphore, #tpu.memory_space<semaphore_mem>>)
      } else {
      }
      %mul3A_185 = arith.constant 2 : i32
      %mul3A_186 = arith.muli %mul3A_185, %scan3A_69 : i32
      %add3A_187 = arith.constant 1 : i32
      %add3A_188 = arith.addi %mul3A_186, %add3A_187 : i32
      %dma_wait3A_189 = arith.constant 0 : i32
      %dma_wait3A_190 = arith.constant 0 : i32
      %dma_wait3A_191 = tpu.memref_slice %arg5[%dma_wait3A_189, %dma_wait3A_190] : memref<40000x128xf32, #tpu.memory_space<hbm>> -> memref<64x128xf32, #tpu.memory_space<hbm>>
      %dma_wait3A_192 = arith.constant 0 : i32
      %dma_wait3A_193 = arith.constant 0 : i32
      %dma_wait3A_194 = tpu.memref_slice %arg5[%dma_wait3A_192, %dma_wait3A_193] : memref<40000x128xf32, #tpu.memory_space<hbm>> -> memref<64x128xf32, #tpu.memory_space<hbm>>
      tpu.wait_dma2 semaphore(%arg14 : memref<!tpu.dma_semaphore, #tpu.memory_space<semaphore_mem>>) src(%dma_wait3A_194 : memref<64x128xf32, #tpu.memory_space<hbm>>) dst(%arg8 : memref<64x128xf32, #tpu.memory_space<vmem>>)
      %dma_wait3A_195 = arith.constant 0 : i32
      %dma_wait3A_196 = arith.constant 0 : i32
      %dma_wait3A_197 = arith.constant 0 : i32
      %dma_wait3A_198 = arith.constant 0 : i32
      %dma_wait3A_199 = tpu.memref_slice %arg3[%dma_wait3A_195, %dma_wait3A_196, %dma_wait3A_197, %dma_wait3A_198] : memref<32x40x2x128xi32, #tpu.memory_space<hbm>> -> memref<1x1x2x128xi32, #tpu.memory_space<hbm>>
      %dma_wait3A_200 = tpu.memref_squeeze %dma_wait3A_199 : memref<1x1x2x128xi32, #tpu.memory_space<hbm>> -> memref<2x128xi32, #tpu.memory_space<hbm>>
      %dma_wait3A_201 = arith.constant 0 : i32
      %dma_wait3A_202 = arith.constant 0 : i32
      %dma_wait3A_203 = tpu.memref_slice %arg3[%dma_wait3A_195, %dma_wait3A_196, %dma_wait3A_201, %dma_wait3A_202] : memref<32x40x2x128xi32, #tpu.memory_space<hbm>> -> memref<1x1x2x128xi32, #tpu.memory_space<hbm>>
      %dma_wait3A_204 = tpu.memref_squeeze %dma_wait3A_203 : memref<1x1x2x128xi32, #tpu.memory_space<hbm>> -> memref<2x128xi32, #tpu.memory_space<hbm>>
      tpu.wait_dma2 semaphore(%arg23 : memref<!tpu.dma_semaphore, #tpu.memory_space<semaphore_mem>>) src(%dma_wait3A_204 : memref<2x128xi32, #tpu.memory_space<hbm>>) dst(%arg13 : memref<2x128xi32, #tpu.memory_space<vmem>>)
      %dma_start3A_205 = arith.constant 0 : i32
      %dma_start3A_206 = arith.constant 0 : i32
      %dma_start3A_207 = tpu.memref_slice %arg13[%dma_start3A_205, %dma_start3A_206] : memref<2x128xi32, #tpu.memory_space<vmem>> -> memref<1x64xi32, #tpu.memory_space<vmem>>
      %dma_start3A_208 = tpu.memref_squeeze %dma_start3A_207 : memref<1x64xi32, #tpu.memory_space<vmem>> -> memref<64xi32, #tpu.memory_space<vmem>>
      %dma_start3A_209 = arith.constant 0 : i32
      %dma_start3A_210 = arith.constant 0 : i32
      %dma_start3A_211 = tpu.memref_slice %arg24[%dma_start3A_209, %dma_start3A_210] : memref<10112x128xf32, #tpu.memory_space<vmem_shared>> -> memref<10112x128xf32, #tpu.memory_space<vmem_shared>>
      tpu.enqueue_indirect_dma source(%arg8 : memref<64x128xf32, #tpu.memory_space<vmem>>) target(%dma_start3A_211 : memref<10112x128xf32, #tpu.memory_space<vmem_shared>>) offsets(%dma_start3A_208 : memref<64xi32, #tpu.memory_space<vmem>>) semaphore(%arg18 : memref<!tpu.dma_semaphore, #tpu.memory_space<semaphore_mem>>) {add = true}
      %mul3A_212 = arith.constant 4 : i32
      %mul3A_213 = arith.muli %mul3A_212, %add3A_188 : i32
      %add3A_214 = arith.constant 0 : i32
      %add3A_215 = arith.addi %mul3A_213, %add3A_214 : i32
      %add3A_216 = arith.constant 3 : i32
      %add3A_217 = arith.addi %add3A_215, %add3A_216 : i32
      %lt3A_218 = arith.constant 160 : i32
      %lt3A_219 = arith.cmpi slt, %add3A_217, %lt3A_218 : i32
      %convert_element_type3A_220 = arith.extui %lt3A_219 : i1 to i32
      %cond3A_221 = arith.constant 0 : i32
      %cond3A_222 = arith.cmpi ne, %convert_element_type3A_220, %cond3A_221 : i32
      scf.if %cond3A_222 {
        %ge3A = arith.constant 4 : i32
        %ge3A_302 = arith.cmpi sge, %add3A_217, %ge3A : i32
        %convert_element_type3A_303 = arith.extui %ge3A_302 : i1 to i32
        %cond3A_304 = arith.constant 0 : i32
        %cond3A_305 = arith.cmpi ne, %convert_element_type3A_303, %cond3A_304 : i32
        scf.if %cond3A_305 {
          %dma_wait3A_316 = arith.constant 0 : i32
          %dma_wait3A_317 = arith.constant 0 : i32
          %dma_wait3A_318 = tpu.memref_slice %arg5[%dma_wait3A_316, %dma_wait3A_317] : memref<40000x128xf32, #tpu.memory_space<hbm>> -> memref<64x128xf32, #tpu.memory_space<hbm>>
          %dma_wait3A_319 = arith.constant 0 : i32
          %dma_wait3A_320 = arith.constant 0 : i32
          %dma_wait3A_321 = tpu.memref_slice %arg5[%dma_wait3A_319, %dma_wait3A_320] : memref<40000x128xf32, #tpu.memory_space<hbm>> -> memref<64x128xf32, #tpu.memory_space<hbm>>
          tpu.wait_dma2 semaphore(%arg21 : memref<!tpu.dma_semaphore, #tpu.memory_space<semaphore_mem>>) src(%dma_wait3A_321 : memref<64x128xf32, #tpu.memory_space<hbm>>) dst(%arg11 : memref<64x128xf32, #tpu.memory_space<vmem>>)
        } else {
        }
        %mul3A_306 = arith.constant 2 : i32
        %mul3A_307 = arith.muli %mul3A_306, %add3A_188 : i32
        %add3A_308 = arith.constant 1 : i32
        %add3A_309 = arith.addi %mul3A_307, %add3A_308 : i32
        %dma_start3A_310 = arith.constant 64 : i32
        %dma_start3A_311 = tpu.memref_slice %arg7[%add3A_309, %dma_start3A_310] : memref<80x128xi32, #tpu.memory_space<vmem>> -> memref<1x64xi32, #tpu.memory_space<vmem>>
        %dma_start3A_312 = tpu.memref_squeeze %dma_start3A_311 : memref<1x64xi32, #tpu.memory_space<vmem>> -> memref<64xi32, #tpu.memory_space<vmem>>
        %dma_start3A_313 = arith.constant 0 : i32
        %dma_start3A_314 = arith.constant 0 : i32
        %dma_start3A_315 = tpu.memref_slice %arg5[%dma_start3A_313, %dma_start3A_314] : memref<40000x128xf32, #tpu.memory_space<hbm>> -> memref<40000x128xf32, #tpu.memory_space<hbm>>
        tpu.enqueue_indirect_dma source(%dma_start3A_315 : memref<40000x128xf32, #tpu.memory_space<hbm>>) target(%arg11 : memref<64x128xf32, #tpu.memory_space<vmem>>) offsets(%dma_start3A_312 : memref<64xi32, #tpu.memory_space<vmem>>) semaphore(%arg17 : memref<!tpu.dma_semaphore, #tpu.memory_space<semaphore_mem>>)
      } else {
      }
      %add3A_223 = arith.constant 1 : i32
      %add3A_224 = arith.addi %add3A_188, %add3A_223 : i32
      %lt3A_225 = arith.constant 40 : i32
      %lt3A_226 = arith.cmpi slt, %add3A_224, %lt3A_225 : i32
      %convert_element_type3A_227 = arith.extui %lt3A_226 : i1 to i32
      %cond3A_228 = arith.constant 0 : i32
      %cond3A_229 = arith.cmpi ne, %convert_element_type3A_227, %cond3A_228 : i32
      scf.if %cond3A_229 {
        %add3A_302 = arith.constant 1 : i32
        %add3A_303 = arith.addi %add3A_188, %add3A_302 : i32
        %dma_start3A_304 = arith.constant 0 : i32
        %dma_start3A_305 = arith.constant 0 : i32
        %dma_start3A_306 = tpu.memref_slice %arg3[%add3A, %add3A_303, %dma_start3A_304, %dma_start3A_305] : memref<32x40x2x128xi32, #tpu.memory_space<hbm>> -> memref<1x1x2x128xi32, #tpu.memory_space<hbm>>
        %dma_start3A_307 = tpu.memref_squeeze %dma_start3A_306 : memref<1x1x2x128xi32, #tpu.memory_space<hbm>> -> memref<2x128xi32, #tpu.memory_space<hbm>>
        %dma_start3A_308 = arith.constant 0 : i32
        %dma_start3A_309 = arith.constant 0 : i32
        %dma_start3A_310 = tpu.memref_slice %arg3[%add3A, %add3A_303, %dma_start3A_308, %dma_start3A_309] : memref<32x40x2x128xi32, #tpu.memory_space<hbm>> -> memref<1x1x2x128xi32, #tpu.memory_space<hbm>>
        %dma_start3A_311 = tpu.memref_squeeze %dma_start3A_310 : memref<1x1x2x128xi32, #tpu.memory_space<hbm>> -> memref<2x128xi32, #tpu.memory_space<hbm>>
        tpu.enqueue_dma source(%dma_start3A_311 : memref<2x128xi32, #tpu.memory_space<hbm>>) target(%arg12 : memref<2x128xi32, #tpu.memory_space<vmem>>) target_semaphore(%arg22 : memref<!tpu.dma_semaphore, #tpu.memory_space<semaphore_mem>>)
      } else {
      }
      %dma_wait3A_230 = arith.constant 0 : i32
      %dma_wait3A_231 = arith.constant 0 : i32
      %dma_wait3A_232 = tpu.memref_slice %arg5[%dma_wait3A_230, %dma_wait3A_231] : memref<40000x128xf32, #tpu.memory_space<hbm>> -> memref<64x128xf32, #tpu.memory_space<hbm>>
      %dma_wait3A_233 = arith.constant 0 : i32
      %dma_wait3A_234 = arith.constant 0 : i32
      %dma_wait3A_235 = tpu.memref_slice %arg5[%dma_wait3A_233, %dma_wait3A_234] : memref<40000x128xf32, #tpu.memory_space<hbm>> -> memref<64x128xf32, #tpu.memory_space<hbm>>
      tpu.wait_dma2 semaphore(%arg15 : memref<!tpu.dma_semaphore, #tpu.memory_space<semaphore_mem>>) src(%dma_wait3A_235 : memref<64x128xf32, #tpu.memory_space<hbm>>) dst(%arg9 : memref<64x128xf32, #tpu.memory_space<vmem>>)
      %dma_start3A_236 = arith.constant 0 : i32
      %dma_start3A_237 = arith.constant 64 : i32
      %dma_start3A_238 = tpu.memref_slice %arg13[%dma_start3A_236, %dma_start3A_237] : memref<2x128xi32, #tpu.memory_space<vmem>> -> memref<1x64xi32, #tpu.memory_space<vmem>>
      %dma_start3A_239 = tpu.memref_squeeze %dma_start3A_238 : memref<1x64xi32, #tpu.memory_space<vmem>> -> memref<64xi32, #tpu.memory_space<vmem>>
      %dma_start3A_240 = arith.constant 0 : i32
      %dma_start3A_241 = arith.constant 0 : i32
      %dma_start3A_242 = tpu.memref_slice %arg24[%dma_start3A_240, %dma_start3A_241] : memref<10112x128xf32, #tpu.memory_space<vmem_shared>> -> memref<10112x128xf32, #tpu.memory_space<vmem_shared>>
      tpu.enqueue_indirect_dma source(%arg9 : memref<64x128xf32, #tpu.memory_space<vmem>>) target(%dma_start3A_242 : memref<10112x128xf32, #tpu.memory_space<vmem_shared>>) offsets(%dma_start3A_239 : memref<64xi32, #tpu.memory_space<vmem>>) semaphore(%arg19 : memref<!tpu.dma_semaphore, #tpu.memory_space<semaphore_mem>>) {add = true}
      %mul3A_243 = arith.constant 4 : i32
      %mul3A_244 = arith.muli %mul3A_243, %add3A_188 : i32
      %add3A_245 = arith.constant 1 : i32
      %add3A_246 = arith.addi %mul3A_244, %add3A_245 : i32
      %add3A_247 = arith.constant 3 : i32
      %add3A_248 = arith.addi %add3A_246, %add3A_247 : i32
      %lt3A_249 = arith.constant 160 : i32
      %lt3A_250 = arith.cmpi slt, %add3A_248, %lt3A_249 : i32
      %convert_element_type3A_251 = arith.extui %lt3A_250 : i1 to i32
      %cond3A_252 = arith.constant 0 : i32
      %cond3A_253 = arith.cmpi ne, %convert_element_type3A_251, %cond3A_252 : i32
      scf.if %cond3A_253 {
        %ge3A = arith.constant 4 : i32
        %ge3A_302 = arith.cmpi sge, %add3A_248, %ge3A : i32
        %convert_element_type3A_303 = arith.extui %ge3A_302 : i1 to i32
        %cond3A_304 = arith.constant 0 : i32
        %cond3A_305 = arith.cmpi ne, %convert_element_type3A_303, %cond3A_304 : i32
        scf.if %cond3A_305 {
          %dma_wait3A_316 = arith.constant 0 : i32
          %dma_wait3A_317 = arith.constant 0 : i32
          %dma_wait3A_318 = tpu.memref_slice %arg5[%dma_wait3A_316, %dma_wait3A_317] : memref<40000x128xf32, #tpu.memory_space<hbm>> -> memref<64x128xf32, #tpu.memory_space<hbm>>
          %dma_wait3A_319 = arith.constant 0 : i32
          %dma_wait3A_320 = arith.constant 0 : i32
          %dma_wait3A_321 = tpu.memref_slice %arg5[%dma_wait3A_319, %dma_wait3A_320] : memref<40000x128xf32, #tpu.memory_space<hbm>> -> memref<64x128xf32, #tpu.memory_space<hbm>>
          tpu.wait_dma2 semaphore(%arg18 : memref<!tpu.dma_semaphore, #tpu.memory_space<semaphore_mem>>) src(%dma_wait3A_321 : memref<64x128xf32, #tpu.memory_space<hbm>>) dst(%arg8 : memref<64x128xf32, #tpu.memory_space<vmem>>)
        } else {
        }
        %mul3A_306 = arith.constant 2 : i32
        %mul3A_307 = arith.muli %mul3A_306, %add3A_188 : i32
        %add3A_308 = arith.constant 2 : i32
        %add3A_309 = arith.addi %mul3A_307, %add3A_308 : i32
        %dma_start3A_310 = arith.constant 0 : i32
        %dma_start3A_311 = tpu.memref_slice %arg7[%add3A_309, %dma_start3A_310] : memref<80x128xi32, #tpu.memory_space<vmem>> -> memref<1x64xi32, #tpu.memory_space<vmem>>
        %dma_start3A_312 = tpu.memref_squeeze %dma_start3A_311 : memref<1x64xi32, #tpu.memory_space<vmem>> -> memref<64xi32, #tpu.memory_space<vmem>>
        %dma_start3A_313 = arith.constant 0 : i32
        %dma_start3A_314 = arith.constant 0 : i32
        %dma_start3A_315 = tpu.memref_slice %arg5[%dma_start3A_313, %dma_start3A_314] : memref<40000x128xf32, #tpu.memory_space<hbm>> -> memref<40000x128xf32, #tpu.memory_space<hbm>>
        tpu.enqueue_indirect_dma source(%dma_start3A_315 : memref<40000x128xf32, #tpu.memory_space<hbm>>) target(%arg8 : memref<64x128xf32, #tpu.memory_space<vmem>>) offsets(%dma_start3A_312 : memref<64xi32, #tpu.memory_space<vmem>>) semaphore(%arg14 : memref<!tpu.dma_semaphore, #tpu.memory_space<semaphore_mem>>)
      } else {
      }
      %dma_wait3A_254 = arith.constant 0 : i32
      %dma_wait3A_255 = arith.constant 0 : i32
      %dma_wait3A_256 = tpu.memref_slice %arg5[%dma_wait3A_254, %dma_wait3A_255] : memref<40000x128xf32, #tpu.memory_space<hbm>> -> memref<64x128xf32, #tpu.memory_space<hbm>>
      %dma_wait3A_257 = arith.constant 0 : i32
      %dma_wait3A_258 = arith.constant 0 : i32
      %dma_wait3A_259 = tpu.memref_slice %arg5[%dma_wait3A_257, %dma_wait3A_258] : memref<40000x128xf32, #tpu.memory_space<hbm>> -> memref<64x128xf32, #tpu.memory_space<hbm>>
      tpu.wait_dma2 semaphore(%arg16 : memref<!tpu.dma_semaphore, #tpu.memory_space<semaphore_mem>>) src(%dma_wait3A_259 : memref<64x128xf32, #tpu.memory_space<hbm>>) dst(%arg10 : memref<64x128xf32, #tpu.memory_space<vmem>>)
      %dma_start3A_260 = arith.constant 1 : i32
      %dma_start3A_261 = arith.constant 0 : i32
      %dma_start3A_262 = tpu.memref_slice %arg13[%dma_start3A_260, %dma_start3A_261] : memref<2x128xi32, #tpu.memory_space<vmem>> -> memref<1x64xi32, #tpu.memory_space<vmem>>
      %dma_start3A_263 = tpu.memref_squeeze %dma_start3A_262 : memref<1x64xi32, #tpu.memory_space<vmem>> -> memref<64xi32, #tpu.memory_space<vmem>>
      %dma_start3A_264 = arith.constant 0 : i32
      %dma_start3A_265 = arith.constant 0 : i32
      %dma_start3A_266 = tpu.memref_slice %arg24[%dma_start3A_264, %dma_start3A_265] : memref<10112x128xf32, #tpu.memory_space<vmem_shared>> -> memref<10112x128xf32, #tpu.memory_space<vmem_shared>>
      tpu.enqueue_indirect_dma source(%arg10 : memref<64x128xf32, #tpu.memory_space<vmem>>) target(%dma_start3A_266 : memref<10112x128xf32, #tpu.memory_space<vmem_shared>>) offsets(%dma_start3A_263 : memref<64xi32, #tpu.memory_space<vmem>>) semaphore(%arg20 : memref<!tpu.dma_semaphore, #tpu.memory_space<semaphore_mem>>) {add = true}
      %mul3A_267 = arith.constant 4 : i32
      %mul3A_268 = arith.muli %mul3A_267, %add3A_188 : i32
      %add3A_269 = arith.constant 2 : i32
      %add3A_270 = arith.addi %mul3A_268, %add3A_269 : i32
      %add3A_271 = arith.constant 3 : i32
      %add3A_272 = arith.addi %add3A_270, %add3A_271 : i32
      %lt3A_273 = arith.constant 160 : i32
      %lt3A_274 = arith.cmpi slt, %add3A_272, %lt3A_273 : i32
      %convert_element_type3A_275 = arith.extui %lt3A_274 : i1 to i32
      %cond3A_276 = arith.constant 0 : i32
      %cond3A_277 = arith.cmpi ne, %convert_element_type3A_275, %cond3A_276 : i32
      scf.if %cond3A_277 {
        %ge3A = arith.constant 4 : i32
        %ge3A_302 = arith.cmpi sge, %add3A_272, %ge3A : i32
        %convert_element_type3A_303 = arith.extui %ge3A_302 : i1 to i32
        %cond3A_304 = arith.constant 0 : i32
        %cond3A_305 = arith.cmpi ne, %convert_element_type3A_303, %cond3A_304 : i32
        scf.if %cond3A_305 {
          %dma_wait3A_316 = arith.constant 0 : i32
          %dma_wait3A_317 = arith.constant 0 : i32
          %dma_wait3A_318 = tpu.memref_slice %arg5[%dma_wait3A_316, %dma_wait3A_317] : memref<40000x128xf32, #tpu.memory_space<hbm>> -> memref<64x128xf32, #tpu.memory_space<hbm>>
          %dma_wait3A_319 = arith.constant 0 : i32
          %dma_wait3A_320 = arith.constant 0 : i32
          %dma_wait3A_321 = tpu.memref_slice %arg5[%dma_wait3A_319, %dma_wait3A_320] : memref<40000x128xf32, #tpu.memory_space<hbm>> -> memref<64x128xf32, #tpu.memory_space<hbm>>
          tpu.wait_dma2 semaphore(%arg19 : memref<!tpu.dma_semaphore, #tpu.memory_space<semaphore_mem>>) src(%dma_wait3A_321 : memref<64x128xf32, #tpu.memory_space<hbm>>) dst(%arg9 : memref<64x128xf32, #tpu.memory_space<vmem>>)
        } else {
        }
        %mul3A_306 = arith.constant 2 : i32
        %mul3A_307 = arith.muli %mul3A_306, %add3A_188 : i32
        %add3A_308 = arith.constant 2 : i32
        %add3A_309 = arith.addi %mul3A_307, %add3A_308 : i32
        %dma_start3A_310 = arith.constant 64 : i32
        %dma_start3A_311 = tpu.memref_slice %arg7[%add3A_309, %dma_start3A_310] : memref<80x128xi32, #tpu.memory_space<vmem>> -> memref<1x64xi32, #tpu.memory_space<vmem>>
        %dma_start3A_312 = tpu.memref_squeeze %dma_start3A_311 : memref<1x64xi32, #tpu.memory_space<vmem>> -> memref<64xi32, #tpu.memory_space<vmem>>
        %dma_start3A_313 = arith.constant 0 : i32
        %dma_start3A_314 = arith.constant 0 : i32
        %dma_start3A_315 = tpu.memref_slice %arg5[%dma_start3A_313, %dma_start3A_314] : memref<40000x128xf32, #tpu.memory_space<hbm>> -> memref<40000x128xf32, #tpu.memory_space<hbm>>
        tpu.enqueue_indirect_dma source(%dma_start3A_315 : memref<40000x128xf32, #tpu.memory_space<hbm>>) target(%arg9 : memref<64x128xf32, #tpu.memory_space<vmem>>) offsets(%dma_start3A_312 : memref<64xi32, #tpu.memory_space<vmem>>) semaphore(%arg15 : memref<!tpu.dma_semaphore, #tpu.memory_space<semaphore_mem>>)
      } else {
      }
      %dma_wait3A_278 = arith.constant 0 : i32
      %dma_wait3A_279 = arith.constant 0 : i32
      %dma_wait3A_280 = tpu.memref_slice %arg5[%dma_wait3A_278, %dma_wait3A_279] : memref<40000x128xf32, #tpu.memory_space<hbm>> -> memref<64x128xf32, #tpu.memory_space<hbm>>
      %dma_wait3A_281 = arith.constant 0 : i32
      %dma_wait3A_282 = arith.constant 0 : i32
      %dma_wait3A_283 = tpu.memref_slice %arg5[%dma_wait3A_281, %dma_wait3A_282] : memref<40000x128xf32, #tpu.memory_space<hbm>> -> memref<64x128xf32, #tpu.memory_space<hbm>>
      tpu.wait_dma2 semaphore(%arg17 : memref<!tpu.dma_semaphore, #tpu.memory_space<semaphore_mem>>) src(%dma_wait3A_283 : memref<64x128xf32, #tpu.memory_space<hbm>>) dst(%arg11 : memref<64x128xf32, #tpu.memory_space<vmem>>)
      %dma_start3A_284 = arith.constant 1 : i32
      %dma_start3A_285 = arith.constant 64 : i32
      %dma_start3A_286 = tpu.memref_slice %arg13[%dma_start3A_284, %dma_start3A_285] : memref<2x128xi32, #tpu.memory_space<vmem>> -> memref<1x64xi32, #tpu.memory_space<vmem>>
      %dma_start3A_287 = tpu.memref_squeeze %dma_start3A_286 : memref<1x64xi32, #tpu.memory_space<vmem>> -> memref<64xi32, #tpu.memory_space<vmem>>
      %dma_start3A_288 = arith.constant 0 : i32
      %dma_start3A_289 = arith.constant 0 : i32
      %dma_start3A_290 = tpu.memref_slice %arg24[%dma_start3A_288, %dma_start3A_289] : memref<10112x128xf32, #tpu.memory_space<vmem_shared>> -> memref<10112x128xf32, #tpu.memory_space<vmem_shared>>
      tpu.enqueue_indirect_dma source(%arg11 : memref<64x128xf32, #tpu.memory_space<vmem>>) target(%dma_start3A_290 : memref<10112x128xf32, #tpu.memory_space<vmem_shared>>) offsets(%dma_start3A_287 : memref<64xi32, #tpu.memory_space<vmem>>) semaphore(%arg21 : memref<!tpu.dma_semaphore, #tpu.memory_space<semaphore_mem>>) {add = true}
      %mul3A_291 = arith.constant 4 : i32
      %mul3A_292 = arith.muli %mul3A_291, %add3A_188 : i32
      %add3A_293 = arith.constant 3 : i32
      %add3A_294 = arith.addi %mul3A_292, %add3A_293 : i32
      %add3A_295 = arith.constant 3 : i32
      %add3A_296 = arith.addi %add3A_294, %add3A_295 : i32
      %lt3A_297 = arith.constant 160 : i32
      %lt3A_298 = arith.cmpi slt, %add3A_296, %lt3A_297 : i32
      %convert_element_type3A_299 = arith.extui %lt3A_298 : i1 to i32
      %cond3A_300 = arith.constant 0 : i32
      %cond3A_301 = arith.cmpi ne, %convert_element_type3A_299, %cond3A_300 : i32
      scf.if %cond3A_301 {
        %ge3A = arith.constant 4 : i32
        %ge3A_302 = arith.cmpi sge, %add3A_296, %ge3A : i32
        %convert_element_type3A_303 = arith.extui %ge3A_302 : i1 to i32
        %cond3A_304 = arith.constant 0 : i32
        %cond3A_305 = arith.cmpi ne, %convert_element_type3A_303, %cond3A_304 : i32
        scf.if %cond3A_305 {
          %dma_wait3A_316 = arith.constant 0 : i32
          %dma_wait3A_317 = arith.constant 0 : i32
          %dma_wait3A_318 = tpu.memref_slice %arg5[%dma_wait3A_316, %dma_wait3A_317] : memref<40000x128xf32, #tpu.memory_space<hbm>> -> memref<64x128xf32, #tpu.memory_space<hbm>>
          %dma_wait3A_319 = arith.constant 0 : i32
          %dma_wait3A_320 = arith.constant 0 : i32
          %dma_wait3A_321 = tpu.memref_slice %arg5[%dma_wait3A_319, %dma_wait3A_320] : memref<40000x128xf32, #tpu.memory_space<hbm>> -> memref<64x128xf32, #tpu.memory_space<hbm>>
          tpu.wait_dma2 semaphore(%arg20 : memref<!tpu.dma_semaphore, #tpu.memory_space<semaphore_mem>>) src(%dma_wait3A_321 : memref<64x128xf32, #tpu.memory_space<hbm>>) dst(%arg10 : memref<64x128xf32, #tpu.memory_space<vmem>>)
        } else {
        }
        %mul3A_306 = arith.constant 2 : i32
        %mul3A_307 = arith.muli %mul3A_306, %add3A_188 : i32
        %add3A_308 = arith.constant 3 : i32
        %add3A_309 = arith.addi %mul3A_307, %add3A_308 : i32
        %dma_start3A_310 = arith.constant 0 : i32
        %dma_start3A_311 = tpu.memref_slice %arg7[%add3A_309, %dma_start3A_310] : memref<80x128xi32, #tpu.memory_space<vmem>> -> memref<1x64xi32, #tpu.memory_space<vmem>>
        %dma_start3A_312 = tpu.memref_squeeze %dma_start3A_311 : memref<1x64xi32, #tpu.memory_space<vmem>> -> memref<64xi32, #tpu.memory_space<vmem>>
        %dma_start3A_313 = arith.constant 0 : i32
        %dma_start3A_314 = arith.constant 0 : i32
        %dma_start3A_315 = tpu.memref_slice %arg5[%dma_start3A_313, %dma_start3A_314] : memref<40000x128xf32, #tpu.memory_space<hbm>> -> memref<40000x128xf32, #tpu.memory_space<hbm>>
        tpu.enqueue_indirect_dma source(%dma_start3A_315 : memref<40000x128xf32, #tpu.memory_space<hbm>>) target(%arg10 : memref<64x128xf32, #tpu.memory_space<vmem>>) offsets(%dma_start3A_312 : memref<64xi32, #tpu.memory_space<vmem>>) semaphore(%arg16 : memref<!tpu.dma_semaphore, #tpu.memory_space<semaphore_mem>>)
      } else {
      }
    }
    %scan3A_38 = arith.constant 20 : i32
    %dma_wait3A = arith.constant 0 : i32
    %dma_wait3A_39 = arith.constant 0 : i32
    %dma_wait3A_40 = tpu.memref_slice %arg5[%dma_wait3A, %dma_wait3A_39] : memref<40000x128xf32, #tpu.memory_space<hbm>> -> memref<64x128xf32, #tpu.memory_space<hbm>>
    %dma_wait3A_41 = arith.constant 0 : i32
    %dma_wait3A_42 = arith.constant 0 : i32
    %dma_wait3A_43 = tpu.memref_slice %arg5[%dma_wait3A_41, %dma_wait3A_42] : memref<40000x128xf32, #tpu.memory_space<hbm>> -> memref<64x128xf32, #tpu.memory_space<hbm>>
    tpu.wait_dma2 semaphore(%arg18 : memref<!tpu.dma_semaphore, #tpu.memory_space<semaphore_mem>>) src(%dma_wait3A_43 : memref<64x128xf32, #tpu.memory_space<hbm>>) dst(%arg8 : memref<64x128xf32, #tpu.memory_space<vmem>>)
    %dma_wait3A_44 = arith.constant 0 : i32
    %dma_wait3A_45 = arith.constant 0 : i32
    %dma_wait3A_46 = tpu.memref_slice %arg5[%dma_wait3A_44, %dma_wait3A_45] : memref<40000x128xf32, #tpu.memory_space<hbm>> -> memref<64x128xf32, #tpu.memory_space<hbm>>
    %dma_wait3A_47 = arith.constant 0 : i32
    %dma_wait3A_48 = arith.constant 0 : i32
    %dma_wait3A_49 = tpu.memref_slice %arg5[%dma_wait3A_47, %dma_wait3A_48] : memref<40000x128xf32, #tpu.memory_space<hbm>> -> memref<64x128xf32, #tpu.memory_space<hbm>>
    tpu.wait_dma2 semaphore(%arg19 : memref<!tpu.dma_semaphore, #tpu.memory_space<semaphore_mem>>) src(%dma_wait3A_49 : memref<64x128xf32, #tpu.memory_space<hbm>>) dst(%arg9 : memref<64x128xf32, #tpu.memory_space<vmem>>)
    %dma_wait3A_50 = arith.constant 0 : i32
    %dma_wait3A_51 = arith.constant 0 : i32
    %dma_wait3A_52 = tpu.memref_slice %arg5[%dma_wait3A_50, %dma_wait3A_51] : memref<40000x128xf32, #tpu.memory_space<hbm>> -> memref<64x128xf32, #tpu.memory_space<hbm>>
    %dma_wait3A_53 = arith.constant 0 : i32
    %dma_wait3A_54 = arith.constant 0 : i32
    %dma_wait3A_55 = tpu.memref_slice %arg5[%dma_wait3A_53, %dma_wait3A_54] : memref<40000x128xf32, #tpu.memory_space<hbm>> -> memref<64x128xf32, #tpu.memory_space<hbm>>
    tpu.wait_dma2 semaphore(%arg20 : memref<!tpu.dma_semaphore, #tpu.memory_space<semaphore_mem>>) src(%dma_wait3A_55 : memref<64x128xf32, #tpu.memory_space<hbm>>) dst(%arg10 : memref<64x128xf32, #tpu.memory_space<vmem>>)
    %dma_wait3A_56 = arith.constant 0 : i32
    %dma_wait3A_57 = arith.constant 0 : i32
    %dma_wait3A_58 = tpu.memref_slice %arg5[%dma_wait3A_56, %dma_wait3A_57] : memref<40000x128xf32, #tpu.memory_space<hbm>> -> memref<64x128xf32, #tpu.memory_space<hbm>>
    %dma_wait3A_59 = arith.constant 0 : i32
    %dma_wait3A_60 = arith.constant 0 : i32
    %dma_wait3A_61 = tpu.memref_slice %arg5[%dma_wait3A_59, %dma_wait3A_60] : memref<40000x128xf32, #tpu.memory_space<hbm>> -> memref<64x128xf32, #tpu.memory_space<hbm>>
    tpu.wait_dma2 semaphore(%arg21 : memref<!tpu.dma_semaphore, #tpu.memory_space<semaphore_mem>>) src(%dma_wait3A_61 : memref<64x128xf32, #tpu.memory_space<hbm>>) dst(%arg11 : memref<64x128xf32, #tpu.memory_space<vmem>>)
    %barrier3A_62 = arith.constant 0 : index
    tpu.barrier barrier_id(%barrier3A_62)
    %lt3A = arith.constant 15 : i32
    %lt3A_63 = arith.cmpi slt, %arg1, %lt3A : i32
    %convert_element_type3A = arith.extui %lt3A_63 : i1 to i32
    %cond3A = arith.constant 0 : i32
    %cond3A_64 = arith.cmpi ne, %convert_element_type3A, %cond3A : i32
    scf.if %cond3A_64 {
      %mul3A_69 = arith.constant 640 : i32
      %mul3A_70 = arith.muli %arg1, %mul3A_69 : i32
      %mul3A_71 = arith.constant 640 : i32
      %mul3A_72 = arith.muli %arg1, %mul3A_71 : i32
      "tpu.region"() ({
        %run_scoped3A = tpu.sem_alloc : memref<!tpu.dma_semaphore, #tpu.memory_space<semaphore_mem>>
        %dma_start3A_73 = arith.constant 0 : i32
        %dma_start3A_74 = tpu.memref_slice %arg6[%arg0, %mul3A_72, %dma_start3A_73] : memref<2x10000x128xf32, #tpu.memory_space<hbm>> -> memref<1x640x128xf32, #tpu.memory_space<hbm>>
        %dma_start3A_75 = tpu.memref_squeeze %dma_start3A_74 : memref<1x640x128xf32, #tpu.memory_space<hbm>> -> memref<640x128xf32, #tpu.memory_space<hbm>>
        %dma_start3A_76 = arith.constant 0 : i32
        %dma_start3A_77 = tpu.memref_slice %arg24[%mul3A_70, %dma_start3A_76] : memref<10112x128xf32, #tpu.memory_space<vmem_shared>> -> memref<640x128xf32, #tpu.memory_space<vmem_shared>>
        tpu.enqueue_dma source(%dma_start3A_77 : memref<640x128xf32, #tpu.memory_space<vmem_shared>>) target(%dma_start3A_75 : memref<640x128xf32, #tpu.memory_space<hbm>>) target_semaphore(%run_scoped3A : memref<!tpu.dma_semaphore, #tpu.memory_space<semaphore_mem>>)
        %dma_wait3A_78 = arith.constant 0 : i32
        %dma_wait3A_79 = tpu.memref_slice %arg6[%arg0, %mul3A_72, %dma_wait3A_78] : memref<2x10000x128xf32, #tpu.memory_space<hbm>> -> memref<1x640x128xf32, #tpu.memory_space<hbm>>
        %dma_wait3A_80 = tpu.memref_squeeze %dma_wait3A_79 : memref<1x640x128xf32, #tpu.memory_space<hbm>> -> memref<640x128xf32, #tpu.memory_space<hbm>>
        %dma_wait3A_81 = arith.constant 0 : i32
        %dma_wait3A_82 = tpu.memref_slice %arg24[%mul3A_70, %dma_wait3A_81] : memref<10112x128xf32, #tpu.memory_space<vmem_shared>> -> memref<640x128xf32, #tpu.memory_space<vmem_shared>>
        tpu.wait_dma2 semaphore(%run_scoped3A : memref<!tpu.dma_semaphore, #tpu.memory_space<semaphore_mem>>) src(%dma_wait3A_82 : memref<640x128xf32, #tpu.memory_space<vmem_shared>>) dst(%dma_wait3A_80 : memref<640x128xf32, #tpu.memory_space<hbm>>)
        tpu.yield
      }) : () -> ()
    } else {
    }
    %eq3A = arith.constant 15 : i32
    %eq3A_65 = arith.cmpi eq, %arg1, %eq3A : i32
    %convert_element_type3A_66 = arith.extui %eq3A_65 : i1 to i32
    %cond3A_67 = arith.constant 0 : i32
    %cond3A_68 = arith.cmpi ne, %convert_element_type3A_66, %cond3A_67 : i32
    scf.if %cond3A_68 {
      "tpu.region"() ({
        %run_scoped3A = tpu.sem_alloc : memref<!tpu.dma_semaphore, #tpu.memory_space<semaphore_mem>>
        %dma_start3A_69 = arith.constant 9600 : i32
        %dma_start3A_70 = arith.constant 0 : i32
        %dma_start3A_71 = tpu.memref_slice %arg6[%arg0, %dma_start3A_69, %dma_start3A_70] : memref<2x10000x128xf32, #tpu.memory_space<hbm>> -> memref<1x400x128xf32, #tpu.memory_space<hbm>>
        %dma_start3A_72 = tpu.memref_squeeze %dma_start3A_71 : memref<1x400x128xf32, #tpu.memory_space<hbm>> -> memref<400x128xf32, #tpu.memory_space<hbm>>
        %dma_start3A_73 = arith.constant 9600 : i32
        %dma_start3A_74 = arith.constant 0 : i32
        %dma_start3A_75 = tpu.memref_slice %arg24[%dma_start3A_73, %dma_start3A_74] : memref<10112x128xf32, #tpu.memory_space<vmem_shared>> -> memref<400x128xf32, #tpu.memory_space<vmem_shared>>
        tpu.enqueue_dma source(%dma_start3A_75 : memref<400x128xf32, #tpu.memory_space<vmem_shared>>) target(%dma_start3A_72 : memref<400x128xf32, #tpu.memory_space<hbm>>) target_semaphore(%run_scoped3A : memref<!tpu.dma_semaphore, #tpu.memory_space<semaphore_mem>>)
        %dma_wait3A_76 = arith.constant 9600 : i32
        %dma_wait3A_77 = arith.constant 0 : i32
        %dma_wait3A_78 = tpu.memref_slice %arg6[%arg0, %dma_wait3A_76, %dma_wait3A_77] : memref<2x10000x128xf32, #tpu.memory_space<hbm>> -> memref<1x400x128xf32, #tpu.memory_space<hbm>>
        %dma_wait3A_79 = tpu.memref_squeeze %dma_wait3A_78 : memref<1x400x128xf32, #tpu.memory_space<hbm>> -> memref<400x128xf32, #tpu.memory_space<hbm>>
        %dma_wait3A_80 = arith.constant 9600 : i32
        %dma_wait3A_81 = arith.constant 0 : i32
        %dma_wait3A_82 = tpu.memref_slice %arg24[%dma_wait3A_80, %dma_wait3A_81] : memref<10112x128xf32, #tpu.memory_space<vmem_shared>> -> memref<400x128xf32, #tpu.memory_space<vmem_shared>>
        tpu.wait_dma2 semaphore(%run_scoped3A : memref<!tpu.dma_semaphore, #tpu.memory_space<semaphore_mem>>) src(%dma_wait3A_82 : memref<400x128xf32, #tpu.memory_space<vmem_shared>>) dst(%dma_wait3A_79 : memref<400x128xf32, #tpu.memory_space<hbm>>)
        tpu.yield
      }) : () -> ()
    } else {
    }
    return
  }
}

#map = affine_map<(d0, d1) -> (0, 0, 0)>
#map1 = affine_map<(d0, d1) -> (0, 0, 0, 0)>
#map2 = affine_map<(d0, d1) -> (0, 0)>
module attributes {stable_mosaic.version = 14 : i64} {
  func.func @_sc_scatter_body(%arg0: i32, %arg1: i32, %arg2: memref<32x80x128xi32, #tpu.memory_space<hbm>>, %arg3: memref<32x40x2x128xi32, #tpu.memory_space<hbm>>, %arg4: memref<10112x128xf32, #tpu.memory_space<hbm>>, %arg5: memref<40000x128xf32, #tpu.memory_space<hbm>>, %arg6: memref<2x10000x128xf32, #tpu.memory_space<hbm>>, %arg7: memref<80x128xi32, #tpu.memory_space<vmem>>, %arg8: memref<64x128xf32, #tpu.memory_space<vmem>>, %arg9: memref<64x128xf32, #tpu.memory_space<vmem>>, %arg10: memref<64x128xf32, #tpu.memory_space<vmem>>, %arg11: memref<64x128xf32, #tpu.memory_space<vmem>>, %arg12: memref<2x128xi32, #tpu.memory_space<vmem>>, %arg13: memref<2x128xi32, #tpu.memory_space<vmem>>, %arg14: memref<!tpu.dma_semaphore, #tpu.memory_space<semaphore_mem>>, %arg15: memref<!tpu.dma_semaphore, #tpu.memory_space<semaphore_mem>>, %arg16: memref<!tpu.dma_semaphore, #tpu.memory_space<semaphore_mem>>, %arg17: memref<!tpu.dma_semaphore, #tpu.memory_space<semaphore_mem>>, %arg18: memref<!tpu.dma_semaphore, #tpu.memory_space<semaphore_mem>>, %arg19: memref<!tpu.dma_semaphore, #tpu.memory_space<semaphore_mem>>, %arg20: memref<!tpu.dma_semaphore, #tpu.memory_space<semaphore_mem>>, %arg21: memref<!tpu.dma_semaphore, #tpu.memory_space<semaphore_mem>>, %arg22: memref<!tpu.dma_semaphore, #tpu.memory_space<semaphore_mem>>, %arg23: memref<!tpu.dma_semaphore, #tpu.memory_space<semaphore_mem>>, %arg24: memref<10112x128xf32, #tpu.memory_space<vmem_shared>>) attributes {dimension_semantics = [#tpu.dimension_semantics<core_parallel>, #tpu.dimension_semantics<subcore_parallel>], iteration_bounds = array<i64: 2, 16>, scalar_prefetch = 0 : i64, scratch_operands = 18 : i64, tpu.core_type = #tpu.core_type<sc_vector_subcore>, window_params = [{transform_indices = #map}, {transform_indices = #map1}, {transform_indices = #map2}, {transform_indices = #map2}, {transform_indices = #map}]} {
    %mul3A = arith.constant 16 : i32
    %mul3A_0 = arith.muli %arg0, %mul3A : i32
    %add3A = arith.addi %mul3A_0, %arg1 : i32
    %mul3A_1 = arith.constant 632 : i32
    %mul3A_2 = arith.muli %arg1, %mul3A_1 : i32
    %mul3A_3 = arith.constant 632 : i32
    %mul3A_4 = arith.muli %arg1, %mul3A_3 : i32
    "tpu.region"() ({
      %run_scoped3A = tpu.sem_alloc : memref<!tpu.dma_semaphore, #tpu.memory_space<semaphore_mem>>
      %dma_start3A_69 = arith.constant 0 : i32
      %dma_start3A_70 = tpu.memref_slice %arg24[%mul3A_4, %dma_start3A_69] : memref<10112x128xf32, #tpu.memory_space<vmem_shared>> -> memref<632x128xf32, #tpu.memory_space<vmem_shared>>
      %dma_start3A_71 = arith.constant 0 : i32
      %dma_start3A_72 = tpu.memref_slice %arg4[%mul3A_2, %dma_start3A_71] : memref<10112x128xf32, #tpu.memory_space<hbm>> -> memref<632x128xf32, #tpu.memory_space<hbm>>
      tpu.enqueue_dma source(%dma_start3A_72 : memref<632x128xf32, #tpu.memory_space<hbm>>) target(%dma_start3A_70 : memref<632x128xf32, #tpu.memory_space<vmem_shared>>) target_semaphore(%run_scoped3A : memref<!tpu.dma_semaphore, #tpu.memory_space<semaphore_mem>>)
      %dma_wait3A_73 = arith.constant 0 : i32
      %dma_wait3A_74 = tpu.memref_slice %arg24[%mul3A_4, %dma_wait3A_73] : memref<10112x128xf32, #tpu.memory_space<vmem_shared>> -> memref<632x128xf32, #tpu.memory_space<vmem_shared>>
      %dma_wait3A_75 = arith.constant 0 : i32
      %dma_wait3A_76 = tpu.memref_slice %arg4[%mul3A_2, %dma_wait3A_75] : memref<10112x128xf32, #tpu.memory_space<hbm>> -> memref<632x128xf32, #tpu.memory_space<hbm>>
      tpu.wait_dma2 semaphore(%run_scoped3A : memref<!tpu.dma_semaphore, #tpu.memory_space<semaphore_mem>>) src(%dma_wait3A_76 : memref<632x128xf32, #tpu.memory_space<hbm>>) dst(%dma_wait3A_74 : memref<632x128xf32, #tpu.memory_space<vmem_shared>>)
      tpu.yield
    }) : () -> ()
    "tpu.region"() ({
      %run_scoped3A = tpu.sem_alloc : memref<!tpu.dma_semaphore, #tpu.memory_space<semaphore_mem>>
      %dma_start3A_69 = arith.constant 0 : i32
      %dma_start3A_70 = arith.constant 0 : i32
      %dma_start3A_71 = tpu.memref_slice %arg2[%add3A, %dma_start3A_69, %dma_start3A_70] : memref<32x80x128xi32, #tpu.memory_space<hbm>> -> memref<1x80x128xi32, #tpu.memory_space<hbm>>
      %dma_start3A_72 = tpu.memref_squeeze %dma_start3A_71 : memref<1x80x128xi32, #tpu.memory_space<hbm>> -> memref<80x128xi32, #tpu.memory_space<hbm>>
      %dma_start3A_73 = arith.constant 0 : i32
      %dma_start3A_74 = arith.constant 0 : i32
      %dma_start3A_75 = tpu.memref_slice %arg2[%add3A, %dma_start3A_73, %dma_start3A_74] : memref<32x80x128xi32, #tpu.memory_space<hbm>> -> memref<1x80x128xi32, #tpu.memory_space<hbm>>
      %dma_start3A_76 = tpu.memref_squeeze %dma_start3A_75 : memref<1x80x128xi32, #tpu.memory_space<hbm>> -> memref<80x128xi32, #tpu.memory_space<hbm>>
      tpu.enqueue_dma source(%dma_start3A_76 : memref<80x128xi32, #tpu.memory_space<hbm>>) target(%arg7 : memref<80x128xi32, #tpu.memory_space<vmem>>) target_semaphore(%run_scoped3A : memref<!tpu.dma_semaphore, #tpu.memory_space<semaphore_mem>>)
      %dma_wait3A_77 = arith.constant 0 : i32
      %dma_wait3A_78 = arith.constant 0 : i32
      %dma_wait3A_79 = tpu.memref_slice %arg2[%add3A, %dma_wait3A_77, %dma_wait3A_78] : memref<32x80x128xi32, #tpu.memory_space<hbm>> -> memref<1x80x128xi32, #tpu.memory_space<hbm>>
      %dma_wait3A_80 = tpu.memref_squeeze %dma_wait3A_79 : memref<1x80x128xi32, #tpu.memory_space<hbm>> -> memref<80x128xi32, #tpu.memory_space<hbm>>
      %dma_wait3A_81 = arith.constant 0 : i32
      %dma_wait3A_82 = arith.constant 0 : i32
      %dma_wait3A_83 = tpu.memref_slice %arg2[%add3A, %dma_wait3A_81, %dma_wait3A_82] : memref<32x80x128xi32, #tpu.memory_space<hbm>> -> memref<1x80x128xi32, #tpu.memory_space<hbm>>
      %dma_wait3A_84 = tpu.memref_squeeze %dma_wait3A_83 : memref<1x80x128xi32, #tpu.memory_space<hbm>> -> memref<80x128xi32, #tpu.memory_space<hbm>>
      tpu.wait_dma2 semaphore(%run_scoped3A : memref<!tpu.dma_semaphore, #tpu.memory_space<semaphore_mem>>) src(%dma_wait3A_84 : memref<80x128xi32, #tpu.memory_space<hbm>>) dst(%arg7 : memref<80x128xi32, #tpu.memory_space<vmem>>)
      tpu.yield
    }) : () -> ()
    %barrier3A = arith.constant 0 : index
    tpu.barrier barrier_id(%barrier3A)
    %dma_start3A = arith.constant 0 : i32
    %dma_start3A_5 = arith.constant 0 : i32
    %dma_start3A_6 = arith.constant 0 : i32
    %dma_start3A_7 = tpu.memref_slice %arg3[%add3A, %dma_start3A, %dma_start3A_5, %dma_start3A_6] : memref<32x40x2x128xi32, #tpu.memory_space<hbm>> -> memref<1x1x2x128xi32, #tpu.memory_space<hbm>>
    %dma_start3A_8 = tpu.memref_squeeze %dma_start3A_7 : memref<1x1x2x128xi32, #tpu.memory_space<hbm>> -> memref<2x128xi32, #tpu.memory_space<hbm>>
    %dma_start3A_9 = arith.constant 0 : i32
    %dma_start3A_10 = arith.constant 0 : i32
    %dma_start3A_11 = tpu.memref_slice %arg3[%add3A, %dma_start3A, %dma_start3A_9, %dma_start3A_10] : memref<32x40x2x128xi32, #tpu.memory_space<hbm>> -> memref<1x1x2x128xi32, #tpu.memory_space<hbm>>
    %dma_start3A_12 = tpu.memref_squeeze %dma_start3A_11 : memref<1x1x2x128xi32, #tpu.memory_space<hbm>> -> memref<2x128xi32, #tpu.memory_space<hbm>>
    tpu.enqueue_dma source(%dma_start3A_12 : memref<2x128xi32, #tpu.memory_space<hbm>>) target(%arg12 : memref<2x128xi32, #tpu.memory_space<vmem>>) target_semaphore(%arg22 : memref<!tpu.dma_semaphore, #tpu.memory_space<semaphore_mem>>)
    %dma_start3A_13 = arith.constant 0 : i32
    %dma_start3A_14 = arith.constant 0 : i32
    %dma_start3A_15 = tpu.memref_slice %arg7[%dma_start3A_13, %dma_start3A_14] : memref<80x128xi32, #tpu.memory_space<vmem>> -> memref<1x64xi32, #tpu.memory_space<vmem>>
    %dma_start3A_16 = tpu.memref_squeeze %dma_start3A_15 : memref<1x64xi32, #tpu.memory_space<vmem>> -> memref<64xi32, #tpu.memory_space<vmem>>
    %dma_start3A_17 = arith.constant 0 : i32
    %dma_start3A_18 = arith.constant 0 : i32
    %dma_start3A_19 = tpu.memref_slice %arg5[%dma_start3A_17, %dma_start3A_18] : memref<40000x128xf32, #tpu.memory_space<hbm>> -> memref<40000x128xf32, #tpu.memory_space<hbm>>
    tpu.enqueue_indirect_dma source(%dma_start3A_19 : memref<40000x128xf32, #tpu.memory_space<hbm>>) target(%arg8 : memref<64x128xf32, #tpu.memory_space<vmem>>) offsets(%dma_start3A_16 : memref<64xi32, #tpu.memory_space<vmem>>) semaphore(%arg14 : memref<!tpu.dma_semaphore, #tpu.memory_space<semaphore_mem>>)
    %dma_start3A_20 = arith.constant 0 : i32
    %dma_start3A_21 = arith.constant 64 : i32
    %dma_start3A_22 = tpu.memref_slice %arg7[%dma_start3A_20, %dma_start3A_21] : memref<80x128xi32, #tpu.memory_space<vmem>> -> memref<1x64xi32, #tpu.memory_space<vmem>>
    %dma_start3A_23 = tpu.memref_squeeze %dma_start3A_22 : memref<1x64xi32, #tpu.memory_space<vmem>> -> memref<64xi32, #tpu.memory_space<vmem>>
    %dma_start3A_24 = arith.constant 0 : i32
    %dma_start3A_25 = arith.constant 0 : i32
    %dma_start3A_26 = tpu.memref_slice %arg5[%dma_start3A_24, %dma_start3A_25] : memref<40000x128xf32, #tpu.memory_space<hbm>> -> memref<40000x128xf32, #tpu.memory_space<hbm>>
    tpu.enqueue_indirect_dma source(%dma_start3A_26 : memref<40000x128xf32, #tpu.memory_space<hbm>>) target(%arg9 : memref<64x128xf32, #tpu.memory_space<vmem>>) offsets(%dma_start3A_23 : memref<64xi32, #tpu.memory_space<vmem>>) semaphore(%arg15 : memref<!tpu.dma_semaphore, #tpu.memory_space<semaphore_mem>>)
    %dma_start3A_27 = arith.constant 1 : i32
    %dma_start3A_28 = arith.constant 0 : i32
    %dma_start3A_29 = tpu.memref_slice %arg7[%dma_start3A_27, %dma_start3A_28] : memref<80x128xi32, #tpu.memory_space<vmem>> -> memref<1x64xi32, #tpu.memory_space<vmem>>
    %dma_start3A_30 = tpu.memref_squeeze %dma_start3A_29 : memref<1x64xi32, #tpu.memory_space<vmem>> -> memref<64xi32, #tpu.memory_space<vmem>>
    %dma_start3A_31 = arith.constant 0 : i32
    %dma_start3A_32 = arith.constant 0 : i32
    %dma_start3A_33 = tpu.memref_slice %arg5[%dma_start3A_31, %dma_start3A_32] : memref<40000x128xf32, #tpu.memory_space<hbm>> -> memref<40000x128xf32, #tpu.memory_space<hbm>>
    tpu.enqueue_indirect_dma source(%dma_start3A_33 : memref<40000x128xf32, #tpu.memory_space<hbm>>) target(%arg10 : memref<64x128xf32, #tpu.memory_space<vmem>>) offsets(%dma_start3A_30 : memref<64xi32, #tpu.memory_space<vmem>>) semaphore(%arg16 : memref<!tpu.dma_semaphore, #tpu.memory_space<semaphore_mem>>)
    %scan3A = arith.constant 0 : i32
    %scan3A_34 = arith.constant 0 : i32
    %scan3A_35 = arith.constant 20 : i32
    %scan3A_36 = arith.addi %scan3A_34, %scan3A_35 : i32
    %scan3A_37 = arith.constant 1 : i32
    scf.for %scan3A_69 = %scan3A_34 to %scan3A_36 step %scan3A_37  : i32 {
      %mul3A_70 = arith.constant 2 : i32
      %mul3A_71 = arith.muli %mul3A_70, %scan3A_69 : i32
      %dma_wait3A_72 = arith.constant 0 : i32
      %dma_wait3A_73 = arith.constant 0 : i32
      %dma_wait3A_74 = tpu.memref_slice %arg5[%dma_wait3A_72, %dma_wait3A_73] : memref<40000x128xf32, #tpu.memory_space<hbm>> -> memref<64x128xf32, #tpu.memory_space<hbm>>
      %dma_wait3A_75 = arith.constant 0 : i32
      %dma_wait3A_76 = arith.constant 0 : i32
      %dma_wait3A_77 = tpu.memref_slice %arg5[%dma_wait3A_75, %dma_wait3A_76] : memref<40000x128xf32, #tpu.memory_space<hbm>> -> memref<64x128xf32, #tpu.memory_space<hbm>>
      tpu.wait_dma2 semaphore(%arg14 : memref<!tpu.dma_semaphore, #tpu.memory_space<semaphore_mem>>) src(%dma_wait3A_77 : memref<64x128xf32, #tpu.memory_space<hbm>>) dst(%arg8 : memref<64x128xf32, #tpu.memory_space<vmem>>)
      %dma_wait3A_78 = arith.constant 0 : i32
      %dma_wait3A_79 = arith.constant 0 : i32
      %dma_wait3A_80 = arith.constant 0 : i32
      %dma_wait3A_81 = arith.constant 0 : i32
      %dma_wait3A_82 = tpu.memref_slice %arg3[%dma_wait3A_78, %dma_wait3A_79, %dma_wait3A_80, %dma_wait3A_81] : memref<32x40x2x128xi32, #tpu.memory_space<hbm>> -> memref<1x1x2x128xi32, #tpu.memory_space<hbm>>
      %dma_wait3A_83 = tpu.memref_squeeze %dma_wait3A_82 : memref<1x1x2x128xi32, #tpu.memory_space<hbm>> -> memref<2x128xi32, #tpu.memory_space<hbm>>
      %dma_wait3A_84 = arith.constant 0 : i32
      %dma_wait3A_85 = arith.constant 0 : i32
      %dma_wait3A_86 = tpu.memref_slice %arg3[%dma_wait3A_78, %dma_wait3A_79, %dma_wait3A_84, %dma_wait3A_85] : memref<32x40x2x128xi32, #tpu.memory_space<hbm>> -> memref<1x1x2x128xi32, #tpu.memory_space<hbm>>
      %dma_wait3A_87 = tpu.memref_squeeze %dma_wait3A_86 : memref<1x1x2x128xi32, #tpu.memory_space<hbm>> -> memref<2x128xi32, #tpu.memory_space<hbm>>
      tpu.wait_dma2 semaphore(%arg22 : memref<!tpu.dma_semaphore, #tpu.memory_space<semaphore_mem>>) src(%dma_wait3A_87 : memref<2x128xi32, #tpu.memory_space<hbm>>) dst(%arg12 : memref<2x128xi32, #tpu.memory_space<vmem>>)
      %dma_start3A_88 = arith.constant 0 : i32
      %dma_start3A_89 = arith.constant 0 : i32
      %dma_start3A_90 = tpu.memref_slice %arg12[%dma_start3A_88, %dma_start3A_89] : memref<2x128xi32, #tpu.memory_space<vmem>> -> memref<1x64xi32, #tpu.memory_space<vmem>>
      %dma_start3A_91 = tpu.memref_squeeze %dma_start3A_90 : memref<1x64xi32, #tpu.memory_space<vmem>> -> memref<64xi32, #tpu.memory_space<vmem>>
      %dma_start3A_92 = arith.constant 0 : i32
      %dma_start3A_93 = arith.constant 0 : i32
      %dma_start3A_94 = tpu.memref_slice %arg24[%dma_start3A_92, %dma_start3A_93] : memref<10112x128xf32, #tpu.memory_space<vmem_shared>> -> memref<10112x128xf32, #tpu.memory_space<vmem_shared>>
      tpu.enqueue_indirect_dma source(%arg8 : memref<64x128xf32, #tpu.memory_space<vmem>>) target(%dma_start3A_94 : memref<10112x128xf32, #tpu.memory_space<vmem_shared>>) offsets(%dma_start3A_91 : memref<64xi32, #tpu.memory_space<vmem>>) semaphore(%arg18 : memref<!tpu.dma_semaphore, #tpu.memory_space<semaphore_mem>>) {add = true}
      %mul3A_95 = arith.constant 4 : i32
      %mul3A_96 = arith.muli %mul3A_95, %mul3A_71 : i32
      %add3A_97 = arith.constant 0 : i32
      %add3A_98 = arith.addi %mul3A_96, %add3A_97 : i32
      %add3A_99 = arith.constant 3 : i32
      %add3A_100 = arith.addi %add3A_98, %add3A_99 : i32
      %lt3A_101 = arith.constant 160 : i32
      %lt3A_102 = arith.cmpi slt, %add3A_100, %lt3A_101 : i32
      %convert_element_type3A_103 = arith.extui %lt3A_102 : i1 to i32
      %cond3A_104 = arith.constant 0 : i32
      %cond3A_105 = arith.cmpi ne, %convert_element_type3A_103, %cond3A_104 : i32
      scf.if %cond3A_105 {
        %ge3A = arith.constant 4 : i32
        %ge3A_302 = arith.cmpi sge, %add3A_100, %ge3A : i32
        %convert_element_type3A_303 = arith.extui %ge3A_302 : i1 to i32
        %cond3A_304 = arith.constant 0 : i32
        %cond3A_305 = arith.cmpi ne, %convert_element_type3A_303, %cond3A_304 : i32
        scf.if %cond3A_305 {
          %dma_wait3A_316 = arith.constant 0 : i32
          %dma_wait3A_317 = arith.constant 0 : i32
          %dma_wait3A_318 = tpu.memref_slice %arg5[%dma_wait3A_316, %dma_wait3A_317] : memref<40000x128xf32, #tpu.memory_space<hbm>> -> memref<64x128xf32, #tpu.memory_space<hbm>>
          %dma_wait3A_319 = arith.constant 0 : i32
          %dma_wait3A_320 = arith.constant 0 : i32
          %dma_wait3A_321 = tpu.memref_slice %arg5[%dma_wait3A_319, %dma_wait3A_320] : memref<40000x128xf32, #tpu.memory_space<hbm>> -> memref<64x128xf32, #tpu.memory_space<hbm>>
          tpu.wait_dma2 semaphore(%arg21 : memref<!tpu.dma_semaphore, #tpu.memory_space<semaphore_mem>>) src(%dma_wait3A_321 : memref<64x128xf32, #tpu.memory_space<hbm>>) dst(%arg11 : memref<64x128xf32, #tpu.memory_space<vmem>>)
        } else {
        }
        %mul3A_306 = arith.constant 2 : i32
        %mul3A_307 = arith.muli %mul3A_306, %mul3A_71 : i32
        %add3A_308 = arith.constant 1 : i32
        %add3A_309 = arith.addi %mul3A_307, %add3A_308 : i32
        %dma_start3A_310 = arith.constant 64 : i32
        %dma_start3A_311 = tpu.memref_slice %arg7[%add3A_309, %dma_start3A_310] : memref<80x128xi32, #tpu.memory_space<vmem>> -> memref<1x64xi32, #tpu.memory_space<vmem>>
        %dma_start3A_312 = tpu.memref_squeeze %dma_start3A_311 : memref<1x64xi32, #tpu.memory_space<vmem>> -> memref<64xi32, #tpu.memory_space<vmem>>
        %dma_start3A_313 = arith.constant 0 : i32
        %dma_start3A_314 = arith.constant 0 : i32
        %dma_start3A_315 = tpu.memref_slice %arg5[%dma_start3A_313, %dma_start3A_314] : memref<40000x128xf32, #tpu.memory_space<hbm>> -> memref<40000x128xf32, #tpu.memory_space<hbm>>
        tpu.enqueue_indirect_dma source(%dma_start3A_315 : memref<40000x128xf32, #tpu.memory_space<hbm>>) target(%arg11 : memref<64x128xf32, #tpu.memory_space<vmem>>) offsets(%dma_start3A_312 : memref<64xi32, #tpu.memory_space<vmem>>) semaphore(%arg17 : memref<!tpu.dma_semaphore, #tpu.memory_space<semaphore_mem>>)
      } else {
      }
      %add3A_106 = arith.constant 1 : i32
      %add3A_107 = arith.addi %mul3A_71, %add3A_106 : i32
      %lt3A_108 = arith.constant 40 : i32
      %lt3A_109 = arith.cmpi slt, %add3A_107, %lt3A_108 : i32
      %convert_element_type3A_110 = arith.extui %lt3A_109 : i1 to i32
      %cond3A_111 = arith.constant 0 : i32
      %cond3A_112 = arith.cmpi ne, %convert_element_type3A_110, %cond3A_111 : i32
      scf.if %cond3A_112 {
        %add3A_302 = arith.constant 1 : i32
        %add3A_303 = arith.addi %mul3A_71, %add3A_302 : i32
        %dma_start3A_304 = arith.constant 0 : i32
        %dma_start3A_305 = arith.constant 0 : i32
        %dma_start3A_306 = tpu.memref_slice %arg3[%add3A, %add3A_303, %dma_start3A_304, %dma_start3A_305] : memref<32x40x2x128xi32, #tpu.memory_space<hbm>> -> memref<1x1x2x128xi32, #tpu.memory_space<hbm>>
        %dma_start3A_307 = tpu.memref_squeeze %dma_start3A_306 : memref<1x1x2x128xi32, #tpu.memory_space<hbm>> -> memref<2x128xi32, #tpu.memory_space<hbm>>
        %dma_start3A_308 = arith.constant 0 : i32
        %dma_start3A_309 = arith.constant 0 : i32
        %dma_start3A_310 = tpu.memref_slice %arg3[%add3A, %add3A_303, %dma_start3A_308, %dma_start3A_309] : memref<32x40x2x128xi32, #tpu.memory_space<hbm>> -> memref<1x1x2x128xi32, #tpu.memory_space<hbm>>
        %dma_start3A_311 = tpu.memref_squeeze %dma_start3A_310 : memref<1x1x2x128xi32, #tpu.memory_space<hbm>> -> memref<2x128xi32, #tpu.memory_space<hbm>>
        tpu.enqueue_dma source(%dma_start3A_311 : memref<2x128xi32, #tpu.memory_space<hbm>>) target(%arg13 : memref<2x128xi32, #tpu.memory_space<vmem>>) target_semaphore(%arg23 : memref<!tpu.dma_semaphore, #tpu.memory_space<semaphore_mem>>)
      } else {
      }
      %dma_wait3A_113 = arith.constant 0 : i32
      %dma_wait3A_114 = arith.constant 0 : i32
      %dma_wait3A_115 = tpu.memref_slice %arg5[%dma_wait3A_113, %dma_wait3A_114] : memref<40000x128xf32, #tpu.memory_space<hbm>> -> memref<64x128xf32, #tpu.memory_space<hbm>>
      %dma_wait3A_116 = arith.constant 0 : i32
      %dma_wait3A_117 = arith.constant 0 : i32
      %dma_wait3A_118 = tpu.memref_slice %arg5[%dma_wait3A_116, %dma_wait3A_117] : memref<40000x128xf32, #tpu.memory_space<hbm>> -> memref<64x128xf32, #tpu.memory_space<hbm>>
      tpu.wait_dma2 semaphore(%arg15 : memref<!tpu.dma_semaphore, #tpu.memory_space<semaphore_mem>>) src(%dma_wait3A_118 : memref<64x128xf32, #tpu.memory_space<hbm>>) dst(%arg9 : memref<64x128xf32, #tpu.memory_space<vmem>>)
      %dma_start3A_119 = arith.constant 0 : i32
      %dma_start3A_120 = arith.constant 64 : i32
      %dma_start3A_121 = tpu.memref_slice %arg12[%dma_start3A_119, %dma_start3A_120] : memref<2x128xi32, #tpu.memory_space<vmem>> -> memref<1x64xi32, #tpu.memory_space<vmem>>
      %dma_start3A_122 = tpu.memref_squeeze %dma_start3A_121 : memref<1x64xi32, #tpu.memory_space<vmem>> -> memref<64xi32, #tpu.memory_space<vmem>>
      %dma_start3A_123 = arith.constant 0 : i32
      %dma_start3A_124 = arith.constant 0 : i32
      %dma_start3A_125 = tpu.memref_slice %arg24[%dma_start3A_123, %dma_start3A_124] : memref<10112x128xf32, #tpu.memory_space<vmem_shared>> -> memref<10112x128xf32, #tpu.memory_space<vmem_shared>>
      tpu.enqueue_indirect_dma source(%arg9 : memref<64x128xf32, #tpu.memory_space<vmem>>) target(%dma_start3A_125 : memref<10112x128xf32, #tpu.memory_space<vmem_shared>>) offsets(%dma_start3A_122 : memref<64xi32, #tpu.memory_space<vmem>>) semaphore(%arg19 : memref<!tpu.dma_semaphore, #tpu.memory_space<semaphore_mem>>) {add = true}
      %mul3A_126 = arith.constant 4 : i32
      %mul3A_127 = arith.muli %mul3A_126, %mul3A_71 : i32
      %add3A_128 = arith.constant 1 : i32
      %add3A_129 = arith.addi %mul3A_127, %add3A_128 : i32
      %add3A_130 = arith.constant 3 : i32
      %add3A_131 = arith.addi %add3A_129, %add3A_130 : i32
      %lt3A_132 = arith.constant 160 : i32
      %lt3A_133 = arith.cmpi slt, %add3A_131, %lt3A_132 : i32
      %convert_element_type3A_134 = arith.extui %lt3A_133 : i1 to i32
      %cond3A_135 = arith.constant 0 : i32
      %cond3A_136 = arith.cmpi ne, %convert_element_type3A_134, %cond3A_135 : i32
      scf.if %cond3A_136 {
        %ge3A = arith.constant 4 : i32
        %ge3A_302 = arith.cmpi sge, %add3A_131, %ge3A : i32
        %convert_element_type3A_303 = arith.extui %ge3A_302 : i1 to i32
        %cond3A_304 = arith.constant 0 : i32
        %cond3A_305 = arith.cmpi ne, %convert_element_type3A_303, %cond3A_304 : i32
        scf.if %cond3A_305 {
          %dma_wait3A_316 = arith.constant 0 : i32
          %dma_wait3A_317 = arith.constant 0 : i32
          %dma_wait3A_318 = tpu.memref_slice %arg5[%dma_wait3A_316, %dma_wait3A_317] : memref<40000x128xf32, #tpu.memory_space<hbm>> -> memref<64x128xf32, #tpu.memory_space<hbm>>
          %dma_wait3A_319 = arith.constant 0 : i32
          %dma_wait3A_320 = arith.constant 0 : i32
          %dma_wait3A_321 = tpu.memref_slice %arg5[%dma_wait3A_319, %dma_wait3A_320] : memref<40000x128xf32, #tpu.memory_space<hbm>> -> memref<64x128xf32, #tpu.memory_space<hbm>>
          tpu.wait_dma2 semaphore(%arg18 : memref<!tpu.dma_semaphore, #tpu.memory_space<semaphore_mem>>) src(%dma_wait3A_321 : memref<64x128xf32, #tpu.memory_space<hbm>>) dst(%arg8 : memref<64x128xf32, #tpu.memory_space<vmem>>)
        } else {
        }
        %mul3A_306 = arith.constant 2 : i32
        %mul3A_307 = arith.muli %mul3A_306, %mul3A_71 : i32
        %add3A_308 = arith.constant 2 : i32
        %add3A_309 = arith.addi %mul3A_307, %add3A_308 : i32
        %dma_start3A_310 = arith.constant 0 : i32
        %dma_start3A_311 = tpu.memref_slice %arg7[%add3A_309, %dma_start3A_310] : memref<80x128xi32, #tpu.memory_space<vmem>> -> memref<1x64xi32, #tpu.memory_space<vmem>>
        %dma_start3A_312 = tpu.memref_squeeze %dma_start3A_311 : memref<1x64xi32, #tpu.memory_space<vmem>> -> memref<64xi32, #tpu.memory_space<vmem>>
        %dma_start3A_313 = arith.constant 0 : i32
        %dma_start3A_314 = arith.constant 0 : i32
        %dma_start3A_315 = tpu.memref_slice %arg5[%dma_start3A_313, %dma_start3A_314] : memref<40000x128xf32, #tpu.memory_space<hbm>> -> memref<40000x128xf32, #tpu.memory_space<hbm>>
        tpu.enqueue_indirect_dma source(%dma_start3A_315 : memref<40000x128xf32, #tpu.memory_space<hbm>>) target(%arg8 : memref<64x128xf32, #tpu.memory_space<vmem>>) offsets(%dma_start3A_312 : memref<64xi32, #tpu.memory_space<vmem>>) semaphore(%arg14 : memref<!tpu.dma_semaphore, #tpu.memory_space<semaphore_mem>>)
      } else {
      }
      %dma_wait3A_137 = arith.constant 0 : i32
      %dma_wait3A_138 = arith.constant 0 : i32
      %dma_wait3A_139 = tpu.memref_slice %arg5[%dma_wait3A_137, %dma_wait3A_138] : memref<40000x128xf32, #tpu.memory_space<hbm>> -> memref<64x128xf32, #tpu.memory_space<hbm>>
      %dma_wait3A_140 = arith.constant 0 : i32
      %dma_wait3A_141 = arith.constant 0 : i32
      %dma_wait3A_142 = tpu.memref_slice %arg5[%dma_wait3A_140, %dma_wait3A_141] : memref<40000x128xf32, #tpu.memory_space<hbm>> -> memref<64x128xf32, #tpu.memory_space<hbm>>
      tpu.wait_dma2 semaphore(%arg16 : memref<!tpu.dma_semaphore, #tpu.memory_space<semaphore_mem>>) src(%dma_wait3A_142 : memref<64x128xf32, #tpu.memory_space<hbm>>) dst(%arg10 : memref<64x128xf32, #tpu.memory_space<vmem>>)
      %dma_start3A_143 = arith.constant 1 : i32
      %dma_start3A_144 = arith.constant 0 : i32
      %dma_start3A_145 = tpu.memref_slice %arg12[%dma_start3A_143, %dma_start3A_144] : memref<2x128xi32, #tpu.memory_space<vmem>> -> memref<1x64xi32, #tpu.memory_space<vmem>>
      %dma_start3A_146 = tpu.memref_squeeze %dma_start3A_145 : memref<1x64xi32, #tpu.memory_space<vmem>> -> memref<64xi32, #tpu.memory_space<vmem>>
      %dma_start3A_147 = arith.constant 0 : i32
      %dma_start3A_148 = arith.constant 0 : i32
      %dma_start3A_149 = tpu.memref_slice %arg24[%dma_start3A_147, %dma_start3A_148] : memref<10112x128xf32, #tpu.memory_space<vmem_shared>> -> memref<10112x128xf32, #tpu.memory_space<vmem_shared>>
      tpu.enqueue_indirect_dma source(%arg10 : memref<64x128xf32, #tpu.memory_space<vmem>>) target(%dma_start3A_149 : memref<10112x128xf32, #tpu.memory_space<vmem_shared>>) offsets(%dma_start3A_146 : memref<64xi32, #tpu.memory_space<vmem>>) semaphore(%arg20 : memref<!tpu.dma_semaphore, #tpu.memory_space<semaphore_mem>>) {add = true}
      %mul3A_150 = arith.constant 4 : i32
      %mul3A_151 = arith.muli %mul3A_150, %mul3A_71 : i32
      %add3A_152 = arith.constant 2 : i32
      %add3A_153 = arith.addi %mul3A_151, %add3A_152 : i32
      %add3A_154 = arith.constant 3 : i32
      %add3A_155 = arith.addi %add3A_153, %add3A_154 : i32
      %lt3A_156 = arith.constant 160 : i32
      %lt3A_157 = arith.cmpi slt, %add3A_155, %lt3A_156 : i32
      %convert_element_type3A_158 = arith.extui %lt3A_157 : i1 to i32
      %cond3A_159 = arith.constant 0 : i32
      %cond3A_160 = arith.cmpi ne, %convert_element_type3A_158, %cond3A_159 : i32
      scf.if %cond3A_160 {
        %ge3A = arith.constant 4 : i32
        %ge3A_302 = arith.cmpi sge, %add3A_155, %ge3A : i32
        %convert_element_type3A_303 = arith.extui %ge3A_302 : i1 to i32
        %cond3A_304 = arith.constant 0 : i32
        %cond3A_305 = arith.cmpi ne, %convert_element_type3A_303, %cond3A_304 : i32
        scf.if %cond3A_305 {
          %dma_wait3A_316 = arith.constant 0 : i32
          %dma_wait3A_317 = arith.constant 0 : i32
          %dma_wait3A_318 = tpu.memref_slice %arg5[%dma_wait3A_316, %dma_wait3A_317] : memref<40000x128xf32, #tpu.memory_space<hbm>> -> memref<64x128xf32, #tpu.memory_space<hbm>>
          %dma_wait3A_319 = arith.constant 0 : i32
          %dma_wait3A_320 = arith.constant 0 : i32
          %dma_wait3A_321 = tpu.memref_slice %arg5[%dma_wait3A_319, %dma_wait3A_320] : memref<40000x128xf32, #tpu.memory_space<hbm>> -> memref<64x128xf32, #tpu.memory_space<hbm>>
          tpu.wait_dma2 semaphore(%arg19 : memref<!tpu.dma_semaphore, #tpu.memory_space<semaphore_mem>>) src(%dma_wait3A_321 : memref<64x128xf32, #tpu.memory_space<hbm>>) dst(%arg9 : memref<64x128xf32, #tpu.memory_space<vmem>>)
        } else {
        }
        %mul3A_306 = arith.constant 2 : i32
        %mul3A_307 = arith.muli %mul3A_306, %mul3A_71 : i32
        %add3A_308 = arith.constant 2 : i32
        %add3A_309 = arith.addi %mul3A_307, %add3A_308 : i32
        %dma_start3A_310 = arith.constant 64 : i32
        %dma_start3A_311 = tpu.memref_slice %arg7[%add3A_309, %dma_start3A_310] : memref<80x128xi32, #tpu.memory_space<vmem>> -> memref<1x64xi32, #tpu.memory_space<vmem>>
        %dma_start3A_312 = tpu.memref_squeeze %dma_start3A_311 : memref<1x64xi32, #tpu.memory_space<vmem>> -> memref<64xi32, #tpu.memory_space<vmem>>
        %dma_start3A_313 = arith.constant 0 : i32
        %dma_start3A_314 = arith.constant 0 : i32
        %dma_start3A_315 = tpu.memref_slice %arg5[%dma_start3A_313, %dma_start3A_314] : memref<40000x128xf32, #tpu.memory_space<hbm>> -> memref<40000x128xf32, #tpu.memory_space<hbm>>
        tpu.enqueue_indirect_dma source(%dma_start3A_315 : memref<40000x128xf32, #tpu.memory_space<hbm>>) target(%arg9 : memref<64x128xf32, #tpu.memory_space<vmem>>) offsets(%dma_start3A_312 : memref<64xi32, #tpu.memory_space<vmem>>) semaphore(%arg15 : memref<!tpu.dma_semaphore, #tpu.memory_space<semaphore_mem>>)
      } else {
      }
      %dma_wait3A_161 = arith.constant 0 : i32
      %dma_wait3A_162 = arith.constant 0 : i32
      %dma_wait3A_163 = tpu.memref_slice %arg5[%dma_wait3A_161, %dma_wait3A_162] : memref<40000x128xf32, #tpu.memory_space<hbm>> -> memref<64x128xf32, #tpu.memory_space<hbm>>
      %dma_wait3A_164 = arith.constant 0 : i32
      %dma_wait3A_165 = arith.constant 0 : i32
      %dma_wait3A_166 = tpu.memref_slice %arg5[%dma_wait3A_164, %dma_wait3A_165] : memref<40000x128xf32, #tpu.memory_space<hbm>> -> memref<64x128xf32, #tpu.memory_space<hbm>>
      tpu.wait_dma2 semaphore(%arg17 : memref<!tpu.dma_semaphore, #tpu.memory_space<semaphore_mem>>) src(%dma_wait3A_166 : memref<64x128xf32, #tpu.memory_space<hbm>>) dst(%arg11 : memref<64x128xf32, #tpu.memory_space<vmem>>)
      %dma_start3A_167 = arith.constant 1 : i32
      %dma_start3A_168 = arith.constant 64 : i32
      %dma_start3A_169 = tpu.memref_slice %arg12[%dma_start3A_167, %dma_start3A_168] : memref<2x128xi32, #tpu.memory_space<vmem>> -> memref<1x64xi32, #tpu.memory_space<vmem>>
      %dma_start3A_170 = tpu.memref_squeeze %dma_start3A_169 : memref<1x64xi32, #tpu.memory_space<vmem>> -> memref<64xi32, #tpu.memory_space<vmem>>
      %dma_start3A_171 = arith.constant 0 : i32
      %dma_start3A_172 = arith.constant 0 : i32
      %dma_start3A_173 = tpu.memref_slice %arg24[%dma_start3A_171, %dma_start3A_172] : memref<10112x128xf32, #tpu.memory_space<vmem_shared>> -> memref<10112x128xf32, #tpu.memory_space<vmem_shared>>
      tpu.enqueue_indirect_dma source(%arg11 : memref<64x128xf32, #tpu.memory_space<vmem>>) target(%dma_start3A_173 : memref<10112x128xf32, #tpu.memory_space<vmem_shared>>) offsets(%dma_start3A_170 : memref<64xi32, #tpu.memory_space<vmem>>) semaphore(%arg21 : memref<!tpu.dma_semaphore, #tpu.memory_space<semaphore_mem>>) {add = true}
      %mul3A_174 = arith.constant 4 : i32
      %mul3A_175 = arith.muli %mul3A_174, %mul3A_71 : i32
      %add3A_176 = arith.constant 3 : i32
      %add3A_177 = arith.addi %mul3A_175, %add3A_176 : i32
      %add3A_178 = arith.constant 3 : i32
      %add3A_179 = arith.addi %add3A_177, %add3A_178 : i32
      %lt3A_180 = arith.constant 160 : i32
      %lt3A_181 = arith.cmpi slt, %add3A_179, %lt3A_180 : i32
      %convert_element_type3A_182 = arith.extui %lt3A_181 : i1 to i32
      %cond3A_183 = arith.constant 0 : i32
      %cond3A_184 = arith.cmpi ne, %convert_element_type3A_182, %cond3A_183 : i32
      scf.if %cond3A_184 {
        %ge3A = arith.constant 4 : i32
        %ge3A_302 = arith.cmpi sge, %add3A_179, %ge3A : i32
        %convert_element_type3A_303 = arith.extui %ge3A_302 : i1 to i32
        %cond3A_304 = arith.constant 0 : i32
        %cond3A_305 = arith.cmpi ne, %convert_element_type3A_303, %cond3A_304 : i32
        scf.if %cond3A_305 {
          %dma_wait3A_316 = arith.constant 0 : i32
          %dma_wait3A_317 = arith.constant 0 : i32
          %dma_wait3A_318 = tpu.memref_slice %arg5[%dma_wait3A_316, %dma_wait3A_317] : memref<40000x128xf32, #tpu.memory_space<hbm>> -> memref<64x128xf32, #tpu.memory_space<hbm>>
          %dma_wait3A_319 = arith.constant 0 : i32
          %dma_wait3A_320 = arith.constant 0 : i32
          %dma_wait3A_321 = tpu.memref_slice %arg5[%dma_wait3A_319, %dma_wait3A_320] : memref<40000x128xf32, #tpu.memory_space<hbm>> -> memref<64x128xf32, #tpu.memory_space<hbm>>
          tpu.wait_dma2 semaphore(%arg20 : memref<!tpu.dma_semaphore, #tpu.memory_space<semaphore_mem>>) src(%dma_wait3A_321 : memref<64x128xf32, #tpu.memory_space<hbm>>) dst(%arg10 : memref<64x128xf32, #tpu.memory_space<vmem>>)
        } else {
        }
        %mul3A_306 = arith.constant 2 : i32
        %mul3A_307 = arith.muli %mul3A_306, %mul3A_71 : i32
        %add3A_308 = arith.constant 3 : i32
        %add3A_309 = arith.addi %mul3A_307, %add3A_308 : i32
        %dma_start3A_310 = arith.constant 0 : i32
        %dma_start3A_311 = tpu.memref_slice %arg7[%add3A_309, %dma_start3A_310] : memref<80x128xi32, #tpu.memory_space<vmem>> -> memref<1x64xi32, #tpu.memory_space<vmem>>
        %dma_start3A_312 = tpu.memref_squeeze %dma_start3A_311 : memref<1x64xi32, #tpu.memory_space<vmem>> -> memref<64xi32, #tpu.memory_space<vmem>>
        %dma_start3A_313 = arith.constant 0 : i32
        %dma_start3A_314 = arith.constant 0 : i32
        %dma_start3A_315 = tpu.memref_slice %arg5[%dma_start3A_313, %dma_start3A_314] : memref<40000x128xf32, #tpu.memory_space<hbm>> -> memref<40000x128xf32, #tpu.memory_space<hbm>>
        tpu.enqueue_indirect_dma source(%dma_start3A_315 : memref<40000x128xf32, #tpu.memory_space<hbm>>) target(%arg10 : memref<64x128xf32, #tpu.memory_space<vmem>>) offsets(%dma_start3A_312 : memref<64xi32, #tpu.memory_space<vmem>>) semaphore(%arg16 : memref<!tpu.dma_semaphore, #tpu.memory_space<semaphore_mem>>)
      } else {
      }
      %mul3A_185 = arith.constant 2 : i32
      %mul3A_186 = arith.muli %mul3A_185, %scan3A_69 : i32
      %add3A_187 = arith.constant 1 : i32
      %add3A_188 = arith.addi %mul3A_186, %add3A_187 : i32
      %dma_wait3A_189 = arith.constant 0 : i32
      %dma_wait3A_190 = arith.constant 0 : i32
      %dma_wait3A_191 = tpu.memref_slice %arg5[%dma_wait3A_189, %dma_wait3A_190] : memref<40000x128xf32, #tpu.memory_space<hbm>> -> memref<64x128xf32, #tpu.memory_space<hbm>>
      %dma_wait3A_192 = arith.constant 0 : i32
      %dma_wait3A_193 = arith.constant 0 : i32
      %dma_wait3A_194 = tpu.memref_slice %arg5[%dma_wait3A_192, %dma_wait3A_193] : memref<40000x128xf32, #tpu.memory_space<hbm>> -> memref<64x128xf32, #tpu.memory_space<hbm>>
      tpu.wait_dma2 semaphore(%arg14 : memref<!tpu.dma_semaphore, #tpu.memory_space<semaphore_mem>>) src(%dma_wait3A_194 : memref<64x128xf32, #tpu.memory_space<hbm>>) dst(%arg8 : memref<64x128xf32, #tpu.memory_space<vmem>>)
      %dma_wait3A_195 = arith.constant 0 : i32
      %dma_wait3A_196 = arith.constant 0 : i32
      %dma_wait3A_197 = arith.constant 0 : i32
      %dma_wait3A_198 = arith.constant 0 : i32
      %dma_wait3A_199 = tpu.memref_slice %arg3[%dma_wait3A_195, %dma_wait3A_196, %dma_wait3A_197, %dma_wait3A_198] : memref<32x40x2x128xi32, #tpu.memory_space<hbm>> -> memref<1x1x2x128xi32, #tpu.memory_space<hbm>>
      %dma_wait3A_200 = tpu.memref_squeeze %dma_wait3A_199 : memref<1x1x2x128xi32, #tpu.memory_space<hbm>> -> memref<2x128xi32, #tpu.memory_space<hbm>>
      %dma_wait3A_201 = arith.constant 0 : i32
      %dma_wait3A_202 = arith.constant 0 : i32
      %dma_wait3A_203 = tpu.memref_slice %arg3[%dma_wait3A_195, %dma_wait3A_196, %dma_wait3A_201, %dma_wait3A_202] : memref<32x40x2x128xi32, #tpu.memory_space<hbm>> -> memref<1x1x2x128xi32, #tpu.memory_space<hbm>>
      %dma_wait3A_204 = tpu.memref_squeeze %dma_wait3A_203 : memref<1x1x2x128xi32, #tpu.memory_space<hbm>> -> memref<2x128xi32, #tpu.memory_space<hbm>>
      tpu.wait_dma2 semaphore(%arg23 : memref<!tpu.dma_semaphore, #tpu.memory_space<semaphore_mem>>) src(%dma_wait3A_204 : memref<2x128xi32, #tpu.memory_space<hbm>>) dst(%arg13 : memref<2x128xi32, #tpu.memory_space<vmem>>)
      %dma_start3A_205 = arith.constant 0 : i32
      %dma_start3A_206 = arith.constant 0 : i32
      %dma_start3A_207 = tpu.memref_slice %arg13[%dma_start3A_205, %dma_start3A_206] : memref<2x128xi32, #tpu.memory_space<vmem>> -> memref<1x64xi32, #tpu.memory_space<vmem>>
      %dma_start3A_208 = tpu.memref_squeeze %dma_start3A_207 : memref<1x64xi32, #tpu.memory_space<vmem>> -> memref<64xi32, #tpu.memory_space<vmem>>
      %dma_start3A_209 = arith.constant 0 : i32
      %dma_start3A_210 = arith.constant 0 : i32
      %dma_start3A_211 = tpu.memref_slice %arg24[%dma_start3A_209, %dma_start3A_210] : memref<10112x128xf32, #tpu.memory_space<vmem_shared>> -> memref<10112x128xf32, #tpu.memory_space<vmem_shared>>
      tpu.enqueue_indirect_dma source(%arg8 : memref<64x128xf32, #tpu.memory_space<vmem>>) target(%dma_start3A_211 : memref<10112x128xf32, #tpu.memory_space<vmem_shared>>) offsets(%dma_start3A_208 : memref<64xi32, #tpu.memory_space<vmem>>) semaphore(%arg18 : memref<!tpu.dma_semaphore, #tpu.memory_space<semaphore_mem>>) {add = true}
      %mul3A_212 = arith.constant 4 : i32
      %mul3A_213 = arith.muli %mul3A_212, %add3A_188 : i32
      %add3A_214 = arith.constant 0 : i32
      %add3A_215 = arith.addi %mul3A_213, %add3A_214 : i32
      %add3A_216 = arith.constant 3 : i32
      %add3A_217 = arith.addi %add3A_215, %add3A_216 : i32
      %lt3A_218 = arith.constant 160 : i32
      %lt3A_219 = arith.cmpi slt, %add3A_217, %lt3A_218 : i32
      %convert_element_type3A_220 = arith.extui %lt3A_219 : i1 to i32
      %cond3A_221 = arith.constant 0 : i32
      %cond3A_222 = arith.cmpi ne, %convert_element_type3A_220, %cond3A_221 : i32
      scf.if %cond3A_222 {
        %ge3A = arith.constant 4 : i32
        %ge3A_302 = arith.cmpi sge, %add3A_217, %ge3A : i32
        %convert_element_type3A_303 = arith.extui %ge3A_302 : i1 to i32
        %cond3A_304 = arith.constant 0 : i32
        %cond3A_305 = arith.cmpi ne, %convert_element_type3A_303, %cond3A_304 : i32
        scf.if %cond3A_305 {
          %dma_wait3A_316 = arith.constant 0 : i32
          %dma_wait3A_317 = arith.constant 0 : i32
          %dma_wait3A_318 = tpu.memref_slice %arg5[%dma_wait3A_316, %dma_wait3A_317] : memref<40000x128xf32, #tpu.memory_space<hbm>> -> memref<64x128xf32, #tpu.memory_space<hbm>>
          %dma_wait3A_319 = arith.constant 0 : i32
          %dma_wait3A_320 = arith.constant 0 : i32
          %dma_wait3A_321 = tpu.memref_slice %arg5[%dma_wait3A_319, %dma_wait3A_320] : memref<40000x128xf32, #tpu.memory_space<hbm>> -> memref<64x128xf32, #tpu.memory_space<hbm>>
          tpu.wait_dma2 semaphore(%arg21 : memref<!tpu.dma_semaphore, #tpu.memory_space<semaphore_mem>>) src(%dma_wait3A_321 : memref<64x128xf32, #tpu.memory_space<hbm>>) dst(%arg11 : memref<64x128xf32, #tpu.memory_space<vmem>>)
        } else {
        }
        %mul3A_306 = arith.constant 2 : i32
        %mul3A_307 = arith.muli %mul3A_306, %add3A_188 : i32
        %add3A_308 = arith.constant 1 : i32
        %add3A_309 = arith.addi %mul3A_307, %add3A_308 : i32
        %dma_start3A_310 = arith.constant 64 : i32
        %dma_start3A_311 = tpu.memref_slice %arg7[%add3A_309, %dma_start3A_310] : memref<80x128xi32, #tpu.memory_space<vmem>> -> memref<1x64xi32, #tpu.memory_space<vmem>>
        %dma_start3A_312 = tpu.memref_squeeze %dma_start3A_311 : memref<1x64xi32, #tpu.memory_space<vmem>> -> memref<64xi32, #tpu.memory_space<vmem>>
        %dma_start3A_313 = arith.constant 0 : i32
        %dma_start3A_314 = arith.constant 0 : i32
        %dma_start3A_315 = tpu.memref_slice %arg5[%dma_start3A_313, %dma_start3A_314] : memref<40000x128xf32, #tpu.memory_space<hbm>> -> memref<40000x128xf32, #tpu.memory_space<hbm>>
        tpu.enqueue_indirect_dma source(%dma_start3A_315 : memref<40000x128xf32, #tpu.memory_space<hbm>>) target(%arg11 : memref<64x128xf32, #tpu.memory_space<vmem>>) offsets(%dma_start3A_312 : memref<64xi32, #tpu.memory_space<vmem>>) semaphore(%arg17 : memref<!tpu.dma_semaphore, #tpu.memory_space<semaphore_mem>>)
      } else {
      }
      %add3A_223 = arith.constant 1 : i32
      %add3A_224 = arith.addi %add3A_188, %add3A_223 : i32
      %lt3A_225 = arith.constant 40 : i32
      %lt3A_226 = arith.cmpi slt, %add3A_224, %lt3A_225 : i32
      %convert_element_type3A_227 = arith.extui %lt3A_226 : i1 to i32
      %cond3A_228 = arith.constant 0 : i32
      %cond3A_229 = arith.cmpi ne, %convert_element_type3A_227, %cond3A_228 : i32
      scf.if %cond3A_229 {
        %add3A_302 = arith.constant 1 : i32
        %add3A_303 = arith.addi %add3A_188, %add3A_302 : i32
        %dma_start3A_304 = arith.constant 0 : i32
        %dma_start3A_305 = arith.constant 0 : i32
        %dma_start3A_306 = tpu.memref_slice %arg3[%add3A, %add3A_303, %dma_start3A_304, %dma_start3A_305] : memref<32x40x2x128xi32, #tpu.memory_space<hbm>> -> memref<1x1x2x128xi32, #tpu.memory_space<hbm>>
        %dma_start3A_307 = tpu.memref_squeeze %dma_start3A_306 : memref<1x1x2x128xi32, #tpu.memory_space<hbm>> -> memref<2x128xi32, #tpu.memory_space<hbm>>
        %dma_start3A_308 = arith.constant 0 : i32
        %dma_start3A_309 = arith.constant 0 : i32
        %dma_start3A_310 = tpu.memref_slice %arg3[%add3A, %add3A_303, %dma_start3A_308, %dma_start3A_309] : memref<32x40x2x128xi32, #tpu.memory_space<hbm>> -> memref<1x1x2x128xi32, #tpu.memory_space<hbm>>
        %dma_start3A_311 = tpu.memref_squeeze %dma_start3A_310 : memref<1x1x2x128xi32, #tpu.memory_space<hbm>> -> memref<2x128xi32, #tpu.memory_space<hbm>>
        tpu.enqueue_dma source(%dma_start3A_311 : memref<2x128xi32, #tpu.memory_space<hbm>>) target(%arg12 : memref<2x128xi32, #tpu.memory_space<vmem>>) target_semaphore(%arg22 : memref<!tpu.dma_semaphore, #tpu.memory_space<semaphore_mem>>)
      } else {
      }
      %dma_wait3A_230 = arith.constant 0 : i32
      %dma_wait3A_231 = arith.constant 0 : i32
      %dma_wait3A_232 = tpu.memref_slice %arg5[%dma_wait3A_230, %dma_wait3A_231] : memref<40000x128xf32, #tpu.memory_space<hbm>> -> memref<64x128xf32, #tpu.memory_space<hbm>>
      %dma_wait3A_233 = arith.constant 0 : i32
      %dma_wait3A_234 = arith.constant 0 : i32
      %dma_wait3A_235 = tpu.memref_slice %arg5[%dma_wait3A_233, %dma_wait3A_234] : memref<40000x128xf32, #tpu.memory_space<hbm>> -> memref<64x128xf32, #tpu.memory_space<hbm>>
      tpu.wait_dma2 semaphore(%arg15 : memref<!tpu.dma_semaphore, #tpu.memory_space<semaphore_mem>>) src(%dma_wait3A_235 : memref<64x128xf32, #tpu.memory_space<hbm>>) dst(%arg9 : memref<64x128xf32, #tpu.memory_space<vmem>>)
      %dma_start3A_236 = arith.constant 0 : i32
      %dma_start3A_237 = arith.constant 64 : i32
      %dma_start3A_238 = tpu.memref_slice %arg13[%dma_start3A_236, %dma_start3A_237] : memref<2x128xi32, #tpu.memory_space<vmem>> -> memref<1x64xi32, #tpu.memory_space<vmem>>
      %dma_start3A_239 = tpu.memref_squeeze %dma_start3A_238 : memref<1x64xi32, #tpu.memory_space<vmem>> -> memref<64xi32, #tpu.memory_space<vmem>>
      %dma_start3A_240 = arith.constant 0 : i32
      %dma_start3A_241 = arith.constant 0 : i32
      %dma_start3A_242 = tpu.memref_slice %arg24[%dma_start3A_240, %dma_start3A_241] : memref<10112x128xf32, #tpu.memory_space<vmem_shared>> -> memref<10112x128xf32, #tpu.memory_space<vmem_shared>>
      tpu.enqueue_indirect_dma source(%arg9 : memref<64x128xf32, #tpu.memory_space<vmem>>) target(%dma_start3A_242 : memref<10112x128xf32, #tpu.memory_space<vmem_shared>>) offsets(%dma_start3A_239 : memref<64xi32, #tpu.memory_space<vmem>>) semaphore(%arg19 : memref<!tpu.dma_semaphore, #tpu.memory_space<semaphore_mem>>) {add = true}
      %mul3A_243 = arith.constant 4 : i32
      %mul3A_244 = arith.muli %mul3A_243, %add3A_188 : i32
      %add3A_245 = arith.constant 1 : i32
      %add3A_246 = arith.addi %mul3A_244, %add3A_245 : i32
      %add3A_247 = arith.constant 3 : i32
      %add3A_248 = arith.addi %add3A_246, %add3A_247 : i32
      %lt3A_249 = arith.constant 160 : i32
      %lt3A_250 = arith.cmpi slt, %add3A_248, %lt3A_249 : i32
      %convert_element_type3A_251 = arith.extui %lt3A_250 : i1 to i32
      %cond3A_252 = arith.constant 0 : i32
      %cond3A_253 = arith.cmpi ne, %convert_element_type3A_251, %cond3A_252 : i32
      scf.if %cond3A_253 {
        %ge3A = arith.constant 4 : i32
        %ge3A_302 = arith.cmpi sge, %add3A_248, %ge3A : i32
        %convert_element_type3A_303 = arith.extui %ge3A_302 : i1 to i32
        %cond3A_304 = arith.constant 0 : i32
        %cond3A_305 = arith.cmpi ne, %convert_element_type3A_303, %cond3A_304 : i32
        scf.if %cond3A_305 {
          %dma_wait3A_316 = arith.constant 0 : i32
          %dma_wait3A_317 = arith.constant 0 : i32
          %dma_wait3A_318 = tpu.memref_slice %arg5[%dma_wait3A_316, %dma_wait3A_317] : memref<40000x128xf32, #tpu.memory_space<hbm>> -> memref<64x128xf32, #tpu.memory_space<hbm>>
          %dma_wait3A_319 = arith.constant 0 : i32
          %dma_wait3A_320 = arith.constant 0 : i32
          %dma_wait3A_321 = tpu.memref_slice %arg5[%dma_wait3A_319, %dma_wait3A_320] : memref<40000x128xf32, #tpu.memory_space<hbm>> -> memref<64x128xf32, #tpu.memory_space<hbm>>
          tpu.wait_dma2 semaphore(%arg18 : memref<!tpu.dma_semaphore, #tpu.memory_space<semaphore_mem>>) src(%dma_wait3A_321 : memref<64x128xf32, #tpu.memory_space<hbm>>) dst(%arg8 : memref<64x128xf32, #tpu.memory_space<vmem>>)
        } else {
        }
        %mul3A_306 = arith.constant 2 : i32
        %mul3A_307 = arith.muli %mul3A_306, %add3A_188 : i32
        %add3A_308 = arith.constant 2 : i32
        %add3A_309 = arith.addi %mul3A_307, %add3A_308 : i32
        %dma_start3A_310 = arith.constant 0 : i32
        %dma_start3A_311 = tpu.memref_slice %arg7[%add3A_309, %dma_start3A_310] : memref<80x128xi32, #tpu.memory_space<vmem>> -> memref<1x64xi32, #tpu.memory_space<vmem>>
        %dma_start3A_312 = tpu.memref_squeeze %dma_start3A_311 : memref<1x64xi32, #tpu.memory_space<vmem>> -> memref<64xi32, #tpu.memory_space<vmem>>
        %dma_start3A_313 = arith.constant 0 : i32
        %dma_start3A_314 = arith.constant 0 : i32
        %dma_start3A_315 = tpu.memref_slice %arg5[%dma_start3A_313, %dma_start3A_314] : memref<40000x128xf32, #tpu.memory_space<hbm>> -> memref<40000x128xf32, #tpu.memory_space<hbm>>
        tpu.enqueue_indirect_dma source(%dma_start3A_315 : memref<40000x128xf32, #tpu.memory_space<hbm>>) target(%arg8 : memref<64x128xf32, #tpu.memory_space<vmem>>) offsets(%dma_start3A_312 : memref<64xi32, #tpu.memory_space<vmem>>) semaphore(%arg14 : memref<!tpu.dma_semaphore, #tpu.memory_space<semaphore_mem>>)
      } else {
      }
      %dma_wait3A_254 = arith.constant 0 : i32
      %dma_wait3A_255 = arith.constant 0 : i32
      %dma_wait3A_256 = tpu.memref_slice %arg5[%dma_wait3A_254, %dma_wait3A_255] : memref<40000x128xf32, #tpu.memory_space<hbm>> -> memref<64x128xf32, #tpu.memory_space<hbm>>
      %dma_wait3A_257 = arith.constant 0 : i32
      %dma_wait3A_258 = arith.constant 0 : i32
      %dma_wait3A_259 = tpu.memref_slice %arg5[%dma_wait3A_257, %dma_wait3A_258] : memref<40000x128xf32, #tpu.memory_space<hbm>> -> memref<64x128xf32, #tpu.memory_space<hbm>>
      tpu.wait_dma2 semaphore(%arg16 : memref<!tpu.dma_semaphore, #tpu.memory_space<semaphore_mem>>) src(%dma_wait3A_259 : memref<64x128xf32, #tpu.memory_space<hbm>>) dst(%arg10 : memref<64x128xf32, #tpu.memory_space<vmem>>)
      %dma_start3A_260 = arith.constant 1 : i32
      %dma_start3A_261 = arith.constant 0 : i32
      %dma_start3A_262 = tpu.memref_slice %arg13[%dma_start3A_260, %dma_start3A_261] : memref<2x128xi32, #tpu.memory_space<vmem>> -> memref<1x64xi32, #tpu.memory_space<vmem>>
      %dma_start3A_263 = tpu.memref_squeeze %dma_start3A_262 : memref<1x64xi32, #tpu.memory_space<vmem>> -> memref<64xi32, #tpu.memory_space<vmem>>
      %dma_start3A_264 = arith.constant 0 : i32
      %dma_start3A_265 = arith.constant 0 : i32
      %dma_start3A_266 = tpu.memref_slice %arg24[%dma_start3A_264, %dma_start3A_265] : memref<10112x128xf32, #tpu.memory_space<vmem_shared>> -> memref<10112x128xf32, #tpu.memory_space<vmem_shared>>
      tpu.enqueue_indirect_dma source(%arg10 : memref<64x128xf32, #tpu.memory_space<vmem>>) target(%dma_start3A_266 : memref<10112x128xf32, #tpu.memory_space<vmem_shared>>) offsets(%dma_start3A_263 : memref<64xi32, #tpu.memory_space<vmem>>) semaphore(%arg20 : memref<!tpu.dma_semaphore, #tpu.memory_space<semaphore_mem>>) {add = true}
      %mul3A_267 = arith.constant 4 : i32
      %mul3A_268 = arith.muli %mul3A_267, %add3A_188 : i32
      %add3A_269 = arith.constant 2 : i32
      %add3A_270 = arith.addi %mul3A_268, %add3A_269 : i32
      %add3A_271 = arith.constant 3 : i32
      %add3A_272 = arith.addi %add3A_270, %add3A_271 : i32
      %lt3A_273 = arith.constant 160 : i32
      %lt3A_274 = arith.cmpi slt, %add3A_272, %lt3A_273 : i32
      %convert_element_type3A_275 = arith.extui %lt3A_274 : i1 to i32
      %cond3A_276 = arith.constant 0 : i32
      %cond3A_277 = arith.cmpi ne, %convert_element_type3A_275, %cond3A_276 : i32
      scf.if %cond3A_277 {
        %ge3A = arith.constant 4 : i32
        %ge3A_302 = arith.cmpi sge, %add3A_272, %ge3A : i32
        %convert_element_type3A_303 = arith.extui %ge3A_302 : i1 to i32
        %cond3A_304 = arith.constant 0 : i32
        %cond3A_305 = arith.cmpi ne, %convert_element_type3A_303, %cond3A_304 : i32
        scf.if %cond3A_305 {
          %dma_wait3A_316 = arith.constant 0 : i32
          %dma_wait3A_317 = arith.constant 0 : i32
          %dma_wait3A_318 = tpu.memref_slice %arg5[%dma_wait3A_316, %dma_wait3A_317] : memref<40000x128xf32, #tpu.memory_space<hbm>> -> memref<64x128xf32, #tpu.memory_space<hbm>>
          %dma_wait3A_319 = arith.constant 0 : i32
          %dma_wait3A_320 = arith.constant 0 : i32
          %dma_wait3A_321 = tpu.memref_slice %arg5[%dma_wait3A_319, %dma_wait3A_320] : memref<40000x128xf32, #tpu.memory_space<hbm>> -> memref<64x128xf32, #tpu.memory_space<hbm>>
          tpu.wait_dma2 semaphore(%arg19 : memref<!tpu.dma_semaphore, #tpu.memory_space<semaphore_mem>>) src(%dma_wait3A_321 : memref<64x128xf32, #tpu.memory_space<hbm>>) dst(%arg9 : memref<64x128xf32, #tpu.memory_space<vmem>>)
        } else {
        }
        %mul3A_306 = arith.constant 2 : i32
        %mul3A_307 = arith.muli %mul3A_306, %add3A_188 : i32
        %add3A_308 = arith.constant 2 : i32
        %add3A_309 = arith.addi %mul3A_307, %add3A_308 : i32
        %dma_start3A_310 = arith.constant 64 : i32
        %dma_start3A_311 = tpu.memref_slice %arg7[%add3A_309, %dma_start3A_310] : memref<80x128xi32, #tpu.memory_space<vmem>> -> memref<1x64xi32, #tpu.memory_space<vmem>>
        %dma_start3A_312 = tpu.memref_squeeze %dma_start3A_311 : memref<1x64xi32, #tpu.memory_space<vmem>> -> memref<64xi32, #tpu.memory_space<vmem>>
        %dma_start3A_313 = arith.constant 0 : i32
        %dma_start3A_314 = arith.constant 0 : i32
        %dma_start3A_315 = tpu.memref_slice %arg5[%dma_start3A_313, %dma_start3A_314] : memref<40000x128xf32, #tpu.memory_space<hbm>> -> memref<40000x128xf32, #tpu.memory_space<hbm>>
        tpu.enqueue_indirect_dma source(%dma_start3A_315 : memref<40000x128xf32, #tpu.memory_space<hbm>>) target(%arg9 : memref<64x128xf32, #tpu.memory_space<vmem>>) offsets(%dma_start3A_312 : memref<64xi32, #tpu.memory_space<vmem>>) semaphore(%arg15 : memref<!tpu.dma_semaphore, #tpu.memory_space<semaphore_mem>>)
      } else {
      }
      %dma_wait3A_278 = arith.constant 0 : i32
      %dma_wait3A_279 = arith.constant 0 : i32
      %dma_wait3A_280 = tpu.memref_slice %arg5[%dma_wait3A_278, %dma_wait3A_279] : memref<40000x128xf32, #tpu.memory_space<hbm>> -> memref<64x128xf32, #tpu.memory_space<hbm>>
      %dma_wait3A_281 = arith.constant 0 : i32
      %dma_wait3A_282 = arith.constant 0 : i32
      %dma_wait3A_283 = tpu.memref_slice %arg5[%dma_wait3A_281, %dma_wait3A_282] : memref<40000x128xf32, #tpu.memory_space<hbm>> -> memref<64x128xf32, #tpu.memory_space<hbm>>
      tpu.wait_dma2 semaphore(%arg17 : memref<!tpu.dma_semaphore, #tpu.memory_space<semaphore_mem>>) src(%dma_wait3A_283 : memref<64x128xf32, #tpu.memory_space<hbm>>) dst(%arg11 : memref<64x128xf32, #tpu.memory_space<vmem>>)
      %dma_start3A_284 = arith.constant 1 : i32
      %dma_start3A_285 = arith.constant 64 : i32
      %dma_start3A_286 = tpu.memref_slice %arg13[%dma_start3A_284, %dma_start3A_285] : memref<2x128xi32, #tpu.memory_space<vmem>> -> memref<1x64xi32, #tpu.memory_space<vmem>>
      %dma_start3A_287 = tpu.memref_squeeze %dma_start3A_286 : memref<1x64xi32, #tpu.memory_space<vmem>> -> memref<64xi32, #tpu.memory_space<vmem>>
      %dma_start3A_288 = arith.constant 0 : i32
      %dma_start3A_289 = arith.constant 0 : i32
      %dma_start3A_290 = tpu.memref_slice %arg24[%dma_start3A_288, %dma_start3A_289] : memref<10112x128xf32, #tpu.memory_space<vmem_shared>> -> memref<10112x128xf32, #tpu.memory_space<vmem_shared>>
      tpu.enqueue_indirect_dma source(%arg11 : memref<64x128xf32, #tpu.memory_space<vmem>>) target(%dma_start3A_290 : memref<10112x128xf32, #tpu.memory_space<vmem_shared>>) offsets(%dma_start3A_287 : memref<64xi32, #tpu.memory_space<vmem>>) semaphore(%arg21 : memref<!tpu.dma_semaphore, #tpu.memory_space<semaphore_mem>>) {add = true}
      %mul3A_291 = arith.constant 4 : i32
      %mul3A_292 = arith.muli %mul3A_291, %add3A_188 : i32
      %add3A_293 = arith.constant 3 : i32
      %add3A_294 = arith.addi %mul3A_292, %add3A_293 : i32
      %add3A_295 = arith.constant 3 : i32
      %add3A_296 = arith.addi %add3A_294, %add3A_295 : i32
      %lt3A_297 = arith.constant 160 : i32
      %lt3A_298 = arith.cmpi slt, %add3A_296, %lt3A_297 : i32
      %convert_element_type3A_299 = arith.extui %lt3A_298 : i1 to i32
      %cond3A_300 = arith.constant 0 : i32
      %cond3A_301 = arith.cmpi ne, %convert_element_type3A_299, %cond3A_300 : i32
      scf.if %cond3A_301 {
        %ge3A = arith.constant 4 : i32
        %ge3A_302 = arith.cmpi sge, %add3A_296, %ge3A : i32
        %convert_element_type3A_303 = arith.extui %ge3A_302 : i1 to i32
        %cond3A_304 = arith.constant 0 : i32
        %cond3A_305 = arith.cmpi ne, %convert_element_type3A_303, %cond3A_304 : i32
        scf.if %cond3A_305 {
          %dma_wait3A_316 = arith.constant 0 : i32
          %dma_wait3A_317 = arith.constant 0 : i32
          %dma_wait3A_318 = tpu.memref_slice %arg5[%dma_wait3A_316, %dma_wait3A_317] : memref<40000x128xf32, #tpu.memory_space<hbm>> -> memref<64x128xf32, #tpu.memory_space<hbm>>
          %dma_wait3A_319 = arith.constant 0 : i32
          %dma_wait3A_320 = arith.constant 0 : i32
          %dma_wait3A_321 = tpu.memref_slice %arg5[%dma_wait3A_319, %dma_wait3A_320] : memref<40000x128xf32, #tpu.memory_space<hbm>> -> memref<64x128xf32, #tpu.memory_space<hbm>>
          tpu.wait_dma2 semaphore(%arg20 : memref<!tpu.dma_semaphore, #tpu.memory_space<semaphore_mem>>) src(%dma_wait3A_321 : memref<64x128xf32, #tpu.memory_space<hbm>>) dst(%arg10 : memref<64x128xf32, #tpu.memory_space<vmem>>)
        } else {
        }
        %mul3A_306 = arith.constant 2 : i32
        %mul3A_307 = arith.muli %mul3A_306, %add3A_188 : i32
        %add3A_308 = arith.constant 3 : i32
        %add3A_309 = arith.addi %mul3A_307, %add3A_308 : i32
        %dma_start3A_310 = arith.constant 0 : i32
        %dma_start3A_311 = tpu.memref_slice %arg7[%add3A_309, %dma_start3A_310] : memref<80x128xi32, #tpu.memory_space<vmem>> -> memref<1x64xi32, #tpu.memory_space<vmem>>
        %dma_start3A_312 = tpu.memref_squeeze %dma_start3A_311 : memref<1x64xi32, #tpu.memory_space<vmem>> -> memref<64xi32, #tpu.memory_space<vmem>>
        %dma_start3A_313 = arith.constant 0 : i32
        %dma_start3A_314 = arith.constant 0 : i32
        %dma_start3A_315 = tpu.memref_slice %arg5[%dma_start3A_313, %dma_start3A_314] : memref<40000x128xf32, #tpu.memory_space<hbm>> -> memref<40000x128xf32, #tpu.memory_space<hbm>>
        tpu.enqueue_indirect_dma source(%dma_start3A_315 : memref<40000x128xf32, #tpu.memory_space<hbm>>) target(%arg10 : memref<64x128xf32, #tpu.memory_space<vmem>>) offsets(%dma_start3A_312 : memref<64xi32, #tpu.memory_space<vmem>>) semaphore(%arg16 : memref<!tpu.dma_semaphore, #tpu.memory_space<semaphore_mem>>)
      } else {
      }
    }
    %scan3A_38 = arith.constant 20 : i32
    %dma_wait3A = arith.constant 0 : i32
    %dma_wait3A_39 = arith.constant 0 : i32
    %dma_wait3A_40 = tpu.memref_slice %arg5[%dma_wait3A, %dma_wait3A_39] : memref<40000x128xf32, #tpu.memory_space<hbm>> -> memref<64x128xf32, #tpu.memory_space<hbm>>
    %dma_wait3A_41 = arith.constant 0 : i32
    %dma_wait3A_42 = arith.constant 0 : i32
    %dma_wait3A_43 = tpu.memref_slice %arg5[%dma_wait3A_41, %dma_wait3A_42] : memref<40000x128xf32, #tpu.memory_space<hbm>> -> memref<64x128xf32, #tpu.memory_space<hbm>>
    tpu.wait_dma2 semaphore(%arg18 : memref<!tpu.dma_semaphore, #tpu.memory_space<semaphore_mem>>) src(%dma_wait3A_43 : memref<64x128xf32, #tpu.memory_space<hbm>>) dst(%arg8 : memref<64x128xf32, #tpu.memory_space<vmem>>)
    %dma_wait3A_44 = arith.constant 0 : i32
    %dma_wait3A_45 = arith.constant 0 : i32
    %dma_wait3A_46 = tpu.memref_slice %arg5[%dma_wait3A_44, %dma_wait3A_45] : memref<40000x128xf32, #tpu.memory_space<hbm>> -> memref<64x128xf32, #tpu.memory_space<hbm>>
    %dma_wait3A_47 = arith.constant 0 : i32
    %dma_wait3A_48 = arith.constant 0 : i32
    %dma_wait3A_49 = tpu.memref_slice %arg5[%dma_wait3A_47, %dma_wait3A_48] : memref<40000x128xf32, #tpu.memory_space<hbm>> -> memref<64x128xf32, #tpu.memory_space<hbm>>
    tpu.wait_dma2 semaphore(%arg19 : memref<!tpu.dma_semaphore, #tpu.memory_space<semaphore_mem>>) src(%dma_wait3A_49 : memref<64x128xf32, #tpu.memory_space<hbm>>) dst(%arg9 : memref<64x128xf32, #tpu.memory_space<vmem>>)
    %dma_wait3A_50 = arith.constant 0 : i32
    %dma_wait3A_51 = arith.constant 0 : i32
    %dma_wait3A_52 = tpu.memref_slice %arg5[%dma_wait3A_50, %dma_wait3A_51] : memref<40000x128xf32, #tpu.memory_space<hbm>> -> memref<64x128xf32, #tpu.memory_space<hbm>>
    %dma_wait3A_53 = arith.constant 0 : i32
    %dma_wait3A_54 = arith.constant 0 : i32
    %dma_wait3A_55 = tpu.memref_slice %arg5[%dma_wait3A_53, %dma_wait3A_54] : memref<40000x128xf32, #tpu.memory_space<hbm>> -> memref<64x128xf32, #tpu.memory_space<hbm>>
    tpu.wait_dma2 semaphore(%arg20 : memref<!tpu.dma_semaphore, #tpu.memory_space<semaphore_mem>>) src(%dma_wait3A_55 : memref<64x128xf32, #tpu.memory_space<hbm>>) dst(%arg10 : memref<64x128xf32, #tpu.memory_space<vmem>>)
    %dma_wait3A_56 = arith.constant 0 : i32
    %dma_wait3A_57 = arith.constant 0 : i32
    %dma_wait3A_58 = tpu.memref_slice %arg5[%dma_wait3A_56, %dma_wait3A_57] : memref<40000x128xf32, #tpu.memory_space<hbm>> -> memref<64x128xf32, #tpu.memory_space<hbm>>
    %dma_wait3A_59 = arith.constant 0 : i32
    %dma_wait3A_60 = arith.constant 0 : i32
    %dma_wait3A_61 = tpu.memref_slice %arg5[%dma_wait3A_59, %dma_wait3A_60] : memref<40000x128xf32, #tpu.memory_space<hbm>> -> memref<64x128xf32, #tpu.memory_space<hbm>>
    tpu.wait_dma2 semaphore(%arg21 : memref<!tpu.dma_semaphore, #tpu.memory_space<semaphore_mem>>) src(%dma_wait3A_61 : memref<64x128xf32, #tpu.memory_space<hbm>>) dst(%arg11 : memref<64x128xf32, #tpu.memory_space<vmem>>)
    %barrier3A_62 = arith.constant 0 : index
    tpu.barrier barrier_id(%barrier3A_62)
    %lt3A = arith.constant 15 : i32
    %lt3A_63 = arith.cmpi slt, %arg1, %lt3A : i32
    %convert_element_type3A = arith.extui %lt3A_63 : i1 to i32
    %cond3A = arith.constant 0 : i32
    %cond3A_64 = arith.cmpi ne, %convert_element_type3A, %cond3A : i32
    scf.if %cond3A_64 {
      %mul3A_69 = arith.constant 640 : i32
      %mul3A_70 = arith.muli %arg1, %mul3A_69 : i32
      %mul3A_71 = arith.constant 640 : i32
      %mul3A_72 = arith.muli %arg1, %mul3A_71 : i32
      "tpu.region"() ({
        %run_scoped3A = tpu.sem_alloc : memref<!tpu.dma_semaphore, #tpu.memory_space<semaphore_mem>>
        %dma_start3A_73 = arith.constant 0 : i32
        %dma_start3A_74 = tpu.memref_slice %arg6[%arg0, %mul3A_72, %dma_start3A_73] : memref<2x10000x128xf32, #tpu.memory_space<hbm>> -> memref<1x640x128xf32, #tpu.memory_space<hbm>>
        %dma_start3A_75 = tpu.memref_squeeze %dma_start3A_74 : memref<1x640x128xf32, #tpu.memory_space<hbm>> -> memref<640x128xf32, #tpu.memory_space<hbm>>
        %dma_start3A_76 = arith.constant 0 : i32
        %dma_start3A_77 = tpu.memref_slice %arg24[%mul3A_70, %dma_start3A_76] : memref<10112x128xf32, #tpu.memory_space<vmem_shared>> -> memref<640x128xf32, #tpu.memory_space<vmem_shared>>
        tpu.enqueue_dma source(%dma_start3A_77 : memref<640x128xf32, #tpu.memory_space<vmem_shared>>) target(%dma_start3A_75 : memref<640x128xf32, #tpu.memory_space<hbm>>) target_semaphore(%run_scoped3A : memref<!tpu.dma_semaphore, #tpu.memory_space<semaphore_mem>>)
        %dma_wait3A_78 = arith.constant 0 : i32
        %dma_wait3A_79 = tpu.memref_slice %arg6[%arg0, %mul3A_72, %dma_wait3A_78] : memref<2x10000x128xf32, #tpu.memory_space<hbm>> -> memref<1x640x128xf32, #tpu.memory_space<hbm>>
        %dma_wait3A_80 = tpu.memref_squeeze %dma_wait3A_79 : memref<1x640x128xf32, #tpu.memory_space<hbm>> -> memref<640x128xf32, #tpu.memory_space<hbm>>
        %dma_wait3A_81 = arith.constant 0 : i32
        %dma_wait3A_82 = tpu.memref_slice %arg24[%mul3A_70, %dma_wait3A_81] : memref<10112x128xf32, #tpu.memory_space<vmem_shared>> -> memref<640x128xf32, #tpu.memory_space<vmem_shared>>
        tpu.wait_dma2 semaphore(%run_scoped3A : memref<!tpu.dma_semaphore, #tpu.memory_space<semaphore_mem>>) src(%dma_wait3A_82 : memref<640x128xf32, #tpu.memory_space<vmem_shared>>) dst(%dma_wait3A_80 : memref<640x128xf32, #tpu.memory_space<hbm>>)
        tpu.yield
      }) : () -> ()
    } else {
    }
    %eq3A = arith.constant 15 : i32
    %eq3A_65 = arith.cmpi eq, %arg1, %eq3A : i32
    %convert_element_type3A_66 = arith.extui %eq3A_65 : i1 to i32
    %cond3A_67 = arith.constant 0 : i32
    %cond3A_68 = arith.cmpi ne, %convert_element_type3A_66, %cond3A_67 : i32
    scf.if %cond3A_68 {
      "tpu.region"() ({
        %run_scoped3A = tpu.sem_alloc : memref<!tpu.dma_semaphore, #tpu.memory_space<semaphore_mem>>
        %dma_start3A_69 = arith.constant 9600 : i32
        %dma_start3A_70 = arith.constant 0 : i32
        %dma_start3A_71 = tpu.memref_slice %arg6[%arg0, %dma_start3A_69, %dma_start3A_70] : memref<2x10000x128xf32, #tpu.memory_space<hbm>> -> memref<1x400x128xf32, #tpu.memory_space<hbm>>
        %dma_start3A_72 = tpu.memref_squeeze %dma_start3A_71 : memref<1x400x128xf32, #tpu.memory_space<hbm>> -> memref<400x128xf32, #tpu.memory_space<hbm>>
        %dma_start3A_73 = arith.constant 9600 : i32
        %dma_start3A_74 = arith.constant 0 : i32
        %dma_start3A_75 = tpu.memref_slice %arg24[%dma_start3A_73, %dma_start3A_74] : memref<10112x128xf32, #tpu.memory_space<vmem_shared>> -> memref<400x128xf32, #tpu.memory_space<vmem_shared>>
        tpu.enqueue_dma source(%dma_start3A_75 : memref<400x128xf32, #tpu.memory_space<vmem_shared>>) target(%dma_start3A_72 : memref<400x128xf32, #tpu.memory_space<hbm>>) target_semaphore(%run_scoped3A : memref<!tpu.dma_semaphore, #tpu.memory_space<semaphore_mem>>)
        %dma_wait3A_76 = arith.constant 9600 : i32
        %dma_wait3A_77 = arith.constant 0 : i32
        %dma_wait3A_78 = tpu.memref_slice %arg6[%arg0, %dma_wait3A_76, %dma_wait3A_77] : memref<2x10000x128xf32, #tpu.memory_space<hbm>> -> memref<1x400x128xf32, #tpu.memory_space<hbm>>
        %dma_wait3A_79 = tpu.memref_squeeze %dma_wait3A_78 : memref<1x400x128xf32, #tpu.memory_space<hbm>> -> memref<400x128xf32, #tpu.memory_space<hbm>>
        %dma_wait3A_80 = arith.constant 9600 : i32
        %dma_wait3A_81 = arith.constant 0 : i32
        %dma_wait3A_82 = tpu.memref_slice %arg24[%dma_wait3A_80, %dma_wait3A_81] : memref<10112x128xf32, #tpu.memory_space<vmem_shared>> -> memref<400x128xf32, #tpu.memory_space<vmem_shared>>
        tpu.wait_dma2 semaphore(%run_scoped3A : memref<!tpu.dma_semaphore, #tpu.memory_space<semaphore_mem>>) src(%dma_wait3A_82 : memref<400x128xf32, #tpu.memory_space<vmem_shared>>) dst(%dma_wait3A_79 : memref<400x128xf32, #tpu.memory_space<hbm>>)
        tpu.yield
      }) : () -> ()
    } else {
    }
    return
  }
}

module attributes {stable_mosaic.version = 14 : i64} {
  func.func @_embed_body(%arg0: i32, %arg1: memref<1000x1xi32, #tpu.memory_space<vmem>>, %arg2: memref<128x128xf32, #tpu.memory_space<vmem>>, %arg3: memref<4x128xf32, #tpu.memory_space<vmem>>, %arg4: memref<1000x128xf32, #tpu.memory_space<vmem>>, %arg5: memref<4x1000x128xf32, #tpu.memory_space<vmem>>) attributes {dimension_semantics = [#tpu.dimension_semantics<arbitrary>], iteration_bounds = array<i64: 10>, scalar_prefetch = 0 : i64, scratch_operands = 0 : i64, tpu.core_type = #tpu.core_type<tc>, window_params = [{transform_indices = @transform_0, window_bounds = array<i64: 1000, 1>}, {pipeline_mode = #tpu.pipeline_mode<synchronous>, transform_indices = @transform_1, window_bounds = array<i64: 128, 128>}, {pipeline_mode = #tpu.pipeline_mode<synchronous>, transform_indices = @transform_2, window_bounds = array<i64: 4, 128>}, {transform_indices = @transform_3, window_bounds = array<i64: 1000, 128>}, {transform_indices = @transform_4, window_bounds = array<i64: 4, 1000, 128>}]} {
    %iota3A = tpu.iota {dimensions = array<i32: 1>} : vector<1x128xi32>
    %get3A = arith.constant 0 : index
    %get3A_0 = arith.constant 0 : index
    %get3A_1 = vector.load %arg1[%get3A, %get3A_0] : memref<1000x1xi32, #tpu.memory_space<vmem>>, vector<1000x1xi32>
    %eq3A = vector.broadcast %get3A_1 : vector<1000x1xi32> to vector<1000x128xi32>
    %eq3A_2 = vector.broadcast %iota3A : vector<1x128xi32> to vector<1000x128xi32>
    %eq3A_3 = arith.cmpi eq, %eq3A, %eq3A_2 : vector<1000x128xi32>
    %convert_element_type3A = arith.extui %eq3A_3 : vector<1000x128xi1> to vector<1000x128xi32>
    %convert_element_type3A_4 = arith.sitofp %convert_element_type3A : vector<1000x128xi32> to vector<1000x128xf32>
    %get3A_5 = arith.constant 0 : index
    %get3A_6 = arith.constant 0 : index
    %get3A_7 = vector.load %arg2[%get3A_5, %get3A_6] : memref<128x128xf32, #tpu.memory_space<vmem>>, vector<128x128xf32>
    %dot_general3A = arith.constant dense<0.000000e+00> : vector<1000x128xf32>
    %dot_general3A_8 = tpu.matmul %convert_element_type3A_4, %get3A_7, %dot_general3A {dimension_numbers = #tpu.dot_dimension_numbers<[1], [0], [0], [1], [0, 0, 1, 1], [], []>, transpose_lhs_hint = false} : vector<1000x128xf32>, vector<128x128xf32>, vector<1000x128xf32> -> vector<1000x128xf32>
    %swap3A = arith.constant 0 : index
    %swap3A_9 = arith.constant 0 : index
    %swap3A_10 = vector.load %arg4[%swap3A, %swap3A_9] : memref<1000x128xf32, #tpu.memory_space<vmem>>, vector<1000x128xf32>
    tpu.vector_store %arg4[%swap3A, %swap3A_9], %dot_general3A_8 {strides = array<i32>} : memref<1000x128xf32, #tpu.memory_space<vmem>>, vector<1000x128xf32>,
    %broadcast_in_dim3A = vector.shape_cast %dot_general3A_8 : vector<1000x128xf32> to vector<1x1000x128xf32>
    %get3A_11 = arith.constant 0 : index
    %get3A_12 = arith.constant 0 : index
    %get3A_13 = vector.load %arg3[%get3A_11, %get3A_12] : memref<4x128xf32, #tpu.memory_space<vmem>>, vector<4x128xf32>
    %broadcast_in_dim3A_14 = vector.shape_cast %get3A_13 : vector<4x128xf32> to vector<4x1x128xf32>
    %add3A = vector.broadcast %broadcast_in_dim3A : vector<1x1000x128xf32> to vector<4x1000x128xf32>
    %add3A_15 = vector.broadcast %broadcast_in_dim3A_14 : vector<4x1x128xf32> to vector<4x1000x128xf32>
    %add3A_16 = arith.addf %add3A, %add3A_15 : vector<4x1000x128xf32>
    %max3A = arith.constant 0.000000e+00 : f32
    %max3A_17 = vector.broadcast %max3A : f32 to vector<4x1000x128xf32>
    %max3A_18 = arith.maximumf %add3A_16, %max3A_17 : vector<4x1000x128xf32>
    %swap3A_19 = arith.constant 0 : index
    %swap3A_20 = arith.constant 0 : index
    %swap3A_21 = arith.constant 0 : index
    %swap3A_22 = vector.load %arg5[%swap3A_19, %swap3A_20, %swap3A_21] : memref<4x1000x128xf32, #tpu.memory_space<vmem>>, vector<4x1000x128xf32>
    tpu.vector_store %arg5[%swap3A_19, %swap3A_20, %swap3A_21], %max3A_18 {strides = array<i32>} : memref<4x1000x128xf32, #tpu.memory_space<vmem>>, vector<4x1000x128xf32>,
    return
  }
  func.func @transform_0(%arg0: i32) -> (i32, i32) {
    %c0_i32 = arith.constant 0 : i32
    %c0_i32_0 = arith.constant 0 : i32
    return %arg0, %c0_i32 : i32, i32
  }
  func.func @transform_1(%arg0: i32) -> (i32, i32) {
    %c0_i32 = arith.constant 0 : i32
    %c0_i32_0 = arith.constant 0 : i32
    %c0_i32_1 = arith.constant 0 : i32
    return %c0_i32, %c0_i32_0 : i32, i32
  }
  func.func @transform_2(%arg0: i32) -> (i32, i32) {
    %c0_i32 = arith.constant 0 : i32
    %c0_i32_0 = arith.constant 0 : i32
    %c0_i32_1 = arith.constant 0 : i32
    return %c0_i32, %c0_i32_0 : i32, i32
  }
  func.func @transform_3(%arg0: i32) -> (i32, i32) {
    %c0_i32 = arith.constant 0 : i32
    %c0_i32_0 = arith.constant 0 : i32
    return %arg0, %c0_i32 : i32, i32
  }
  func.func @transform_4(%arg0: i32) -> (i32, i32, i32) {
    %c0_i32 = arith.constant 0 : i32
    %c0_i32_0 = arith.constant 0 : i32
    %c0_i32_1 = arith.constant 0 : i32
    return %c0_i32, %arg0, %c0_i32_0 : i32, i32, i32
  }
}

module attributes {stable_mosaic.version = 14 : i64} {
  func.func @_layer_body(%arg0: i32, %arg1: i32, %arg2: memref<1000x128xf32, #tpu.memory_space<vmem>>, %arg3: memref<2x1000x128xf32, #tpu.memory_space<vmem>>, %arg4: memref<1x1xf32, #tpu.memory_space<smem>>, %arg5: memref<128x128xf32, #tpu.memory_space<vmem>>, %arg6: memref<1x128xf32, #tpu.memory_space<vmem>>, %arg7: memref<1x128xf32, #tpu.memory_space<vmem>>, %arg8: memref<1x128xf32, #tpu.memory_space<vmem>>, %arg9: memref<128x128xf32, #tpu.memory_space<vmem>>, %arg10: memref<1x128xf32, #tpu.memory_space<vmem>>, %arg11: memref<1x128xf32, #tpu.memory_space<vmem>>, %arg12: memref<1x128xf32, #tpu.memory_space<vmem>>, %arg13: memref<4x128xf32, #tpu.memory_space<vmem>>, %arg14: memref<1000x128xf32, #tpu.memory_space<vmem>>, %arg15: memref<4x1000x128xf32, #tpu.memory_space<vmem>>, %arg16: memref<10000x128xf32, #tpu.memory_space<vmem>>, %arg17: memref<10000x128xf32, #tpu.memory_space<vmem>>, %arg18: memref<2x128xf32, #tpu.memory_space<vmem>>, %arg19: memref<2x128xf32, #tpu.memory_space<vmem>>) attributes {dimension_semantics = [#tpu.dimension_semantics<arbitrary>, #tpu.dimension_semantics<arbitrary>], iteration_bounds = array<i64: 3, 10>, scalar_prefetch = 0 : i64, scratch_operands = 4 : i64, tpu.core_type = #tpu.core_type<tc>, window_params = [{transform_indices = @transform_0, window_bounds = array<i64: 1000, 128>}, {transform_indices = @transform_1, window_bounds = array<i64: 2, 1000, 128>}, {transform_indices = @transform_2, window_bounds = array<i64: 1, 1>}, {pipeline_mode = #tpu.pipeline_mode<synchronous>, transform_indices = @transform_3, window_bounds = array<i64: 128, 128>}, {pipeline_mode = #tpu.pipeline_mode<synchronous>, transform_indices = @transform_4, window_bounds = array<i64: 1, 128>}, {pipeline_mode = #tpu.pipeline_mode<synchronous>, transform_indices = @transform_5, window_bounds = array<i64: 1, 128>}, {pipeline_mode = #tpu.pipeline_mode<synchronous>, transform_indices = @transform_6, window_bounds = array<i64: 1, 128>}, {pipeline_mode = #tpu.pipeline_mode<synchronous>, transform_indices = @transform_7, window_bounds = array<i64: 128, 128>}, {pipeline_mode = #tpu.pipeline_mode<synchronous>, transform_indices = @transform_8, window_bounds = array<i64: 1, 128>}, {pipeline_mode = #tpu.pipeline_mode<synchronous>, transform_indices = @transform_9, window_bounds = array<i64: 1, 128>}, {pipeline_mode = #tpu.pipeline_mode<synchronous>, transform_indices = @transform_10, window_bounds = array<i64: 1, 128>}, {pipeline_mode = #tpu.pipeline_mode<synchronous>, transform_indices = @transform_11, window_bounds = array<i64: 4, 128>}, {transform_indices = @transform_12, window_bounds = array<i64: 1000, 128>}, {transform_indices = @transform_13, window_bounds = array<i64: 4, 1000, 128>}]} {
    %eq3A = arith.constant 0 : i32
    %eq3A_0 = arith.cmpi eq, %arg0, %eq3A : i32
    %convert_element_type3A = arith.extui %eq3A_0 : i1 to i32
    %cond3A = arith.constant 0 : i32
    %cond3A_1 = arith.cmpi ne, %convert_element_type3A, %cond3A : i32
    scf.if %cond3A_1 {
      %get3A = arith.constant 0 : index
      %get3A_12 = arith.constant 0 : index
      %get3A_13 = memref.load %arg4[%get3A, %get3A_12] : memref<1x1xf32, #tpu.memory_space<smem>>
      %add3A = arith.constant 1.000000e+00 : f32
      %add3A_14 = arith.addf %add3A, %get3A_13 : f32
      %get3A_15 = arith.constant 0 : index
      %get3A_16 = arith.constant 0 : index
      %get3A_17 = vector.load %arg2[%get3A_15, %get3A_16] : memref<1000x128xf32, #tpu.memory_space<vmem>>, vector<1000x128xf32>
      %mul3A = vector.broadcast %add3A_14 : f32 to vector<1000x128xf32>
      %mul3A_18 = arith.mulf %mul3A, %get3A_17 : vector<1000x128xf32>
      %get3A_19 = arith.constant 0 : index
      %get3A_20 = arith.constant 0 : index
      %get3A_21 = arith.constant 0 : index
      %get3A_22 = vector.load %arg3[%get3A_19, %get3A_20, %get3A_21] : memref<2x1000x128xf32, #tpu.memory_space<vmem>>, vector<1x1000x128xf32>
      %get3A_23 = vector.shape_cast %get3A_22 : vector<1x1000x128xf32> to vector<1000x128xf32>
      %add3A_24 = arith.addf %mul3A_18, %get3A_23 : vector<1000x128xf32>
      %get3A_25 = arith.constant 1 : index
      %get3A_26 = arith.constant 0 : index
      %get3A_27 = arith.constant 0 : index
      %get3A_28 = vector.load %arg3[%get3A_25, %get3A_26, %get3A_27] : memref<2x1000x128xf32, #tpu.memory_space<vmem>>, vector<1x1000x128xf32>
      %get3A_29 = vector.shape_cast %get3A_28 : vector<1x1000x128xf32> to vector<1000x128xf32>
      %add3A_30 = arith.addf %add3A_24, %get3A_29 : vector<1000x128xf32>
      %get3A_31 = arith.constant 0 : index
      %get3A_32 = arith.constant 0 : index
      %get3A_33 = vector.load %arg5[%get3A_31, %get3A_32] : memref<128x128xf32, #tpu.memory_space<vmem>>, vector<128x128xf32>
      %dot_general3A = arith.constant dense<0.000000e+00> : vector<1000x128xf32>
      %dot_general3A_34 = tpu.matmul %add3A_30, %get3A_33, %dot_general3A {dimension_numbers = #tpu.dot_dimension_numbers<[1], [0], [0], [1], [0, 0, 1, 1], [], []>, transpose_lhs_hint = false} : vector<1000x128xf32>, vector<128x128xf32>, vector<1000x128xf32> -> vector<1000x128xf32>
      %get3A_35 = arith.constant 0 : index
      %get3A_36 = arith.constant 0 : index
      %get3A_37 = vector.load %arg6[%get3A_35, %get3A_36] : memref<1x128xf32, #tpu.memory_space<vmem>>, vector<1x128xf32>
      %add3A_38 = vector.broadcast %get3A_37 : vector<1x128xf32> to vector<1000x128xf32>
      %add3A_39 = arith.addf %dot_general3A_34, %add3A_38 : vector<1000x128xf32>
      %mul3A_40 = arith.constant 1000 : i32
      %mul3A_41 = arith.muli %arg1, %mul3A_40 : i32
      %swap3A = arith.index_cast %mul3A_41 : i32 to index
      %swap3A_42 = arith.constant 0 : index
      %swap3A_43 = vector.load %arg16[%swap3A, %swap3A_42] : memref<10000x128xf32, #tpu.memory_space<vmem>>, vector<1000x128xf32>
      tpu.vector_store %arg16[%swap3A, %swap3A_42], %add3A_39 {strides = array<i32>} : memref<10000x128xf32, #tpu.memory_space<vmem>>, vector<1000x128xf32>,
      %eq3A_44 = arith.constant 0 : i32
      %eq3A_45 = arith.cmpi eq, %arg1, %eq3A_44 : i32
      %convert_element_type3A_46 = arith.extui %eq3A_45 : i1 to i32
      %cond3A_47 = arith.constant 0 : i32
      %cond3A_48 = arith.cmpi ne, %convert_element_type3A_46, %cond3A_47 : i32
      scf.if %cond3A_48 {
        %broadcast_in_dim3A_68 = arith.constant 0.000000e+00 : f32
        %broadcast_in_dim3A_69 = vector.broadcast %broadcast_in_dim3A_68 : f32 to vector<2x128xf32>
        %swap3A_70 = arith.constant 0 : index
        %swap3A_71 = arith.constant 0 : index
        %swap3A_72 = vector.load %arg18[%swap3A_70, %swap3A_71] : memref<2x128xf32, #tpu.memory_space<vmem>>, vector<2x128xf32>
        tpu.vector_store %arg18[%swap3A_70, %swap3A_71], %broadcast_in_dim3A_69 {strides = array<i32>} : memref<2x128xf32, #tpu.memory_space<vmem>>, vector<2x128xf32>,
      } else {
      }
      %get3A_49 = arith.constant 0 : index
      %get3A_50 = arith.constant 0 : index
      %get3A_51 = vector.load %arg18[%get3A_49, %get3A_50] : memref<2x128xf32, #tpu.memory_space<vmem>>, vector<1x128xf32>
      %reduce_sum3A = arith.constant dense<0.000000e+00> : vector<128xf32>
      %reduce_sum3A_52 = vector.multi_reduction <add>, %add3A_39, %reduce_sum3A [0] : vector<1000x128xf32> to vector<128xf32>
      %broadcast_in_dim3A = vector.shape_cast %reduce_sum3A_52 : vector<128xf32> to vector<1x128xf32>
      %add3A_53 = arith.addf %get3A_51, %broadcast_in_dim3A : vector<1x128xf32>
      %swap3A_54 = arith.constant 0 : index
      %swap3A_55 = arith.constant 0 : index
      %swap3A_56 = vector.load %arg18[%swap3A_54, %swap3A_55] : memref<2x128xf32, #tpu.memory_space<vmem>>, vector<1x128xf32>
      tpu.vector_store %arg18[%swap3A_54, %swap3A_55], %add3A_53 {strides = array<i32>} : memref<2x128xf32, #tpu.memory_space<vmem>>, vector<1x128xf32>,
      %get3A_57 = arith.constant 1 : index
      %get3A_58 = arith.constant 0 : index
      %get3A_59 = vector.load %arg18[%get3A_57, %get3A_58] : memref<2x128xf32, #tpu.memory_space<vmem>>, vector<1x128xf32>
      %mul3A_60 = arith.mulf %add3A_39, %add3A_39 : vector<1000x128xf32>
      %reduce_sum3A_61 = arith.constant dense<0.000000e+00> : vector<128xf32>
      %reduce_sum3A_62 = vector.multi_reduction <add>, %mul3A_60, %reduce_sum3A_61 [0] : vector<1000x128xf32> to vector<128xf32>
      %broadcast_in_dim3A_63 = vector.shape_cast %reduce_sum3A_62 : vector<128xf32> to vector<1x128xf32>
      %add3A_64 = arith.addf %get3A_59, %broadcast_in_dim3A_63 : vector<1x128xf32>
      %swap3A_65 = arith.constant 1 : index
      %swap3A_66 = arith.constant 0 : index
      %swap3A_67 = vector.load %arg18[%swap3A_65, %swap3A_66] : memref<2x128xf32, #tpu.memory_space<vmem>>, vector<1x128xf32>
      tpu.vector_store %arg18[%swap3A_65, %swap3A_66], %add3A_64 {strides = array<i32>} : memref<2x128xf32, #tpu.memory_space<vmem>>, vector<1x128xf32>,
    } else {
    }
    %eq3A_2 = arith.constant 1 : i32
    %eq3A_3 = arith.cmpi eq, %arg0, %eq3A_2 : i32
    %convert_element_type3A_4 = arith.extui %eq3A_3 : i1 to i32
    %cond3A_5 = arith.constant 0 : i32
    %cond3A_6 = arith.cmpi ne, %convert_element_type3A_4, %cond3A_5 : i32
    scf.if %cond3A_6 {
      %mul3A = arith.constant 1000 : i32
      %mul3A_12 = arith.muli %arg1, %mul3A : i32
      %get3A = arith.index_cast %mul3A_12 : i32 to index
      %get3A_13 = arith.constant 0 : index
      %get3A_14 = vector.load %arg16[%get3A, %get3A_13] : memref<10000x128xf32, #tpu.memory_space<vmem>>, vector<1000x128xf32>
      %get3A_15 = arith.constant 0 : index
      %get3A_16 = arith.constant 0 : index
      %get3A_17 = vector.load %arg18[%get3A_15, %get3A_16] : memref<2x128xf32, #tpu.memory_space<vmem>>, vector<2x128xf32>
      %get3A_18 = arith.constant 0 : index
      %get3A_19 = arith.constant 0 : index
      %get3A_20 = vector.load %arg7[%get3A_18, %get3A_19] : memref<1x128xf32, #tpu.memory_space<vmem>>, vector<1x128xf32>
      %get3A_21 = arith.constant 0 : index
      %get3A_22 = arith.constant 0 : index
      %get3A_23 = vector.load %arg8[%get3A_21, %get3A_22] : memref<1x128xf32, #tpu.memory_space<vmem>>, vector<1x128xf32>
      %slice3A = vector.extract_strided_slice %get3A_17 {offsets = [0, 0], sizes = [1, 128], strides = [1, 1]} : vector<2x128xf32> to vector<1x128xf32>
      %mul3A_24 = arith.constant 9.99999974E-5 : f32
      %mul3A_25 = vector.broadcast %mul3A_24 : f32 to vector<1x128xf32>
      %mul3A_26 = arith.mulf %slice3A, %mul3A_25 : vector<1x128xf32>
      %slice3A_27 = vector.extract_strided_slice %get3A_17 {offsets = [1, 0], sizes = [1, 128], strides = [1, 1]} : vector<2x128xf32> to vector<1x128xf32>
      %mul3A_28 = arith.constant 9.99999974E-5 : f32
      %mul3A_29 = vector.broadcast %mul3A_28 : f32 to vector<1x128xf32>
      %mul3A_30 = arith.mulf %slice3A_27, %mul3A_29 : vector<1x128xf32>
      %mul3A_31 = arith.mulf %mul3A_26, %mul3A_26 : vector<1x128xf32>
      %sub3A = arith.subf %mul3A_30, %mul3A_31 : vector<1x128xf32>
      %sub3A_32 = vector.broadcast %mul3A_26 : vector<1x128xf32> to vector<1000x128xf32>
      %sub3A_33 = arith.subf %get3A_14, %sub3A_32 : vector<1000x128xf32>
      %add3A = arith.constant 9.99999974E-6 : f32
      %add3A_34 = vector.broadcast %add3A : f32 to vector<1x128xf32>
      %add3A_35 = arith.addf %sub3A, %add3A_34 : vector<1x128xf32>
      %sqrt3A = math.sqrt %add3A_35 : vector<1x128xf32>
      %div3A = vector.broadcast %sqrt3A : vector<1x128xf32> to vector<1000x128xf32>
      %div3A_36 = arith.divf %sub3A_33, %div3A : vector<1000x128xf32>
      %mul3A_37 = vector.broadcast %get3A_20 : vector<1x128xf32> to vector<1000x128xf32>
      %mul3A_38 = arith.mulf %div3A_36, %mul3A_37 : vector<1000x128xf32>
      %add3A_39 = vector.broadcast %get3A_23 : vector<1x128xf32> to vector<1000x128xf32>
      %add3A_40 = arith.addf %mul3A_38, %add3A_39 : vector<1000x128xf32>
      %max3A = arith.constant 0.000000e+00 : f32
      %max3A_41 = vector.broadcast %max3A : f32 to vector<1000x128xf32>
      %max3A_42 = arith.maximumf %add3A_40, %max3A_41 : vector<1000x128xf32>
      %get3A_43 = arith.constant 0 : index
      %get3A_44 = arith.constant 0 : index
      %get3A_45 = vector.load %arg9[%get3A_43, %get3A_44] : memref<128x128xf32, #tpu.memory_space<vmem>>, vector<128x128xf32>
      %dot_general3A = arith.constant dense<0.000000e+00> : vector<1000x128xf32>
      %dot_general3A_46 = tpu.matmul %max3A_42, %get3A_45, %dot_general3A {dimension_numbers = #tpu.dot_dimension_numbers<[1], [0], [0], [1], [0, 0, 1, 1], [], []>, transpose_lhs_hint = false} : vector<1000x128xf32>, vector<128x128xf32>, vector<1000x128xf32> -> vector<1000x128xf32>
      %get3A_47 = arith.constant 0 : index
      %get3A_48 = arith.constant 0 : index
      %get3A_49 = vector.load %arg10[%get3A_47, %get3A_48] : memref<1x128xf32, #tpu.memory_space<vmem>>, vector<1x128xf32>
      %add3A_50 = vector.broadcast %get3A_49 : vector<1x128xf32> to vector<1000x128xf32>
      %add3A_51 = arith.addf %dot_general3A_46, %add3A_50 : vector<1000x128xf32>
      %mul3A_52 = arith.constant 1000 : i32
      %mul3A_53 = arith.muli %arg1, %mul3A_52 : i32
      %swap3A = arith.index_cast %mul3A_53 : i32 to index
      %swap3A_54 = arith.constant 0 : index
      %swap3A_55 = vector.load %arg17[%swap3A, %swap3A_54] : memref<10000x128xf32, #tpu.memory_space<vmem>>, vector<1000x128xf32>
      tpu.vector_store %arg17[%swap3A, %swap3A_54], %add3A_51 {strides = array<i32>} : memref<10000x128xf32, #tpu.memory_space<vmem>>, vector<1000x128xf32>,
      %eq3A_56 = arith.constant 0 : i32
      %eq3A_57 = arith.cmpi eq, %arg1, %eq3A_56 : i32
      %convert_element_type3A_58 = arith.extui %eq3A_57 : i1 to i32
      %cond3A_59 = arith.constant 0 : i32
      %cond3A_60 = arith.cmpi ne, %convert_element_type3A_58, %cond3A_59 : i32
      scf.if %cond3A_60 {
        %broadcast_in_dim3A_80 = arith.constant 0.000000e+00 : f32
        %broadcast_in_dim3A_81 = vector.broadcast %broadcast_in_dim3A_80 : f32 to vector<2x128xf32>
        %swap3A_82 = arith.constant 0 : index
        %swap3A_83 = arith.constant 0 : index
        %swap3A_84 = vector.load %arg19[%swap3A_82, %swap3A_83] : memref<2x128xf32, #tpu.memory_space<vmem>>, vector<2x128xf32>
        tpu.vector_store %arg19[%swap3A_82, %swap3A_83], %broadcast_in_dim3A_81 {strides = array<i32>} : memref<2x128xf32, #tpu.memory_space<vmem>>, vector<2x128xf32>,
      } else {
      }
      %get3A_61 = arith.constant 0 : index
      %get3A_62 = arith.constant 0 : index
      %get3A_63 = vector.load %arg19[%get3A_61, %get3A_62] : memref<2x128xf32, #tpu.memory_space<vmem>>, vector<1x128xf32>
      %reduce_sum3A = arith.constant dense<0.000000e+00> : vector<128xf32>
      %reduce_sum3A_64 = vector.multi_reduction <add>, %add3A_51, %reduce_sum3A [0] : vector<1000x128xf32> to vector<128xf32>
      %broadcast_in_dim3A = vector.shape_cast %reduce_sum3A_64 : vector<128xf32> to vector<1x128xf32>
      %add3A_65 = arith.addf %get3A_63, %broadcast_in_dim3A : vector<1x128xf32>
      %swap3A_66 = arith.constant 0 : index
      %swap3A_67 = arith.constant 0 : index
      %swap3A_68 = vector.load %arg19[%swap3A_66, %swap3A_67] : memref<2x128xf32, #tpu.memory_space<vmem>>, vector<1x128xf32>
      tpu.vector_store %arg19[%swap3A_66, %swap3A_67], %add3A_65 {strides = array<i32>} : memref<2x128xf32, #tpu.memory_space<vmem>>, vector<1x128xf32>,
      %get3A_69 = arith.constant 1 : index
      %get3A_70 = arith.constant 0 : index
      %get3A_71 = vector.load %arg19[%get3A_69, %get3A_70] : memref<2x128xf32, #tpu.memory_space<vmem>>, vector<1x128xf32>
      %mul3A_72 = arith.mulf %add3A_51, %add3A_51 : vector<1000x128xf32>
      %reduce_sum3A_73 = arith.constant dense<0.000000e+00> : vector<128xf32>
      %reduce_sum3A_74 = vector.multi_reduction <add>, %mul3A_72, %reduce_sum3A_73 [0] : vector<1000x128xf32> to vector<128xf32>
      %broadcast_in_dim3A_75 = vector.shape_cast %reduce_sum3A_74 : vector<128xf32> to vector<1x128xf32>
      %add3A_76 = arith.addf %get3A_71, %broadcast_in_dim3A_75 : vector<1x128xf32>
      %swap3A_77 = arith.constant 1 : index
      %swap3A_78 = arith.constant 0 : index
      %swap3A_79 = vector.load %arg19[%swap3A_77, %swap3A_78] : memref<2x128xf32, #tpu.memory_space<vmem>>, vector<1x128xf32>
      tpu.vector_store %arg19[%swap3A_77, %swap3A_78], %add3A_76 {strides = array<i32>} : memref<2x128xf32, #tpu.memory_space<vmem>>, vector<1x128xf32>,
    } else {
    }
    %eq3A_7 = arith.constant 2 : i32
    %eq3A_8 = arith.cmpi eq, %arg0, %eq3A_7 : i32
    %convert_element_type3A_9 = arith.extui %eq3A_8 : i1 to i32
    %cond3A_10 = arith.constant 0 : i32
    %cond3A_11 = arith.cmpi ne, %convert_element_type3A_9, %cond3A_10 : i32
    scf.if %cond3A_11 {
      %mul3A = arith.constant 1000 : i32
      %mul3A_12 = arith.muli %arg1, %mul3A : i32
      %get3A = arith.index_cast %mul3A_12 : i32 to index
      %get3A_13 = arith.constant 0 : index
      %get3A_14 = vector.load %arg17[%get3A, %get3A_13] : memref<10000x128xf32, #tpu.memory_space<vmem>>, vector<1000x128xf32>
      %get3A_15 = arith.constant 0 : index
      %get3A_16 = arith.constant 0 : index
      %get3A_17 = vector.load %arg19[%get3A_15, %get3A_16] : memref<2x128xf32, #tpu.memory_space<vmem>>, vector<2x128xf32>
      %get3A_18 = arith.constant 0 : index
      %get3A_19 = arith.constant 0 : index
      %get3A_20 = vector.load %arg11[%get3A_18, %get3A_19] : memref<1x128xf32, #tpu.memory_space<vmem>>, vector<1x128xf32>
      %get3A_21 = arith.constant 0 : index
      %get3A_22 = arith.constant 0 : index
      %get3A_23 = vector.load %arg12[%get3A_21, %get3A_22] : memref<1x128xf32, #tpu.memory_space<vmem>>, vector<1x128xf32>
      %slice3A = vector.extract_strided_slice %get3A_17 {offsets = [0, 0], sizes = [1, 128], strides = [1, 1]} : vector<2x128xf32> to vector<1x128xf32>
      %mul3A_24 = arith.constant 9.99999974E-5 : f32
      %mul3A_25 = vector.broadcast %mul3A_24 : f32 to vector<1x128xf32>
      %mul3A_26 = arith.mulf %slice3A, %mul3A_25 : vector<1x128xf32>
      %slice3A_27 = vector.extract_strided_slice %get3A_17 {offsets = [1, 0], sizes = [1, 128], strides = [1, 1]} : vector<2x128xf32> to vector<1x128xf32>
      %mul3A_28 = arith.constant 9.99999974E-5 : f32
      %mul3A_29 = vector.broadcast %mul3A_28 : f32 to vector<1x128xf32>
      %mul3A_30 = arith.mulf %slice3A_27, %mul3A_29 : vector<1x128xf32>
      %mul3A_31 = arith.mulf %mul3A_26, %mul3A_26 : vector<1x128xf32>
      %sub3A = arith.subf %mul3A_30, %mul3A_31 : vector<1x128xf32>
      %sub3A_32 = vector.broadcast %mul3A_26 : vector<1x128xf32> to vector<1000x128xf32>
      %sub3A_33 = arith.subf %get3A_14, %sub3A_32 : vector<1000x128xf32>
      %add3A = arith.constant 9.99999974E-6 : f32
      %add3A_34 = vector.broadcast %add3A : f32 to vector<1x128xf32>
      %add3A_35 = arith.addf %sub3A, %add3A_34 : vector<1x128xf32>
      %sqrt3A = math.sqrt %add3A_35 : vector<1x128xf32>
      %div3A = vector.broadcast %sqrt3A : vector<1x128xf32> to vector<1000x128xf32>
      %div3A_36 = arith.divf %sub3A_33, %div3A : vector<1000x128xf32>
      %mul3A_37 = vector.broadcast %get3A_20 : vector<1x128xf32> to vector<1000x128xf32>
      %mul3A_38 = arith.mulf %div3A_36, %mul3A_37 : vector<1000x128xf32>
      %add3A_39 = vector.broadcast %get3A_23 : vector<1x128xf32> to vector<1000x128xf32>
      %add3A_40 = arith.addf %mul3A_38, %add3A_39 : vector<1000x128xf32>
      %max3A = arith.constant 0.000000e+00 : f32
      %max3A_41 = vector.broadcast %max3A : f32 to vector<1000x128xf32>
      %max3A_42 = arith.maximumf %add3A_40, %max3A_41 : vector<1000x128xf32>
      %swap3A = arith.constant 0 : index
      %swap3A_43 = arith.constant 0 : index
      %swap3A_44 = vector.load %arg14[%swap3A, %swap3A_43] : memref<1000x128xf32, #tpu.memory_space<vmem>>, vector<1000x128xf32>
      tpu.vector_store %arg14[%swap3A, %swap3A_43], %max3A_42 {strides = array<i32>} : memref<1000x128xf32, #tpu.memory_space<vmem>>, vector<1000x128xf32>,
      %broadcast_in_dim3A = vector.shape_cast %max3A_42 : vector<1000x128xf32> to vector<1x1000x128xf32>
      %get3A_45 = arith.constant 0 : index
      %get3A_46 = arith.constant 0 : index
      %get3A_47 = vector.load %arg13[%get3A_45, %get3A_46] : memref<4x128xf32, #tpu.memory_space<vmem>>, vector<4x128xf32>
      %broadcast_in_dim3A_48 = vector.shape_cast %get3A_47 : vector<4x128xf32> to vector<4x1x128xf32>
      %add3A_49 = vector.broadcast %broadcast_in_dim3A : vector<1x1000x128xf32> to vector<4x1000x128xf32>
      %add3A_50 = vector.broadcast %broadcast_in_dim3A_48 : vector<4x1x128xf32> to vector<4x1000x128xf32>
      %add3A_51 = arith.addf %add3A_49, %add3A_50 : vector<4x1000x128xf32>
      %max3A_52 = arith.constant 0.000000e+00 : f32
      %max3A_53 = vector.broadcast %max3A_52 : f32 to vector<4x1000x128xf32>
      %max3A_54 = arith.maximumf %add3A_51, %max3A_53 : vector<4x1000x128xf32>
      %swap3A_55 = arith.constant 0 : index
      %swap3A_56 = arith.constant 0 : index
      %swap3A_57 = arith.constant 0 : index
      %swap3A_58 = vector.load %arg15[%swap3A_55, %swap3A_56, %swap3A_57] : memref<4x1000x128xf32, #tpu.memory_space<vmem>>, vector<4x1000x128xf32>
      tpu.vector_store %arg15[%swap3A_55, %swap3A_56, %swap3A_57], %max3A_54 {strides = array<i32>} : memref<4x1000x128xf32, #tpu.memory_space<vmem>>, vector<4x1000x128xf32>,
    } else {
    }
    return
  }
  func.func @transform_0(%arg0: i32, %arg1: i32) -> (i32, i32) {
    %eq3A = arith.constant 0 : i32
    %eq3A_0 = arith.cmpi eq, %arg0, %eq3A : i32
    %jit3A = arith.constant 0 : i32
    %select_n3A = arith.select %eq3A_0, %arg1, %jit3A : i32
    %c0_i32 = arith.constant 0 : i32
    %c0_i32_1 = arith.constant 0 : i32
    return %select_n3A, %c0_i32 : i32, i32
  }
  func.func @transform_1(%arg0: i32, %arg1: i32) -> (i32, i32, i32) {
    %eq3A = arith.constant 0 : i32
    %eq3A_0 = arith.cmpi eq, %arg0, %eq3A : i32
    %jit3A = arith.constant 0 : i32
    %select_n3A = arith.select %eq3A_0, %arg1, %jit3A : i32
    %c0_i32 = arith.constant 0 : i32
    %c0_i32_1 = arith.constant 0 : i32
    %c0_i32_2 = arith.constant 0 : i32
    return %c0_i32, %select_n3A, %c0_i32_1 : i32, i32, i32
  }
  func.func @transform_2(%arg0: i32, %arg1: i32) -> (i32, i32) {
    %c0_i32 = arith.constant 0 : i32
    %c0_i32_0 = arith.constant 0 : i32
    %c0_i32_1 = arith.constant 0 : i32
    return %c0_i32, %c0_i32_0 : i32, i32
  }
  func.func @transform_3(%arg0: i32, %arg1: i32) -> (i32, i32) {
    %c0_i32 = arith.constant 0 : i32
    %c0_i32_0 = arith.constant 0 : i32
    %c0_i32_1 = arith.constant 0 : i32
    return %c0_i32, %c0_i32_0 : i32, i32
  }
  func.func @transform_4(%arg0: i32, %arg1: i32) -> (i32, i32) {
    %c0_i32 = arith.constant 0 : i32
    %c0_i32_0 = arith.constant 0 : i32
    %c0_i32_1 = arith.constant 0 : i32
    return %c0_i32, %c0_i32_0 : i32, i32
  }
  func.func @transform_5(%arg0: i32, %arg1: i32) -> (i32, i32) {
    %c0_i32 = arith.constant 0 : i32
    %c0_i32_0 = arith.constant 0 : i32
    %c0_i32_1 = arith.constant 0 : i32
    return %c0_i32, %c0_i32_0 : i32, i32
  }
  func.func @transform_6(%arg0: i32, %arg1: i32) -> (i32, i32) {
    %c0_i32 = arith.constant 0 : i32
    %c0_i32_0 = arith.constant 0 : i32
    %c0_i32_1 = arith.constant 0 : i32
    return %c0_i32, %c0_i32_0 : i32, i32
  }
  func.func @transform_7(%arg0: i32, %arg1: i32) -> (i32, i32) {
    %c0_i32 = arith.constant 0 : i32
    %c0_i32_0 = arith.constant 0 : i32
    %c0_i32_1 = arith.constant 0 : i32
    return %c0_i32, %c0_i32_0 : i32, i32
  }
  func.func @transform_8(%arg0: i32, %arg1: i32) -> (i32, i32) {
    %c0_i32 = arith.constant 0 : i32
    %c0_i32_0 = arith.constant 0 : i32
    %c0_i32_1 = arith.constant 0 : i32
    return %c0_i32, %c0_i32_0 : i32, i32
  }
  func.func @transform_9(%arg0: i32, %arg1: i32) -> (i32, i32) {
    %c0_i32 = arith.constant 0 : i32
    %c0_i32_0 = arith.constant 0 : i32
    %c0_i32_1 = arith.constant 0 : i32
    return %c0_i32, %c0_i32_0 : i32, i32
  }
  func.func @transform_10(%arg0: i32, %arg1: i32) -> (i32, i32) {
    %c0_i32 = arith.constant 0 : i32
    %c0_i32_0 = arith.constant 0 : i32
    %c0_i32_1 = arith.constant 0 : i32
    return %c0_i32, %c0_i32_0 : i32, i32
  }
  func.func @transform_11(%arg0: i32, %arg1: i32) -> (i32, i32) {
    %c0_i32 = arith.constant 0 : i32
    %c0_i32_0 = arith.constant 0 : i32
    %c0_i32_1 = arith.constant 0 : i32
    return %c0_i32, %c0_i32_0 : i32, i32
  }
  func.func @transform_12(%arg0: i32, %arg1: i32) -> (i32, i32) {
    %eq3A = arith.constant 2 : i32
    %eq3A_0 = arith.cmpi eq, %arg0, %eq3A : i32
    %jit3A = arith.constant 0 : i32
    %select_n3A = arith.select %eq3A_0, %arg1, %jit3A : i32
    %c0_i32 = arith.constant 0 : i32
    %c0_i32_1 = arith.constant 0 : i32
    return %select_n3A, %c0_i32 : i32, i32
  }
  func.func @transform_13(%arg0: i32, %arg1: i32) -> (i32, i32, i32) {
    %eq3A = arith.constant 2 : i32
    %eq3A_0 = arith.cmpi eq, %arg0, %eq3A : i32
    %jit3A = arith.constant 0 : i32
    %select_n3A = arith.select %eq3A_0, %arg1, %jit3A : i32
    %c0_i32 = arith.constant 0 : i32
    %c0_i32_1 = arith.constant 0 : i32
    %c0_i32_2 = arith.constant 0 : i32
    return %c0_i32, %select_n3A, %c0_i32_1 : i32, i32, i32
  }
}

module attributes {stable_mosaic.version = 14 : i64} {
  func.func @_layerf_body(%arg0: i32, %arg1: i32, %arg2: memref<1000x128xf32, #tpu.memory_space<vmem>>, %arg3: memref<2x1000x128xf32, #tpu.memory_space<vmem>>, %arg4: memref<1x1xf32, #tpu.memory_space<smem>>, %arg5: memref<128x128xf32, #tpu.memory_space<vmem>>, %arg6: memref<1x128xf32, #tpu.memory_space<vmem>>, %arg7: memref<1x128xf32, #tpu.memory_space<vmem>>, %arg8: memref<1x128xf32, #tpu.memory_space<vmem>>, %arg9: memref<128x128xf32, #tpu.memory_space<vmem>>, %arg10: memref<1x128xf32, #tpu.memory_space<vmem>>, %arg11: memref<1x128xf32, #tpu.memory_space<vmem>>, %arg12: memref<1x128xf32, #tpu.memory_space<vmem>>, %arg13: memref<1000x1xi32, #tpu.memory_space<vmem>>, %arg14: memref<128x256xf32, #tpu.memory_space<vmem>>, %arg15: memref<1x256xf32, #tpu.memory_space<vmem>>, %arg16: memref<256x10xf32, #tpu.memory_space<vmem>>, %arg17: memref<1x10xf32, #tpu.memory_space<vmem>>, %arg18: memref<128x10xf32, #tpu.memory_space<vmem>>, %arg19: memref<10000x128xf32, #tpu.memory_space<vmem>>, %arg20: memref<10000x128xf32, #tpu.memory_space<vmem>>, %arg21: memref<2x128xf32, #tpu.memory_space<vmem>>, %arg22: memref<2x128xf32, #tpu.memory_space<vmem>>, %arg23: memref<128x128xf32, #tpu.memory_space<vmem>>) attributes {dimension_semantics = [#tpu.dimension_semantics<arbitrary>, #tpu.dimension_semantics<arbitrary>], iteration_bounds = array<i64: 3, 10>, scalar_prefetch = 0 : i64, scratch_operands = 5 : i64, tpu.core_type = #tpu.core_type<tc>, window_params = [{transform_indices = @transform_0, window_bounds = array<i64: 1000, 128>}, {transform_indices = @transform_1, window_bounds = array<i64: 2, 1000, 128>}, {transform_indices = @transform_2, window_bounds = array<i64: 1, 1>}, {pipeline_mode = #tpu.pipeline_mode<synchronous>, transform_indices = @transform_3, window_bounds = array<i64: 128, 128>}, {pipeline_mode = #tpu.pipeline_mode<synchronous>, transform_indices = @transform_4, window_bounds = array<i64: 1, 128>}, {pipeline_mode = #tpu.pipeline_mode<synchronous>, transform_indices = @transform_5, window_bounds = array<i64: 1, 128>}, {pipeline_mode = #tpu.pipeline_mode<synchronous>, transform_indices = @transform_6, window_bounds = array<i64: 1, 128>}, {pipeline_mode = #tpu.pipeline_mode<synchronous>, transform_indices = @transform_7, window_bounds = array<i64: 128, 128>}, {pipeline_mode = #tpu.pipeline_mode<synchronous>, transform_indices = @transform_8, window_bounds = array<i64: 1, 128>}, {pipeline_mode = #tpu.pipeline_mode<synchronous>, transform_indices = @transform_9, window_bounds = array<i64: 1, 128>}, {pipeline_mode = #tpu.pipeline_mode<synchronous>, transform_indices = @transform_10, window_bounds = array<i64: 1, 128>}, {transform_indices = @transform_11, window_bounds = array<i64: 1000, 1>}, {pipeline_mode = #tpu.pipeline_mode<synchronous>, transform_indices = @transform_12, window_bounds = array<i64: 128, 256>}, {pipeline_mode = #tpu.pipeline_mode<synchronous>, transform_indices = @transform_13, window_bounds = array<i64: 1, 256>}, {pipeline_mode = #tpu.pipeline_mode<synchronous>, transform_indices = @transform_14, window_bounds = array<i64: 256, 10>}, {pipeline_mode = #tpu.pipeline_mode<synchronous>, transform_indices = @transform_15, window_bounds = array<i64: 1, 10>}, {pipeline_mode = #tpu.pipeline_mode<synchronous>, transform_indices = @transform_16, window_bounds = array<i64: 128, 10>}]} {
    %eq3A = arith.constant 0 : i32
    %eq3A_0 = arith.cmpi eq, %arg0, %eq3A : i32
    %convert_element_type3A = arith.extui %eq3A_0 : i1 to i32
    %cond3A = arith.constant 0 : i32
    %cond3A_1 = arith.cmpi ne, %convert_element_type3A, %cond3A : i32
    scf.if %cond3A_1 {
      %get3A = arith.constant 0 : index
      %get3A_12 = arith.constant 0 : index
      %get3A_13 = memref.load %arg4[%get3A, %get3A_12] : memref<1x1xf32, #tpu.memory_space<smem>>
      %add3A = arith.constant 1.000000e+00 : f32
      %add3A_14 = arith.addf %add3A, %get3A_13 : f32
      %get3A_15 = arith.constant 0 : index
      %get3A_16 = arith.constant 0 : index
      %get3A_17 = vector.load %arg2[%get3A_15, %get3A_16] : memref<1000x128xf32, #tpu.memory_space<vmem>>, vector<1000x128xf32>
      %mul3A = vector.broadcast %add3A_14 : f32 to vector<1000x128xf32>
      %mul3A_18 = arith.mulf %mul3A, %get3A_17 : vector<1000x128xf32>
      %get3A_19 = arith.constant 0 : index
      %get3A_20 = arith.constant 0 : index
      %get3A_21 = arith.constant 0 : index
      %get3A_22 = vector.load %arg3[%get3A_19, %get3A_20, %get3A_21] : memref<2x1000x128xf32, #tpu.memory_space<vmem>>, vector<1x1000x128xf32>
      %get3A_23 = vector.shape_cast %get3A_22 : vector<1x1000x128xf32> to vector<1000x128xf32>
      %add3A_24 = arith.addf %mul3A_18, %get3A_23 : vector<1000x128xf32>
      %get3A_25 = arith.constant 1 : index
      %get3A_26 = arith.constant 0 : index
      %get3A_27 = arith.constant 0 : index
      %get3A_28 = vector.load %arg3[%get3A_25, %get3A_26, %get3A_27] : memref<2x1000x128xf32, #tpu.memory_space<vmem>>, vector<1x1000x128xf32>
      %get3A_29 = vector.shape_cast %get3A_28 : vector<1x1000x128xf32> to vector<1000x128xf32>
      %add3A_30 = arith.addf %add3A_24, %get3A_29 : vector<1000x128xf32>
      %get3A_31 = arith.constant 0 : index
      %get3A_32 = arith.constant 0 : index
      %get3A_33 = vector.load %arg5[%get3A_31, %get3A_32] : memref<128x128xf32, #tpu.memory_space<vmem>>, vector<128x128xf32>
      %dot_general3A = arith.constant dense<0.000000e+00> : vector<1000x128xf32>
      %dot_general3A_34 = tpu.matmul %add3A_30, %get3A_33, %dot_general3A {dimension_numbers = #tpu.dot_dimension_numbers<[1], [0], [0], [1], [0, 0, 1, 1], [], []>, transpose_lhs_hint = false} : vector<1000x128xf32>, vector<128x128xf32>, vector<1000x128xf32> -> vector<1000x128xf32>
      %get3A_35 = arith.constant 0 : index
      %get3A_36 = arith.constant 0 : index
      %get3A_37 = vector.load %arg6[%get3A_35, %get3A_36] : memref<1x128xf32, #tpu.memory_space<vmem>>, vector<1x128xf32>
      %add3A_38 = vector.broadcast %get3A_37 : vector<1x128xf32> to vector<1000x128xf32>
      %add3A_39 = arith.addf %dot_general3A_34, %add3A_38 : vector<1000x128xf32>
      %mul3A_40 = arith.constant 1000 : i32
      %mul3A_41 = arith.muli %arg1, %mul3A_40 : i32
      %swap3A = arith.index_cast %mul3A_41 : i32 to index
      %swap3A_42 = arith.constant 0 : index
      %swap3A_43 = vector.load %arg19[%swap3A, %swap3A_42] : memref<10000x128xf32, #tpu.memory_space<vmem>>, vector<1000x128xf32>
      tpu.vector_store %arg19[%swap3A, %swap3A_42], %add3A_39 {strides = array<i32>} : memref<10000x128xf32, #tpu.memory_space<vmem>>, vector<1000x128xf32>,
      %eq3A_44 = arith.constant 0 : i32
      %eq3A_45 = arith.cmpi eq, %arg1, %eq3A_44 : i32
      %convert_element_type3A_46 = arith.extui %eq3A_45 : i1 to i32
      %cond3A_47 = arith.constant 0 : i32
      %cond3A_48 = arith.cmpi ne, %convert_element_type3A_46, %cond3A_47 : i32
      scf.if %cond3A_48 {
        %broadcast_in_dim3A_68 = arith.constant 0.000000e+00 : f32
        %broadcast_in_dim3A_69 = vector.broadcast %broadcast_in_dim3A_68 : f32 to vector<2x128xf32>
        %swap3A_70 = arith.constant 0 : index
        %swap3A_71 = arith.constant 0 : index
        %swap3A_72 = vector.load %arg21[%swap3A_70, %swap3A_71] : memref<2x128xf32, #tpu.memory_space<vmem>>, vector<2x128xf32>
        tpu.vector_store %arg21[%swap3A_70, %swap3A_71], %broadcast_in_dim3A_69 {strides = array<i32>} : memref<2x128xf32, #tpu.memory_space<vmem>>, vector<2x128xf32>,
      } else {
      }
      %get3A_49 = arith.constant 0 : index
      %get3A_50 = arith.constant 0 : index
      %get3A_51 = vector.load %arg21[%get3A_49, %get3A_50] : memref<2x128xf32, #tpu.memory_space<vmem>>, vector<1x128xf32>
      %reduce_sum3A = arith.constant dense<0.000000e+00> : vector<128xf32>
      %reduce_sum3A_52 = vector.multi_reduction <add>, %add3A_39, %reduce_sum3A [0] : vector<1000x128xf32> to vector<128xf32>
      %broadcast_in_dim3A = vector.shape_cast %reduce_sum3A_52 : vector<128xf32> to vector<1x128xf32>
      %add3A_53 = arith.addf %get3A_51, %broadcast_in_dim3A : vector<1x128xf32>
      %swap3A_54 = arith.constant 0 : index
      %swap3A_55 = arith.constant 0 : index
      %swap3A_56 = vector.load %arg21[%swap3A_54, %swap3A_55] : memref<2x128xf32, #tpu.memory_space<vmem>>, vector<1x128xf32>
      tpu.vector_store %arg21[%swap3A_54, %swap3A_55], %add3A_53 {strides = array<i32>} : memref<2x128xf32, #tpu.memory_space<vmem>>, vector<1x128xf32>,
      %get3A_57 = arith.constant 1 : index
      %get3A_58 = arith.constant 0 : index
      %get3A_59 = vector.load %arg21[%get3A_57, %get3A_58] : memref<2x128xf32, #tpu.memory_space<vmem>>, vector<1x128xf32>
      %mul3A_60 = arith.mulf %add3A_39, %add3A_39 : vector<1000x128xf32>
      %reduce_sum3A_61 = arith.constant dense<0.000000e+00> : vector<128xf32>
      %reduce_sum3A_62 = vector.multi_reduction <add>, %mul3A_60, %reduce_sum3A_61 [0] : vector<1000x128xf32> to vector<128xf32>
      %broadcast_in_dim3A_63 = vector.shape_cast %reduce_sum3A_62 : vector<128xf32> to vector<1x128xf32>
      %add3A_64 = arith.addf %get3A_59, %broadcast_in_dim3A_63 : vector<1x128xf32>
      %swap3A_65 = arith.constant 1 : index
      %swap3A_66 = arith.constant 0 : index
      %swap3A_67 = vector.load %arg21[%swap3A_65, %swap3A_66] : memref<2x128xf32, #tpu.memory_space<vmem>>, vector<1x128xf32>
      tpu.vector_store %arg21[%swap3A_65, %swap3A_66], %add3A_64 {strides = array<i32>} : memref<2x128xf32, #tpu.memory_space<vmem>>, vector<1x128xf32>,
    } else {
    }
    %eq3A_2 = arith.constant 1 : i32
    %eq3A_3 = arith.cmpi eq, %arg0, %eq3A_2 : i32
    %convert_element_type3A_4 = arith.extui %eq3A_3 : i1 to i32
    %cond3A_5 = arith.constant 0 : i32
    %cond3A_6 = arith.cmpi ne, %convert_element_type3A_4, %cond3A_5 : i32
    scf.if %cond3A_6 {
      %mul3A = arith.constant 1000 : i32
      %mul3A_12 = arith.muli %arg1, %mul3A : i32
      %get3A = arith.index_cast %mul3A_12 : i32 to index
      %get3A_13 = arith.constant 0 : index
      %get3A_14 = vector.load %arg19[%get3A, %get3A_13] : memref<10000x128xf32, #tpu.memory_space<vmem>>, vector<1000x128xf32>
      %get3A_15 = arith.constant 0 : index
      %get3A_16 = arith.constant 0 : index
      %get3A_17 = vector.load %arg21[%get3A_15, %get3A_16] : memref<2x128xf32, #tpu.memory_space<vmem>>, vector<2x128xf32>
      %get3A_18 = arith.constant 0 : index
      %get3A_19 = arith.constant 0 : index
      %get3A_20 = vector.load %arg7[%get3A_18, %get3A_19] : memref<1x128xf32, #tpu.memory_space<vmem>>, vector<1x128xf32>
      %get3A_21 = arith.constant 0 : index
      %get3A_22 = arith.constant 0 : index
      %get3A_23 = vector.load %arg8[%get3A_21, %get3A_22] : memref<1x128xf32, #tpu.memory_space<vmem>>, vector<1x128xf32>
      %slice3A = vector.extract_strided_slice %get3A_17 {offsets = [0, 0], sizes = [1, 128], strides = [1, 1]} : vector<2x128xf32> to vector<1x128xf32>
      %mul3A_24 = arith.constant 9.99999974E-5 : f32
      %mul3A_25 = vector.broadcast %mul3A_24 : f32 to vector<1x128xf32>
      %mul3A_26 = arith.mulf %slice3A, %mul3A_25 : vector<1x128xf32>
      %slice3A_27 = vector.extract_strided_slice %get3A_17 {offsets = [1, 0], sizes = [1, 128], strides = [1, 1]} : vector<2x128xf32> to vector<1x128xf32>
      %mul3A_28 = arith.constant 9.99999974E-5 : f32
      %mul3A_29 = vector.broadcast %mul3A_28 : f32 to vector<1x128xf32>
      %mul3A_30 = arith.mulf %slice3A_27, %mul3A_29 : vector<1x128xf32>
      %mul3A_31 = arith.mulf %mul3A_26, %mul3A_26 : vector<1x128xf32>
      %sub3A = arith.subf %mul3A_30, %mul3A_31 : vector<1x128xf32>
      %sub3A_32 = vector.broadcast %mul3A_26 : vector<1x128xf32> to vector<1000x128xf32>
      %sub3A_33 = arith.subf %get3A_14, %sub3A_32 : vector<1000x128xf32>
      %add3A = arith.constant 9.99999974E-6 : f32
      %add3A_34 = vector.broadcast %add3A : f32 to vector<1x128xf32>
      %add3A_35 = arith.addf %sub3A, %add3A_34 : vector<1x128xf32>
      %sqrt3A = math.sqrt %add3A_35 : vector<1x128xf32>
      %div3A = vector.broadcast %sqrt3A : vector<1x128xf32> to vector<1000x128xf32>
      %div3A_36 = arith.divf %sub3A_33, %div3A : vector<1000x128xf32>
      %mul3A_37 = vector.broadcast %get3A_20 : vector<1x128xf32> to vector<1000x128xf32>
      %mul3A_38 = arith.mulf %div3A_36, %mul3A_37 : vector<1000x128xf32>
      %add3A_39 = vector.broadcast %get3A_23 : vector<1x128xf32> to vector<1000x128xf32>
      %add3A_40 = arith.addf %mul3A_38, %add3A_39 : vector<1000x128xf32>
      %max3A = arith.constant 0.000000e+00 : f32
      %max3A_41 = vector.broadcast %max3A : f32 to vector<1000x128xf32>
      %max3A_42 = arith.maximumf %add3A_40, %max3A_41 : vector<1000x128xf32>
      %get3A_43 = arith.constant 0 : index
      %get3A_44 = arith.constant 0 : index
      %get3A_45 = vector.load %arg9[%get3A_43, %get3A_44] : memref<128x128xf32, #tpu.memory_space<vmem>>, vector<128x128xf32>
      %dot_general3A = arith.constant dense<0.000000e+00> : vector<1000x128xf32>
      %dot_general3A_46 = tpu.matmul %max3A_42, %get3A_45, %dot_general3A {dimension_numbers = #tpu.dot_dimension_numbers<[1], [0], [0], [1], [0, 0, 1, 1], [], []>, transpose_lhs_hint = false} : vector<1000x128xf32>, vector<128x128xf32>, vector<1000x128xf32> -> vector<1000x128xf32>
      %get3A_47 = arith.constant 0 : index
      %get3A_48 = arith.constant 0 : index
      %get3A_49 = vector.load %arg10[%get3A_47, %get3A_48] : memref<1x128xf32, #tpu.memory_space<vmem>>, vector<1x128xf32>
      %add3A_50 = vector.broadcast %get3A_49 : vector<1x128xf32> to vector<1000x128xf32>
      %add3A_51 = arith.addf %dot_general3A_46, %add3A_50 : vector<1000x128xf32>
      %mul3A_52 = arith.constant 1000 : i32
      %mul3A_53 = arith.muli %arg1, %mul3A_52 : i32
      %swap3A = arith.index_cast %mul3A_53 : i32 to index
      %swap3A_54 = arith.constant 0 : index
      %swap3A_55 = vector.load %arg20[%swap3A, %swap3A_54] : memref<10000x128xf32, #tpu.memory_space<vmem>>, vector<1000x128xf32>
      tpu.vector_store %arg20[%swap3A, %swap3A_54], %add3A_51 {strides = array<i32>} : memref<10000x128xf32, #tpu.memory_space<vmem>>, vector<1000x128xf32>,
      %eq3A_56 = arith.constant 0 : i32
      %eq3A_57 = arith.cmpi eq, %arg1, %eq3A_56 : i32
      %convert_element_type3A_58 = arith.extui %eq3A_57 : i1 to i32
      %cond3A_59 = arith.constant 0 : i32
      %cond3A_60 = arith.cmpi ne, %convert_element_type3A_58, %cond3A_59 : i32
      scf.if %cond3A_60 {
        %broadcast_in_dim3A_80 = arith.constant 0.000000e+00 : f32
        %broadcast_in_dim3A_81 = vector.broadcast %broadcast_in_dim3A_80 : f32 to vector<2x128xf32>
        %swap3A_82 = arith.constant 0 : index
        %swap3A_83 = arith.constant 0 : index
        %swap3A_84 = vector.load %arg22[%swap3A_82, %swap3A_83] : memref<2x128xf32, #tpu.memory_space<vmem>>, vector<2x128xf32>
        tpu.vector_store %arg22[%swap3A_82, %swap3A_83], %broadcast_in_dim3A_81 {strides = array<i32>} : memref<2x128xf32, #tpu.memory_space<vmem>>, vector<2x128xf32>,
      } else {
      }
      %get3A_61 = arith.constant 0 : index
      %get3A_62 = arith.constant 0 : index
      %get3A_63 = vector.load %arg22[%get3A_61, %get3A_62] : memref<2x128xf32, #tpu.memory_space<vmem>>, vector<1x128xf32>
      %reduce_sum3A = arith.constant dense<0.000000e+00> : vector<128xf32>
      %reduce_sum3A_64 = vector.multi_reduction <add>, %add3A_51, %reduce_sum3A [0] : vector<1000x128xf32> to vector<128xf32>
      %broadcast_in_dim3A = vector.shape_cast %reduce_sum3A_64 : vector<128xf32> to vector<1x128xf32>
      %add3A_65 = arith.addf %get3A_63, %broadcast_in_dim3A : vector<1x128xf32>
      %swap3A_66 = arith.constant 0 : index
      %swap3A_67 = arith.constant 0 : index
      %swap3A_68 = vector.load %arg22[%swap3A_66, %swap3A_67] : memref<2x128xf32, #tpu.memory_space<vmem>>, vector<1x128xf32>
      tpu.vector_store %arg22[%swap3A_66, %swap3A_67], %add3A_65 {strides = array<i32>} : memref<2x128xf32, #tpu.memory_space<vmem>>, vector<1x128xf32>,
      %get3A_69 = arith.constant 1 : index
      %get3A_70 = arith.constant 0 : index
      %get3A_71 = vector.load %arg22[%get3A_69, %get3A_70] : memref<2x128xf32, #tpu.memory_space<vmem>>, vector<1x128xf32>
      %mul3A_72 = arith.mulf %add3A_51, %add3A_51 : vector<1000x128xf32>
      %reduce_sum3A_73 = arith.constant dense<0.000000e+00> : vector<128xf32>
      %reduce_sum3A_74 = vector.multi_reduction <add>, %mul3A_72, %reduce_sum3A_73 [0] : vector<1000x128xf32> to vector<128xf32>
      %broadcast_in_dim3A_75 = vector.shape_cast %reduce_sum3A_74 : vector<128xf32> to vector<1x128xf32>
      %add3A_76 = arith.addf %get3A_71, %broadcast_in_dim3A_75 : vector<1x128xf32>
      %swap3A_77 = arith.constant 1 : index
      %swap3A_78 = arith.constant 0 : index
      %swap3A_79 = vector.load %arg22[%swap3A_77, %swap3A_78] : memref<2x128xf32, #tpu.memory_space<vmem>>, vector<1x128xf32>
      tpu.vector_store %arg22[%swap3A_77, %swap3A_78], %add3A_76 {strides = array<i32>} : memref<2x128xf32, #tpu.memory_space<vmem>>, vector<1x128xf32>,
    } else {
    }
    %eq3A_7 = arith.constant 2 : i32
    %eq3A_8 = arith.cmpi eq, %arg0, %eq3A_7 : i32
    %convert_element_type3A_9 = arith.extui %eq3A_8 : i1 to i32
    %cond3A_10 = arith.constant 0 : i32
    %cond3A_11 = arith.cmpi ne, %convert_element_type3A_9, %cond3A_10 : i32
    scf.if %cond3A_11 {
      %mul3A = arith.constant 1000 : i32
      %mul3A_12 = arith.muli %arg1, %mul3A : i32
      %get3A = arith.index_cast %mul3A_12 : i32 to index
      %get3A_13 = arith.constant 0 : index
      %get3A_14 = vector.load %arg20[%get3A, %get3A_13] : memref<10000x128xf32, #tpu.memory_space<vmem>>, vector<1000x128xf32>
      %get3A_15 = arith.constant 0 : index
      %get3A_16 = arith.constant 0 : index
      %get3A_17 = vector.load %arg22[%get3A_15, %get3A_16] : memref<2x128xf32, #tpu.memory_space<vmem>>, vector<2x128xf32>
      %get3A_18 = arith.constant 0 : index
      %get3A_19 = arith.constant 0 : index
      %get3A_20 = vector.load %arg11[%get3A_18, %get3A_19] : memref<1x128xf32, #tpu.memory_space<vmem>>, vector<1x128xf32>
      %get3A_21 = arith.constant 0 : index
      %get3A_22 = arith.constant 0 : index
      %get3A_23 = vector.load %arg12[%get3A_21, %get3A_22] : memref<1x128xf32, #tpu.memory_space<vmem>>, vector<1x128xf32>
      %slice3A = vector.extract_strided_slice %get3A_17 {offsets = [0, 0], sizes = [1, 128], strides = [1, 1]} : vector<2x128xf32> to vector<1x128xf32>
      %mul3A_24 = arith.constant 9.99999974E-5 : f32
      %mul3A_25 = vector.broadcast %mul3A_24 : f32 to vector<1x128xf32>
      %mul3A_26 = arith.mulf %slice3A, %mul3A_25 : vector<1x128xf32>
      %slice3A_27 = vector.extract_strided_slice %get3A_17 {offsets = [1, 0], sizes = [1, 128], strides = [1, 1]} : vector<2x128xf32> to vector<1x128xf32>
      %mul3A_28 = arith.constant 9.99999974E-5 : f32
      %mul3A_29 = vector.broadcast %mul3A_28 : f32 to vector<1x128xf32>
      %mul3A_30 = arith.mulf %slice3A_27, %mul3A_29 : vector<1x128xf32>
      %mul3A_31 = arith.mulf %mul3A_26, %mul3A_26 : vector<1x128xf32>
      %sub3A = arith.subf %mul3A_30, %mul3A_31 : vector<1x128xf32>
      %sub3A_32 = vector.broadcast %mul3A_26 : vector<1x128xf32> to vector<1000x128xf32>
      %sub3A_33 = arith.subf %get3A_14, %sub3A_32 : vector<1000x128xf32>
      %add3A = arith.constant 9.99999974E-6 : f32
      %add3A_34 = vector.broadcast %add3A : f32 to vector<1x128xf32>
      %add3A_35 = arith.addf %sub3A, %add3A_34 : vector<1x128xf32>
      %sqrt3A = math.sqrt %add3A_35 : vector<1x128xf32>
      %div3A = vector.broadcast %sqrt3A : vector<1x128xf32> to vector<1000x128xf32>
      %div3A_36 = arith.divf %sub3A_33, %div3A : vector<1000x128xf32>
      %mul3A_37 = vector.broadcast %get3A_20 : vector<1x128xf32> to vector<1000x128xf32>
      %mul3A_38 = arith.mulf %div3A_36, %mul3A_37 : vector<1000x128xf32>
      %add3A_39 = vector.broadcast %get3A_23 : vector<1x128xf32> to vector<1000x128xf32>
      %add3A_40 = arith.addf %mul3A_38, %add3A_39 : vector<1000x128xf32>
      %max3A = arith.constant 0.000000e+00 : f32
      %max3A_41 = vector.broadcast %max3A : f32 to vector<1000x128xf32>
      %max3A_42 = arith.maximumf %add3A_40, %max3A_41 : vector<1000x128xf32>
      %iota3A = tpu.iota {dimensions = array<i32: 1>} : vector<1x128xi32>
      %get3A_43 = arith.constant 0 : index
      %get3A_44 = arith.constant 0 : index
      %get3A_45 = vector.load %arg13[%get3A_43, %get3A_44] : memref<1000x1xi32, #tpu.memory_space<vmem>>, vector<1000x1xi32>
      %eq3A_46 = vector.broadcast %get3A_45 : vector<1000x1xi32> to vector<1000x128xi32>
      %eq3A_47 = vector.broadcast %iota3A : vector<1x128xi32> to vector<1000x128xi32>
      %eq3A_48 = arith.cmpi eq, %eq3A_46, %eq3A_47 : vector<1000x128xi32>
      %convert_element_type3A_49 = arith.extui %eq3A_48 : vector<1000x128xi1> to vector<1000x128xi32>
      %convert_element_type3A_50 = arith.sitofp %convert_element_type3A_49 : vector<1000x128xi32> to vector<1000x128xf32>
      %eq3A_51 = arith.constant 0 : i32
      %eq3A_52 = arith.cmpi eq, %arg1, %eq3A_51 : i32
      %convert_element_type3A_53 = arith.extui %eq3A_52 : i1 to i32
      %cond3A_54 = arith.constant 0 : i32
      %cond3A_55 = arith.cmpi ne, %convert_element_type3A_53, %cond3A_54 : i32
      scf.if %cond3A_55 {
        %broadcast_in_dim3A = arith.constant 0.000000e+00 : f32
        %broadcast_in_dim3A_68 = vector.broadcast %broadcast_in_dim3A : f32 to vector<128x128xf32>
        %swap3A_69 = arith.constant 0 : index
        %swap3A_70 = arith.constant 0 : index
        %swap3A_71 = vector.load %arg23[%swap3A_69, %swap3A_70] : memref<128x128xf32, #tpu.memory_space<vmem>>, vector<128x128xf32>
        tpu.vector_store %arg23[%swap3A_69, %swap3A_70], %broadcast_in_dim3A_68 {strides = array<i32>} : memref<128x128xf32, #tpu.memory_space<vmem>>, vector<128x128xf32>,
      } else {
      }
      %get3A_56 = arith.constant 0 : index
      %get3A_57 = arith.constant 0 : index
      %get3A_58 = vector.load %arg23[%get3A_56, %get3A_57] : memref<128x128xf32, #tpu.memory_space<vmem>>, vector<128x128xf32>
      %dot_general3A = arith.constant dense<0.000000e+00> : vector<128x128xf32>
      %dot_general3A_59 = tpu.matmul %convert_element_type3A_50, %max3A_42, %dot_general3A {dimension_numbers = #tpu.dot_dimension_numbers<[0], [0], [1], [1], [0, 1, 1, 1], [], []>, transpose_lhs_hint = false} : vector<1000x128xf32>, vector<1000x128xf32>, vector<128x128xf32> -> vector<128x128xf32>
      %add3A_60 = arith.addf %get3A_58, %dot_general3A_59 : vector<128x128xf32>
      %swap3A = arith.constant 0 : index
      %swap3A_61 = arith.constant 0 : index
      %swap3A_62 = vector.load %arg23[%swap3A, %swap3A_61] : memref<128x128xf32, #tpu.memory_space<vmem>>, vector<128x128xf32>
      tpu.vector_store %arg23[%swap3A, %swap3A_61], %add3A_60 {strides = array<i32>} : memref<128x128xf32, #tpu.memory_space<vmem>>, vector<128x128xf32>,
      %eq3A_63 = arith.constant 9 : i32
      %eq3A_64 = arith.cmpi eq, %arg1, %eq3A_63 : i32
      %convert_element_type3A_65 = arith.extui %eq3A_64 : i1 to i32
      %cond3A_66 = arith.constant 0 : i32
      %cond3A_67 = arith.cmpi ne, %convert_element_type3A_65, %cond3A_66 : i32
      scf.if %cond3A_67 {
        %get3A_68 = arith.constant 0 : index
        %get3A_69 = arith.constant 0 : index
        %get3A_70 = vector.load %arg23[%get3A_68, %get3A_69] : memref<128x128xf32, #tpu.memory_space<vmem>>, vector<128x128xf32>
        %get3A_71 = arith.constant 0 : index
        %get3A_72 = arith.constant 0 : index
        %get3A_73 = vector.load %arg14[%get3A_71, %get3A_72] : memref<128x256xf32, #tpu.memory_space<vmem>>, vector<128x256xf32>
        %dot_general3A_74 = arith.constant dense<0.000000e+00> : vector<128x256xf32>
        %dot_general3A_75 = tpu.matmul %get3A_70, %get3A_73, %dot_general3A_74 {dimension_numbers = #tpu.dot_dimension_numbers<[1], [0], [0], [1], [0, 0, 1, 1], [], []>, transpose_lhs_hint = false} : vector<128x128xf32>, vector<128x256xf32>, vector<128x256xf32> -> vector<128x256xf32>
        %get3A_76 = arith.constant 0 : index
        %get3A_77 = arith.constant 0 : index
        %get3A_78 = vector.load %arg15[%get3A_76, %get3A_77] : memref<1x256xf32, #tpu.memory_space<vmem>>, vector<1x256xf32>
        %add3A_79 = vector.broadcast %get3A_78 : vector<1x256xf32> to vector<128x256xf32>
        %add3A_80 = arith.addf %dot_general3A_75, %add3A_79 : vector<128x256xf32>
        %max3A_81 = arith.constant 0.000000e+00 : f32
        %max3A_82 = vector.broadcast %max3A_81 : f32 to vector<128x256xf32>
        %max3A_83 = arith.maximumf %add3A_80, %max3A_82 : vector<128x256xf32>
        %get3A_84 = arith.constant 0 : index
        %get3A_85 = arith.constant 0 : index
        %get3A_86 = vector.load %arg16[%get3A_84, %get3A_85] : memref<256x10xf32, #tpu.memory_space<vmem>>, vector<256x10xf32>
        %dot_general3A_87 = arith.constant dense<0.000000e+00> : vector<128x10xf32>
        %dot_general3A_88 = tpu.matmul %max3A_83, %get3A_86, %dot_general3A_87 {dimension_numbers = #tpu.dot_dimension_numbers<[1], [0], [0], [1], [0, 0, 1, 1], [], []>, transpose_lhs_hint = false} : vector<128x256xf32>, vector<256x10xf32>, vector<128x10xf32> -> vector<128x10xf32>
        %get3A_89 = arith.constant 0 : index
        %get3A_90 = arith.constant 0 : index
        %get3A_91 = vector.load %arg17[%get3A_89, %get3A_90] : memref<1x10xf32, #tpu.memory_space<vmem>>, vector<1x10xf32>
        %add3A_92 = vector.broadcast %get3A_91 : vector<1x10xf32> to vector<128x10xf32>
        %add3A_93 = arith.addf %dot_general3A_88, %add3A_92 : vector<128x10xf32>
        %swap3A_94 = arith.constant 0 : index
        %swap3A_95 = arith.constant 0 : index
        %swap3A_96 = vector.load %arg18[%swap3A_94, %swap3A_95] : memref<128x10xf32, #tpu.memory_space<vmem>>, vector<128x10xf32>
        tpu.vector_store %arg18[%swap3A_94, %swap3A_95], %add3A_93 {strides = array<i32>} : memref<128x10xf32, #tpu.memory_space<vmem>>, vector<128x10xf32>,
      } else {
      }
    } else {
    }
    return
  }
  func.func @transform_0(%arg0: i32, %arg1: i32) -> (i32, i32) {
    %eq3A = arith.constant 0 : i32
    %eq3A_0 = arith.cmpi eq, %arg0, %eq3A : i32
    %jit3A = arith.constant 0 : i32
    %select_n3A = arith.select %eq3A_0, %arg1, %jit3A : i32
    %c0_i32 = arith.constant 0 : i32
    %c0_i32_1 = arith.constant 0 : i32
    return %select_n3A, %c0_i32 : i32, i32
  }
  func.func @transform_1(%arg0: i32, %arg1: i32) -> (i32, i32, i32) {
    %eq3A = arith.constant 0 : i32
    %eq3A_0 = arith.cmpi eq, %arg0, %eq3A : i32
    %jit3A = arith.constant 0 : i32
    %select_n3A = arith.select %eq3A_0, %arg1, %jit3A : i32
    %c0_i32 = arith.constant 0 : i32
    %c0_i32_1 = arith.constant 0 : i32
    %c0_i32_2 = arith.constant 0 : i32
    return %c0_i32, %select_n3A, %c0_i32_1 : i32, i32, i32
  }
  func.func @transform_2(%arg0: i32, %arg1: i32) -> (i32, i32) {
    %c0_i32 = arith.constant 0 : i32
    %c0_i32_0 = arith.constant 0 : i32
    %c0_i32_1 = arith.constant 0 : i32
    return %c0_i32, %c0_i32_0 : i32, i32
  }
  func.func @transform_3(%arg0: i32, %arg1: i32) -> (i32, i32) {
    %c0_i32 = arith.constant 0 : i32
    %c0_i32_0 = arith.constant 0 : i32
    %c0_i32_1 = arith.constant 0 : i32
    return %c0_i32, %c0_i32_0 : i32, i32
  }
  func.func @transform_4(%arg0: i32, %arg1: i32) -> (i32, i32) {
    %c0_i32 = arith.constant 0 : i32
    %c0_i32_0 = arith.constant 0 : i32
    %c0_i32_1 = arith.constant 0 : i32
    return %c0_i32, %c0_i32_0 : i32, i32
  }
  func.func @transform_5(%arg0: i32, %arg1: i32) -> (i32, i32) {
    %c0_i32 = arith.constant 0 : i32
    %c0_i32_0 = arith.constant 0 : i32
    %c0_i32_1 = arith.constant 0 : i32
    return %c0_i32, %c0_i32_0 : i32, i32
  }
  func.func @transform_6(%arg0: i32, %arg1: i32) -> (i32, i32) {
    %c0_i32 = arith.constant 0 : i32
    %c0_i32_0 = arith.constant 0 : i32
    %c0_i32_1 = arith.constant 0 : i32
    return %c0_i32, %c0_i32_0 : i32, i32
  }
  func.func @transform_7(%arg0: i32, %arg1: i32) -> (i32, i32) {
    %c0_i32 = arith.constant 0 : i32
    %c0_i32_0 = arith.constant 0 : i32
    %c0_i32_1 = arith.constant 0 : i32
    return %c0_i32, %c0_i32_0 : i32, i32
  }
  func.func @transform_8(%arg0: i32, %arg1: i32) -> (i32, i32) {
    %c0_i32 = arith.constant 0 : i32
    %c0_i32_0 = arith.constant 0 : i32
    %c0_i32_1 = arith.constant 0 : i32
    return %c0_i32, %c0_i32_0 : i32, i32
  }
  func.func @transform_9(%arg0: i32, %arg1: i32) -> (i32, i32) {
    %c0_i32 = arith.constant 0 : i32
    %c0_i32_0 = arith.constant 0 : i32
    %c0_i32_1 = arith.constant 0 : i32
    return %c0_i32, %c0_i32_0 : i32, i32
  }
  func.func @transform_10(%arg0: i32, %arg1: i32) -> (i32, i32) {
    %c0_i32 = arith.constant 0 : i32
    %c0_i32_0 = arith.constant 0 : i32
    %c0_i32_1 = arith.constant 0 : i32
    return %c0_i32, %c0_i32_0 : i32, i32
  }
  func.func @transform_11(%arg0: i32, %arg1: i32) -> (i32, i32) {
    %eq3A = arith.constant 2 : i32
    %eq3A_0 = arith.cmpi eq, %arg0, %eq3A : i32
    %jit3A = arith.constant 0 : i32
    %select_n3A = arith.select %eq3A_0, %arg1, %jit3A : i32
    %c0_i32 = arith.constant 0 : i32
    %c0_i32_1 = arith.constant 0 : i32
    return %select_n3A, %c0_i32 : i32, i32
  }
  func.func @transform_12(%arg0: i32, %arg1: i32) -> (i32, i32) {
    %c0_i32 = arith.constant 0 : i32
    %c0_i32_0 = arith.constant 0 : i32
    %c0_i32_1 = arith.constant 0 : i32
    return %c0_i32, %c0_i32_0 : i32, i32
  }
  func.func @transform_13(%arg0: i32, %arg1: i32) -> (i32, i32) {
    %c0_i32 = arith.constant 0 : i32
    %c0_i32_0 = arith.constant 0 : i32
    %c0_i32_1 = arith.constant 0 : i32
    return %c0_i32, %c0_i32_0 : i32, i32
  }
  func.func @transform_14(%arg0: i32, %arg1: i32) -> (i32, i32) {
    %c0_i32 = arith.constant 0 : i32
    %c0_i32_0 = arith.constant 0 : i32
    %c0_i32_1 = arith.constant 0 : i32
    return %c0_i32, %c0_i32_0 : i32, i32
  }
  func.func @transform_15(%arg0: i32, %arg1: i32) -> (i32, i32) {
    %c0_i32 = arith.constant 0 : i32
    %c0_i32_0 = arith.constant 0 : i32
    %c0_i32_1 = arith.constant 0 : i32
    return %c0_i32, %c0_i32_0 : i32, i32
  }
  func.func @transform_16(%arg0: i32, %arg1: i32) -> (i32, i32) {
    %c0_i32 = arith.constant 0 : i32
    %c0_i32_0 = arith.constant 0 : i32
    %c0_i32_1 = arith.constant 0 : i32
    return %c0_i32, %c0_i32_0 : i32, i32
  }
}

</mosaic_0001>

<sc_bundles>
// kernel: kernel.12.cloned.1.call-start
scs
__scs_entry_jumppad:
0x0: {  	(pc) =	sbr.rel $0x88, $3  }
0x1: {  	(tag) =	ssettag $0x0;
	lr =	simm.s32 $0x1  }
0x2: {  	[smem:$0x3F8E] =	sst lr;
	_ =	strace $0xD0000000  }
0x3: {  	_ = 	snop  }
0x4: {  	_ = 	snop  }
0x5: {  	_ = 	snop  }
0x6: {  	_ = 	snop  }
0x7: {  	_ = 	snop  }
__scs_overlays_trampoline_lowered:
0x8: {  	[smem:$0x3F9D] =	sst s0  }
0x9: {  	[smem:$0x3F9E] =	sst s1  }
0xa: {  	[smem:$0x3F9F] =	sst s2  }
0xb: {  	[smem:$0x3FA0] =	sst s3  }
0xc: {  	[smem:$0x3FA1] =	sst s4  }
0xd: {  	[smem:$0x3FA2] =	sst s5  }
0xe: {  	[smem:$0x3FA3] =	sst s6  }
0xf: {  	[smem:$0x3FA4] =	sst s7  }
0x10: {  	[smem:$0x3FA5] =	sst s8  }
0x11: {  	[smem:$0x3FA6] =	sst s9;
	s0 =	simm.s32 @!p0 $0x0  }
0x12: {  	s1 =	sld [smem:$0x3F8C];
	s0 =	simm.s32 @p0 $0x1  }
0x13: {  	[smem:$0x3FA7] =	sst s0;
	s0 =	simm.s32 @!p1 $0x0  }
0x14: {  	s2 =	sld [smem:$0x3F8B];
	s0 =	simm.s32 @p1 $0x1  }
0x15: {  	[smem:$0x3FA8] =	sst s0;
	s0 =	simm.s32 @!p2 $0x0  }
0x16: {  	s3 =	sld [smem:$0x3FDB];
	s0 =	simm.s32 @p2 $0x1  }
0x17: {  	s4 =	simm.s32 $0x1BF5;
	[smem:$0x3FAA] =	sst s0  }
0x18: {  	s0 =	sld [smem:$0x3F8D];
	_ =	swait.ge [sflag:s4], $0x0  }
0x19: {  	s7 =	sld [smem:$0x3F8E]  }
0x1a: {  	s8 =	sadd.s32 $0xFFFFE003, lr  }
0x1b: {  	s9 =	sadd.s32 $0xFFFFFEF7, lr;
	s5 =	simm.s32 $0xFFFFFFFF;
	p2 =	slt.u32 s8, $0xFFFFF086  }
0x1c: {  	p1 =	slt.u32 s9, $0xF7A;
	s5 =	simm.s32 @!p2 $0x0  }
0x1d: {  	s5 =	simm.s32 @p1 $0x1;
	p0 =	seq.s32 s7, s2  }
0x1e: {  	s7 =	smul.u32 @!p0 $0xF7A, s2;
	p2 =	seq.s32 @!p0 s5, $0x0  }
0x1f: {  	s9 =	smul.u32 $0xF7A, s1;
	s8 =	simm.s32 @!p0 $0x1BF5;
	p2 =	por !p2, p0  }
0x20: {  	[sflag:s8] =	ssyncset.s32 @!p0 $0xFFFFF086;
	s6 =	sadd.s32 @!p0 s3, s7;
	s7 =	simm.s32 @!p0 $0x108  }
0x21: {  	s3 =	sadd.s32 s3, s9;
	s6 =	sadd.s32 @!p0 $0x88, s6;
	s7 =	simm.s32 @p2 $0x1082  }
0x22: {  	[simem:s7], [sflag:s8] =	dma.local @!p0 [hbm:s6], $0xF7A  }
0x23: {  	s9 =	sor.u32 $0xD0000000, s2;
	s6 =	simm.s32 $0x108;
	_ =	swait.ge @!p0 [sflag:s8], $0x0  }
0x24: {  	s3 =	sadd.s32 $0x88, s3;
	s6 =	simm.s32 @!p1 $0x1082;
	[sflag:s4] =	ssyncset.s32 $0xFFFFF086  }
0x25: {  	[simem:s6], [sflag:s4] =	dma.local [hbm:s3], $0xF7A  }
0x26: {  	[smem:$0x3F8E] =	sst s1;
	(tag) =	ssettag s2;
	_ =	strace s9  }
0x27: {  	s1 =	sld [smem:$0x3F9E]  }
0x28: {  	s2 =	sld [smem:$0x3F9F]  }
0x29: {  	s4 =	sld [smem:$0x3FA1]  }
0x2a: {  	p0 =	seq.s32 s5, $0x0;
	s5 =	sld [smem:$0x3FA2]  }
0x2b: {  	s6 =	sld [smem:$0x3FA3]  }
0x2c: {  	s7 =	sld [smem:$0x3FA4]  }
0x2d: {  	s3 =	simm.s32 $0x108;
	s8 =	sld [smem:$0x3FA5]  }
0x2e: {  	s3 =	simm.s32 @!p0 $0x1082;
	s9 =	sld [smem:$0x3FA6]  }
0x2f: {  	lr =	sadd.s32 s0, s3;
	s0 =	sld [smem:$0x3F9D]  }
0x30: {  	s3 =	sld [smem:$0x3FA0]  }
0x31: {  	[smem:$0x3FA9] =	sst s10  }
0x32: {  	s10 =	sld [smem:$0x3FA7];
	_ =	sdelay $0x3  }
0x33: {  	p0 =	seq.s32 s10, $0x1;
	s10 =	sld [smem:$0x3FA9];
	_ =	sdelay $0x3  }
0x34: {  	[smem:$0x3FA9] =	sst s10  }
0x35: {  	s10 =	sld [smem:$0x3FA8];
	_ =	sdelay $0x3  }
0x36: {  	p1 =	seq.s32 s10, $0x1;
	s10 =	sld [smem:$0x3FA9];
	_ =	sdelay $0x3  }
0x37: {  	[smem:$0x3FA9] =	sst s10  }
0x38: {  	s10 =	sld [smem:$0x3FAA]  }
0x39: {  	_ = 	snop;
	(pc) =	sbr.ind lr, $3  }
0x3a: {  	_ = 	snop  }
0x3b: {  	_ = 	snop  }
0x3c: {  	p2 =	seq.s32 s10, $0x1;
	s10 =	sld [smem:$0x3FA9]  }
0x3d: {  	_ =	shalt  }
0x3e: {  	_ =	shalt  }
0x3f: {  	_ =	shalt  }
0x40: {  	_ =	shalt  }
0x41: {  	_ =	shalt  }
0x42: {  	_ =	shalt  }
0x43: {  	_ =	shalt  }
0x44: {  	_ =	shalt  }
0x45: {  	_ =	shalt  }
0x46: {  	_ =	shalt  }
0x47: {  	_ =	shalt  }
0x48: {  	_ =	shalt  }
0x49: {  	_ =	shalt  }
0x4a: {  	_ =	shalt  }
0x4b: {  	_ =	shalt  }
0x4c: {  	_ =	shalt  }
0x4d: {  	_ =	shalt  }
0x4e: {  	_ =	shalt  }
0x4f: {  	_ =	shalt  }
0x50: {  	_ =	shalt  }
0x51: {  	_ =	shalt  }
0x52: {  	_ =	shalt  }
0x53: {  	_ =	shalt  }
0x54: {  	_ =	shalt  }
0x55: {  	_ =	shalt  }
0x56: {  	_ =	shalt  }
0x57: {  	_ =	shalt  }
0x58: {  	_ =	shalt  }
0x59: {  	_ =	shalt  }
0x5a: {  	_ =	shalt  }
0x5b: {  	_ =	shalt  }
0x5c: {  	_ =	shalt  }
0x5d: {  	_ =	shalt  }
0x5e: {  	_ =	shalt  }
0x5f: {  	_ =	shalt  }
0x60: {  	_ =	shalt  }
0x61: {  	_ =	shalt  }
0x62: {  	_ =	shalt  }
0x63: {  	_ =	shalt  }
0x64: {  	_ =	shalt  }
0x65: {  	_ =	shalt  }
0x66: {  	_ =	shalt  }
0x67: {  	_ =	shalt  }
0x68: {  	_ =	shalt  }
0x69: {  	_ =	shalt  }
0x6a: {  	_ =	shalt  }
0x6b: {  	_ =	shalt  }
0x6c: {  	_ =	shalt  }
0x6d: {  	_ =	shalt  }
0x6e: {  	_ =	shalt  }
0x6f: {  	_ =	shalt  }
0x70: {  	_ =	shalt  }
0x71: {  	_ =	shalt  }
0x72: {  	_ =	shalt  }
0x73: {  	_ =	shalt  }
0x74: {  	_ =	shalt  }
0x75: {  	_ =	shalt  }
0x76: {  	_ =	shalt  }
0x77: {  	_ =	shalt  }
0x78: {  	_ =	shalt  }
0x79: {  	_ =	shalt  }
0x7a: {  	_ =	shalt  }
0x7b: {  	_ =	shalt  }
0x7c: {  	_ =	shalt  }
0x7d: {  	_ =	shalt  }
0x7e: {  	_ =	shalt  }
0x7f: {  	_ =	shalt  }
0x80: {  	_ =	shalt  }
0x81: {  	_ =	shalt  }
0x82: {  	_ =	shalt  }
0x83: {  	_ =	shalt  }
0x84: {  	_ =	shalt  }
0x85: {  	_ =	shalt  }
0x86: {  	_ =	shalt  }
0x87: {  	_ =	shalt  }
.Lfunc_end0:
.L_simem_size_0:
called_computation.1_lowered:
.L_overlay_start_0:
0x88: {  	s2 =	sld [smem:$0x3FD9]  }
0x89: {  	s3 =	sld [smem:$0x3FFE];
	_ =	sdelay $0x1  }
0x8a: {  	s1 =	srdreg.scid  }
0x8b: {  	s0 =	sand.u32 $0x1, s1  }
0x8c: {  	s16 =	sshll.u32 s0, $0xA;
	s2 =	sadd.s32 s3, s2  }
0x8d: {  	s2 =	sadd.s32 s2, s16  }
0x8e: {  	[smem:$0x3FB5] =	sst s2  }
0x8f: {  	_ = 	snop  }
0x90: {  	(tm) =	ssettm $0x1  }
0x91: {  	s17 =	sld [smem:$0x3FFB];
	_ =	sdelay $0x3  }
0x92: {  	_ =	strace s17  }
0x93: {  	s2 =	sld [smem:$0x3FFC];
	_ =	sdelay $0x3  }
0x94: {  	_ =	strace s2  }
0x95: {  	s2 =	sld [smem:$0x3FFD];
	_ =	sdelay $0x3  }
0x96: {  	_ =	strace s2  }
0x97: {  	_ =	strace $0x8FFFFFFF  }
0x98: {  	s18 =	sld [smem:$0x3FDB];
	_ =	sdelay $0x1  }
0x99: {  	s19 =	simm.s32 $_scs_section_size  }
0x9a: {  	s4 =	simm.s32 $_size__tile_overlayer_lowered;
	s5 =	simm.s32 $_tile_overlayer_lowered  }
0x9b: {  	s22 =	simm.s32 $0x1BFF;
	s21 =	sshll.u32 s5, $0x1;
	s2 =	sadd.s32 s19, s18  }
0x9c: {  	s6 =	simm.s32 $0x0;
	s20 =	sshll.u32 s4, $0x1;
	s4 =	sadd.s32 s21, s2  }
0x9d: {  	[timem:s6], [sflag:s22] =	dma.local [hbm:s4], s20  }
0x9e: {  	_ =	swait.ge [sflag:s22], s20  }
0x9f: {  	s3 =	ssub.s32 $0x0, s20;
	[sflag:s22] =	ssyncset.done $0x0  }
0xa0: {  	[sflag:s22] =	ssyncadd.s32 s3;
	_ =	sdelay $0x1  }
0xa1: {  	s23 =	simm.s32 $0x1B8B  }
0xa2: {  	_ =	swait.ge [sflag:s23], $0x1  }
0xa3: {  	[sflag:s23] =	ssyncset.done $0x0  }
0xa4: {  	s25 =	simm.s32 $0x1B8E;
	s24 =	sld [smem:$0x3FFE];
	[sflag:s23] =	ssyncadd.s32 $0xFFFFFFFF  }
0xa5: {  	s26 =	simm.s32 $execute0_lowered;
	[smem:$0x3FD2] =	sst s25  }
0xa6: {  	s4 =	sshll.u32 s26, $0x1;
	_ =	strace $0x80000049;
	[dreg:$0x1] =	wrdreg $0xFFFFFFFF  }
0xa7: {  	s28 =	simm.s32 $_size_execute0_lowered;
	s2 =	sadd.s32 s2, s4;
	[dreg:$0x0] =	wrdreg $0x0  }
0xa8: {  	s4 =	sshll.u32 s28, $0x1;
	[dreg:$0x2] =	wrdreg s2  }
0xa9: {  	[dreg:$0x3] =	wrdreg s4  }
0xaa: {  	[dreg:$0x4] =	wrdreg $0xC0  }
0xab: {  	_ =	task [dreg:s6], $0x5FFFF  }
0xac: {  	[dreg:$0x1] =	wrdreg $0xFFFFFFFF  }
0xad: {  	[dreg:$0x0] =	wrdreg $0x60  }
0xae: {  	[dreg:$0x2] =	wrdreg s24  }
0xaf: {  	[dreg:$0x3] =	wrdreg $0xAA000  }
0xb0: {  	[dreg:$0x4] =	wrdreg $0x9  }
0xb1: {  	_ =	task.clear_ibuf [dreg:s6], $0x5FFFF;
	_ =	strace $0x90000049  }
0xb2: {  	s29 =	simm.s32 $0x9;
	_ =	strace $0x8000004B  }
0xb3: {  	_ =	swait.ge [sflag:s29], $0x1  }
0xb4: {  	[sflag:s29] =	ssyncadd.s32 $0xFFFFFFFF  }
0xb5: {  	_ =	strace $0x9000004B  }
0xb6: {  	_ =	sfence  }
0xb7: {  	s30 =	sld [smem:$0x0];
	_ =	sdelay $0x2  }
0xb8: {  	s31 =	sshll.u32 s1, $0xD;
	s1 =	sshrl.u32 s1, $0x2  }
0xb9: {  	s3 =	sand.u32 $0x4000, s31;
	s1 =	sadd.s32 s1, s30  }
0xba: {  	s0 =	sor.u32 s3, s0;
	s1 =	sshll.u32 s1, $0x11  }
0xbb: {  	s0 =	sor.u32 s1, s0  }
0xbc: {  	s0 =	sadd.s32 $0x8F2B, s0  }
0xbd: {  	[sflag:s0] =	ssyncadd.remote.s32 $0x1  }
0xbe: {  	_ =	sfence.sel $0xFFFF  }
0xbf: {  	[dreg:$0x0] =	wrdreg $0xFFFFFFFF;
	(pc) =	sbr.abs _section_cstart, $3  }
0xc0: {  	[dreg:$0x1] =	wrdreg $0xFFFFFFFF  }
0xc1: {  	_ =	task.clear_ibuf [dreg:s6], $0x2FFFF;
	_ =	strace $0x9FFFFFFF  }
0xc2: {  	(tm) =	ssettm $0x7FFFFFFF  }
0xc3: {  	_ =	shalt  }
tec
execute0_lowered:
.L_overlay_start_1:
0x0: {  	(tag) =	ssettag $0x1  }
0x1: {  	s0 =	srdreg.scid;
	s1 =	rddreg [dreg:$0x0]  }
0x2: {  	s13 =	stileid.u32;
	s2 =	rddreg [dreg:$0x1];
	s22 =	simm.s32 $0xA840  }
0x3: {  	s23 =	simm.s32 $0xA880;
	s28 =	simm.s32 $0xA900;
	s24 =	smul.u32 $0x2780, s13  }
0x4: {  	s29 =	simm.s32 $0x2;
	s30 =	simm.s32 $0x5;
	s8 =	smul.u32 $0x4F000, s13  }
0x5: {  	s31 =	simm.s32 $0x3;
	s0 =	sand.u32 $0x1, s0;
	s12 =	smul.u32 $0x14000, s13  }
0x6: {  	s7 =	sadd.s32 $0xDE00, s1;
	s26 =	sshll.u32 s13, $0x6;
	s17 =	smul.u32 $0x2800, s13  }
0x7: {  	p0 =	seq.s32 s13, $0xF;
	s3 =	sshll.u32 s0, $0x4;
	s25 =	smul.u32 $0x138800, s0  }
0x8: {  	s10 =	ssub.s32 $0x2, s0;
	s14 =	sor.u32 $0x1C0B, s26;
	s0 =	smul.u32 $0x28000, s0  }
0x9: {  	s26 =	simm.s32 $0xA9C0;
	s4 =	sor.u32 s13, s3;
	s3 =	simm.s32 $0x0  }
0xa: {  	s9 =	sadd.s32 s24, s1;
	s11 =	sshrl.u32 s10, $0x1;
	s8 =	sshrl.u32 s8, $0x2  }
0xb: {  	s24 =	simm.s32 $0xA8C0;
	s4 =	smul.u32 $0x2800, s4;
	[smem:$0x7FF] =	sst s3  }
0xc: {  	s10 =	ssub.s32 s10, s11;
	s8 =	sadd.s32 s8, s2;
	s9 =	sadd.s32 $0xB4200, s9  }
0xd: {  	s15 =	sadd.s32 s12, s25;
	_ =	strace $0x8000004A;
	[dreg:$0x8] =	wrdreg s9  }
0xe: {  	s16 =	sshrl.u32 s25, $0x3;
	s0 =	sadd.s32 s17, s0;
	[dreg:$0x3] =	wrdreg s22  }
0xf: {  	s17 =	simm.s32 $0x40;
	s25 =	simm.s32 $0xA940;
	[dreg:$0x4] =	wrdreg s23  }
0x10: {  	s9 =	smul.u32 $0x50000, s13;
	s19 =	sor.u32 $0x200, s0;
	[dreg:$0x5] =	wrdreg s24  }
0x11: {  	s0 =	sor.u32 $0x100, s0;
	s20 =	smax.u32 s10, $0x1;
	[dreg:$0x6] =	wrdreg s25  }
0x12: {  	s21 =	sshrl.u32 s8, $0x3;
	s22 =	simm.s32 $0x1;
	[dreg:$0x7] =	wrdreg s26  }
0x13: {  	s23 =	simm.s32 $0x9;
	s26 =	simm.s32 $0x8800;
	[dreg:$0x9] =	wrdreg s14  }
0x14: {  	s5 =	sshrl.u32 s4, $0x3;
	s4 =	sadd.s32 $0x17E00, s1;
	[dreg:$0xe] =	wrdreg s20  }
0x15: {  	s0 =	sshrl.u32 s0, $0x3;
	[dreg:$0x11] =	wrdreg s21;
	s21 =	simm.s32 $0x6800  }
0x16: {  	s20 =	simm.s32 $0x7;
	s6 =	sadd.s32 s5, s1;
	s5 =	sadd.s32 s7, s5  }
0x17: {  	s1 =	sadd.s32 $0xDBA00, s1;
	s0 =	sadd.s32 s0, s7;
	[dreg:$0xb] =	wrdreg s5  }
0x18: {  	s18 =	sshrl.u32 s9, $0x2;
	s6 =	sadd.s32 $0x3E00, s6;
	[dreg:$0x10] =	wrdreg s0  }
0x19: {  	s9 =	simm.s32 $0x0;
	s5 =	sshrl.u32 s15, $0x3;
	[dreg:$0xa] =	wrdreg s6  }
0x1a: {  	s5 =	sadd.s32 s1, s5;
	s1 =	sadd.s32 s1, s16;
	s6 =	sshrl.u32 s19, $0x3  }
0x1b: {  	s16 =	simm.s32 $0xA800;
	s19 =	simm.s32 $0x4800;
	[dreg:$0xc] =	wrdreg s5  }
0x1c: {  	s5 =	sadd.s32 s18, s2;
	s1 =	sadd.s32 $0x25800, s1;
	s6 =	sadd.s32 s6, s7  }
0x1d: {  	s18 =	simm.s32 $0x2800;
	[dreg:$0xd] =	wrdreg s1;
	s1 =	sadd.s32 $0x12C000, s2  }
0x1e: {  	s7 =	simm.s32 $0x8;
	[dreg:$0xf] =	wrdreg s6;
	s0 =	sshrl.u32 @p0 s1, $0x3  }
0x1f: {  	s1 =	simm.s32 $0x6;
	[dreg:$0x12] =	wrdreg s0;
	s0 =	sshrl.u32 @!p0 s5, $0x3  }
0x20: {  	s5 =	simm.s32 $0xA;
	[dreg:$0x13] =	wrdreg s0;
	s0 =	simm.s32 $0x4  }
.LBB2_1:
0x21: {  	[dreg:$0x14] =	wrdreg s9  }
0x22: {  	s6 =	rddreg [dreg:$0x8]  }
0x23: {  	s8 =	rddreg [dreg:$0x11];
	s12 =	simm.s32 $0xB  }
0x24: {  	[spmem:s8], [sflag:s14] =	dma.local [hbm:s6], $0x2780  }
0x25: {  	_ =	swait.ge [sflag:s12], $0x2780  }
0x26: {  	[sflag:s12] =	ssyncset.done $0x0  }
0x27: {  	s13 =	rddreg [dreg:$0xa];
	[sflag:s12] =	ssyncadd.s32 $0xFFFFD880  }
0x28: {  	[tilespmem:s3], [sflag:$0xB] =	stream.linear.gather [hbm4b:s13+s3], $0x2800, $0x38;
	[tilespmem:$0x1E600] =	vst v63  }
0x29: {  	_ =	swait.ge [sflag:s12], $0x2800  }
0x2a: {  	[sflag:s12] =	ssyncset.done $0x0  }
0x2b: {  	[sflag:s12] =	ssyncadd.s32 $0xFFFFD800  }
0x2c: {  	[bflag:$0x0] =	sbarrier.arrive $0xFFFF  }
0x2d: {  	s14 =	rddreg [dreg:$0xb]  }
0x2e: {  	[tilespmem:s16], [sflag:$0x9] =	stream.linear.gather [hbm4b:s14+s3], $0x100, $0x38;
	[tilespmem:$0x1E600] =	vst v63  }
0x2f: {  	_ = 	snop  }
0x30: {  	[tilespmem:s18], [sflag:$0x1] =	stream.indirect.gather [hbm4b:s4+s17], $0x80, s3, s17, $0xb8;
	[tilespmem:$0x1E600] =	vst v63  }
0x31: {  	_ = 	snop  }
0x32: {  	[tilespmem:s19], [sflag:$0x2] =	stream.indirect.gather [hbm4b:s4+s17], $0x80, s17, s17, $0xb8;
	[tilespmem:$0x1E600] =	vst v63  }
0x33: {  	s15 =	simm.s32 $0x80  }
0x34: {  	[tilespmem:s21], [sflag:$0x3] =	stream.indirect.gather [hbm4b:s4+s17], $0x80, s15, s17, $0xb8;
	[tilespmem:$0x1E600] =	vst v63  }
0x35: {  	_ =	swait.ge [sflag:s22], $0x2000  }
0x36: {  	[sflag:s22] =	ssyncset.done $0x0  }
0x37: {  	[sflag:s22] =	ssyncadd.s32 $0xFFFFE000  }
0x38: {  	_ =	swait.ge [sflag:s23], $0x100  }
0x39: {  	p1 =	por $0x1, $0x1;
	[sflag:s23] =	ssyncset.done $0x0  }
0x3a: {  	s6 =	simm.s32 @!p1 $0x8;
	[sflag:s23] =	ssyncadd.s32 $0xFFFFFF00  }
0x3b: {  	[spmem:s2] =	stream.indirect.scatter.add.f32 [tilespmem:s18], [sflag:$0x5], $0x80, s16, s17, $0xb8;
	[tilespmem:$0x1E600] =	vst v63  }
0x3c: {  	_ =	swait.ge @!p1 [sflag:s6], $0x2000  }
0x3d: {  	[sflag:s6] =	ssyncset.done @!p1 $0x0  }
0x3e: {  	s24 =	simm.s32 $0xC0;
	[sflag:s6] =	ssyncadd.s32 @!p1 $0xFFFFE000  }
0x3f: {  	[tilespmem:s26], [sflag:$0x4] =	stream.indirect.gather [hbm4b:s4+s17], $0x80, s24, s17, $0xb8;
	[tilespmem:$0x1E600] =	vst v63  }
0x40: {  	s8 =	rddreg [dreg:$0x10]  }
0x41: {  	[tilespmem:s28], [sflag:$0xA] =	stream.linear.gather [hbm4b:s8+s3], $0x100, $0x38;
	[tilespmem:$0x1E600] =	vst v63  }
0x42: {  	_ =	swait.ge [sflag:s29], $0x2000  }
0x43: {  	[sflag:s29] =	ssyncset.done $0x0  }
0x44: {  	s25 =	rddreg [dreg:$0x3];
	[sflag:s29] =	ssyncadd.s32 $0xFFFFE000  }
0x45: {  	[spmem:s2] =	stream.indirect.scatter.add.f32 [tilespmem:s19], [sflag:$0x6], $0x80, s25, s17, $0xb8;
	[tilespmem:$0x1E600] =	vst v63  }
0x46: {  	_ =	swait.ge [sflag:s30], $0x2000  }
0x47: {  	[sflag:s30] =	ssyncset.done $0x0  }
0x48: {  	s9 =	simm.s32 $0x100;
	[sflag:s30] =	ssyncadd.s32 $0xFFFFE000  }
0x49: {  	[tilespmem:s18], [sflag:$0x1] =	stream.indirect.gather [hbm4b:s4+s17], $0x80, s9, s17, $0xb8;
	[tilespmem:$0x1E600] =	vst v63  }
0x4a: {  	_ =	swait.ge [sflag:s31], $0x2000  }
0x4b: {  	[sflag:s31] =	ssyncset.done $0x0  }
0x4c: {  	s10 =	rddreg [dreg:$0x4];
	[sflag:s31] =	ssyncadd.s32 $0xFFFFE000  }
0x4d: {  	[spmem:s2] =	stream.indirect.scatter.add.f32 [tilespmem:s21], [sflag:$0x7], $0x80, s10, s17, $0xb8;
	[tilespmem:$0x1E600] =	vst v63  }
0x4e: {  	_ =	swait.ge [sflag:s1], $0x2000  }
0x4f: {  	[sflag:s1] =	ssyncset.done $0x0  }
0x50: {  	s11 =	simm.s32 $0x140;
	[sflag:s1] =	ssyncadd.s32 $0xFFFFE000  }
0x51: {  	[tilespmem:s19], [sflag:$0x2] =	stream.indirect.gather [hbm4b:s4+s17], $0x80, s11, s17, $0xb8;
	[tilespmem:$0x1E600] =	vst v63  }
0x52: {  	_ =	swait.ge [sflag:s0], $0x2000  }
0x53: {  	[sflag:s0] =	ssyncset.done $0x0  }
0x54: {  	s12 =	rddreg [dreg:$0x5];
	[sflag:s0] =	ssyncadd.s32 $0xFFFFE000  }
0x55: {  	[spmem:s2] =	stream.indirect.scatter.add.f32 [tilespmem:s26], [sflag:$0x8], $0x80, s12, s17, $0xb8;
	[tilespmem:$0x1E600] =	vst v63  }
0x56: {  	_ =	swait.ge [sflag:s20], $0x2000  }
0x57: {  	[sflag:s20] =	ssyncset.done $0x0  }
0x58: {  	s13 =	simm.s32 $0x180;
	[sflag:s20] =	ssyncadd.s32 $0xFFFFE000  }
0x59: {  	[tilespmem:s21], [sflag:$0x3] =	stream.indirect.gather [hbm4b:s4+s17], $0x80, s13, s17, $0xb8;
	[tilespmem:$0x1E600] =	vst v63  }
0x5a: {  	_ =	swait.ge [sflag:s22], $0x2000  }
0x5b: {  	[sflag:s22] =	ssyncset.done $0x0  }
0x5c: {  	[sflag:s22] =	ssyncadd.s32 $0xFFFFE000  }
0x5d: {  	_ =	swait.ge [sflag:s5], $0x100  }
0x5e: {  	[sflag:s5] =	ssyncset.done $0x0  }
0x5f: {  	[sflag:s5] =	ssyncadd.s32 $0xFFFFFF00  }
0x60: {  	[spmem:s2] =	stream.indirect.scatter.add.f32 [tilespmem:s18], [sflag:$0x5], $0x80, s28, s17, $0xb8;
	[tilespmem:$0x1E600] =	vst v63  }
0x61: {  	_ =	swait.ge [sflag:s7], $0x2000  }
0x62: {  	[sflag:s7] =	ssyncset.done $0x0  }
0x63: {  	s14 =	simm.s32 $0x1C0;
	p1 =	por $0x0, $0x0;
	[sflag:s7] =	ssyncadd.s32 $0xFFFFE000  }
0x64: {  	[tilespmem:s26], [sflag:$0x4] =	stream.indirect.gather [hbm4b:s4+s17], $0x80, s14, s17, $0xb8;
	[tilespmem:$0x1E600] =	vst v63  }
0x65: {  	s6 =	simm.s32 @!p1 $0x0;
	s9 =	simm.s32 @!p1 $0xA800;
	s12 =	rddreg [dreg:$0xf]  }
0x66: {  	[tilespmem:s9], [sflag:$0x9] =	stream.linear.gather @!p1 [hbm4b:s12+s6], $0x100, $0x38;
	[tilespmem:$0x1E600] =	vst v63  }
0x67: {  	_ =	swait.ge [sflag:s29], $0x2000  }
0x68: {  	p2 =	por $0x0, $0x0;
	[sflag:s29] =	ssyncset.done $0x0  }
0x69: {  	s9 =	simm.s32 @p2 $0x3;
	s15 =	rddreg [dreg:$0x6];
	[sflag:s29] =	ssyncadd.s32 $0xFFFFE000  }
0x6a: {  	[spmem:s2] =	stream.indirect.scatter.add.f32 [tilespmem:s19], [sflag:$0x6], $0x80, s15, s17, $0xb8;
	[tilespmem:$0x1E600] =	vst v63  }
0x6b: {  	_ =	swait.ge @p2 [sflag:s9], $0x2000  }
0x6c: {  	s10 =	simm.s32 @p2 $0x40;
	s11 =	simm.s32 @p2 $0xA980;
	[sflag:s9] =	ssyncset.done @p2 $0x0  }
0x6d: {  	s6 =	simm.s32 @p2 $0x6800;
	[sflag:s9] =	ssyncadd.s32 @p2 $0xFFFFE000;
	s9 =	simm.s32 @!p2 $0x5  }
0x6e: {  	[spmem:s2] =	stream.indirect.scatter.add.f32 @p2 [tilespmem:s6], [sflag:$0x7], $0x80, s11, s10, $0xb8;
	[tilespmem:$0x1E600] =	vst v63  }
0x6f: {  	_ =	swait.ge @!p2 [sflag:s9], $0x2000  }
0x70: {  	s25 =	simm.s32 @!p2 $0x40;
	s6 =	simm.s32 @!p2 $0x200;
	[sflag:s9] =	ssyncset.done @!p2 $0x0  }
0x71: {  	s10 =	simm.s32 @!p2 $0x2800;
	[sflag:s9] =	ssyncadd.s32 @!p2 $0xFFFFE000;
	s9 =	simm.s32 @!p2 $0x3  }
0x72: {  	[tilespmem:s10], [sflag:$0x1] =	stream.indirect.gather @!p2 [hbm4b:s4+s25], $0x80, s6, s25, $0xb8;
	[tilespmem:$0x1E600] =	vst v63  }
0x73: {  	_ =	swait.ge @!p2 [sflag:s9], $0x2000  }
0x74: {  	s13 =	simm.s32 @!p2 $0x6800;
	[sflag:s9] =	ssyncset.done @!p2 $0x0  }
0x75: {  	s6 =	simm.s32 @!p2 $0xA980;
	[sflag:s9] =	ssyncadd.s32 @!p2 $0xFFFFE000;
	s9 =	simm.s32 @!p2 $0x6  }
0x76: {  	[spmem:s2] =	stream.indirect.scatter.add.f32 @!p2 [tilespmem:s13], [sflag:$0x7], $0x80, s6, s25, $0xb8;
	[tilespmem:$0x1E600] =	vst v63  }
0x77: {  	_ =	swait.ge @!p2 [sflag:s9], $0x2000  }
0x78: {  	[sflag:s9] =	ssyncset.done @!p2 $0x0  }
0x79: {  	s10 =	simm.s32 @!p2 $0x4800;
	s6 =	simm.s32 @!p2 $0x240;
	[sflag:s9] =	ssyncadd.s32 @!p2 $0xFFFFE000  }
0x7a: {  	[tilespmem:s10], [sflag:$0x2] =	stream.indirect.gather @!p2 [hbm4b:s4+s25], $0x80, s6, s25, $0xb8;
	[tilespmem:$0x1E600] =	vst v63  }
0x7b: {  	_ =	swait.ge [sflag:s0], $0x2000  }
0x7c: {  	s14 =	simm.s32 @!p2 $0x280;
	s11 =	simm.s32 $0x3;
	[sflag:s0] =	ssyncset.done $0x0  }
0x7d: {  	s6 =	simm.s32 @!p2 $0x7;
	s24 =	rddreg [dreg:$0x7];
	[sflag:s0] =	ssyncadd.s32 $0xFFFFE000  }
0x7e: {  	[spmem:s2] =	stream.indirect.scatter.add.f32 [tilespmem:s26], [sflag:$0x8], $0x80, s24, s17, $0xb8;
	[tilespmem:$0x1E600] =	vst v63  }
0x7f: {  	s9 =	simm.s32 $0x800;
	s10 =	sadd.s32 $0x40, s8;
	_ =	swait.ge @!p2 [sflag:s6], $0x2000  }
.LBB2_2:
0x80: {  	[sflag:s6] =	ssyncset.done @!p2 $0x0  }
0x81: {  	[sflag:s6] =	ssyncadd.s32 @!p2 $0xFFFFE000  }
0x82: {  	[tilespmem:s13], [sflag:$0x3] =	stream.indirect.gather @!p2 [hbm4b:s4+s25], $0x80, s14, s25, $0xb8;
	[tilespmem:$0x1E600] =	vst v63  }
0x83: {  	_ =	swait.ge [sflag:s22], $0x2000  }
0x84: {  	[sflag:s22] =	ssyncset.done $0x0  }
0x85: {  	[sflag:s22] =	ssyncadd.s32 $0xFFFFE000  }
0x86: {  	s24 =	smov.u32 s9;
	_ =	swait.ge [sflag:s23], $0x100  }
0x87: {  	p2 =	seq.s32 s24, $0x0;
	[sflag:s23] =	ssyncset.done $0x0  }
0x88: {  	s6 =	simm.s32 @!p2 $0x8;
	[sflag:s23] =	ssyncadd.s32 $0xFFFFFF00  }
0x89: {  	[spmem:s2] =	stream.indirect.scatter.add.f32 [tilespmem:s18], [sflag:$0x5], $0x80, s16, s17, $0xb8;
	[tilespmem:$0x1E600] =	vst v63  }
0x8a: {  	_ =	swait.ge @!p2 [sflag:s6], $0x2000  }
0x8b: {  	s25 =	sshra.s32 s24, $0x2;
	[sflag:s6] =	ssyncset.done @!p2 $0x0  }
0x8c: {  	s8 =	sadd.s32 $0xC0, s25;
	[sflag:s6] =	ssyncadd.s32 @!p2 $0xFFFFE000  }
0x8d: {  	[tilespmem:s26], [sflag:$0x4] =	stream.indirect.gather [hbm4b:s4+s17], $0x80, s8, s17, $0xb8;
	[tilespmem:$0x1E600] =	vst v63  }
0x8e: {  	_ = 	snop  }
0x8f: {  	[tilespmem:s28], [sflag:$0xA] =	stream.linear.gather [hbm4b:s10+s3], $0x100, $0x38;
	[tilespmem:$0x1E600] =	vst v63  }
0x90: {  	_ =	swait.ge [sflag:s29], $0x2000  }
0x91: {  	[sflag:s29] =	ssyncset.done $0x0  }
0x92: {  	s14 =	rddreg [dreg:$0x3];
	[sflag:s29] =	ssyncadd.s32 $0xFFFFE000  }
0x93: {  	[spmem:s2] =	stream.indirect.scatter.add.f32 [tilespmem:s19], [sflag:$0x6], $0x80, s14, s17, $0xb8;
	[tilespmem:$0x1E600] =	vst v63  }
0x94: {  	_ =	swait.ge [sflag:s30], $0x2000  }
0x95: {  	[sflag:s30] =	ssyncset.done $0x0  }
0x96: {  	s15 =	sadd.s32 $0x100, s25;
	[sflag:s30] =	ssyncadd.s32 $0xFFFFE000  }
0x97: {  	[tilespmem:s18], [sflag:$0x1] =	stream.indirect.gather [hbm4b:s4+s17], $0x80, s15, s17, $0xb8;
	[tilespmem:$0x1E600] =	vst v63  }
0x98: {  	_ =	swait.ge [sflag:s31], $0x2000  }
0x99: {  	[sflag:s31] =	ssyncset.done $0x0  }
0x9a: {  	s8 =	rddreg [dreg:$0x4];
	[sflag:s31] =	ssyncadd.s32 $0xFFFFE000  }
0x9b: {  	[spmem:s2] =	stream.indirect.scatter.add.f32 [tilespmem:s21], [sflag:$0x7], $0x80, s8, s17, $0xb8;
	[tilespmem:$0x1E600] =	vst v63  }
0x9c: {  	_ =	swait.ge [sflag:s1], $0x2000  }
0x9d: {  	[sflag:s1] =	ssyncset.done $0x0  }
0x9e: {  	s13 =	sadd.s32 $0x140, s25;
	[sflag:s1] =	ssyncadd.s32 $0xFFFFE000  }
0x9f: {  	[tilespmem:s19], [sflag:$0x2] =	stream.indirect.gather [hbm4b:s4+s17], $0x80, s13, s17, $0xb8;
	[tilespmem:$0x1E600] =	vst v63  }
0xa0: {  	_ =	swait.ge [sflag:s0], $0x2000  }
0xa1: {  	[sflag:s0] =	ssyncset.done $0x0  }
0xa2: {  	s14 =	rddreg [dreg:$0x5];
	[sflag:s0] =	ssyncadd.s32 $0xFFFFE000  }
0xa3: {  	[spmem:s2] =	stream.indirect.scatter.add.f32 [tilespmem:s26], [sflag:$0x8], $0x80, s14, s17, $0xb8;
	[tilespmem:$0x1E600] =	vst v63  }
0xa4: {  	_ =	swait.ge [sflag:s20], $0x2000  }
0xa5: {  	[sflag:s20] =	ssyncset.done $0x0  }
0xa6: {  	s15 =	sadd.s32 $0x180, s25;
	[sflag:s20] =	ssyncadd.s32 $0xFFFFE000  }
0xa7: {  	[tilespmem:s21], [sflag:$0x3] =	stream.indirect.gather [hbm4b:s4+s17], $0x80, s15, s17, $0xb8;
	[tilespmem:$0x1E600] =	vst v63  }
0xa8: {  	_ =	swait.ge [sflag:s22], $0x2000  }
0xa9: {  	[sflag:s22] =	ssyncset.done $0x0  }
0xaa: {  	[sflag:s22] =	ssyncadd.s32 $0xFFFFE000  }
0xab: {  	_ =	swait.ge [sflag:s5], $0x100  }
0xac: {  	[sflag:s5] =	ssyncset.done $0x0  }
0xad: {  	[sflag:s5] =	ssyncadd.s32 $0xFFFFFF00  }
0xae: {  	[spmem:s2] =	stream.indirect.scatter.add.f32 [tilespmem:s18], [sflag:$0x5], $0x80, s28, s17, $0xb8;
	[tilespmem:$0x1E600] =	vst v63  }
0xaf: {  	_ =	swait.ge [sflag:s7], $0x2000  }
0xb0: {  	[sflag:s7] =	ssyncset.done $0x0  }
0xb1: {  	p2 =	seq.s32 s24, $0x9800;
	s8 =	sadd.s32 $0x1C0, s25;
	[sflag:s7] =	ssyncadd.s32 $0xFFFFE000  }
0xb2: {  	[tilespmem:s26], [sflag:$0x4] =	stream.indirect.gather [hbm4b:s4+s17], $0x80, s8, s17, $0xb8;
	[tilespmem:$0x1E600] =	vst v63  }
0xb3: {  	s12 =	sadd.s32 $0x40, s12;
	s13 =	simm.s32 @!p2 $0x0;
	s14 =	simm.s32 @!p2 $0xA800  }
0xb4: {  	[tilespmem:s14], [sflag:$0x9] =	stream.linear.gather @!p2 [hbm4b:s12+s13], $0x100, $0x38;
	[tilespmem:$0x1E600] =	vst v63  }
0xb5: {  	_ =	swait.ge [sflag:s29], $0x2000  }
0xb6: {  	p2 =	sgt.u32 s11, $0x26;
	[sflag:s29] =	ssyncset.done $0x0  }
0xb7: {  	s13 =	simm.s32 @p2 $0x3;
	s15 =	rddreg [dreg:$0x6];
	[sflag:s29] =	ssyncadd.s32 $0xFFFFE000  }
0xb8: {  	[spmem:s2] =	stream.indirect.scatter.add.f32 [tilespmem:s19], [sflag:$0x6], $0x80, s15, s17, $0xb8;
	[tilespmem:$0x1E600] =	vst v63  }
0xb9: {  	_ =	swait.ge @p2 [sflag:s13], $0x2000  }
0xba: {  	s6 =	simm.s32 @p2 $0x6800;
	s25 =	simm.s32 @p2 $0x40;
	[sflag:s13] =	ssyncset.done @p2 $0x0  }
0xbb: {  	s15 =	simm.s32 @p2 $0xA980;
	[sflag:s13] =	ssyncadd.s32 @p2 $0xFFFFE000;
	s13 =	simm.s32 @!p2 $0x5  }
0xbc: {  	[spmem:s2] =	stream.indirect.scatter.add.f32 @p2 [tilespmem:s6], [sflag:$0x7], $0x80, s15, s25, $0xb8;
	[tilespmem:$0x1E600] =	vst v63  }
0xbd: {  	s14 =	sshra.s32 @!p2 s24, $0x2;
	_ =	swait.ge @!p2 [sflag:s13], $0x2000  }
0xbe: {  	s24 =	sadd.s32 @!p2 $0x200, s14;
	s25 =	simm.s32 @!p2 $0x40;
	[sflag:s13] =	ssyncset.done @!p2 $0x0  }
0xbf: {  	s6 =	simm.s32 @!p2 $0x2800;
	s15 =	simm.s32 @!p2 $0x3;
	[sflag:s13] =	ssyncadd.s32 @!p2 $0xFFFFE000  }
0xc0: {  	[tilespmem:s6], [sflag:$0x1] =	stream.indirect.gather @!p2 [hbm4b:s4+s25], $0x80, s24, s25, $0xb8;
	[tilespmem:$0x1E600] =	vst v63  }
0xc1: {  	_ =	swait.ge @!p2 [sflag:s15], $0x2000  }
0xc2: {  	s13 =	simm.s32 @!p2 $0x6800;
	[sflag:s15] =	ssyncset.done @!p2 $0x0  }
0xc3: {  	s6 =	simm.s32 @!p2 $0xA980;
	[sflag:s15] =	ssyncadd.s32 @!p2 $0xFFFFE000;
	s15 =	simm.s32 @!p2 $0x6  }
0xc4: {  	[spmem:s2] =	stream.indirect.scatter.add.f32 @!p2 [tilespmem:s13], [sflag:$0x7], $0x80, s6, s25, $0xb8;
	[tilespmem:$0x1E600] =	vst v63  }
0xc5: {  	s9 =	sadd.s32 $0x800, s9;
	_ =	swait.ge @!p2 [sflag:s15], $0x2000  }
0xc6: {  	p1 =	sne.s32 s9, $0xA000;
	[sflag:s15] =	ssyncset.done @!p2 $0x0  }
0xc7: {  	s8 =	sadd.s32 @!p2 $0x240, s14;
	s6 =	simm.s32 @!p2 $0x4800;
	[sflag:s15] =	ssyncadd.s32 @!p2 $0xFFFFE000  }
0xc8: {  	[tilespmem:s6], [sflag:$0x2] =	stream.indirect.gather @!p2 [hbm4b:s4+s25], $0x80, s8, s25, $0xb8;
	[tilespmem:$0x1E600] =	vst v63  }
.Ltmp0:
0xc9: {  	_ =	swait.ge [sflag:s0], $0x2000;
	(pc) =	sbr.rel @p1 .LBB2_2-.Ltmp0, $4  }
0xca: {  	s10 =	sadd.s32 $0x40, s10;
	[sflag:s0] =	ssyncset.done $0x0  }
0xcb: {  	s6 =	simm.s32 @!p2 $0x7;
	s24 =	rddreg [dreg:$0x7];
	[sflag:s0] =	ssyncadd.s32 $0xFFFFE000  }
0xcc: {  	[spmem:s2] =	stream.indirect.scatter.add.f32 [tilespmem:s26], [sflag:$0x8], $0x80, s24, s17, $0xb8;
	[tilespmem:$0x1E600] =	vst v63  }
0xcd: {  	s11 =	sadd.s32 $0x2, s11;
	s14 =	sadd.s32 @!p2 $0x280, s14;
	_ =	swait.ge @!p2 [sflag:s6], $0x2000  }
0xce: {  	[sflag:s6] =	ssyncset.done @!p2 $0x0  }
0xcf: {  	[sflag:s6] =	ssyncadd.s32 @!p2 $0xFFFFE000  }
0xd0: {  	[tilespmem:s13], [sflag:$0x3] =	stream.indirect.gather @!p2 [hbm4b:s4+s25], $0x80, s14, s25, $0xb8;
	[tilespmem:$0x1E600] =	vst v63  }
0xd1: {  	_ =	swait.ge [sflag:s30], $0x2000  }
0xd2: {  	[sflag:s30] =	ssyncset.done $0x0  }
0xd3: {  	[sflag:s30] =	ssyncadd.s32 $0xFFFFE000  }
0xd4: {  	_ =	swait.ge [sflag:s1], $0x2000  }
0xd5: {  	[sflag:s1] =	ssyncset.done $0x0  }
0xd6: {  	[sflag:s1] =	ssyncadd.s32 $0xFFFFE000  }
0xd7: {  	_ =	swait.ge [sflag:s20], $0x2000  }
0xd8: {  	[sflag:s20] =	ssyncset.done $0x0  }
0xd9: {  	[sflag:s20] =	ssyncadd.s32 $0xFFFFE000  }
0xda: {  	_ =	swait.ge [sflag:s7], $0x2000  }
0xdb: {  	[sflag:s7] =	ssyncset.done $0x0  }
0xdc: {  	[sflag:s7] =	ssyncadd.s32 $0xFFFFE000  }
0xdd: {  	[bflag:$0x0] =	sbarrier.arrive $0xFFFF  }
0xde: {  	s14 =	rddreg [dreg:$0x9]  }
0xdf: {  	s6 =	rddreg [dreg:$0xd]  }
0xe0: {  	s8 =	rddreg [dreg:$0x12]  }
0xe1: {  	[hbm:s6], [sflag:s14] =	dma.local @p0 [spmem:s8], $0x1900  }
0xe2: {  	s6 =	simm.s32 @p0 $0xB  }
0xe3: {  	_ =	swait.ge @p0 [sflag:s6], $0x1900  }
0xe4: {  	[sflag:s6] =	ssyncset.done @p0 $0x0;
	s8 =	rddreg [dreg:$0x13]  }
0xe5: {  	[sflag:s6] =	ssyncadd.s32 @p0 $0xFFFFE700;
	s6 =	rddreg [dreg:$0xc]  }
0xe6: {  	[hbm:s6], [sflag:s14] =	dma.local @!p0 [spmem:s8], $0x2800  }
0xe7: {  	s6 =	simm.s32 @!p0 $0xB  }
0xe8: {  	_ =	swait.ge @!p0 [sflag:s6], $0x2800  }
0xe9: {  	s9 =	rddreg [dreg:$0x14]  }
0xea: {  	s25 =	rddreg [dreg:$0xe];
	s9 =	sadd.s32 $0x1, s9  }
0xeb: {  	p1 =	sne.s32 s9, s25  }
.Ltmp1:
0xec: {  	_ = 	snop;
	(pc) =	sbr.rel @p1 .LBB2_1-.Ltmp1, $3  }
0xed: {  	_ =	sdelay $0x1  }
0xee: {  	[sflag:s6] =	ssyncset.done @!p0 $0x0  }
0xef: {  	[sflag:s6] =	ssyncadd.s32 @!p0 $0xFFFFD800  }
0xf0: {  	_ =	sfence.sel $0x180000  }
0xf1: {  	[bflag:$0x0] =	sbarrier.arrive $0xFFFF  }
0xf2: {  	_ =	strace $0x9000004A  }
0xf3: {  	s0 =	stileid.u32;
	[bflag:$0x2] =	sbarrier.arrive $0xFFFF  }
0xf4: {  	p0 =	sne.s32 s0, $0x0;
	s0 =	rddreg [dreg:$0x2]  }
0xf5: {  	s0 =	sadd.s32 @!p0 $0x100000, s0  }
0xf6: {  	[sflag:s0] =	ssyncadd.tile.s32 @!p0 $0x1;
	_ =	shalt  }
.Lfunc_end2:
_tile_overlayer_lowered:
.L_overlay_start_2:
0xf7: {  	(tag) =	ssettag $0x2  }
0xf8: {  	s0 =	rddreg [dreg:$0x0];
	s2 =	stileid.u32  }
0xf9: {  	s1 =	rddreg [dreg:$0x1];
	p0 =	sne.s32 s2, $0x0  }
0xfa: {  	s3 =	rddreg [dreg:$0x2];
	[bflag:$0x3] =	sbarrier.arrive $0xFFFF;
	s2 =	simm.s32 @!p0 $0x1C0B  }
0xfb: {  	[timem:s3], [sflag:s2] =	dma.local @!p0 [hbm:s0], s1  }
0xfc: {  	s0 =	simm.s32 @!p0 $0xB  }
0xfd: {  	_ =	swait.ge @!p0 [sflag:s0], s1  }
0xfe: {  	s1 =	ssub.s32 @!p0 $0x0, s1;
	[sflag:s0] =	ssyncset.done @!p0 $0x0  }
0xff: {  	[sflag:s0] =	ssyncadd.s32 @!p0 s1  }
0x100: {  	[bflag:$0x3] =	sbarrier.arrive $0xFFFF  }
0x101: {  	_ =	shalt  }

// kernel: kernel.15.cloned.1.call-start
scs
__scs_entry_jumppad:
0x0: {  	(pc) =	sbr.rel $0x88, $3  }
0x1: {  	(tag) =	ssettag $0x0;
	lr =	simm.s32 $0x1  }
0x2: {  	[smem:$0x3F8E] =	sst lr;
	_ =	strace $0xD0000000  }
0x3: {  	_ = 	snop  }
0x4: {  	_ = 	snop  }
0x5: {  	_ = 	snop  }
0x6: {  	_ = 	snop  }
0x7: {  	_ = 	snop  }
__scs_overlays_trampoline_lowered:
0x8: {  	[smem:$0x3F9D] =	sst s0  }
0x9: {  	[smem:$0x3F9E] =	sst s1  }
0xa: {  	[smem:$0x3F9F] =	sst s2  }
0xb: {  	[smem:$0x3FA0] =	sst s3  }
0xc: {  	[smem:$0x3FA1] =	sst s4  }
0xd: {  	[smem:$0x3FA2] =	sst s5  }
0xe: {  	[smem:$0x3FA3] =	sst s6  }
0xf: {  	[smem:$0x3FA4] =	sst s7  }
0x10: {  	[smem:$0x3FA5] =	sst s8  }
0x11: {  	[smem:$0x3FA6] =	sst s9;
	s0 =	simm.s32 @!p0 $0x0  }
0x12: {  	s1 =	sld [smem:$0x3F8C];
	s0 =	simm.s32 @p0 $0x1  }
0x13: {  	[smem:$0x3FA7] =	sst s0;
	s0 =	simm.s32 @!p1 $0x0  }
0x14: {  	s2 =	sld [smem:$0x3F8B];
	s0 =	simm.s32 @p1 $0x1  }
0x15: {  	[smem:$0x3FA8] =	sst s0;
	s0 =	simm.s32 @!p2 $0x0  }
0x16: {  	s3 =	sld [smem:$0x3FDB];
	s0 =	simm.s32 @p2 $0x1  }
0x17: {  	s4 =	simm.s32 $0x1BF5;
	[smem:$0x3FAA] =	sst s0  }
0x18: {  	s0 =	sld [smem:$0x3F8D];
	_ =	swait.ge [sflag:s4], $0x0  }
0x19: {  	s7 =	sld [smem:$0x3F8E]  }
0x1a: {  	s8 =	sadd.s32 $0xFFFFE003, lr  }
0x1b: {  	s9 =	sadd.s32 $0xFFFFFEF7, lr;
	s5 =	simm.s32 $0xFFFFFFFF;
	p2 =	slt.u32 s8, $0xFFFFF086  }
0x1c: {  	p1 =	slt.u32 s9, $0xF7A;
	s5 =	simm.s32 @!p2 $0x0  }
0x1d: {  	s5 =	simm.s32 @p1 $0x1;
	p0 =	seq.s32 s7, s2  }
0x1e: {  	s7 =	smul.u32 @!p0 $0xF7A, s2;
	p2 =	seq.s32 @!p0 s5, $0x0  }
0x1f: {  	s9 =	smul.u32 $0xF7A, s1;
	s8 =	simm.s32 @!p0 $0x1BF5;
	p2 =	por !p2, p0  }
0x20: {  	[sflag:s8] =	ssyncset.s32 @!p0 $0xFFFFF086;
	s6 =	sadd.s32 @!p0 s3, s7;
	s7 =	simm.s32 @!p0 $0x108  }
0x21: {  	s3 =	sadd.s32 s3, s9;
	s6 =	sadd.s32 @!p0 $0x88, s6;
	s7 =	simm.s32 @p2 $0x1082  }
0x22: {  	[simem:s7], [sflag:s8] =	dma.local @!p0 [hbm:s6], $0xF7A  }
0x23: {  	s9 =	sor.u32 $0xD0000000, s2;
	s6 =	simm.s32 $0x108;
	_ =	swait.ge @!p0 [sflag:s8], $0x0  }
0x24: {  	s3 =	sadd.s32 $0x88, s3;
	s6 =	simm.s32 @!p1 $0x1082;
	[sflag:s4] =	ssyncset.s32 $0xFFFFF086  }
0x25: {  	[simem:s6], [sflag:s4] =	dma.local [hbm:s3], $0xF7A  }
0x26: {  	[smem:$0x3F8E] =	sst s1;
	(tag) =	ssettag s2;
	_ =	strace s9  }
0x27: {  	s1 =	sld [smem:$0x3F9E]  }
0x28: {  	s2 =	sld [smem:$0x3F9F]  }
0x29: {  	s4 =	sld [smem:$0x3FA1]  }
0x2a: {  	p0 =	seq.s32 s5, $0x0;
	s5 =	sld [smem:$0x3FA2]  }
0x2b: {  	s6 =	sld [smem:$0x3FA3]  }
0x2c: {  	s7 =	sld [smem:$0x3FA4]  }
0x2d: {  	s3 =	simm.s32 $0x108;
	s8 =	sld [smem:$0x3FA5]  }
0x2e: {  	s3 =	simm.s32 @!p0 $0x1082;
	s9 =	sld [smem:$0x3FA6]  }
0x2f: {  	lr =	sadd.s32 s0, s3;
	s0 =	sld [smem:$0x3F9D]  }
0x30: {  	s3 =	sld [smem:$0x3FA0]  }
0x31: {  	[smem:$0x3FA9] =	sst s10  }
0x32: {  	s10 =	sld [smem:$0x3FA7];
	_ =	sdelay $0x3  }
0x33: {  	p0 =	seq.s32 s10, $0x1;
	s10 =	sld [smem:$0x3FA9];
	_ =	sdelay $0x3  }
0x34: {  	[smem:$0x3FA9] =	sst s10  }
0x35: {  	s10 =	sld [smem:$0x3FA8];
	_ =	sdelay $0x3  }
0x36: {  	p1 =	seq.s32 s10, $0x1;
	s10 =	sld [smem:$0x3FA9];
	_ =	sdelay $0x3  }
0x37: {  	[smem:$0x3FA9] =	sst s10  }
0x38: {  	s10 =	sld [smem:$0x3FAA]  }
0x39: {  	_ = 	snop;
	(pc) =	sbr.ind lr, $3  }
0x3a: {  	_ = 	snop  }
0x3b: {  	_ = 	snop  }
0x3c: {  	p2 =	seq.s32 s10, $0x1;
	s10 =	sld [smem:$0x3FA9]  }
0x3d: {  	_ =	shalt  }
0x3e: {  	_ =	shalt  }
0x3f: {  	_ =	shalt  }
0x40: {  	_ =	shalt  }
0x41: {  	_ =	shalt  }
0x42: {  	_ =	shalt  }
0x43: {  	_ =	shalt  }
0x44: {  	_ =	shalt  }
0x45: {  	_ =	shalt  }
0x46: {  	_ =	shalt  }
0x47: {  	_ =	shalt  }
0x48: {  	_ =	shalt  }
0x49: {  	_ =	shalt  }
0x4a: {  	_ =	shalt  }
0x4b: {  	_ =	shalt  }
0x4c: {  	_ =	shalt  }
0x4d: {  	_ =	shalt  }
0x4e: {  	_ =	shalt  }
0x4f: {  	_ =	shalt  }
0x50: {  	_ =	shalt  }
0x51: {  	_ =	shalt  }
0x52: {  	_ =	shalt  }
0x53: {  	_ =	shalt  }
0x54: {  	_ =	shalt  }
0x55: {  	_ =	shalt  }
0x56: {  	_ =	shalt  }
0x57: {  	_ =	shalt  }
0x58: {  	_ =	shalt  }
0x59: {  	_ =	shalt  }
0x5a: {  	_ =	shalt  }
0x5b: {  	_ =	shalt  }
0x5c: {  	_ =	shalt  }
0x5d: {  	_ =	shalt  }
0x5e: {  	_ =	shalt  }
0x5f: {  	_ =	shalt  }
0x60: {  	_ =	shalt  }
0x61: {  	_ =	shalt  }
0x62: {  	_ =	shalt  }
0x63: {  	_ =	shalt  }
0x64: {  	_ =	shalt  }
0x65: {  	_ =	shalt  }
0x66: {  	_ =	shalt  }
0x67: {  	_ =	shalt  }
0x68: {  	_ =	shalt  }
0x69: {  	_ =	shalt  }
0x6a: {  	_ =	shalt  }
0x6b: {  	_ =	shalt  }
0x6c: {  	_ =	shalt  }
0x6d: {  	_ =	shalt  }
0x6e: {  	_ =	shalt  }
0x6f: {  	_ =	shalt  }
0x70: {  	_ =	shalt  }
0x71: {  	_ =	shalt  }
0x72: {  	_ =	shalt  }
0x73: {  	_ =	shalt  }
0x74: {  	_ =	shalt  }
0x75: {  	_ =	shalt  }
0x76: {  	_ =	shalt  }
0x77: {  	_ =	shalt  }
0x78: {  	_ =	shalt  }
0x79: {  	_ =	shalt  }
0x7a: {  	_ =	shalt  }
0x7b: {  	_ =	shalt  }
0x7c: {  	_ =	shalt  }
0x7d: {  	_ =	shalt  }
0x7e: {  	_ =	shalt  }
0x7f: {  	_ =	shalt  }
0x80: {  	_ =	shalt  }
0x81: {  	_ =	shalt  }
0x82: {  	_ =	shalt  }
0x83: {  	_ =	shalt  }
0x84: {  	_ =	shalt  }
0x85: {  	_ =	shalt  }
0x86: {  	_ =	shalt  }
0x87: {  	_ =	shalt  }
.Lfunc_end0:
.L_simem_size_0:
called_computation.2_lowered:
.L_overlay_start_0:
0x88: {  	s2 =	sld [smem:$0x3FD9]  }
0x89: {  	s3 =	sld [smem:$0x3FFE];
	_ =	sdelay $0x1  }
0x8a: {  	s1 =	srdreg.scid  }
0x8b: {  	s0 =	sand.u32 $0x1, s1  }
0x8c: {  	s16 =	sshll.u32 s0, $0xA;
	s2 =	sadd.s32 s3, s2  }
0x8d: {  	s2 =	sadd.s32 s2, s16  }
0x8e: {  	[smem:$0x3FB5] =	sst s2  }
0x8f: {  	_ = 	snop  }
0x90: {  	(tm) =	ssettm $0x1  }
0x91: {  	s17 =	sld [smem:$0x3FFB];
	_ =	sdelay $0x3  }
0x92: {  	_ =	strace s17  }
0x93: {  	s2 =	sld [smem:$0x3FFC];
	_ =	sdelay $0x3  }
0x94: {  	_ =	strace s2  }
0x95: {  	s2 =	sld [smem:$0x3FFD];
	_ =	sdelay $0x3  }
0x96: {  	_ =	strace s2  }
0x97: {  	_ =	strace $0x8FFFFFFF  }
0x98: {  	s18 =	sld [smem:$0x3FDB];
	_ =	sdelay $0x1  }
0x99: {  	s19 =	simm.s32 $_scs_section_size  }
0x9a: {  	s4 =	simm.s32 $_size__tile_overlayer_lowered;
	s5 =	simm.s32 $_tile_overlayer_lowered  }
0x9b: {  	s22 =	simm.s32 $0x1BFF;
	s21 =	sshll.u32 s5, $0x1;
	s2 =	sadd.s32 s19, s18  }
0x9c: {  	s6 =	simm.s32 $0x0;
	s20 =	sshll.u32 s4, $0x1;
	s4 =	sadd.s32 s21, s2  }
0x9d: {  	[timem:s6], [sflag:s22] =	dma.local [hbm:s4], s20  }
0x9e: {  	_ =	swait.ge [sflag:s22], s20  }
0x9f: {  	s3 =	ssub.s32 $0x0, s20;
	[sflag:s22] =	ssyncset.done $0x0  }
0xa0: {  	[sflag:s22] =	ssyncadd.s32 s3;
	_ =	sdelay $0x1  }
0xa1: {  	s23 =	simm.s32 $0x1B8B  }
0xa2: {  	_ =	swait.ge [sflag:s23], $0x1  }
0xa3: {  	[sflag:s23] =	ssyncset.done $0x0  }
0xa4: {  	s25 =	simm.s32 $0x1B8E;
	s24 =	sld [smem:$0x3FFE];
	[sflag:s23] =	ssyncadd.s32 $0xFFFFFFFF  }
0xa5: {  	s26 =	simm.s32 $execute0_lowered;
	[smem:$0x3FD2] =	sst s25  }
0xa6: {  	s4 =	sshll.u32 s26, $0x1;
	_ =	strace $0x8000004C;
	[dreg:$0x1] =	wrdreg $0xFFFFFFFF  }
0xa7: {  	s28 =	simm.s32 $_size_execute0_lowered;
	s2 =	sadd.s32 s2, s4;
	[dreg:$0x0] =	wrdreg $0x0  }
0xa8: {  	s4 =	sshll.u32 s28, $0x1;
	[dreg:$0x2] =	wrdreg s2  }
0xa9: {  	[dreg:$0x3] =	wrdreg s4  }
0xaa: {  	[dreg:$0x4] =	wrdreg $0xC0  }
0xab: {  	_ =	task [dreg:s6], $0x5FFFF  }
0xac: {  	[dreg:$0x1] =	wrdreg $0xFFFFFFFF  }
0xad: {  	[dreg:$0x0] =	wrdreg $0x60  }
0xae: {  	[dreg:$0x2] =	wrdreg s24  }
0xaf: {  	[dreg:$0x3] =	wrdreg $0xAA000  }
0xb0: {  	[dreg:$0x4] =	wrdreg $0x9  }
0xb1: {  	_ =	task.clear_ibuf [dreg:s6], $0x5FFFF;
	_ =	strace $0x9000004C  }
0xb2: {  	s29 =	simm.s32 $0x9;
	_ =	strace $0x8000004E  }
0xb3: {  	_ =	swait.ge [sflag:s29], $0x1  }
0xb4: {  	[sflag:s29] =	ssyncadd.s32 $0xFFFFFFFF  }
0xb5: {  	_ =	strace $0x9000004E  }
0xb6: {  	_ =	sfence  }
0xb7: {  	s30 =	sld [smem:$0x0];
	_ =	sdelay $0x2  }
0xb8: {  	s31 =	sshll.u32 s1, $0xD;
	s1 =	sshrl.u32 s1, $0x2  }
0xb9: {  	s3 =	sand.u32 $0x4000, s31;
	s1 =	sadd.s32 s1, s30  }
0xba: {  	s0 =	sor.u32 s3, s0;
	s1 =	sshll.u32 s1, $0x11  }
0xbb: {  	s0 =	sor.u32 s1, s0  }
0xbc: {  	s0 =	sadd.s32 $0x8F2B, s0  }
0xbd: {  	[sflag:s0] =	ssyncadd.remote.s32 $0x1  }
0xbe: {  	_ =	sfence.sel $0xFFFF  }
0xbf: {  	[dreg:$0x0] =	wrdreg $0xFFFFFFFF;
	(pc) =	sbr.abs _section_cstart, $3  }
0xc0: {  	[dreg:$0x1] =	wrdreg $0xFFFFFFFF  }
0xc1: {  	_ =	task.clear_ibuf [dreg:s6], $0x2FFFF;
	_ =	strace $0x9FFFFFFF  }
0xc2: {  	(tm) =	ssettm $0x7FFFFFFF  }
0xc3: {  	_ =	shalt  }
tec
execute0_lowered:
.L_overlay_start_1:
0x0: {  	(tag) =	ssettag $0x1  }
0x1: {  	s0 =	srdreg.scid;
	s1 =	rddreg [dreg:$0x0]  }
0x2: {  	s13 =	stileid.u32;
	s2 =	rddreg [dreg:$0x1];
	s22 =	simm.s32 $0xA840  }
0x3: {  	s23 =	simm.s32 $0xA880;
	s28 =	simm.s32 $0xA900;
	s24 =	smul.u32 $0x2780, s13  }
0x4: {  	s29 =	simm.s32 $0x2;
	s30 =	simm.s32 $0x5;
	s8 =	smul.u32 $0x4F000, s13  }
0x5: {  	s31 =	simm.s32 $0x3;
	s0 =	sand.u32 $0x1, s0;
	s12 =	smul.u32 $0x14000, s13  }
0x6: {  	s7 =	sadd.s32 $0xDE00, s1;
	s26 =	sshll.u32 s13, $0x6;
	s17 =	smul.u32 $0x2800, s13  }
0x7: {  	p0 =	seq.s32 s13, $0xF;
	s3 =	sshll.u32 s0, $0x4;
	s25 =	smul.u32 $0x138800, s0  }
0x8: {  	s10 =	ssub.s32 $0x2, s0;
	s14 =	sor.u32 $0x1C0B, s26;
	s0 =	smul.u32 $0x28000, s0  }
0x9: {  	s26 =	simm.s32 $0xA9C0;
	s4 =	sor.u32 s13, s3;
	s3 =	simm.s32 $0x0  }
0xa: {  	s9 =	sadd.s32 s24, s1;
	s11 =	sshrl.u32 s10, $0x1;
	s8 =	sshrl.u32 s8, $0x2  }
0xb: {  	s24 =	simm.s32 $0xA8C0;
	s4 =	smul.u32 $0x2800, s4;
	[smem:$0x7FF] =	sst s3  }
0xc: {  	s10 =	ssub.s32 s10, s11;
	s8 =	sadd.s32 s8, s2;
	s9 =	sadd.s32 $0xB4200, s9  }
0xd: {  	s15 =	sadd.s32 s12, s25;
	_ =	strace $0x8000004D;
	[dreg:$0x8] =	wrdreg s9  }
0xe: {  	s16 =	sshrl.u32 s25, $0x3;
	s0 =	sadd.s32 s17, s0;
	[dreg:$0x3] =	wrdreg s22  }
0xf: {  	s17 =	simm.s32 $0x40;
	s25 =	simm.s32 $0xA940;
	[dreg:$0x4] =	wrdreg s23  }
0x10: {  	s9 =	smul.u32 $0x50000, s13;
	s19 =	sor.u32 $0x200, s0;
	[dreg:$0x5] =	wrdreg s24  }
0x11: {  	s0 =	sor.u32 $0x100, s0;
	s20 =	smax.u32 s10, $0x1;
	[dreg:$0x6] =	wrdreg s25  }
0x12: {  	s21 =	sshrl.u32 s8, $0x3;
	s22 =	simm.s32 $0x1;
	[dreg:$0x7] =	wrdreg s26  }
0x13: {  	s23 =	simm.s32 $0x9;
	s26 =	simm.s32 $0x8800;
	[dreg:$0x9] =	wrdreg s14  }
0x14: {  	s5 =	sshrl.u32 s4, $0x3;
	s4 =	sadd.s32 $0x17E00, s1;
	[dreg:$0xe] =	wrdreg s20  }
0x15: {  	s0 =	sshrl.u32 s0, $0x3;
	[dreg:$0x11] =	wrdreg s21;
	s21 =	simm.s32 $0x6800  }
0x16: {  	s20 =	simm.s32 $0x7;
	s6 =	sadd.s32 s5, s1;
	s5 =	sadd.s32 s7, s5  }
0x17: {  	s1 =	sadd.s32 $0xDBA00, s1;
	s0 =	sadd.s32 s0, s7;
	[dreg:$0xb] =	wrdreg s5  }
0x18: {  	s18 =	sshrl.u32 s9, $0x2;
	s6 =	sadd.s32 $0x3E00, s6;
	[dreg:$0x10] =	wrdreg s0  }
0x19: {  	s9 =	simm.s32 $0x0;
	s5 =	sshrl.u32 s15, $0x3;
	[dreg:$0xa] =	wrdreg s6  }
0x1a: {  	s5 =	sadd.s32 s1, s5;
	s1 =	sadd.s32 s1, s16;
	s6 =	sshrl.u32 s19, $0x3  }
0x1b: {  	s16 =	simm.s32 $0xA800;
	s19 =	simm.s32 $0x4800;
	[dreg:$0xc] =	wrdreg s5  }
0x1c: {  	s5 =	sadd.s32 s18, s2;
	s1 =	sadd.s32 $0x25800, s1;
	s6 =	sadd.s32 s6, s7  }
0x1d: {  	s18 =	simm.s32 $0x2800;
	[dreg:$0xd] =	wrdreg s1;
	s1 =	sadd.s32 $0x12C000, s2  }
0x1e: {  	s7 =	simm.s32 $0x8;
	[dreg:$0xf] =	wrdreg s6;
	s0 =	sshrl.u32 @p0 s1, $0x3  }
0x1f: {  	s1 =	simm.s32 $0x6;
	[dreg:$0x12] =	wrdreg s0;
	s0 =	sshrl.u32 @!p0 s5, $0x3  }
0x20: {  	s5 =	simm.s32 $0xA;
	[dreg:$0x13] =	wrdreg s0;
	s0 =	simm.s32 $0x4  }
.LBB2_1:
0x21: {  	[dreg:$0x14] =	wrdreg s9  }
0x22: {  	s6 =	rddreg [dreg:$0x8]  }
0x23: {  	s8 =	rddreg [dreg:$0x11];
	s12 =	simm.s32 $0xB  }
0x24: {  	[spmem:s8], [sflag:s14] =	dma.local [hbm:s6], $0x2780  }
0x25: {  	_ =	swait.ge [sflag:s12], $0x2780  }
0x26: {  	[sflag:s12] =	ssyncset.done $0x0  }
0x27: {  	s13 =	rddreg [dreg:$0xa];
	[sflag:s12] =	ssyncadd.s32 $0xFFFFD880  }
0x28: {  	[tilespmem:s3], [sflag:$0xB] =	stream.linear.gather [hbm4b:s13+s3], $0x2800, $0x38;
	[tilespmem:$0x1E600] =	vst v63  }
0x29: {  	_ =	swait.ge [sflag:s12], $0x2800  }
0x2a: {  	[sflag:s12] =	ssyncset.done $0x0  }
0x2b: {  	[sflag:s12] =	ssyncadd.s32 $0xFFFFD800  }
0x2c: {  	[bflag:$0x0] =	sbarrier.arrive $0xFFFF  }
0x2d: {  	s14 =	rddreg [dreg:$0xb]  }
0x2e: {  	[tilespmem:s16], [sflag:$0x9] =	stream.linear.gather [hbm4b:s14+s3], $0x100, $0x38;
	[tilespmem:$0x1E600] =	vst v63  }
0x2f: {  	_ = 	snop  }
0x30: {  	[tilespmem:s18], [sflag:$0x1] =	stream.indirect.gather [hbm4b:s4+s17], $0x80, s3, s17, $0xb8;
	[tilespmem:$0x1E600] =	vst v63  }
0x31: {  	_ = 	snop  }
0x32: {  	[tilespmem:s19], [sflag:$0x2] =	stream.indirect.gather [hbm4b:s4+s17], $0x80, s17, s17, $0xb8;
	[tilespmem:$0x1E600] =	vst v63  }
0x33: {  	s15 =	simm.s32 $0x80  }
0x34: {  	[tilespmem:s21], [sflag:$0x3] =	stream.indirect.gather [hbm4b:s4+s17], $0x80, s15, s17, $0xb8;
	[tilespmem:$0x1E600] =	vst v63  }
0x35: {  	_ =	swait.ge [sflag:s22], $0x2000  }
0x36: {  	[sflag:s22] =	ssyncset.done $0x0  }
0x37: {  	[sflag:s22] =	ssyncadd.s32 $0xFFFFE000  }
0x38: {  	_ =	swait.ge [sflag:s23], $0x100  }
0x39: {  	p1 =	por $0x1, $0x1;
	[sflag:s23] =	ssyncset.done $0x0  }
0x3a: {  	s6 =	simm.s32 @!p1 $0x8;
	[sflag:s23] =	ssyncadd.s32 $0xFFFFFF00  }
0x3b: {  	[spmem:s2] =	stream.indirect.scatter.add.f32 [tilespmem:s18], [sflag:$0x5], $0x80, s16, s17, $0xb8;
	[tilespmem:$0x1E600] =	vst v63  }
0x3c: {  	_ =	swait.ge @!p1 [sflag:s6], $0x2000  }
0x3d: {  	[sflag:s6] =	ssyncset.done @!p1 $0x0  }
0x3e: {  	s24 =	simm.s32 $0xC0;
	[sflag:s6] =	ssyncadd.s32 @!p1 $0xFFFFE000  }
0x3f: {  	[tilespmem:s26], [sflag:$0x4] =	stream.indirect.gather [hbm4b:s4+s17], $0x80, s24, s17, $0xb8;
	[tilespmem:$0x1E600] =	vst v63  }
0x40: {  	s8 =	rddreg [dreg:$0x10]  }
0x41: {  	[tilespmem:s28], [sflag:$0xA] =	stream.linear.gather [hbm4b:s8+s3], $0x100, $0x38;
	[tilespmem:$0x1E600] =	vst v63  }
0x42: {  	_ =	swait.ge [sflag:s29], $0x2000  }
0x43: {  	[sflag:s29] =	ssyncset.done $0x0  }
0x44: {  	s25 =	rddreg [dreg:$0x3];
	[sflag:s29] =	ssyncadd.s32 $0xFFFFE000  }
0x45: {  	[spmem:s2] =	stream.indirect.scatter.add.f32 [tilespmem:s19], [sflag:$0x6], $0x80, s25, s17, $0xb8;
	[tilespmem:$0x1E600] =	vst v63  }
0x46: {  	_ =	swait.ge [sflag:s30], $0x2000  }
0x47: {  	[sflag:s30] =	ssyncset.done $0x0  }
0x48: {  	s9 =	simm.s32 $0x100;
	[sflag:s30] =	ssyncadd.s32 $0xFFFFE000  }
0x49: {  	[tilespmem:s18], [sflag:$0x1] =	stream.indirect.gather [hbm4b:s4+s17], $0x80, s9, s17, $0xb8;
	[tilespmem:$0x1E600] =	vst v63  }
0x4a: {  	_ =	swait.ge [sflag:s31], $0x2000  }
0x4b: {  	[sflag:s31] =	ssyncset.done $0x0  }
0x4c: {  	s10 =	rddreg [dreg:$0x4];
	[sflag:s31] =	ssyncadd.s32 $0xFFFFE000  }
0x4d: {  	[spmem:s2] =	stream.indirect.scatter.add.f32 [tilespmem:s21], [sflag:$0x7], $0x80, s10, s17, $0xb8;
	[tilespmem:$0x1E600] =	vst v63  }
0x4e: {  	_ =	swait.ge [sflag:s1], $0x2000  }
0x4f: {  	[sflag:s1] =	ssyncset.done $0x0  }
0x50: {  	s11 =	simm.s32 $0x140;
	[sflag:s1] =	ssyncadd.s32 $0xFFFFE000  }
0x51: {  	[tilespmem:s19], [sflag:$0x2] =	stream.indirect.gather [hbm4b:s4+s17], $0x80, s11, s17, $0xb8;
	[tilespmem:$0x1E600] =	vst v63  }
0x52: {  	_ =	swait.ge [sflag:s0], $0x2000  }
0x53: {  	[sflag:s0] =	ssyncset.done $0x0  }
0x54: {  	s12 =	rddreg [dreg:$0x5];
	[sflag:s0] =	ssyncadd.s32 $0xFFFFE000  }
0x55: {  	[spmem:s2] =	stream.indirect.scatter.add.f32 [tilespmem:s26], [sflag:$0x8], $0x80, s12, s17, $0xb8;
	[tilespmem:$0x1E600] =	vst v63  }
0x56: {  	_ =	swait.ge [sflag:s20], $0x2000  }
0x57: {  	[sflag:s20] =	ssyncset.done $0x0  }
0x58: {  	s13 =	simm.s32 $0x180;
	[sflag:s20] =	ssyncadd.s32 $0xFFFFE000  }
0x59: {  	[tilespmem:s21], [sflag:$0x3] =	stream.indirect.gather [hbm4b:s4+s17], $0x80, s13, s17, $0xb8;
	[tilespmem:$0x1E600] =	vst v63  }
0x5a: {  	_ =	swait.ge [sflag:s22], $0x2000  }
0x5b: {  	[sflag:s22] =	ssyncset.done $0x0  }
0x5c: {  	[sflag:s22] =	ssyncadd.s32 $0xFFFFE000  }
0x5d: {  	_ =	swait.ge [sflag:s5], $0x100  }
0x5e: {  	[sflag:s5] =	ssyncset.done $0x0  }
0x5f: {  	[sflag:s5] =	ssyncadd.s32 $0xFFFFFF00  }
0x60: {  	[spmem:s2] =	stream.indirect.scatter.add.f32 [tilespmem:s18], [sflag:$0x5], $0x80, s28, s17, $0xb8;
	[tilespmem:$0x1E600] =	vst v63  }
0x61: {  	_ =	swait.ge [sflag:s7], $0x2000  }
0x62: {  	[sflag:s7] =	ssyncset.done $0x0  }
0x63: {  	s14 =	simm.s32 $0x1C0;
	p1 =	por $0x0, $0x0;
	[sflag:s7] =	ssyncadd.s32 $0xFFFFE000  }
0x64: {  	[tilespmem:s26], [sflag:$0x4] =	stream.indirect.gather [hbm4b:s4+s17], $0x80, s14, s17, $0xb8;
	[tilespmem:$0x1E600] =	vst v63  }
0x65: {  	s6 =	simm.s32 @!p1 $0x0;
	s9 =	simm.s32 @!p1 $0xA800;
	s12 =	rddreg [dreg:$0xf]  }
0x66: {  	[tilespmem:s9], [sflag:$0x9] =	stream.linear.gather @!p1 [hbm4b:s12+s6], $0x100, $0x38;
	[tilespmem:$0x1E600] =	vst v63  }
0x67: {  	_ =	swait.ge [sflag:s29], $0x2000  }
0x68: {  	p2 =	por $0x0, $0x0;
	[sflag:s29] =	ssyncset.done $0x0  }
0x69: {  	s9 =	simm.s32 @p2 $0x3;
	s15 =	rddreg [dreg:$0x6];
	[sflag:s29] =	ssyncadd.s32 $0xFFFFE000  }
0x6a: {  	[spmem:s2] =	stream.indirect.scatter.add.f32 [tilespmem:s19], [sflag:$0x6], $0x80, s15, s17, $0xb8;
	[tilespmem:$0x1E600] =	vst v63  }
0x6b: {  	_ =	swait.ge @p2 [sflag:s9], $0x2000  }
0x6c: {  	s10 =	simm.s32 @p2 $0x40;
	s11 =	simm.s32 @p2 $0xA980;
	[sflag:s9] =	ssyncset.done @p2 $0x0  }
0x6d: {  	s6 =	simm.s32 @p2 $0x6800;
	[sflag:s9] =	ssyncadd.s32 @p2 $0xFFFFE000;
	s9 =	simm.s32 @!p2 $0x5  }
0x6e: {  	[spmem:s2] =	stream.indirect.scatter.add.f32 @p2 [tilespmem:s6], [sflag:$0x7], $0x80, s11, s10, $0xb8;
	[tilespmem:$0x1E600] =	vst v63  }
0x6f: {  	_ =	swait.ge @!p2 [sflag:s9], $0x2000  }
0x70: {  	s25 =	simm.s32 @!p2 $0x40;
	s6 =	simm.s32 @!p2 $0x200;
	[sflag:s9] =	ssyncset.done @!p2 $0x0  }
0x71: {  	s10 =	simm.s32 @!p2 $0x2800;
	[sflag:s9] =	ssyncadd.s32 @!p2 $0xFFFFE000;
	s9 =	simm.s32 @!p2 $0x3  }
0x72: {  	[tilespmem:s10], [sflag:$0x1] =	stream.indirect.gather @!p2 [hbm4b:s4+s25], $0x80, s6, s25, $0xb8;
	[tilespmem:$0x1E600] =	vst v63  }
0x73: {  	_ =	swait.ge @!p2 [sflag:s9], $0x2000  }
0x74: {  	s13 =	simm.s32 @!p2 $0x6800;
	[sflag:s9] =	ssyncset.done @!p2 $0x0  }
0x75: {  	s6 =	simm.s32 @!p2 $0xA980;
	[sflag:s9] =	ssyncadd.s32 @!p2 $0xFFFFE000;
	s9 =	simm.s32 @!p2 $0x6  }
0x76: {  	[spmem:s2] =	stream.indirect.scatter.add.f32 @!p2 [tilespmem:s13], [sflag:$0x7], $0x80, s6, s25, $0xb8;
	[tilespmem:$0x1E600] =	vst v63  }
0x77: {  	_ =	swait.ge @!p2 [sflag:s9], $0x2000  }
0x78: {  	[sflag:s9] =	ssyncset.done @!p2 $0x0  }
0x79: {  	s10 =	simm.s32 @!p2 $0x4800;
	s6 =	simm.s32 @!p2 $0x240;
	[sflag:s9] =	ssyncadd.s32 @!p2 $0xFFFFE000  }
0x7a: {  	[tilespmem:s10], [sflag:$0x2] =	stream.indirect.gather @!p2 [hbm4b:s4+s25], $0x80, s6, s25, $0xb8;
	[tilespmem:$0x1E600] =	vst v63  }
0x7b: {  	_ =	swait.ge [sflag:s0], $0x2000  }
0x7c: {  	s14 =	simm.s32 @!p2 $0x280;
	s11 =	simm.s32 $0x3;
	[sflag:s0] =	ssyncset.done $0x0  }
0x7d: {  	s6 =	simm.s32 @!p2 $0x7;
	s24 =	rddreg [dreg:$0x7];
	[sflag:s0] =	ssyncadd.s32 $0xFFFFE000  }
0x7e: {  	[spmem:s2] =	stream.indirect.scatter.add.f32 [tilespmem:s26], [sflag:$0x8], $0x80, s24, s17, $0xb8;
	[tilespmem:$0x1E600] =	vst v63  }
0x7f: {  	s9 =	simm.s32 $0x800;
	s10 =	sadd.s32 $0x40, s8;
	_ =	swait.ge @!p2 [sflag:s6], $0x2000  }
.LBB2_2:
0x80: {  	[sflag:s6] =	ssyncset.done @!p2 $0x0  }
0x81: {  	[sflag:s6] =	ssyncadd.s32 @!p2 $0xFFFFE000  }
0x82: {  	[tilespmem:s13], [sflag:$0x3] =	stream.indirect.gather @!p2 [hbm4b:s4+s25], $0x80, s14, s25, $0xb8;
	[tilespmem:$0x1E600] =	vst v63  }
0x83: {  	_ =	swait.ge [sflag:s22], $0x2000  }
0x84: {  	[sflag:s22] =	ssyncset.done $0x0  }
0x85: {  	[sflag:s22] =	ssyncadd.s32 $0xFFFFE000  }
0x86: {  	s24 =	smov.u32 s9;
	_ =	swait.ge [sflag:s23], $0x100  }
0x87: {  	p2 =	seq.s32 s24, $0x0;
	[sflag:s23] =	ssyncset.done $0x0  }
0x88: {  	s6 =	simm.s32 @!p2 $0x8;
	[sflag:s23] =	ssyncadd.s32 $0xFFFFFF00  }
0x89: {  	[spmem:s2] =	stream.indirect.scatter.add.f32 [tilespmem:s18], [sflag:$0x5], $0x80, s16, s17, $0xb8;
	[tilespmem:$0x1E600] =	vst v63  }
0x8a: {  	_ =	swait.ge @!p2 [sflag:s6], $0x2000  }
0x8b: {  	s25 =	sshra.s32 s24, $0x2;
	[sflag:s6] =	ssyncset.done @!p2 $0x0  }
0x8c: {  	s8 =	sadd.s32 $0xC0, s25;
	[sflag:s6] =	ssyncadd.s32 @!p2 $0xFFFFE000  }
0x8d: {  	[tilespmem:s26], [sflag:$0x4] =	stream.indirect.gather [hbm4b:s4+s17], $0x80, s8, s17, $0xb8;
	[tilespmem:$0x1E600] =	vst v63  }
0x8e: {  	_ = 	snop  }
0x8f: {  	[tilespmem:s28], [sflag:$0xA] =	stream.linear.gather [hbm4b:s10+s3], $0x100, $0x38;
	[tilespmem:$0x1E600] =	vst v63  }
0x90: {  	_ =	swait.ge [sflag:s29], $0x2000  }
0x91: {  	[sflag:s29] =	ssyncset.done $0x0  }
0x92: {  	s14 =	rddreg [dreg:$0x3];
	[sflag:s29] =	ssyncadd.s32 $0xFFFFE000  }
0x93: {  	[spmem:s2] =	stream.indirect.scatter.add.f32 [tilespmem:s19], [sflag:$0x6], $0x80, s14, s17, $0xb8;
	[tilespmem:$0x1E600] =	vst v63  }
0x94: {  	_ =	swait.ge [sflag:s30], $0x2000  }
0x95: {  	[sflag:s30] =	ssyncset.done $0x0  }
0x96: {  	s15 =	sadd.s32 $0x100, s25;
	[sflag:s30] =	ssyncadd.s32 $0xFFFFE000  }
0x97: {  	[tilespmem:s18], [sflag:$0x1] =	stream.indirect.gather [hbm4b:s4+s17], $0x80, s15, s17, $0xb8;
	[tilespmem:$0x1E600] =	vst v63  }
0x98: {  	_ =	swait.ge [sflag:s31], $0x2000  }
0x99: {  	[sflag:s31] =	ssyncset.done $0x0  }
0x9a: {  	s8 =	rddreg [dreg:$0x4];
	[sflag:s31] =	ssyncadd.s32 $0xFFFFE000  }
0x9b: {  	[spmem:s2] =	stream.indirect.scatter.add.f32 [tilespmem:s21], [sflag:$0x7], $0x80, s8, s17, $0xb8;
	[tilespmem:$0x1E600] =	vst v63  }
0x9c: {  	_ =	swait.ge [sflag:s1], $0x2000  }
0x9d: {  	[sflag:s1] =	ssyncset.done $0x0  }
0x9e: {  	s13 =	sadd.s32 $0x140, s25;
	[sflag:s1] =	ssyncadd.s32 $0xFFFFE000  }
0x9f: {  	[tilespmem:s19], [sflag:$0x2] =	stream.indirect.gather [hbm4b:s4+s17], $0x80, s13, s17, $0xb8;
	[tilespmem:$0x1E600] =	vst v63  }
0xa0: {  	_ =	swait.ge [sflag:s0], $0x2000  }
0xa1: {  	[sflag:s0] =	ssyncset.done $0x0  }
0xa2: {  	s14 =	rddreg [dreg:$0x5];
	[sflag:s0] =	ssyncadd.s32 $0xFFFFE000  }
0xa3: {  	[spmem:s2] =	stream.indirect.scatter.add.f32 [tilespmem:s26], [sflag:$0x8], $0x80, s14, s17, $0xb8;
	[tilespmem:$0x1E600] =	vst v63  }
0xa4: {  	_ =	swait.ge [sflag:s20], $0x2000  }
0xa5: {  	[sflag:s20] =	ssyncset.done $0x0  }
0xa6: {  	s15 =	sadd.s32 $0x180, s25;
	[sflag:s20] =	ssyncadd.s32 $0xFFFFE000  }
0xa7: {  	[tilespmem:s21], [sflag:$0x3] =	stream.indirect.gather [hbm4b:s4+s17], $0x80, s15, s17, $0xb8;
	[tilespmem:$0x1E600] =	vst v63  }
0xa8: {  	_ =	swait.ge [sflag:s22], $0x2000  }
0xa9: {  	[sflag:s22] =	ssyncset.done $0x0  }
0xaa: {  	[sflag:s22] =	ssyncadd.s32 $0xFFFFE000  }
0xab: {  	_ =	swait.ge [sflag:s5], $0x100  }
0xac: {  	[sflag:s5] =	ssyncset.done $0x0  }
0xad: {  	[sflag:s5] =	ssyncadd.s32 $0xFFFFFF00  }
0xae: {  	[spmem:s2] =	stream.indirect.scatter.add.f32 [tilespmem:s18], [sflag:$0x5], $0x80, s28, s17, $0xb8;
	[tilespmem:$0x1E600] =	vst v63  }
0xaf: {  	_ =	swait.ge [sflag:s7], $0x2000  }
0xb0: {  	[sflag:s7] =	ssyncset.done $0x0  }
0xb1: {  	p2 =	seq.s32 s24, $0x9800;
	s8 =	sadd.s32 $0x1C0, s25;
	[sflag:s7] =	ssyncadd.s32 $0xFFFFE000  }
0xb2: {  	[tilespmem:s26], [sflag:$0x4] =	stream.indirect.gather [hbm4b:s4+s17], $0x80, s8, s17, $0xb8;
	[tilespmem:$0x1E600] =	vst v63  }
0xb3: {  	s12 =	sadd.s32 $0x40, s12;
	s13 =	simm.s32 @!p2 $0x0;
	s14 =	simm.s32 @!p2 $0xA800  }
0xb4: {  	[tilespmem:s14], [sflag:$0x9] =	stream.linear.gather @!p2 [hbm4b:s12+s13], $0x100, $0x38;
	[tilespmem:$0x1E600] =	vst v63  }
0xb5: {  	_ =	swait.ge [sflag:s29], $0x2000  }
0xb6: {  	p2 =	sgt.u32 s11, $0x26;
	[sflag:s29] =	ssyncset.done $0x0  }
0xb7: {  	s13 =	simm.s32 @p2 $0x3;
	s15 =	rddreg [dreg:$0x6];
	[sflag:s29] =	ssyncadd.s32 $0xFFFFE000  }
0xb8: {  	[spmem:s2] =	stream.indirect.scatter.add.f32 [tilespmem:s19], [sflag:$0x6], $0x80, s15, s17, $0xb8;
	[tilespmem:$0x1E600] =	vst v63  }
0xb9: {  	_ =	swait.ge @p2 [sflag:s13], $0x2000  }
0xba: {  	s6 =	simm.s32 @p2 $0x6800;
	s25 =	simm.s32 @p2 $0x40;
	[sflag:s13] =	ssyncset.done @p2 $0x0  }
0xbb: {  	s15 =	simm.s32 @p2 $0xA980;
	[sflag:s13] =	ssyncadd.s32 @p2 $0xFFFFE000;
	s13 =	simm.s32 @!p2 $0x5  }
0xbc: {  	[spmem:s2] =	stream.indirect.scatter.add.f32 @p2 [tilespmem:s6], [sflag:$0x7], $0x80, s15, s25, $0xb8;
	[tilespmem:$0x1E600] =	vst v63  }
0xbd: {  	s14 =	sshra.s32 @!p2 s24, $0x2;
	_ =	swait.ge @!p2 [sflag:s13], $0x2000  }
0xbe: {  	s24 =	sadd.s32 @!p2 $0x200, s14;
	s25 =	simm.s32 @!p2 $0x40;
	[sflag:s13] =	ssyncset.done @!p2 $0x0  }
0xbf: {  	s6 =	simm.s32 @!p2 $0x2800;
	s15 =	simm.s32 @!p2 $0x3;
	[sflag:s13] =	ssyncadd.s32 @!p2 $0xFFFFE000  }
0xc0: {  	[tilespmem:s6], [sflag:$0x1] =	stream.indirect.gather @!p2 [hbm4b:s4+s25], $0x80, s24, s25, $0xb8;
	[tilespmem:$0x1E600] =	vst v63  }
0xc1: {  	_ =	swait.ge @!p2 [sflag:s15], $0x2000  }
0xc2: {  	s13 =	simm.s32 @!p2 $0x6800;
	[sflag:s15] =	ssyncset.done @!p2 $0x0  }
0xc3: {  	s6 =	simm.s32 @!p2 $0xA980;
	[sflag:s15] =	ssyncadd.s32 @!p2 $0xFFFFE000;
	s15 =	simm.s32 @!p2 $0x6  }
0xc4: {  	[spmem:s2] =	stream.indirect.scatter.add.f32 @!p2 [tilespmem:s13], [sflag:$0x7], $0x80, s6, s25, $0xb8;
	[tilespmem:$0x1E600] =	vst v63  }
0xc5: {  	s9 =	sadd.s32 $0x800, s9;
	_ =	swait.ge @!p2 [sflag:s15], $0x2000  }
0xc6: {  	p1 =	sne.s32 s9, $0xA000;
	[sflag:s15] =	ssyncset.done @!p2 $0x0  }
0xc7: {  	s8 =	sadd.s32 @!p2 $0x240, s14;
	s6 =	simm.s32 @!p2 $0x4800;
	[sflag:s15] =	ssyncadd.s32 @!p2 $0xFFFFE000  }
0xc8: {  	[tilespmem:s6], [sflag:$0x2] =	stream.indirect.gather @!p2 [hbm4b:s4+s25], $0x80, s8, s25, $0xb8;
	[tilespmem:$0x1E600] =	vst v63  }
.Ltmp0:
0xc9: {  	_ =	swait.ge [sflag:s0], $0x2000;
	(pc) =	sbr.rel @p1 .LBB2_2-.Ltmp0, $4  }
0xca: {  	s10 =	sadd.s32 $0x40, s10;
	[sflag:s0] =	ssyncset.done $0x0  }
0xcb: {  	s6 =	simm.s32 @!p2 $0x7;
	s24 =	rddreg [dreg:$0x7];
	[sflag:s0] =	ssyncadd.s32 $0xFFFFE000  }
0xcc: {  	[spmem:s2] =	stream.indirect.scatter.add.f32 [tilespmem:s26], [sflag:$0x8], $0x80, s24, s17, $0xb8;
	[tilespmem:$0x1E600] =	vst v63  }
0xcd: {  	s11 =	sadd.s32 $0x2, s11;
	s14 =	sadd.s32 @!p2 $0x280, s14;
	_ =	swait.ge @!p2 [sflag:s6], $0x2000  }
0xce: {  	[sflag:s6] =	ssyncset.done @!p2 $0x0  }
0xcf: {  	[sflag:s6] =	ssyncadd.s32 @!p2 $0xFFFFE000  }
0xd0: {  	[tilespmem:s13], [sflag:$0x3] =	stream.indirect.gather @!p2 [hbm4b:s4+s25], $0x80, s14, s25, $0xb8;
	[tilespmem:$0x1E600] =	vst v63  }
0xd1: {  	_ =	swait.ge [sflag:s30], $0x2000  }
0xd2: {  	[sflag:s30] =	ssyncset.done $0x0  }
0xd3: {  	[sflag:s30] =	ssyncadd.s32 $0xFFFFE000  }
0xd4: {  	_ =	swait.ge [sflag:s1], $0x2000  }
0xd5: {  	[sflag:s1] =	ssyncset.done $0x0  }
0xd6: {  	[sflag:s1] =	ssyncadd.s32 $0xFFFFE000  }
0xd7: {  	_ =	swait.ge [sflag:s20], $0x2000  }
0xd8: {  	[sflag:s20] =	ssyncset.done $0x0  }
0xd9: {  	[sflag:s20] =	ssyncadd.s32 $0xFFFFE000  }
0xda: {  	_ =	swait.ge [sflag:s7], $0x2000  }
0xdb: {  	[sflag:s7] =	ssyncset.done $0x0  }
0xdc: {  	[sflag:s7] =	ssyncadd.s32 $0xFFFFE000  }
0xdd: {  	[bflag:$0x0] =	sbarrier.arrive $0xFFFF  }
0xde: {  	s14 =	rddreg [dreg:$0x9]  }
0xdf: {  	s6 =	rddreg [dreg:$0xd]  }
0xe0: {  	s8 =	rddreg [dreg:$0x12]  }
0xe1: {  	[hbm:s6], [sflag:s14] =	dma.local @p0 [spmem:s8], $0x1900  }
0xe2: {  	s6 =	simm.s32 @p0 $0xB  }
0xe3: {  	_ =	swait.ge @p0 [sflag:s6], $0x1900  }
0xe4: {  	[sflag:s6] =	ssyncset.done @p0 $0x0;
	s8 =	rddreg [dreg:$0x13]  }
0xe5: {  	[sflag:s6] =	ssyncadd.s32 @p0 $0xFFFFE700;
	s6 =	rddreg [dreg:$0xc]  }
0xe6: {  	[hbm:s6], [sflag:s14] =	dma.local @!p0 [spmem:s8], $0x2800  }
0xe7: {  	s6 =	simm.s32 @!p0 $0xB  }
0xe8: {  	_ =	swait.ge @!p0 [sflag:s6], $0x2800  }
0xe9: {  	s9 =	rddreg [dreg:$0x14]  }
0xea: {  	s25 =	rddreg [dreg:$0xe];
	s9 =	sadd.s32 $0x1, s9  }
0xeb: {  	p1 =	sne.s32 s9, s25  }
.Ltmp1:
0xec: {  	_ = 	snop;
	(pc) =	sbr.rel @p1 .LBB2_1-.Ltmp1, $3  }
0xed: {  	_ =	sdelay $0x1  }
0xee: {  	[sflag:s6] =	ssyncset.done @!p0 $0x0  }
0xef: {  	[sflag:s6] =	ssyncadd.s32 @!p0 $0xFFFFD800  }
0xf0: {  	_ =	sfence.sel $0x180000  }
0xf1: {  	[bflag:$0x0] =	sbarrier.arrive $0xFFFF  }
0xf2: {  	_ =	strace $0x9000004D  }
0xf3: {  	s0 =	stileid.u32;
	[bflag:$0x2] =	sbarrier.arrive $0xFFFF  }
0xf4: {  	p0 =	sne.s32 s0, $0x0;
	s0 =	rddreg [dreg:$0x2]  }
0xf5: {  	s0 =	sadd.s32 @!p0 $0x100000, s0  }
0xf6: {  	[sflag:s0] =	ssyncadd.tile.s32 @!p0 $0x1;
	_ =	shalt  }
.Lfunc_end2:
_tile_overlayer_lowered:
.L_overlay_start_2:
0xf7: {  	(tag) =	ssettag $0x2  }
0xf8: {  	s0 =	rddreg [dreg:$0x0];
	s2 =	stileid.u32  }
0xf9: {  	s1 =	rddreg [dreg:$0x1];
	p0 =	sne.s32 s2, $0x0  }
0xfa: {  	s3 =	rddreg [dreg:$0x2];
	[bflag:$0x3] =	sbarrier.arrive $0xFFFF;
	s2 =	simm.s32 @!p0 $0x1C0B  }
0xfb: {  	[timem:s3], [sflag:s2] =	dma.local @!p0 [hbm:s0], s1  }
0xfc: {  	s0 =	simm.s32 @!p0 $0xB  }
0xfd: {  	_ =	swait.ge @!p0 [sflag:s0], s1  }
0xfe: {  	s1 =	ssub.s32 @!p0 $0x0, s1;
	[sflag:s0] =	ssyncset.done @!p0 $0x0  }
0xff: {  	[sflag:s0] =	ssyncadd.s32 @!p0 s1  }
0x100: {  	[bflag:$0x3] =	sbarrier.arrive $0xFFFF  }
0x101: {  	_ =	shalt  }

// kernel: kernel.9.cloned.1.call-start
scs
__scs_entry_jumppad:
0x0: {  	(pc) =	sbr.rel $0x88, $3  }
0x1: {  	(tag) =	ssettag $0x0;
	lr =	simm.s32 $0x1  }
0x2: {  	[smem:$0x3F8E] =	sst lr;
	_ =	strace $0xD0000000  }
0x3: {  	_ = 	snop  }
0x4: {  	_ = 	snop  }
0x5: {  	_ = 	snop  }
0x6: {  	_ = 	snop  }
0x7: {  	_ = 	snop  }
__scs_overlays_trampoline_lowered:
0x8: {  	[smem:$0x3F9D] =	sst s0  }
0x9: {  	[smem:$0x3F9E] =	sst s1  }
0xa: {  	[smem:$0x3F9F] =	sst s2  }
0xb: {  	[smem:$0x3FA0] =	sst s3  }
0xc: {  	[smem:$0x3FA1] =	sst s4  }
0xd: {  	[smem:$0x3FA2] =	sst s5  }
0xe: {  	[smem:$0x3FA3] =	sst s6  }
0xf: {  	[smem:$0x3FA4] =	sst s7  }
0x10: {  	[smem:$0x3FA5] =	sst s8  }
0x11: {  	[smem:$0x3FA6] =	sst s9;
	s0 =	simm.s32 @!p0 $0x0  }
0x12: {  	s1 =	sld [smem:$0x3F8C];
	s0 =	simm.s32 @p0 $0x1  }
0x13: {  	[smem:$0x3FA7] =	sst s0;
	s0 =	simm.s32 @!p1 $0x0  }
0x14: {  	s2 =	sld [smem:$0x3F8B];
	s0 =	simm.s32 @p1 $0x1  }
0x15: {  	[smem:$0x3FA8] =	sst s0;
	s0 =	simm.s32 @!p2 $0x0  }
0x16: {  	s3 =	sld [smem:$0x3FDB];
	s0 =	simm.s32 @p2 $0x1  }
0x17: {  	s4 =	simm.s32 $0x1BF5;
	[smem:$0x3FAA] =	sst s0  }
0x18: {  	s0 =	sld [smem:$0x3F8D];
	_ =	swait.ge [sflag:s4], $0x0  }
0x19: {  	s7 =	sld [smem:$0x3F8E]  }
0x1a: {  	s8 =	sadd.s32 $0xFFFFE003, lr  }
0x1b: {  	s9 =	sadd.s32 $0xFFFFFEF7, lr;
	s5 =	simm.s32 $0xFFFFFFFF;
	p2 =	slt.u32 s8, $0xFFFFF086  }
0x1c: {  	p1 =	slt.u32 s9, $0xF7A;
	s5 =	simm.s32 @!p2 $0x0  }
0x1d: {  	s5 =	simm.s32 @p1 $0x1;
	p0 =	seq.s32 s7, s2  }
0x1e: {  	s7 =	smul.u32 @!p0 $0xF7A, s2;
	p2 =	seq.s32 @!p0 s5, $0x0  }
0x1f: {  	s9 =	smul.u32 $0xF7A, s1;
	s8 =	simm.s32 @!p0 $0x1BF5;
	p2 =	por !p2, p0  }
0x20: {  	[sflag:s8] =	ssyncset.s32 @!p0 $0xFFFFF086;
	s6 =	sadd.s32 @!p0 s3, s7;
	s7 =	simm.s32 @!p0 $0x108  }
0x21: {  	s3 =	sadd.s32 s3, s9;
	s6 =	sadd.s32 @!p0 $0x88, s6;
	s7 =	simm.s32 @p2 $0x1082  }
0x22: {  	[simem:s7], [sflag:s8] =	dma.local @!p0 [hbm:s6], $0xF7A  }
0x23: {  	s9 =	sor.u32 $0xD0000000, s2;
	s6 =	simm.s32 $0x108;
	_ =	swait.ge @!p0 [sflag:s8], $0x0  }
0x24: {  	s3 =	sadd.s32 $0x88, s3;
	s6 =	simm.s32 @!p1 $0x1082;
	[sflag:s4] =	ssyncset.s32 $0xFFFFF086  }
0x25: {  	[simem:s6], [sflag:s4] =	dma.local [hbm:s3], $0xF7A  }
0x26: {  	[smem:$0x3F8E] =	sst s1;
	(tag) =	ssettag s2;
	_ =	strace s9  }
0x27: {  	s1 =	sld [smem:$0x3F9E]  }
0x28: {  	s2 =	sld [smem:$0x3F9F]  }
0x29: {  	s4 =	sld [smem:$0x3FA1]  }
0x2a: {  	p0 =	seq.s32 s5, $0x0;
	s5 =	sld [smem:$0x3FA2]  }
0x2b: {  	s6 =	sld [smem:$0x3FA3]  }
0x2c: {  	s7 =	sld [smem:$0x3FA4]  }
0x2d: {  	s3 =	simm.s32 $0x108;
	s8 =	sld [smem:$0x3FA5]  }
0x2e: {  	s3 =	simm.s32 @!p0 $0x1082;
	s9 =	sld [smem:$0x3FA6]  }
0x2f: {  	lr =	sadd.s32 s0, s3;
	s0 =	sld [smem:$0x3F9D]  }
0x30: {  	s3 =	sld [smem:$0x3FA0]  }
0x31: {  	[smem:$0x3FA9] =	sst s10  }
0x32: {  	s10 =	sld [smem:$0x3FA7];
	_ =	sdelay $0x3  }
0x33: {  	p0 =	seq.s32 s10, $0x1;
	s10 =	sld [smem:$0x3FA9];
	_ =	sdelay $0x3  }
0x34: {  	[smem:$0x3FA9] =	sst s10  }
0x35: {  	s10 =	sld [smem:$0x3FA8];
	_ =	sdelay $0x3  }
0x36: {  	p1 =	seq.s32 s10, $0x1;
	s10 =	sld [smem:$0x3FA9];
	_ =	sdelay $0x3  }
0x37: {  	[smem:$0x3FA9] =	sst s10  }
0x38: {  	s10 =	sld [smem:$0x3FAA]  }
0x39: {  	_ = 	snop;
	(pc) =	sbr.ind lr, $3  }
0x3a: {  	_ = 	snop  }
0x3b: {  	_ = 	snop  }
0x3c: {  	p2 =	seq.s32 s10, $0x1;
	s10 =	sld [smem:$0x3FA9]  }
0x3d: {  	_ =	shalt  }
0x3e: {  	_ =	shalt  }
0x3f: {  	_ =	shalt  }
0x40: {  	_ =	shalt  }
0x41: {  	_ =	shalt  }
0x42: {  	_ =	shalt  }
0x43: {  	_ =	shalt  }
0x44: {  	_ =	shalt  }
0x45: {  	_ =	shalt  }
0x46: {  	_ =	shalt  }
0x47: {  	_ =	shalt  }
0x48: {  	_ =	shalt  }
0x49: {  	_ =	shalt  }
0x4a: {  	_ =	shalt  }
0x4b: {  	_ =	shalt  }
0x4c: {  	_ =	shalt  }
0x4d: {  	_ =	shalt  }
0x4e: {  	_ =	shalt  }
0x4f: {  	_ =	shalt  }
0x50: {  	_ =	shalt  }
0x51: {  	_ =	shalt  }
0x52: {  	_ =	shalt  }
0x53: {  	_ =	shalt  }
0x54: {  	_ =	shalt  }
0x55: {  	_ =	shalt  }
0x56: {  	_ =	shalt  }
0x57: {  	_ =	shalt  }
0x58: {  	_ =	shalt  }
0x59: {  	_ =	shalt  }
0x5a: {  	_ =	shalt  }
0x5b: {  	_ =	shalt  }
0x5c: {  	_ =	shalt  }
0x5d: {  	_ =	shalt  }
0x5e: {  	_ =	shalt  }
0x5f: {  	_ =	shalt  }
0x60: {  	_ =	shalt  }
0x61: {  	_ =	shalt  }
0x62: {  	_ =	shalt  }
0x63: {  	_ =	shalt  }
0x64: {  	_ =	shalt  }
0x65: {  	_ =	shalt  }
0x66: {  	_ =	shalt  }
0x67: {  	_ =	shalt  }
0x68: {  	_ =	shalt  }
0x69: {  	_ =	shalt  }
0x6a: {  	_ =	shalt  }
0x6b: {  	_ =	shalt  }
0x6c: {  	_ =	shalt  }
0x6d: {  	_ =	shalt  }
0x6e: {  	_ =	shalt  }
0x6f: {  	_ =	shalt  }
0x70: {  	_ =	shalt  }
0x71: {  	_ =	shalt  }
0x72: {  	_ =	shalt  }
0x73: {  	_ =	shalt  }
0x74: {  	_ =	shalt  }
0x75: {  	_ =	shalt  }
0x76: {  	_ =	shalt  }
0x77: {  	_ =	shalt  }
0x78: {  	_ =	shalt  }
0x79: {  	_ =	shalt  }
0x7a: {  	_ =	shalt  }
0x7b: {  	_ =	shalt  }
0x7c: {  	_ =	shalt  }
0x7d: {  	_ =	shalt  }
0x7e: {  	_ =	shalt  }
0x7f: {  	_ =	shalt  }
0x80: {  	_ =	shalt  }
0x81: {  	_ =	shalt  }
0x82: {  	_ =	shalt  }
0x83: {  	_ =	shalt  }
0x84: {  	_ =	shalt  }
0x85: {  	_ =	shalt  }
0x86: {  	_ =	shalt  }
0x87: {  	_ =	shalt  }
.Lfunc_end0:
.L_simem_size_0:
called_computation_lowered:
.L_overlay_start_0:
0x88: {  	s2 =	sld [smem:$0x3FD9]  }
0x89: {  	s3 =	sld [smem:$0x3FFE];
	_ =	sdelay $0x1  }
0x8a: {  	s1 =	srdreg.scid  }
0x8b: {  	s0 =	sand.u32 $0x1, s1  }
0x8c: {  	s16 =	sshll.u32 s0, $0xA;
	s2 =	sadd.s32 s3, s2  }
0x8d: {  	s2 =	sadd.s32 s2, s16  }
0x8e: {  	[smem:$0x3FB5] =	sst s2  }
0x8f: {  	_ = 	snop  }
0x90: {  	(tm) =	ssettm $0x1  }
0x91: {  	s17 =	sld [smem:$0x3FFB];
	_ =	sdelay $0x3  }
0x92: {  	_ =	strace s17  }
0x93: {  	s2 =	sld [smem:$0x3FFC];
	_ =	sdelay $0x3  }
0x94: {  	_ =	strace s2  }
0x95: {  	s2 =	sld [smem:$0x3FFD];
	_ =	sdelay $0x3  }
0x96: {  	_ =	strace s2  }
0x97: {  	_ =	strace $0x8FFFFFFF  }
0x98: {  	s18 =	sld [smem:$0x3FDB];
	_ =	sdelay $0x1  }
0x99: {  	s19 =	simm.s32 $_scs_section_size  }
0x9a: {  	s4 =	simm.s32 $_size__tile_overlayer_lowered;
	s5 =	simm.s32 $_tile_overlayer_lowered  }
0x9b: {  	s22 =	simm.s32 $0x1BFF;
	s21 =	sshll.u32 s5, $0x1;
	s2 =	sadd.s32 s19, s18  }
0x9c: {  	s6 =	simm.s32 $0x0;
	s20 =	sshll.u32 s4, $0x1;
	s4 =	sadd.s32 s21, s2  }
0x9d: {  	[timem:s6], [sflag:s22] =	dma.local [hbm:s4], s20  }
0x9e: {  	_ =	swait.ge [sflag:s22], s20  }
0x9f: {  	s3 =	ssub.s32 $0x0, s20;
	[sflag:s22] =	ssyncset.done $0x0  }
0xa0: {  	[sflag:s22] =	ssyncadd.s32 s3;
	_ =	sdelay $0x1  }
0xa1: {  	s23 =	simm.s32 $0x1B8B  }
0xa2: {  	_ =	swait.ge [sflag:s23], $0x1  }
0xa3: {  	[sflag:s23] =	ssyncset.done $0x0  }
0xa4: {  	s25 =	simm.s32 $0x1B8E;
	s24 =	sld [smem:$0x3FFE];
	[sflag:s23] =	ssyncadd.s32 $0xFFFFFFFF  }
0xa5: {  	s26 =	simm.s32 $execute0_lowered;
	[smem:$0x3FD2] =	sst s25  }
0xa6: {  	s4 =	sshll.u32 s26, $0x1;
	_ =	strace $0x80000046;
	[dreg:$0x1] =	wrdreg $0xFFFFFFFF  }
0xa7: {  	s28 =	simm.s32 $_size_execute0_lowered;
	s2 =	sadd.s32 s2, s4;
	[dreg:$0x0] =	wrdreg $0x0  }
0xa8: {  	s4 =	sshll.u32 s28, $0x1;
	[dreg:$0x2] =	wrdreg s2  }
0xa9: {  	[dreg:$0x3] =	wrdreg s4  }
0xaa: {  	[dreg:$0x4] =	wrdreg $0xC0  }
0xab: {  	_ =	task [dreg:s6], $0x5FFFF  }
0xac: {  	[dreg:$0x1] =	wrdreg $0xFFFFFFFF  }
0xad: {  	[dreg:$0x0] =	wrdreg $0x60  }
0xae: {  	[dreg:$0x2] =	wrdreg s24  }
0xaf: {  	[dreg:$0x3] =	wrdreg $0xAA000  }
0xb0: {  	[dreg:$0x4] =	wrdreg $0x9  }
0xb1: {  	_ =	task.clear_ibuf [dreg:s6], $0x5FFFF;
	_ =	strace $0x90000046  }
0xb2: {  	s29 =	simm.s32 $0x9;
	_ =	strace $0x80000048  }
0xb3: {  	_ =	swait.ge [sflag:s29], $0x1  }
0xb4: {  	[sflag:s29] =	ssyncadd.s32 $0xFFFFFFFF  }
0xb5: {  	_ =	strace $0x90000048  }
0xb6: {  	_ =	sfence  }
0xb7: {  	s30 =	sld [smem:$0x0];
	_ =	sdelay $0x2  }
0xb8: {  	s31 =	sshll.u32 s1, $0xD;
	s1 =	sshrl.u32 s1, $0x2  }
0xb9: {  	s3 =	sand.u32 $0x4000, s31;
	s1 =	sadd.s32 s1, s30  }
0xba: {  	s0 =	sor.u32 s3, s0;
	s1 =	sshll.u32 s1, $0x11  }
0xbb: {  	s0 =	sor.u32 s1, s0  }
0xbc: {  	s0 =	sadd.s32 $0x8F2B, s0  }
0xbd: {  	[sflag:s0] =	ssyncadd.remote.s32 $0x1  }
0xbe: {  	_ =	sfence.sel $0xFFFF  }
0xbf: {  	[dreg:$0x0] =	wrdreg $0xFFFFFFFF;
	(pc) =	sbr.abs _section_cstart, $3  }
0xc0: {  	[dreg:$0x1] =	wrdreg $0xFFFFFFFF  }
0xc1: {  	_ =	task.clear_ibuf [dreg:s6], $0x2FFFF;
	_ =	strace $0x9FFFFFFF  }
0xc2: {  	(tm) =	ssettm $0x7FFFFFFF  }
0xc3: {  	_ =	shalt  }
tec
execute0_lowered:
.L_overlay_start_1:
0x0: {  	(tag) =	ssettag $0x1  }
0x1: {  	s0 =	srdreg.scid;
	s1 =	rddreg [dreg:$0x0]  }
0x2: {  	s13 =	stileid.u32;
	s2 =	rddreg [dreg:$0x1];
	s22 =	simm.s32 $0xA840  }
0x3: {  	s23 =	simm.s32 $0xA880;
	s28 =	simm.s32 $0xA900;
	s24 =	smul.u32 $0x2780, s13  }
0x4: {  	s29 =	simm.s32 $0x2;
	s30 =	simm.s32 $0x5;
	s8 =	smul.u32 $0x4F000, s13  }
0x5: {  	s31 =	simm.s32 $0x3;
	s0 =	sand.u32 $0x1, s0;
	s12 =	smul.u32 $0x14000, s13  }
0x6: {  	s7 =	sadd.s32 $0xDE00, s1;
	s26 =	sshll.u32 s13, $0x6;
	s17 =	smul.u32 $0x2800, s13  }
0x7: {  	p0 =	seq.s32 s13, $0xF;
	s3 =	sshll.u32 s0, $0x4;
	s25 =	smul.u32 $0x138800, s0  }
0x8: {  	s10 =	ssub.s32 $0x2, s0;
	s14 =	sor.u32 $0x1C0B, s26;
	s0 =	smul.u32 $0x28000, s0  }
0x9: {  	s26 =	simm.s32 $0xA9C0;
	s4 =	sor.u32 s13, s3;
	s3 =	simm.s32 $0x0  }
0xa: {  	s9 =	sadd.s32 s24, s1;
	s11 =	sshrl.u32 s10, $0x1;
	s8 =	sshrl.u32 s8, $0x2  }
0xb: {  	s24 =	simm.s32 $0xA8C0;
	s4 =	smul.u32 $0x2800, s4;
	[smem:$0x7FF] =	sst s3  }
0xc: {  	s10 =	ssub.s32 s10, s11;
	s8 =	sadd.s32 s8, s2;
	s9 =	sadd.s32 $0xB4200, s9  }
0xd: {  	s15 =	sadd.s32 s12, s25;
	_ =	strace $0x80000047;
	[dreg:$0x8] =	wrdreg s9  }
0xe: {  	s16 =	sshrl.u32 s25, $0x3;
	s0 =	sadd.s32 s17, s0;
	[dreg:$0x3] =	wrdreg s22  }
0xf: {  	s17 =	simm.s32 $0x40;
	s25 =	simm.s32 $0xA940;
	[dreg:$0x4] =	wrdreg s23  }
0x10: {  	s9 =	smul.u32 $0x50000, s13;
	s19 =	sor.u32 $0x200, s0;
	[dreg:$0x5] =	wrdreg s24  }
0x11: {  	s0 =	sor.u32 $0x100, s0;
	s20 =	smax.u32 s10, $0x1;
	[dreg:$0x6] =	wrdreg s25  }
0x12: {  	s21 =	sshrl.u32 s8, $0x3;
	s22 =	simm.s32 $0x1;
	[dreg:$0x7] =	wrdreg s26  }
0x13: {  	s23 =	simm.s32 $0x9;
	s26 =	simm.s32 $0x8800;
	[dreg:$0x9] =	wrdreg s14  }
0x14: {  	s5 =	sshrl.u32 s4, $0x3;
	s4 =	sadd.s32 $0x17E00, s1;
	[dreg:$0xe] =	wrdreg s20  }
0x15: {  	s0 =	sshrl.u32 s0, $0x3;
	[dreg:$0x11] =	wrdreg s21;
	s21 =	simm.s32 $0x6800  }
0x16: {  	s20 =	simm.s32 $0x7;
	s6 =	sadd.s32 s5, s1;
	s5 =	sadd.s32 s7, s5  }
0x17: {  	s1 =	sadd.s32 $0xDBA00, s1;
	s0 =	sadd.s32 s0, s7;
	[dreg:$0xb] =	wrdreg s5  }
0x18: {  	s18 =	sshrl.u32 s9, $0x2;
	s6 =	sadd.s32 $0x3E00, s6;
	[dreg:$0x10] =	wrdreg s0  }
0x19: {  	s9 =	simm.s32 $0x0;
	s5 =	sshrl.u32 s15, $0x3;
	[dreg:$0xa] =	wrdreg s6  }
0x1a: {  	s5 =	sadd.s32 s1, s5;
	s1 =	sadd.s32 s1, s16;
	s6 =	sshrl.u32 s19, $0x3  }
0x1b: {  	s16 =	simm.s32 $0xA800;
	s19 =	simm.s32 $0x4800;
	[dreg:$0xc] =	wrdreg s5  }
0x1c: {  	s5 =	sadd.s32 s18, s2;
	s1 =	sadd.s32 $0x25800, s1;
	s6 =	sadd.s32 s6, s7  }
0x1d: {  	s18 =	simm.s32 $0x2800;
	[dreg:$0xd] =	wrdreg s1;
	s1 =	sadd.s32 $0x12C000, s2  }
0x1e: {  	s7 =	simm.s32 $0x8;
	[dreg:$0xf] =	wrdreg s6;
	s0 =	sshrl.u32 @p0 s1, $0x3  }
0x1f: {  	s1 =	simm.s32 $0x6;
	[dreg:$0x12] =	wrdreg s0;
	s0 =	sshrl.u32 @!p0 s5, $0x3  }
0x20: {  	s5 =	simm.s32 $0xA;
	[dreg:$0x13] =	wrdreg s0;
	s0 =	simm.s32 $0x4  }
.LBB2_1:
0x21: {  	[dreg:$0x14] =	wrdreg s9  }
0x22: {  	s6 =	rddreg [dreg:$0x8]  }
0x23: {  	s8 =	rddreg [dreg:$0x11];
	s12 =	simm.s32 $0xB  }
0x24: {  	[spmem:s8], [sflag:s14] =	dma.local [hbm:s6], $0x2780  }
0x25: {  	_ =	swait.ge [sflag:s12], $0x2780  }
0x26: {  	[sflag:s12] =	ssyncset.done $0x0  }
0x27: {  	s13 =	rddreg [dreg:$0xa];
	[sflag:s12] =	ssyncadd.s32 $0xFFFFD880  }
0x28: {  	[tilespmem:s3], [sflag:$0xB] =	stream.linear.gather [hbm4b:s13+s3], $0x2800, $0x38;
	[tilespmem:$0x1E600] =	vst v63  }
0x29: {  	_ =	swait.ge [sflag:s12], $0x2800  }
0x2a: {  	[sflag:s12] =	ssyncset.done $0x0  }
0x2b: {  	[sflag:s12] =	ssyncadd.s32 $0xFFFFD800  }
0x2c: {  	[bflag:$0x0] =	sbarrier.arrive $0xFFFF  }
0x2d: {  	s14 =	rddreg [dreg:$0xb]  }
0x2e: {  	[tilespmem:s16], [sflag:$0x9] =	stream.linear.gather [hbm4b:s14+s3], $0x100, $0x38;
	[tilespmem:$0x1E600] =	vst v63  }
0x2f: {  	_ = 	snop  }
0x30: {  	[tilespmem:s18], [sflag:$0x1] =	stream.indirect.gather [hbm4b:s4+s17], $0x80, s3, s17, $0xb8;
	[tilespmem:$0x1E600] =	vst v63  }
0x31: {  	_ = 	snop  }
0x32: {  	[tilespmem:s19], [sflag:$0x2] =	stream.indirect.gather [hbm4b:s4+s17], $0x80, s17, s17, $0xb8;
	[tilespmem:$0x1E600] =	vst v63  }
0x33: {  	s15 =	simm.s32 $0x80  }
0x34: {  	[tilespmem:s21], [sflag:$0x3] =	stream.indirect.gather [hbm4b:s4+s17], $0x80, s15, s17, $0xb8;
	[tilespmem:$0x1E600] =	vst v63  }
0x35: {  	_ =	swait.ge [sflag:s22], $0x2000  }
0x36: {  	[sflag:s22] =	ssyncset.done $0x0  }
0x37: {  	[sflag:s22] =	ssyncadd.s32 $0xFFFFE000  }
0x38: {  	_ =	swait.ge [sflag:s23], $0x100  }
0x39: {  	p1 =	por $0x1, $0x1;
	[sflag:s23] =	ssyncset.done $0x0  }
0x3a: {  	s6 =	simm.s32 @!p1 $0x8;
	[sflag:s23] =	ssyncadd.s32 $0xFFFFFF00  }
0x3b: {  	[spmem:s2] =	stream.indirect.scatter.add.f32 [tilespmem:s18], [sflag:$0x5], $0x80, s16, s17, $0xb8;
	[tilespmem:$0x1E600] =	vst v63  }
0x3c: {  	_ =	swait.ge @!p1 [sflag:s6], $0x2000  }
0x3d: {  	[sflag:s6] =	ssyncset.done @!p1 $0x0  }
0x3e: {  	s24 =	simm.s32 $0xC0;
	[sflag:s6] =	ssyncadd.s32 @!p1 $0xFFFFE000  }
0x3f: {  	[tilespmem:s26], [sflag:$0x4] =	stream.indirect.gather [hbm4b:s4+s17], $0x80, s24, s17, $0xb8;
	[tilespmem:$0x1E600] =	vst v63  }
0x40: {  	s8 =	rddreg [dreg:$0x10]  }
0x41: {  	[tilespmem:s28], [sflag:$0xA] =	stream.linear.gather [hbm4b:s8+s3], $0x100, $0x38;
	[tilespmem:$0x1E600] =	vst v63  }
0x42: {  	_ =	swait.ge [sflag:s29], $0x2000  }
0x43: {  	[sflag:s29] =	ssyncset.done $0x0  }
0x44: {  	s25 =	rddreg [dreg:$0x3];
	[sflag:s29] =	ssyncadd.s32 $0xFFFFE000  }
0x45: {  	[spmem:s2] =	stream.indirect.scatter.add.f32 [tilespmem:s19], [sflag:$0x6], $0x80, s25, s17, $0xb8;
	[tilespmem:$0x1E600] =	vst v63  }
0x46: {  	_ =	swait.ge [sflag:s30], $0x2000  }
0x47: {  	[sflag:s30] =	ssyncset.done $0x0  }
0x48: {  	s9 =	simm.s32 $0x100;
	[sflag:s30] =	ssyncadd.s32 $0xFFFFE000  }
0x49: {  	[tilespmem:s18], [sflag:$0x1] =	stream.indirect.gather [hbm4b:s4+s17], $0x80, s9, s17, $0xb8;
	[tilespmem:$0x1E600] =	vst v63  }
0x4a: {  	_ =	swait.ge [sflag:s31], $0x2000  }
0x4b: {  	[sflag:s31] =	ssyncset.done $0x0  }
0x4c: {  	s10 =	rddreg [dreg:$0x4];
	[sflag:s31] =	ssyncadd.s32 $0xFFFFE000  }
0x4d: {  	[spmem:s2] =	stream.indirect.scatter.add.f32 [tilespmem:s21], [sflag:$0x7], $0x80, s10, s17, $0xb8;
	[tilespmem:$0x1E600] =	vst v63  }
0x4e: {  	_ =	swait.ge [sflag:s1], $0x2000  }
0x4f: {  	[sflag:s1] =	ssyncset.done $0x0  }
0x50: {  	s11 =	simm.s32 $0x140;
	[sflag:s1] =	ssyncadd.s32 $0xFFFFE000  }
0x51: {  	[tilespmem:s19], [sflag:$0x2] =	stream.indirect.gather [hbm4b:s4+s17], $0x80, s11, s17, $0xb8;
	[tilespmem:$0x1E600] =	vst v63  }
0x52: {  	_ =	swait.ge [sflag:s0], $0x2000  }
0x53: {  	[sflag:s0] =	ssyncset.done $0x0  }
0x54: {  	s12 =	rddreg [dreg:$0x5];
	[sflag:s0] =	ssyncadd.s32 $0xFFFFE000  }
0x55: {  	[spmem:s2] =	stream.indirect.scatter.add.f32 [tilespmem:s26], [sflag:$0x8], $0x80, s12, s17, $0xb8;
	[tilespmem:$0x1E600] =	vst v63  }
0x56: {  	_ =	swait.ge [sflag:s20], $0x2000  }
0x57: {  	[sflag:s20] =	ssyncset.done $0x0  }
0x58: {  	s13 =	simm.s32 $0x180;
	[sflag:s20] =	ssyncadd.s32 $0xFFFFE000  }
0x59: {  	[tilespmem:s21], [sflag:$0x3] =	stream.indirect.gather [hbm4b:s4+s17], $0x80, s13, s17, $0xb8;
	[tilespmem:$0x1E600] =	vst v63  }
0x5a: {  	_ =	swait.ge [sflag:s22], $0x2000  }
0x5b: {  	[sflag:s22] =	ssyncset.done $0x0  }
0x5c: {  	[sflag:s22] =	ssyncadd.s32 $0xFFFFE000  }
0x5d: {  	_ =	swait.ge [sflag:s5], $0x100  }
0x5e: {  	[sflag:s5] =	ssyncset.done $0x0  }
0x5f: {  	[sflag:s5] =	ssyncadd.s32 $0xFFFFFF00  }
0x60: {  	[spmem:s2] =	stream.indirect.scatter.add.f32 [tilespmem:s18], [sflag:$0x5], $0x80, s28, s17, $0xb8;
	[tilespmem:$0x1E600] =	vst v63  }
0x61: {  	_ =	swait.ge [sflag:s7], $0x2000  }
0x62: {  	[sflag:s7] =	ssyncset.done $0x0  }
0x63: {  	s14 =	simm.s32 $0x1C0;
	p1 =	por $0x0, $0x0;
	[sflag:s7] =	ssyncadd.s32 $0xFFFFE000  }
0x64: {  	[tilespmem:s26], [sflag:$0x4] =	stream.indirect.gather [hbm4b:s4+s17], $0x80, s14, s17, $0xb8;
	[tilespmem:$0x1E600] =	vst v63  }
0x65: {  	s6 =	simm.s32 @!p1 $0x0;
	s9 =	simm.s32 @!p1 $0xA800;
	s12 =	rddreg [dreg:$0xf]  }
0x66: {  	[tilespmem:s9], [sflag:$0x9] =	stream.linear.gather @!p1 [hbm4b:s12+s6], $0x100, $0x38;
	[tilespmem:$0x1E600] =	vst v63  }
0x67: {  	_ =	swait.ge [sflag:s29], $0x2000  }
0x68: {  	p2 =	por $0x0, $0x0;
	[sflag:s29] =	ssyncset.done $0x0  }
0x69: {  	s9 =	simm.s32 @p2 $0x3;
	s15 =	rddreg [dreg:$0x6];
	[sflag:s29] =	ssyncadd.s32 $0xFFFFE000  }
0x6a: {  	[spmem:s2] =	stream.indirect.scatter.add.f32 [tilespmem:s19], [sflag:$0x6], $0x80, s15, s17, $0xb8;
	[tilespmem:$0x1E600] =	vst v63  }
0x6b: {  	_ =	swait.ge @p2 [sflag:s9], $0x2000  }
0x6c: {  	s10 =	simm.s32 @p2 $0x40;
	s11 =	simm.s32 @p2 $0xA980;
	[sflag:s9] =	ssyncset.done @p2 $0x0  }
0x6d: {  	s6 =	simm.s32 @p2 $0x6800;
	[sflag:s9] =	ssyncadd.s32 @p2 $0xFFFFE000;
	s9 =	simm.s32 @!p2 $0x5  }
0x6e: {  	[spmem:s2] =	stream.indirect.scatter.add.f32 @p2 [tilespmem:s6], [sflag:$0x7], $0x80, s11, s10, $0xb8;
	[tilespmem:$0x1E600] =	vst v63  }
0x6f: {  	_ =	swait.ge @!p2 [sflag:s9], $0x2000  }
0x70: {  	s25 =	simm.s32 @!p2 $0x40;
	s6 =	simm.s32 @!p2 $0x200;
	[sflag:s9] =	ssyncset.done @!p2 $0x0  }
0x71: {  	s10 =	simm.s32 @!p2 $0x2800;
	[sflag:s9] =	ssyncadd.s32 @!p2 $0xFFFFE000;
	s9 =	simm.s32 @!p2 $0x3  }
0x72: {  	[tilespmem:s10], [sflag:$0x1] =	stream.indirect.gather @!p2 [hbm4b:s4+s25], $0x80, s6, s25, $0xb8;
	[tilespmem:$0x1E600] =	vst v63  }
0x73: {  	_ =	swait.ge @!p2 [sflag:s9], $0x2000  }
0x74: {  	s13 =	simm.s32 @!p2 $0x6800;
	[sflag:s9] =	ssyncset.done @!p2 $0x0  }
0x75: {  	s6 =	simm.s32 @!p2 $0xA980;
	[sflag:s9] =	ssyncadd.s32 @!p2 $0xFFFFE000;
	s9 =	simm.s32 @!p2 $0x6  }
0x76: {  	[spmem:s2] =	stream.indirect.scatter.add.f32 @!p2 [tilespmem:s13], [sflag:$0x7], $0x80, s6, s25, $0xb8;
	[tilespmem:$0x1E600] =	vst v63  }
0x77: {  	_ =	swait.ge @!p2 [sflag:s9], $0x2000  }
0x78: {  	[sflag:s9] =	ssyncset.done @!p2 $0x0  }
0x79: {  	s10 =	simm.s32 @!p2 $0x4800;
	s6 =	simm.s32 @!p2 $0x240;
	[sflag:s9] =	ssyncadd.s32 @!p2 $0xFFFFE000  }
0x7a: {  	[tilespmem:s10], [sflag:$0x2] =	stream.indirect.gather @!p2 [hbm4b:s4+s25], $0x80, s6, s25, $0xb8;
	[tilespmem:$0x1E600] =	vst v63  }
0x7b: {  	_ =	swait.ge [sflag:s0], $0x2000  }
0x7c: {  	s14 =	simm.s32 @!p2 $0x280;
	s11 =	simm.s32 $0x3;
	[sflag:s0] =	ssyncset.done $0x0  }
0x7d: {  	s6 =	simm.s32 @!p2 $0x7;
	s24 =	rddreg [dreg:$0x7];
	[sflag:s0] =	ssyncadd.s32 $0xFFFFE000  }
0x7e: {  	[spmem:s2] =	stream.indirect.scatter.add.f32 [tilespmem:s26], [sflag:$0x8], $0x80, s24, s17, $0xb8;
	[tilespmem:$0x1E600] =	vst v63  }
0x7f: {  	s9 =	simm.s32 $0x800;
	s10 =	sadd.s32 $0x40, s8;
	_ =	swait.ge @!p2 [sflag:s6], $0x2000  }
.LBB2_2:
0x80: {  	[sflag:s6] =	ssyncset.done @!p2 $0x0  }
0x81: {  	[sflag:s6] =	ssyncadd.s32 @!p2 $0xFFFFE000  }
0x82: {  	[tilespmem:s13], [sflag:$0x3] =	stream.indirect.gather @!p2 [hbm4b:s4+s25], $0x80, s14, s25, $0xb8;
	[tilespmem:$0x1E600] =	vst v63  }
0x83: {  	_ =	swait.ge [sflag:s22], $0x2000  }
0x84: {  	[sflag:s22] =	ssyncset.done $0x0  }
0x85: {  	[sflag:s22] =	ssyncadd.s32 $0xFFFFE000  }
0x86: {  	s24 =	smov.u32 s9;
	_ =	swait.ge [sflag:s23], $0x100  }
0x87: {  	p2 =	seq.s32 s24, $0x0;
	[sflag:s23] =	ssyncset.done $0x0  }
0x88: {  	s6 =	simm.s32 @!p2 $0x8;
	[sflag:s23] =	ssyncadd.s32 $0xFFFFFF00  }
0x89: {  	[spmem:s2] =	stream.indirect.scatter.add.f32 [tilespmem:s18], [sflag:$0x5], $0x80, s16, s17, $0xb8;
	[tilespmem:$0x1E600] =	vst v63  }
0x8a: {  	_ =	swait.ge @!p2 [sflag:s6], $0x2000  }
0x8b: {  	s25 =	sshra.s32 s24, $0x2;
	[sflag:s6] =	ssyncset.done @!p2 $0x0  }
0x8c: {  	s8 =	sadd.s32 $0xC0, s25;
	[sflag:s6] =	ssyncadd.s32 @!p2 $0xFFFFE000  }
0x8d: {  	[tilespmem:s26], [sflag:$0x4] =	stream.indirect.gather [hbm4b:s4+s17], $0x80, s8, s17, $0xb8;
	[tilespmem:$0x1E600] =	vst v63  }
0x8e: {  	_ = 	snop  }
0x8f: {  	[tilespmem:s28], [sflag:$0xA] =	stream.linear.gather [hbm4b:s10+s3], $0x100, $0x38;
	[tilespmem:$0x1E600] =	vst v63  }
0x90: {  	_ =	swait.ge [sflag:s29], $0x2000  }
0x91: {  	[sflag:s29] =	ssyncset.done $0x0  }
0x92: {  	s14 =	rddreg [dreg:$0x3];
	[sflag:s29] =	ssyncadd.s32 $0xFFFFE000  }
0x93: {  	[spmem:s2] =	stream.indirect.scatter.add.f32 [tilespmem:s19], [sflag:$0x6], $0x80, s14, s17, $0xb8;
	[tilespmem:$0x1E600] =	vst v63  }
0x94: {  	_ =	swait.ge [sflag:s30], $0x2000  }
0x95: {  	[sflag:s30] =	ssyncset.done $0x0  }
0x96: {  	s15 =	sadd.s32 $0x100, s25;
	[sflag:s30] =	ssyncadd.s32 $0xFFFFE000  }
0x97: {  	[tilespmem:s18], [sflag:$0x1] =	stream.indirect.gather [hbm4b:s4+s17], $0x80, s15, s17, $0xb8;
	[tilespmem:$0x1E600] =	vst v63  }
0x98: {  	_ =	swait.ge [sflag:s31], $0x2000  }
0x99: {  	[sflag:s31] =	ssyncset.done $0x0  }
0x9a: {  	s8 =	rddreg [dreg:$0x4];
	[sflag:s31] =	ssyncadd.s32 $0xFFFFE000  }
0x9b: {  	[spmem:s2] =	stream.indirect.scatter.add.f32 [tilespmem:s21], [sflag:$0x7], $0x80, s8, s17, $0xb8;
	[tilespmem:$0x1E600] =	vst v63  }
0x9c: {  	_ =	swait.ge [sflag:s1], $0x2000  }
0x9d: {  	[sflag:s1] =	ssyncset.done $0x0  }
0x9e: {  	s13 =	sadd.s32 $0x140, s25;
	[sflag:s1] =	ssyncadd.s32 $0xFFFFE000  }
0x9f: {  	[tilespmem:s19], [sflag:$0x2] =	stream.indirect.gather [hbm4b:s4+s17], $0x80, s13, s17, $0xb8;
	[tilespmem:$0x1E600] =	vst v63  }
0xa0: {  	_ =	swait.ge [sflag:s0], $0x2000  }
0xa1: {  	[sflag:s0] =	ssyncset.done $0x0  }
0xa2: {  	s14 =	rddreg [dreg:$0x5];
	[sflag:s0] =	ssyncadd.s32 $0xFFFFE000  }
0xa3: {  	[spmem:s2] =	stream.indirect.scatter.add.f32 [tilespmem:s26], [sflag:$0x8], $0x80, s14, s17, $0xb8;
	[tilespmem:$0x1E600] =	vst v63  }
0xa4: {  	_ =	swait.ge [sflag:s20], $0x2000  }
0xa5: {  	[sflag:s20] =	ssyncset.done $0x0  }
0xa6: {  	s15 =	sadd.s32 $0x180, s25;
	[sflag:s20] =	ssyncadd.s32 $0xFFFFE000  }
0xa7: {  	[tilespmem:s21], [sflag:$0x3] =	stream.indirect.gather [hbm4b:s4+s17], $0x80, s15, s17, $0xb8;
	[tilespmem:$0x1E600] =	vst v63  }
0xa8: {  	_ =	swait.ge [sflag:s22], $0x2000  }
0xa9: {  	[sflag:s22] =	ssyncset.done $0x0  }
0xaa: {  	[sflag:s22] =	ssyncadd.s32 $0xFFFFE000  }
0xab: {  	_ =	swait.ge [sflag:s5], $0x100  }
0xac: {  	[sflag:s5] =	ssyncset.done $0x0  }
0xad: {  	[sflag:s5] =	ssyncadd.s32 $0xFFFFFF00  }
0xae: {  	[spmem:s2] =	stream.indirect.scatter.add.f32 [tilespmem:s18], [sflag:$0x5], $0x80, s28, s17, $0xb8;
	[tilespmem:$0x1E600] =	vst v63  }
0xaf: {  	_ =	swait.ge [sflag:s7], $0x2000  }
0xb0: {  	[sflag:s7] =	ssyncset.done $0x0  }
0xb1: {  	p2 =	seq.s32 s24, $0x9800;
	s8 =	sadd.s32 $0x1C0, s25;
	[sflag:s7] =	ssyncadd.s32 $0xFFFFE000  }
0xb2: {  	[tilespmem:s26], [sflag:$0x4] =	stream.indirect.gather [hbm4b:s4+s17], $0x80, s8, s17, $0xb8;
	[tilespmem:$0x1E600] =	vst v63  }
0xb3: {  	s12 =	sadd.s32 $0x40, s12;
	s13 =	simm.s32 @!p2 $0x0;
	s14 =	simm.s32 @!p2 $0xA800  }
0xb4: {  	[tilespmem:s14], [sflag:$0x9] =	stream.linear.gather @!p2 [hbm4b:s12+s13], $0x100, $0x38;
	[tilespmem:$0x1E600] =	vst v63  }
0xb5: {  	_ =	swait.ge [sflag:s29], $0x2000  }
0xb6: {  	p2 =	sgt.u32 s11, $0x26;
	[sflag:s29] =	ssyncset.done $0x0  }
0xb7: {  	s13 =	simm.s32 @p2 $0x3;
	s15 =	rddreg [dreg:$0x6];
	[sflag:s29] =	ssyncadd.s32 $0xFFFFE000  }
0xb8: {  	[spmem:s2] =	stream.indirect.scatter.add.f32 [tilespmem:s19], [sflag:$0x6], $0x80, s15, s17, $0xb8;
	[tilespmem:$0x1E600] =	vst v63  }
0xb9: {  	_ =	swait.ge @p2 [sflag:s13], $0x2000  }
0xba: {  	s6 =	simm.s32 @p2 $0x6800;
	s25 =	simm.s32 @p2 $0x40;
	[sflag:s13] =	ssyncset.done @p2 $0x0  }
0xbb: {  	s15 =	simm.s32 @p2 $0xA980;
	[sflag:s13] =	ssyncadd.s32 @p2 $0xFFFFE000;
	s13 =	simm.s32 @!p2 $0x5  }
0xbc: {  	[spmem:s2] =	stream.indirect.scatter.add.f32 @p2 [tilespmem:s6], [sflag:$0x7], $0x80, s15, s25, $0xb8;
	[tilespmem:$0x1E600] =	vst v63  }
0xbd: {  	s14 =	sshra.s32 @!p2 s24, $0x2;
	_ =	swait.ge @!p2 [sflag:s13], $0x2000  }
0xbe: {  	s24 =	sadd.s32 @!p2 $0x200, s14;
	s25 =	simm.s32 @!p2 $0x40;
	[sflag:s13] =	ssyncset.done @!p2 $0x0  }
0xbf: {  	s6 =	simm.s32 @!p2 $0x2800;
	s15 =	simm.s32 @!p2 $0x3;
	[sflag:s13] =	ssyncadd.s32 @!p2 $0xFFFFE000  }
0xc0: {  	[tilespmem:s6], [sflag:$0x1] =	stream.indirect.gather @!p2 [hbm4b:s4+s25], $0x80, s24, s25, $0xb8;
	[tilespmem:$0x1E600] =	vst v63  }
0xc1: {  	_ =	swait.ge @!p2 [sflag:s15], $0x2000  }
0xc2: {  	s13 =	simm.s32 @!p2 $0x6800;
	[sflag:s15] =	ssyncset.done @!p2 $0x0  }
0xc3: {  	s6 =	simm.s32 @!p2 $0xA980;
	[sflag:s15] =	ssyncadd.s32 @!p2 $0xFFFFE000;
	s15 =	simm.s32 @!p2 $0x6  }
0xc4: {  	[spmem:s2] =	stream.indirect.scatter.add.f32 @!p2 [tilespmem:s13], [sflag:$0x7], $0x80, s6, s25, $0xb8;
	[tilespmem:$0x1E600] =	vst v63  }
0xc5: {  	s9 =	sadd.s32 $0x800, s9;
	_ =	swait.ge @!p2 [sflag:s15], $0x2000  }
0xc6: {  	p1 =	sne.s32 s9, $0xA000;
	[sflag:s15] =	ssyncset.done @!p2 $0x0  }
0xc7: {  	s8 =	sadd.s32 @!p2 $0x240, s14;
	s6 =	simm.s32 @!p2 $0x4800;
	[sflag:s15] =	ssyncadd.s32 @!p2 $0xFFFFE000  }
0xc8: {  	[tilespmem:s6], [sflag:$0x2] =	stream.indirect.gather @!p2 [hbm4b:s4+s25], $0x80, s8, s25, $0xb8;
	[tilespmem:$0x1E600] =	vst v63  }
.Ltmp0:
0xc9: {  	_ =	swait.ge [sflag:s0], $0x2000;
	(pc) =	sbr.rel @p1 .LBB2_2-.Ltmp0, $4  }
0xca: {  	s10 =	sadd.s32 $0x40, s10;
	[sflag:s0] =	ssyncset.done $0x0  }
0xcb: {  	s6 =	simm.s32 @!p2 $0x7;
	s24 =	rddreg [dreg:$0x7];
	[sflag:s0] =	ssyncadd.s32 $0xFFFFE000  }
0xcc: {  	[spmem:s2] =	stream.indirect.scatter.add.f32 [tilespmem:s26], [sflag:$0x8], $0x80, s24, s17, $0xb8;
	[tilespmem:$0x1E600] =	vst v63  }
0xcd: {  	s11 =	sadd.s32 $0x2, s11;
	s14 =	sadd.s32 @!p2 $0x280, s14;
	_ =	swait.ge @!p2 [sflag:s6], $0x2000  }
0xce: {  	[sflag:s6] =	ssyncset.done @!p2 $0x0  }
0xcf: {  	[sflag:s6] =	ssyncadd.s32 @!p2 $0xFFFFE000  }
0xd0: {  	[tilespmem:s13], [sflag:$0x3] =	stream.indirect.gather @!p2 [hbm4b:s4+s25], $0x80, s14, s25, $0xb8;
	[tilespmem:$0x1E600] =	vst v63  }
0xd1: {  	_ =	swait.ge [sflag:s30], $0x2000  }
0xd2: {  	[sflag:s30] =	ssyncset.done $0x0  }
0xd3: {  	[sflag:s30] =	ssyncadd.s32 $0xFFFFE000  }
0xd4: {  	_ =	swait.ge [sflag:s1], $0x2000  }
0xd5: {  	[sflag:s1] =	ssyncset.done $0x0  }
0xd6: {  	[sflag:s1] =	ssyncadd.s32 $0xFFFFE000  }
0xd7: {  	_ =	swait.ge [sflag:s20], $0x2000  }
0xd8: {  	[sflag:s20] =	ssyncset.done $0x0  }
0xd9: {  	[sflag:s20] =	ssyncadd.s32 $0xFFFFE000  }
0xda: {  	_ =	swait.ge [sflag:s7], $0x2000  }
0xdb: {  	[sflag:s7] =	ssyncset.done $0x0  }
0xdc: {  	[sflag:s7] =	ssyncadd.s32 $0xFFFFE000  }
0xdd: {  	[bflag:$0x0] =	sbarrier.arrive $0xFFFF  }
0xde: {  	s14 =	rddreg [dreg:$0x9]  }
0xdf: {  	s6 =	rddreg [dreg:$0xd]  }
0xe0: {  	s8 =	rddreg [dreg:$0x12]  }
0xe1: {  	[hbm:s6], [sflag:s14] =	dma.local @p0 [spmem:s8], $0x1900  }
0xe2: {  	s6 =	simm.s32 @p0 $0xB  }
0xe3: {  	_ =	swait.ge @p0 [sflag:s6], $0x1900  }
0xe4: {  	[sflag:s6] =	ssyncset.done @p0 $0x0;
	s8 =	rddreg [dreg:$0x13]  }
0xe5: {  	[sflag:s6] =	ssyncadd.s32 @p0 $0xFFFFE700;
	s6 =	rddreg [dreg:$0xc]  }
0xe6: {  	[hbm:s6], [sflag:s14] =	dma.local @!p0 [spmem:s8], $0x2800  }
0xe7: {  	s6 =	simm.s32 @!p0 $0xB  }
0xe8: {  	_ =	swait.ge @!p0 [sflag:s6], $0x2800  }
0xe9: {  	s9 =	rddreg [dreg:$0x14]  }
0xea: {  	s25 =	rddreg [dreg:$0xe];
	s9 =	sadd.s32 $0x1, s9  }
0xeb: {  	p1 =	sne.s32 s9, s25  }
.Ltmp1:
0xec: {  	_ = 	snop;
	(pc) =	sbr.rel @p1 .LBB2_1-.Ltmp1, $3  }
0xed: {  	_ =	sdelay $0x1  }
0xee: {  	[sflag:s6] =	ssyncset.done @!p0 $0x0  }
0xef: {  	[sflag:s6] =	ssyncadd.s32 @!p0 $0xFFFFD800  }
0xf0: {  	_ =	sfence.sel $0x180000  }
0xf1: {  	[bflag:$0x0] =	sbarrier.arrive $0xFFFF  }
0xf2: {  	_ =	strace $0x90000047  }
0xf3: {  	s0 =	stileid.u32;
	[bflag:$0x2] =	sbarrier.arrive $0xFFFF  }
0xf4: {  	p0 =	sne.s32 s0, $0x0;
	s0 =	rddreg [dreg:$0x2]  }
0xf5: {  	s0 =	sadd.s32 @!p0 $0x100000, s0  }
0xf6: {  	[sflag:s0] =	ssyncadd.tile.s32 @!p0 $0x1;
	_ =	shalt  }
.Lfunc_end2:
_tile_overlayer_lowered:
.L_overlay_start_2:
0xf7: {  	(tag) =	ssettag $0x2  }
0xf8: {  	s0 =	rddreg [dreg:$0x0];
	s2 =	stileid.u32  }
0xf9: {  	s1 =	rddreg [dreg:$0x1];
	p0 =	sne.s32 s2, $0x0  }
0xfa: {  	s3 =	rddreg [dreg:$0x2];
	[bflag:$0x3] =	sbarrier.arrive $0xFFFF;
	s2 =	simm.s32 @!p0 $0x1C0B  }
0xfb: {  	[timem:s3], [sflag:s2] =	dma.local @!p0 [hbm:s0], s1  }
0xfc: {  	s0 =	simm.s32 @!p0 $0xB  }
0xfd: {  	_ =	swait.ge @!p0 [sflag:s0], s1  }
0xfe: {  	s1 =	ssub.s32 @!p0 $0x0, s1;
	[sflag:s0] =	ssyncset.done @!p0 $0x0  }
0xff: {  	[sflag:s0] =	ssyncadd.s32 @!p0 s1  }
0x100: {  	[bflag:$0x3] =	sbarrier.arrive $0xFFFF  }
0x101: {  	_ =	shalt  }

</sc_bundles>
